<compile_context>
chip_gen: v7x
topology: tpu7x:2x2x1
jax: 0.10.2.dev20260603
libtpu: 0.0.44.dev20260713+nightly
codegen_flags: <defaults>
</compile_context>

<pallas_src>
import functools

import jax
import jax.numpy as jnp
from jax import lax
from jax.experimental import pallas as pl
from jax.experimental.pallas import tpu as pltpu
from jax.experimental.pallas import tpu_sc as plsc

B, S, H = 1, 2048, 1024
I = 768
E = 8
K = 2
T = B * S
BM = 256
NBLK = T * K // BM + E
NPAD = NBLK * BM
NSC = 32
TCH = T // NSC


def _route_body(x_ref, wr_ref, logits_ref, xbf_ref, s1_ref, s2_ref, w1_ref,
                w2_ref, ebid_ref, counts_ref):
    x = x_ref[...]
    u = lax.bitcast_convert_type(x, jnp.int32)
    r = (u + 0x7FFF + ((u >> 16) & 1)) >> 16
    packed = (r[:, :H // 2] & 0xFFFF) | (r[:, H // 2:] << 16)
    xbf_ref[...] = lax.bitcast_convert_type(packed, jnp.float32)
    logits = jnp.dot(x, wr_ref[...], preferred_element_type=jnp.float32)
    logits_ref[...] = logits
    m = jnp.max(logits, axis=-1, keepdims=True)
    ex = jnp.exp(logits - m)
    rw = ex / jnp.sum(ex, axis=-1, keepdims=True)
    idx = lax.broadcasted_iota(jnp.int32, (T, E), 1)
    m1 = jnp.max(rw, axis=-1, keepdims=True)
    a1 = jnp.min(jnp.where(rw == m1, idx, E), axis=-1, keepdims=True)
    mask1 = idx == a1
    rw2 = jnp.where(mask1, -1.0, rw)
    m2 = jnp.max(rw2, axis=-1, keepdims=True)
    a2 = jnp.min(jnp.where(rw2 == m2, idx, E), axis=-1, keepdims=True)
    mask2 = idx == a2
    denom = m1 + m2
    w1_ref[...] = jnp.broadcast_to(m1 / denom, (T, 16))
    w2_ref[...] = jnp.broadcast_to(m2 / denom, (T, 16))

    msum = (mask1 | mask2).astype(jnp.float32)
    ri = lax.broadcasted_iota(jnp.int32, (T, T), 0)
    cj = lax.broadcasted_iota(jnp.int32, (T, T), 1)
    ltri = (ri >= cj).astype(jnp.bfloat16)
    csum = jnp.dot(ltri, msum.astype(jnp.bfloat16),
                   preferred_element_type=jnp.float32)
    counts = csum[T - 1:T, :]
    counts_ref[...] = counts
    rank = csum - msum

    ci = counts.astype(jnp.int32)
    padded = ((ci + (BM - 1)) // BM) * BM
    offs = []
    acc = jnp.zeros((1, 1), jnp.int32)
    for e in range(E):
        offs.append(acc)
        acc = acc + padded[:, e:e + 1]
    pad_off = jnp.concatenate(offs, axis=1)

    slot_of = pad_off.astype(jnp.float32) + rank
    s1_ref[...] = jnp.sum(jnp.where(mask1, slot_of, 0.0),
                          axis=-1).astype(jnp.int32)
    s2_ref[...] = jnp.sum(jnp.where(mask2, slot_of, 0.0),
                          axis=-1).astype(jnp.int32)

    blk = lax.broadcasted_iota(jnp.int32, (1, NBLK), 1) * BM
    eb = jnp.zeros((1, NBLK), jnp.int32)
    for e in range(E):
        eb = eb + (blk >= pad_off[:, e:e + 1]).astype(jnp.int32)
    ebid_ref[...] = (eb - 1).reshape(NBLK)


def _route(xf, W_router):
    return pl.pallas_call(
        _route_body,
        out_shape=[
            jax.ShapeDtypeStruct((T, E), jnp.float32),
            jax.ShapeDtypeStruct((T, H // 2), jnp.float32),
            jax.ShapeDtypeStruct((T,), jnp.int32),
            jax.ShapeDtypeStruct((T,), jnp.int32),
            jax.ShapeDtypeStruct((T, 16), jnp.float32),
            jax.ShapeDtypeStruct((T, 16), jnp.float32),
            jax.ShapeDtypeStruct((NBLK,), jnp.int32),
            jax.ShapeDtypeStruct((1, E), jnp.float32),
        ],
    )(xf, W_router)


_sc_mesh = plsc.VectorSubcoreMesh(core_axis_name="c", subcore_axis_name="s")


@functools.partial(
    pl.kernel,
    mesh=_sc_mesh,
    out_type=jax.ShapeDtypeStruct((NPAD, H // 2), jnp.float32),
    scratch_types=[
        pltpu.VMEM((TCH, H // 2), jnp.float32),
        pltpu.VMEM((TCH,), jnp.int32),
        pltpu.VMEM((TCH,), jnp.int32),
        pltpu.SemaphoreType.DMA,
        pltpu.SemaphoreType.DMA,
    ],
)
def _dispatch(x_hbm, s1_hbm, s2_hbm, xs_hbm, xrows, i1, i2, sem1, sem2):
    wid = lax.axis_index("s") * 2 + lax.axis_index("c")
    base = wid * TCH
    pltpu.sync_copy(x_hbm.at[pl.ds(base, TCH)], xrows)
    pltpu.sync_copy(s1_hbm.at[pl.ds(base, TCH)], i1)
    pltpu.sync_copy(s2_hbm.at[pl.ds(base, TCH)], i2)
    c1 = pltpu.async_copy(xrows, xs_hbm.at[i1], sem1)
    c2 = pltpu.async_copy(xrows, xs_hbm.at[i2], sem2)
    c1.wait()
    c2.wait()


def _experts_body(eb_ref, xs_ref, wup_ref, bup_ref, wdn_ref, bdn_ref,
                  ys_ref):
    p = lax.bitcast_convert_type(xs_ref[...], jnp.int32)
    xlo = lax.bitcast_convert_type(p << 16, jnp.float32)
    xhi = lax.bitcast_convert_type(p & jnp.int32(-65536), jnp.float32)
    xb = jnp.concatenate([xlo, xhi], axis=1).astype(jnp.bfloat16)
    up = jnp.dot(xb, wup_ref[0].astype(jnp.bfloat16),
                 preferred_element_type=jnp.float32)
    up = up + bup_ref[0]
    act = up * jax.nn.sigmoid(up)
    dn = jnp.dot(act.astype(jnp.bfloat16), wdn_ref[0].astype(jnp.bfloat16),
                 preferred_element_type=jnp.float32)
    ys_ref[...] = dn + bdn_ref[0]


def _experts(ebid, xs, W_up, b_up, W_down, b_down):
    grid_spec = pltpu.PrefetchScalarGridSpec(
        num_scalar_prefetch=1,
        grid=(NBLK,),
        in_specs=[
            pl.BlockSpec((BM, H // 2), lambda b, eb: (b, 0)),
            pl.BlockSpec((1, H, I), lambda b, eb: (eb[b], 0, 0)),
            pl.BlockSpec((1, 1, I), lambda b, eb: (eb[b], 0, 0)),
            pl.BlockSpec((1, I, H), lambda b, eb: (eb[b], 0, 0)),
            pl.BlockSpec((1, 1, H), lambda b, eb: (eb[b], 0, 0)),
        ],
        out_specs=pl.BlockSpec((BM, H), lambda b, eb: (b, 0)),
    )
    return pl.pallas_call(
        _experts_body,
        grid_spec=grid_spec,
        out_shape=jax.ShapeDtypeStruct((NPAD, H), jnp.float32),
    )(ebid, xs, W_up, b_up.reshape(E, 1, I), W_down, b_down.reshape(E, 1, H))


_HALF = 32


@functools.partial(
    pl.kernel,
    mesh=_sc_mesh,
    out_type=jax.ShapeDtypeStruct((T, H), jnp.float32),
    scratch_types=[
        pltpu.VMEM((_HALF, H), jnp.float32),
        pltpu.VMEM((_HALF, H), jnp.float32),
        pltpu.VMEM((TCH,), jnp.int32),
        pltpu.VMEM((TCH,), jnp.int32),
        pltpu.VMEM((TCH, 16), jnp.float32),
        pltpu.VMEM((TCH, 16), jnp.float32),
        pltpu.SemaphoreType.DMA,
        pltpu.SemaphoreType.DMA,
    ],
)
def _combine(ys_hbm, s1_hbm, s2_hbm, w1_hbm, w2_hbm, out_hbm,
             y1v, y2v, i1, i2, v1, v2, sem1, sem2):
    wid = lax.axis_index("s") * 2 + lax.axis_index("c")
    base = wid * TCH
    pltpu.sync_copy(s1_hbm.at[pl.ds(base, TCH)], i1)
    pltpu.sync_copy(s2_hbm.at[pl.ds(base, TCH)], i2)
    pltpu.sync_copy(w1_hbm.at[pl.ds(base, TCH)], v1)
    pltpu.sync_copy(w2_hbm.at[pl.ds(base, TCH)], v2)
    for half in range(TCH // _HALF):
        hb = base + half * _HALF
        c1 = pltpu.async_copy(ys_hbm.at[i1.at[pl.ds(half * _HALF, _HALF)]],
                              y1v, sem1)
        c2 = pltpu.async_copy(ys_hbm.at[i2.at[pl.ds(half * _HALF, _HALF)]],
                              y2v, sem2)
        c1.wait()
        c2.wait()

        def _add_row(r, _):
            t = half * _HALF + r
            wv1 = v1[t]
            wv2 = v2[t]
            for c in range(0, H, 16):
                y1v[r, pl.ds(c, 16)] = (y1v[r, pl.ds(c, 16)] * wv1
                                        + y2v[r, pl.ds(c, 16)] * wv2)
            return 0

        lax.fori_loop(0, _HALF, _add_row, 0)
        pltpu.sync_copy(y1v, out_hbm.at[pl.ds(hb, _HALF)])


@jax.jit
def _moe_sparse(xf, W_router, W_up, b_up, W_down, b_down):
    logits, xbf, s1, s2, w1, w2, ebid, counts = _route(xf, W_router)
    xs = _dispatch(xbf, s1, s2)
    ys = _experts(ebid, xs, W_up, b_up, W_down, b_down)
    out = _combine(ys, s1, s2, w1, w2)
    return out, logits, counts


def kernel(hidden_states, W_router, W_up, b_up, W_down, b_down):
    xf = hidden_states.reshape(T, H)
    out, logits, counts = _moe_sparse(xf, W_router, W_up, b_up, W_down,
                                      b_down)
    usage = counts[0] * (E / (T * K))
    s = jnp.sum(usage)
    aux_loss = s * s / (E * E)
    return out.reshape(B, S, H), logits, aux_loss

# --- scband reference (transcript-rebuilt; emitter-appended) ---
"""Pipeline reference for scband-qwen3-omni-moe-sparse-moe-block-56547539419774 (READ-ONLY COPY).

The authoritative reference and input builder live on the scoring server;
editing this copy changes nothing except your own understanding.
"""

import jax, jax.numpy as jnp
import numpy as np

B, S, H = 1, 2048, 1024
I = 768
E = 8
K = 2


def setup_inputs(seed: int = 0) -> dict:
    key = jax.random.key(seed)
    ks = jax.random.split(key, 6)
    hidden_states = jax.random.normal(ks[0], (B, S, H), dtype=jnp.float32)
    W_router = jax.random.normal(ks[1], (H, E), dtype=jnp.float32) * 0.02
    W_up = jax.random.normal(ks[2], (E, H, I), dtype=jnp.float32) * 0.02
    b_up = jnp.zeros((E, I), dtype=jnp.float32)
    W_down = jax.random.normal(ks[3], (E, I, H), dtype=jnp.float32) * 0.02
    b_down = jnp.zeros((E, H), dtype=jnp.float32)
    return {
        "hidden_states": hidden_states,
        "W_router": W_router,
        "W_up": W_up,
        "b_up": b_up,
        "W_down": W_down,
        "b_down": b_down,
    }


def reference(hidden_states, W_router, W_up, b_up, W_down, b_down):
    b, s, h = hidden_states.shape
    xf = hidden_states.reshape(-1, h)  # (T, H)
    router_logits = xf @ W_router  # (T, E)
    routing_weights = jax.nn.softmax(router_logits, axis=-1)
    gating_weights, selected_experts = jax.lax.top_k(routing_weights, K)  # (T, K)
    gating_weights = gating_weights / jnp.sum(gating_weights, axis=-1, keepdims=True)
    expert_mask = jax.nn.one_hot(selected_experts, E, dtype=gating_weights.dtype)  # (T, K, E)
    # Dense computation of every expert on every token (faithful to keras impl).
    up = jnp.einsum("td,edi->tei", xf, W_up) + b_up[None, :, :]  # (T, E, I)
    act = up * jax.nn.sigmoid(up)  # silu
    expert_outputs = jnp.einsum("tei,eid->ted", act, W_down) + b_down[None, :, :]  # (T, E, H)
    weighted_expert_output = jnp.einsum("tke,ted->tkd", expert_mask, expert_outputs)  # (T, K, H)
    final_output = jnp.sum(weighted_expert_output * gating_weights[..., None], axis=1)  # (T, H)
    final_output = final_output.reshape(b, s, h)
    # load balancing auxiliary loss (attention_mask=None path)
    rw2 = jax.nn.softmax(router_logits, axis=-1)
    _, sel2 = jax.lax.top_k(rw2, K)
    em2 = jax.nn.one_hot(sel2, E, dtype=jnp.float32)  # (T, K, E)
    expert_usage = jnp.mean(jnp.mean(em2, axis=0), axis=0) * E  # (E,)
    aux_loss = jnp.sum(expert_usage) * jnp.sum(expert_usage) / (E * E)
    return final_output, router_logits, aux_loss

if __name__ == "__main__":
    import jax
    _d = setup_inputs()
    print(jax.jit(kernel)(*tuple(_d.values())))

</pallas_src>

<mosaic_0001>
#map = affine_map<(d0, d1) -> (0, 0)>
#map1 = affine_map<(d0, d1) -> (0)>
module attributes {stable_mosaic.version = 14 : i64} {
  func.func @_combine(%arg0: i32, %arg1: i32, %arg2: memref<6144x1024xf32, #tpu.memory_space<hbm>>, %arg3: memref<2048xi32, #tpu.memory_space<hbm>>, %arg4: memref<2048xi32, #tpu.memory_space<hbm>>, %arg5: memref<2048x16xf32, #tpu.memory_space<hbm>>, %arg6: memref<2048x16xf32, #tpu.memory_space<hbm>>, %arg7: memref<2048x1024xf32, #tpu.memory_space<hbm>>, %arg8: memref<32x1024xf32, #tpu.memory_space<vmem>>, %arg9: memref<32x1024xf32, #tpu.memory_space<vmem>>, %arg10: memref<64xi32, #tpu.memory_space<vmem>>, %arg11: memref<64xi32, #tpu.memory_space<vmem>>, %arg12: memref<64x16xf32, #tpu.memory_space<vmem>>, %arg13: memref<64x16xf32, #tpu.memory_space<vmem>>, %arg14: memref<!tpu.dma_semaphore, #tpu.memory_space<semaphore_mem>>, %arg15: memref<!tpu.dma_semaphore, #tpu.memory_space<semaphore_mem>>) attributes {dimension_semantics = [#tpu.dimension_semantics<core_parallel>, #tpu.dimension_semantics<subcore_parallel>], iteration_bounds = array<i64: 2, 16>, scalar_prefetch = 0 : i64, scratch_operands = 8 : i64, tpu.core_type = #tpu.core_type<sc_vector_subcore>, window_params = [{transform_indices = #map}, {transform_indices = #map1}, {transform_indices = #map1}, {transform_indices = #map}, {transform_indices = #map}, {transform_indices = #map}]} {
    %mul3A = arith.constant 2 : i32
    %mul3A_0 = arith.muli %arg1, %mul3A : i32
    %add3A = arith.addi %mul3A_0, %arg0 : i32
    %mul3A_1 = arith.constant 64 : i32
    %mul3A_2 = arith.muli %add3A, %mul3A_1 : i32
    "tpu.region"() ({
      %run_scoped3A = tpu.sem_alloc : memref<!tpu.dma_semaphore, #tpu.memory_space<semaphore_mem>>
      %dma_start3A_58 = tpu.memref_slice %arg3[%mul3A_2] : memref<2048xi32, #tpu.memory_space<hbm>> -> memref<64xi32, #tpu.memory_space<hbm>>
      %dma_start3A_59 = tpu.memref_slice %arg3[%mul3A_2] : memref<2048xi32, #tpu.memory_space<hbm>> -> memref<64xi32, #tpu.memory_space<hbm>>
      tpu.enqueue_dma source(%dma_start3A_59 : memref<64xi32, #tpu.memory_space<hbm>>) target(%arg10 : memref<64xi32, #tpu.memory_space<vmem>>) target_semaphore(%run_scoped3A : memref<!tpu.dma_semaphore, #tpu.memory_space<semaphore_mem>>)
      %dma_wait3A_60 = tpu.memref_slice %arg3[%mul3A_2] : memref<2048xi32, #tpu.memory_space<hbm>> -> memref<64xi32, #tpu.memory_space<hbm>>
      %dma_wait3A_61 = tpu.memref_slice %arg3[%mul3A_2] : memref<2048xi32, #tpu.memory_space<hbm>> -> memref<64xi32, #tpu.memory_space<hbm>>
      tpu.wait_dma2 semaphore(%run_scoped3A : memref<!tpu.dma_semaphore, #tpu.memory_space<semaphore_mem>>) src(%dma_wait3A_61 : memref<64xi32, #tpu.memory_space<hbm>>) dst(%arg10 : memref<64xi32, #tpu.memory_space<vmem>>)
      tpu.yield
    }) : () -> ()
    "tpu.region"() ({
      %run_scoped3A = tpu.sem_alloc : memref<!tpu.dma_semaphore, #tpu.memory_space<semaphore_mem>>
      %dma_start3A_58 = tpu.memref_slice %arg4[%mul3A_2] : memref<2048xi32, #tpu.memory_space<hbm>> -> memref<64xi32, #tpu.memory_space<hbm>>
      %dma_start3A_59 = tpu.memref_slice %arg4[%mul3A_2] : memref<2048xi32, #tpu.memory_space<hbm>> -> memref<64xi32, #tpu.memory_space<hbm>>
      tpu.enqueue_dma source(%dma_start3A_59 : memref<64xi32, #tpu.memory_space<hbm>>) target(%arg11 : memref<64xi32, #tpu.memory_space<vmem>>) target_semaphore(%run_scoped3A : memref<!tpu.dma_semaphore, #tpu.memory_space<semaphore_mem>>)
      %dma_wait3A_60 = tpu.memref_slice %arg4[%mul3A_2] : memref<2048xi32, #tpu.memory_space<hbm>> -> memref<64xi32, #tpu.memory_space<hbm>>
      %dma_wait3A_61 = tpu.memref_slice %arg4[%mul3A_2] : memref<2048xi32, #tpu.memory_space<hbm>> -> memref<64xi32, #tpu.memory_space<hbm>>
      tpu.wait_dma2 semaphore(%run_scoped3A : memref<!tpu.dma_semaphore, #tpu.memory_space<semaphore_mem>>) src(%dma_wait3A_61 : memref<64xi32, #tpu.memory_space<hbm>>) dst(%arg11 : memref<64xi32, #tpu.memory_space<vmem>>)
      tpu.yield
    }) : () -> ()
    "tpu.region"() ({
      %run_scoped3A = tpu.sem_alloc : memref<!tpu.dma_semaphore, #tpu.memory_space<semaphore_mem>>
      %dma_start3A_58 = arith.constant 0 : i32
      %dma_start3A_59 = tpu.memref_slice %arg5[%mul3A_2, %dma_start3A_58] : memref<2048x16xf32, #tpu.memory_space<hbm>> -> memref<64x16xf32, #tpu.memory_space<hbm>>
      %dma_start3A_60 = arith.constant 0 : i32
      %dma_start3A_61 = tpu.memref_slice %arg5[%mul3A_2, %dma_start3A_60] : memref<2048x16xf32, #tpu.memory_space<hbm>> -> memref<64x16xf32, #tpu.memory_space<hbm>>
      tpu.enqueue_dma source(%dma_start3A_61 : memref<64x16xf32, #tpu.memory_space<hbm>>) target(%arg12 : memref<64x16xf32, #tpu.memory_space<vmem>>) target_semaphore(%run_scoped3A : memref<!tpu.dma_semaphore, #tpu.memory_space<semaphore_mem>>)
      %dma_wait3A_62 = arith.constant 0 : i32
      %dma_wait3A_63 = tpu.memref_slice %arg5[%mul3A_2, %dma_wait3A_62] : memref<2048x16xf32, #tpu.memory_space<hbm>> -> memref<64x16xf32, #tpu.memory_space<hbm>>
      %dma_wait3A_64 = arith.constant 0 : i32
      %dma_wait3A_65 = tpu.memref_slice %arg5[%mul3A_2, %dma_wait3A_64] : memref<2048x16xf32, #tpu.memory_space<hbm>> -> memref<64x16xf32, #tpu.memory_space<hbm>>
      tpu.wait_dma2 semaphore(%run_scoped3A : memref<!tpu.dma_semaphore, #tpu.memory_space<semaphore_mem>>) src(%dma_wait3A_65 : memref<64x16xf32, #tpu.memory_space<hbm>>) dst(%arg12 : memref<64x16xf32, #tpu.memory_space<vmem>>)
      tpu.yield
    }) : () -> ()
    "tpu.region"() ({
      %run_scoped3A = tpu.sem_alloc : memref<!tpu.dma_semaphore, #tpu.memory_space<semaphore_mem>>
      %dma_start3A_58 = arith.constant 0 : i32
      %dma_start3A_59 = tpu.memref_slice %arg6[%mul3A_2, %dma_start3A_58] : memref<2048x16xf32, #tpu.memory_space<hbm>> -> memref<64x16xf32, #tpu.memory_space<hbm>>
      %dma_start3A_60 = arith.constant 0 : i32
      %dma_start3A_61 = tpu.memref_slice %arg6[%mul3A_2, %dma_start3A_60] : memref<2048x16xf32, #tpu.memory_space<hbm>> -> memref<64x16xf32, #tpu.memory_space<hbm>>
      tpu.enqueue_dma source(%dma_start3A_61 : memref<64x16xf32, #tpu.memory_space<hbm>>) target(%arg13 : memref<64x16xf32, #tpu.memory_space<vmem>>) target_semaphore(%run_scoped3A : memref<!tpu.dma_semaphore, #tpu.memory_space<semaphore_mem>>)
      %dma_wait3A_62 = arith.constant 0 : i32
      %dma_wait3A_63 = tpu.memref_slice %arg6[%mul3A_2, %dma_wait3A_62] : memref<2048x16xf32, #tpu.memory_space<hbm>> -> memref<64x16xf32, #tpu.memory_space<hbm>>
      %dma_wait3A_64 = arith.constant 0 : i32
      %dma_wait3A_65 = tpu.memref_slice %arg6[%mul3A_2, %dma_wait3A_64] : memref<2048x16xf32, #tpu.memory_space<hbm>> -> memref<64x16xf32, #tpu.memory_space<hbm>>
      tpu.wait_dma2 semaphore(%run_scoped3A : memref<!tpu.dma_semaphore, #tpu.memory_space<semaphore_mem>>) src(%dma_wait3A_65 : memref<64x16xf32, #tpu.memory_space<hbm>>) dst(%arg13 : memref<64x16xf32, #tpu.memory_space<vmem>>)
      tpu.yield
    }) : () -> ()
    %add3A_3 = arith.constant 0 : i32
    %add3A_4 = arith.addi %mul3A_2, %add3A_3 : i32
    %dma_start3A = arith.constant 0 : i32
    %dma_start3A_5 = tpu.memref_slice %arg10[%dma_start3A] : memref<64xi32, #tpu.memory_space<vmem>> -> memref<32xi32, #tpu.memory_space<vmem>>
    %dma_start3A_6 = arith.constant 0 : i32
    %dma_start3A_7 = arith.constant 0 : i32
    %dma_start3A_8 = tpu.memref_slice %arg2[%dma_start3A_6, %dma_start3A_7] : memref<6144x1024xf32, #tpu.memory_space<hbm>> -> memref<6144x1024xf32, #tpu.memory_space<hbm>>
    tpu.enqueue_indirect_dma source(%dma_start3A_8 : memref<6144x1024xf32, #tpu.memory_space<hbm>>) target(%arg8 : memref<32x1024xf32, #tpu.memory_space<vmem>>) offsets(%dma_start3A_5 : memref<32xi32, #tpu.memory_space<vmem>>) semaphore(%arg14 : memref<!tpu.dma_semaphore, #tpu.memory_space<semaphore_mem>>)
    %dma_start3A_9 = arith.constant 0 : i32
    %dma_start3A_10 = tpu.memref_slice %arg11[%dma_start3A_9] : memref<64xi32, #tpu.memory_space<vmem>> -> memref<32xi32, #tpu.memory_space<vmem>>
    %dma_start3A_11 = arith.constant 0 : i32
    %dma_start3A_12 = arith.constant 0 : i32
    %dma_start3A_13 = tpu.memref_slice %arg2[%dma_start3A_11, %dma_start3A_12] : memref<6144x1024xf32, #tpu.memory_space<hbm>> -> memref<6144x1024xf32, #tpu.memory_space<hbm>>
    tpu.enqueue_indirect_dma source(%dma_start3A_13 : memref<6144x1024xf32, #tpu.memory_space<hbm>>) target(%arg9 : memref<32x1024xf32, #tpu.memory_space<vmem>>) offsets(%dma_start3A_10 : memref<32xi32, #tpu.memory_space<vmem>>) semaphore(%arg15 : memref<!tpu.dma_semaphore, #tpu.memory_space<semaphore_mem>>)
    %dma_wait3A = arith.constant 0 : i32
    %dma_wait3A_14 = tpu.memref_slice %arg10[%dma_wait3A] : memref<64xi32, #tpu.memory_space<vmem>> -> memref<32xi32, #tpu.memory_space<vmem>>
    %dma_wait3A_15 = arith.constant 0 : i32
    %dma_wait3A_16 = arith.constant 0 : i32
    %dma_wait3A_17 = tpu.memref_slice %arg2[%dma_wait3A_15, %dma_wait3A_16] : memref<6144x1024xf32, #tpu.memory_space<hbm>> -> memref<6144x1024xf32, #tpu.memory_space<hbm>>
    tpu.wait_indirect_dma semaphore(%arg14 : memref<!tpu.dma_semaphore, #tpu.memory_space<semaphore_mem>>) src(%dma_wait3A_17 : memref<6144x1024xf32, #tpu.memory_space<hbm>>) dst(%arg8 : memref<32x1024xf32, #tpu.memory_space<vmem>>)
    %dma_wait3A_18 = arith.constant 0 : i32
    %dma_wait3A_19 = tpu.memref_slice %arg11[%dma_wait3A_18] : memref<64xi32, #tpu.memory_space<vmem>> -> memref<32xi32, #tpu.memory_space<vmem>>
    %dma_wait3A_20 = arith.constant 0 : i32
    %dma_wait3A_21 = arith.constant 0 : i32
    %dma_wait3A_22 = tpu.memref_slice %arg2[%dma_wait3A_20, %dma_wait3A_21] : memref<6144x1024xf32, #tpu.memory_space<hbm>> -> memref<6144x1024xf32, #tpu.memory_space<hbm>>
    tpu.wait_indirect_dma semaphore(%arg15 : memref<!tpu.dma_semaphore, #tpu.memory_space<semaphore_mem>>) src(%dma_wait3A_22 : memref<6144x1024xf32, #tpu.memory_space<hbm>>) dst(%arg9 : memref<32x1024xf32, #tpu.memory_space<vmem>>)
    %scan3A = arith.constant 0 : i32
    %scan3A_23 = arith.constant 0 : i32
    %scan3A_24 = arith.constant 32 : i32
    %scan3A_25 = arith.addi %scan3A_23, %scan3A_24 : i32
    %scan3A_26 = arith.constant 1 : i32
    %scan3A_27 = scf.for %scan3A_58 = %scan3A_23 to %scan3A_25 step %scan3A_26 iter_args(%scan3A_59 = %scan3A) -> (i32)  : i32 {
      %add3A_60 = arith.constant 0 : i32
      %add3A_61 = arith.addi %add3A_60, %scan3A_58 : i32
      %get3A = arith.index_cast %add3A_61 : i32 to index
      %get3A_62 = arith.constant 0 : index
      %get3A_63 = tpu.vector_load %arg12[%get3A, %get3A_62] {strides = array<i32>} : memref<64x16xf32, #tpu.memory_space<vmem>>, vector<1x16xf32>,
      %get3A_64 = vector.shape_cast %get3A_63 : vector<1x16xf32> to vector<16xf32>
      %get3A_65 = arith.index_cast %add3A_61 : i32 to index
      %get3A_66 = arith.constant 0 : index
      %get3A_67 = tpu.vector_load %arg13[%get3A_65, %get3A_66] {strides = array<i32>} : memref<64x16xf32, #tpu.memory_space<vmem>>, vector<1x16xf32>,
      %get3A_68 = vector.shape_cast %get3A_67 : vector<1x16xf32> to vector<16xf32>
      %get3A_69 = arith.index_cast %scan3A_58 : i32 to index
      %get3A_70 = arith.constant 0 : index
      %get3A_71 = tpu.vector_load %arg8[%get3A_69, %get3A_70] {strides = array<i32>} : memref<32x1024xf32, #tpu.memory_space<vmem>>, vector<1x16xf32>,
      %get3A_72 = vector.shape_cast %get3A_71 : vector<1x16xf32> to vector<16xf32>
      %mul3A_73 = arith.mulf %get3A_72, %get3A_64 : vector<16xf32>
      %get3A_74 = arith.index_cast %scan3A_58 : i32 to index
      %get3A_75 = arith.constant 0 : index
      %get3A_76 = tpu.vector_load %arg9[%get3A_74, %get3A_75] {strides = array<i32>} : memref<32x1024xf32, #tpu.memory_space<vmem>>, vector<1x16xf32>,
      %get3A_77 = vector.shape_cast %get3A_76 : vector<1x16xf32> to vector<16xf32>
      %mul3A_78 = arith.mulf %get3A_77, %get3A_68 : vector<16xf32>
      %add3A_79 = arith.addf %mul3A_73, %mul3A_78 : vector<16xf32>
      %swap3A = arith.index_cast %scan3A_58 : i32 to index
      %swap3A_80 = arith.constant 0 : index
      %swap3A_81 = tpu.vector_load %arg8[%swap3A, %swap3A_80] {strides = array<i32>} : memref<32x1024xf32, #tpu.memory_space<vmem>>, vector<1x16xf32>,
      %swap3A_82 = vector.shape_cast %swap3A_81 : vector<1x16xf32> to vector<16xf32>
      %swap3A_83 = vector.shape_cast %add3A_79 : vector<16xf32> to vector<1x16xf32>
      tpu.vector_store %arg8[%swap3A, %swap3A_80], %swap3A_83 {strides = array<i32>} : memref<32x1024xf32, #tpu.memory_space<vmem>>, vector<1x16xf32>,
      %get3A_84 = arith.index_cast %scan3A_58 : i32 to index
      %get3A_85 = arith.constant 16 : index
      %get3A_86 = tpu.vector_load %arg8[%get3A_84, %get3A_85] {strides = array<i32>} : memref<32x1024xf32, #tpu.memory_space<vmem>>, vector<1x16xf32>,
      %get3A_87 = vector.shape_cast %get3A_86 : vector<1x16xf32> to vector<16xf32>
      %mul3A_88 = arith.mulf %get3A_87, %get3A_64 : vector<16xf32>
      %get3A_89 = arith.index_cast %scan3A_58 : i32 to index
      %get3A_90 = arith.constant 16 : index
      %get3A_91 = tpu.vector_load %arg9[%get3A_89, %get3A_90] {strides = array<i32>} : memref<32x1024xf32, #tpu.memory_space<vmem>>, vector<1x16xf32>,
      %get3A_92 = vector.shape_cast %get3A_91 : vector<1x16xf32> to vector<16xf32>
      %mul3A_93 = arith.mulf %get3A_92, %get3A_68 : vector<16xf32>
      %add3A_94 = arith.addf %mul3A_88, %mul3A_93 : vector<16xf32>
      %swap3A_95 = arith.index_cast %scan3A_58 : i32 to index
      %swap3A_96 = arith.constant 16 : index
      %swap3A_97 = tpu.vector_load %arg8[%swap3A_95, %swap3A_96] {strides = array<i32>} : memref<32x1024xf32, #tpu.memory_space<vmem>>, vector<1x16xf32>,
      %swap3A_98 = vector.shape_cast %swap3A_97 : vector<1x16xf32> to vector<16xf32>
      %swap3A_99 = vector.shape_cast %add3A_94 : vector<16xf32> to vector<1x16xf32>
      tpu.vector_store %arg8[%swap3A_95, %swap3A_96], %swap3A_99 {strides = array<i32>} : memref<32x1024xf32, #tpu.memory_space<vmem>>, vector<1x16xf32>,
      %get3A_100 = arith.index_cast %scan3A_58 : i32 to index
      %get3A_101 = arith.constant 32 : index
      %get3A_102 = tpu.vector_load %arg8[%get3A_100, %get3A_101] {strides = array<i32>} : memref<32x1024xf32, #tpu.memory_space<vmem>>, vector<1x16xf32>,
      %get3A_103 = vector.shape_cast %get3A_102 : vector<1x16xf32> to vector<16xf32>
      %mul3A_104 = arith.mulf %get3A_103, %get3A_64 : vector<16xf32>
      %get3A_105 = arith.index_cast %scan3A_58 : i32 to index
      %get3A_106 = arith.constant 32 : index
      %get3A_107 = tpu.vector_load %arg9[%get3A_105, %get3A_106] {strides = array<i32>} : memref<32x1024xf32, #tpu.memory_space<vmem>>, vector<1x16xf32>,
      %get3A_108 = vector.shape_cast %get3A_107 : vector<1x16xf32> to vector<16xf32>
      %mul3A_109 = arith.mulf %get3A_108, %get3A_68 : vector<16xf32>
      %add3A_110 = arith.addf %mul3A_104, %mul3A_109 : vector<16xf32>
      %swap3A_111 = arith.index_cast %scan3A_58 : i32 to index
      %swap3A_112 = arith.constant 32 : index
      %swap3A_113 = tpu.vector_load %arg8[%swap3A_111, %swap3A_112] {strides = array<i32>} : memref<32x1024xf32, #tpu.memory_space<vmem>>, vector<1x16xf32>,
      %swap3A_114 = vector.shape_cast %swap3A_113 : vector<1x16xf32> to vector<16xf32>
      %swap3A_115 = vector.shape_cast %add3A_110 : vector<16xf32> to vector<1x16xf32>
      tpu.vector_store %arg8[%swap3A_111, %swap3A_112], %swap3A_115 {strides = array<i32>} : memref<32x1024xf32, #tpu.memory_space<vmem>>, vector<1x16xf32>,
      %get3A_116 = arith.index_cast %scan3A_58 : i32 to index
      %get3A_117 = arith.constant 48 : index
      %get3A_118 = tpu.vector_load %arg8[%get3A_116, %get3A_117] {strides = array<i32>} : memref<32x1024xf32, #tpu.memory_space<vmem>>, vector<1x16xf32>,
      %get3A_119 = vector.shape_cast %get3A_118 : vector<1x16xf32> to vector<16xf32>
      %mul3A_120 = arith.mulf %get3A_119, %get3A_64 : vector<16xf32>
      %get3A_121 = arith.index_cast %scan3A_58 : i32 to index
      %get3A_122 = arith.constant 48 : index
      %get3A_123 = tpu.vector_load %arg9[%get3A_121, %get3A_122] {strides = array<i32>} : memref<32x1024xf32, #tpu.memory_space<vmem>>, vector<1x16xf32>,
      %get3A_124 = vector.shape_cast %get3A_123 : vector<1x16xf32> to vector<16xf32>
      %mul3A_125 = arith.mulf %get3A_124, %get3A_68 : vector<16xf32>
      %add3A_126 = arith.addf %mul3A_120, %mul3A_125 : vector<16xf32>
      %swap3A_127 = arith.index_cast %scan3A_58 : i32 to index
      %swap3A_128 = arith.constant 48 : index
      %swap3A_129 = tpu.vector_load %arg8[%swap3A_127, %swap3A_128] {strides = array<i32>} : memref<32x1024xf32, #tpu.memory_space<vmem>>, vector<1x16xf32>,
      %swap3A_130 = vector.shape_cast %swap3A_129 : vector<1x16xf32> to vector<16xf32>
      %swap3A_131 = vector.shape_cast %add3A_126 : vector<16xf32> to vector<1x16xf32>
      tpu.vector_store %arg8[%swap3A_127, %swap3A_128], %swap3A_131 {strides = array<i32>} : memref<32x1024xf32, #tpu.memory_space<vmem>>, vector<1x16xf32>,
      %get3A_132 = arith.index_cast %scan3A_58 : i32 to index
      %get3A_133 = arith.constant 64 : index
      %get3A_134 = tpu.vector_load %arg8[%get3A_132, %get3A_133] {strides = array<i32>} : memref<32x1024xf32, #tpu.memory_space<vmem>>, vector<1x16xf32>,
      %get3A_135 = vector.shape_cast %get3A_134 : vector<1x16xf32> to vector<16xf32>
      %mul3A_136 = arith.mulf %get3A_135, %get3A_64 : vector<16xf32>
      %get3A_137 = arith.index_cast %scan3A_58 : i32 to index
      %get3A_138 = arith.constant 64 : index
      %get3A_139 = tpu.vector_load %arg9[%get3A_137, %get3A_138] {strides = array<i32>} : memref<32x1024xf32, #tpu.memory_space<vmem>>, vector<1x16xf32>,
      %get3A_140 = vector.shape_cast %get3A_139 : vector<1x16xf32> to vector<16xf32>
      %mul3A_141 = arith.mulf %get3A_140, %get3A_68 : vector<16xf32>
      %add3A_142 = arith.addf %mul3A_136, %mul3A_141 : vector<16xf32>
      %swap3A_143 = arith.index_cast %scan3A_58 : i32 to index
      %swap3A_144 = arith.constant 64 : index
      %swap3A_145 = tpu.vector_load %arg8[%swap3A_143, %swap3A_144] {strides = array<i32>} : memref<32x1024xf32, #tpu.memory_space<vmem>>, vector<1x16xf32>,
      %swap3A_146 = vector.shape_cast %swap3A_145 : vector<1x16xf32> to vector<16xf32>
      %swap3A_147 = vector.shape_cast %add3A_142 : vector<16xf32> to vector<1x16xf32>
      tpu.vector_store %arg8[%swap3A_143, %swap3A_144], %swap3A_147 {strides = array<i32>} : memref<32x1024xf32, #tpu.memory_space<vmem>>, vector<1x16xf32>,
      %get3A_148 = arith.index_cast %scan3A_58 : i32 to index
      %get3A_149 = arith.constant 80 : index
      %get3A_150 = tpu.vector_load %arg8[%get3A_148, %get3A_149] {strides = array<i32>} : memref<32x1024xf32, #tpu.memory_space<vmem>>, vector<1x16xf32>,
      %get3A_151 = vector.shape_cast %get3A_150 : vector<1x16xf32> to vector<16xf32>
      %mul3A_152 = arith.mulf %get3A_151, %get3A_64 : vector<16xf32>
      %get3A_153 = arith.index_cast %scan3A_58 : i32 to index
      %get3A_154 = arith.constant 80 : index
      %get3A_155 = tpu.vector_load %arg9[%get3A_153, %get3A_154] {strides = array<i32>} : memref<32x1024xf32, #tpu.memory_space<vmem>>, vector<1x16xf32>,
      %get3A_156 = vector.shape_cast %get3A_155 : vector<1x16xf32> to vector<16xf32>
      %mul3A_157 = arith.mulf %get3A_156, %get3A_68 : vector<16xf32>
      %add3A_158 = arith.addf %mul3A_152, %mul3A_157 : vector<16xf32>
      %swap3A_159 = arith.index_cast %scan3A_58 : i32 to index
      %swap3A_160 = arith.constant 80 : index
      %swap3A_161 = tpu.vector_load %arg8[%swap3A_159, %swap3A_160] {strides = array<i32>} : memref<32x1024xf32, #tpu.memory_space<vmem>>, vector<1x16xf32>,
      %swap3A_162 = vector.shape_cast %swap3A_161 : vector<1x16xf32> to vector<16xf32>
      %swap3A_163 = vector.shape_cast %add3A_158 : vector<16xf32> to vector<1x16xf32>
      tpu.vector_store %arg8[%swap3A_159, %swap3A_160], %swap3A_163 {strides = array<i32>} : memref<32x1024xf32, #tpu.memory_space<vmem>>, vector<1x16xf32>,
      %get3A_164 = arith.index_cast %scan3A_58 : i32 to index
      %get3A_165 = arith.constant 96 : index
      %get3A_166 = tpu.vector_load %arg8[%get3A_164, %get3A_165] {strides = array<i32>} : memref<32x1024xf32, #tpu.memory_space<vmem>>, vector<1x16xf32>,
      %get3A_167 = vector.shape_cast %get3A_166 : vector<1x16xf32> to vector<16xf32>
      %mul3A_168 = arith.mulf %get3A_167, %get3A_64 : vector<16xf32>
      %get3A_169 = arith.index_cast %scan3A_58 : i32 to index
      %get3A_170 = arith.constant 96 : index
      %get3A_171 = tpu.vector_load %arg9[%get3A_169, %get3A_170] {strides = array<i32>} : memref<32x1024xf32, #tpu.memory_space<vmem>>, vector<1x16xf32>,
      %get3A_172 = vector.shape_cast %get3A_171 : vector<1x16xf32> to vector<16xf32>
      %mul3A_173 = arith.mulf %get3A_172, %get3A_68 : vector<16xf32>
      %add3A_174 = arith.addf %mul3A_168, %mul3A_173 : vector<16xf32>
      %swap3A_175 = arith.index_cast %scan3A_58 : i32 to index
      %swap3A_176 = arith.constant 96 : index
      %swap3A_177 = tpu.vector_load %arg8[%swap3A_175, %swap3A_176] {strides = array<i32>} : memref<32x1024xf32, #tpu.memory_space<vmem>>, vector<1x16xf32>,
      %swap3A_178 = vector.shape_cast %swap3A_177 : vector<1x16xf32> to vector<16xf32>
      %swap3A_179 = vector.shape_cast %add3A_174 : vector<16xf32> to vector<1x16xf32>
      tpu.vector_store %arg8[%swap3A_175, %swap3A_176], %swap3A_179 {strides = array<i32>} : memref<32x1024xf32, #tpu.memory_space<vmem>>, vector<1x16xf32>,
      %get3A_180 = arith.index_cast %scan3A_58 : i32 to index
      %get3A_181 = arith.constant 112 : index
      %get3A_182 = tpu.vector_load %arg8[%get3A_180, %get3A_181] {strides = array<i32>} : memref<32x1024xf32, #tpu.memory_space<vmem>>, vector<1x16xf32>,
      %get3A_183 = vector.shape_cast %get3A_182 : vector<1x16xf32> to vector<16xf32>
      %mul3A_184 = arith.mulf %get3A_183, %get3A_64 : vector<16xf32>
      %get3A_185 = arith.index_cast %scan3A_58 : i32 to index
      %get3A_186 = arith.constant 112 : index
      %get3A_187 = tpu.vector_load %arg9[%get3A_185, %get3A_186] {strides = array<i32>} : memref<32x1024xf32, #tpu.memory_space<vmem>>, vector<1x16xf32>,
      %get3A_188 = vector.shape_cast %get3A_187 : vector<1x16xf32> to vector<16xf32>
      %mul3A_189 = arith.mulf %get3A_188, %get3A_68 : vector<16xf32>
      %add3A_190 = arith.addf %mul3A_184, %mul3A_189 : vector<16xf32>
      %swap3A_191 = arith.index_cast %scan3A_58 : i32 to index
      %swap3A_192 = arith.constant 112 : index
      %swap3A_193 = tpu.vector_load %arg8[%swap3A_191, %swap3A_192] {strides = array<i32>} : memref<32x1024xf32, #tpu.memory_space<vmem>>, vector<1x16xf32>,
      %swap3A_194 = vector.shape_cast %swap3A_193 : vector<1x16xf32> to vector<16xf32>
      %swap3A_195 = vector.shape_cast %add3A_190 : vector<16xf32> to vector<1x16xf32>
      tpu.vector_store %arg8[%swap3A_191, %swap3A_192], %swap3A_195 {strides = array<i32>} : memref<32x1024xf32, #tpu.memory_space<vmem>>, vector<1x16xf32>,
      %get3A_196 = arith.index_cast %scan3A_58 : i32 to index
      %get3A_197 = arith.constant 128 : index
      %get3A_198 = tpu.vector_load %arg8[%get3A_196, %get3A_197] {strides = array<i32>} : memref<32x1024xf32, #tpu.memory_space<vmem>>, vector<1x16xf32>,
      %get3A_199 = vector.shape_cast %get3A_198 : vector<1x16xf32> to vector<16xf32>
      %mul3A_200 = arith.mulf %get3A_199, %get3A_64 : vector<16xf32>
      %get3A_201 = arith.index_cast %scan3A_58 : i32 to index
      %get3A_202 = arith.constant 128 : index
      %get3A_203 = tpu.vector_load %arg9[%get3A_201, %get3A_202] {strides = array<i32>} : memref<32x1024xf32, #tpu.memory_space<vmem>>, vector<1x16xf32>,
      %get3A_204 = vector.shape_cast %get3A_203 : vector<1x16xf32> to vector<16xf32>
      %mul3A_205 = arith.mulf %get3A_204, %get3A_68 : vector<16xf32>
      %add3A_206 = arith.addf %mul3A_200, %mul3A_205 : vector<16xf32>
      %swap3A_207 = arith.index_cast %scan3A_58 : i32 to index
      %swap3A_208 = arith.constant 128 : index
      %swap3A_209 = tpu.vector_load %arg8[%swap3A_207, %swap3A_208] {strides = array<i32>} : memref<32x1024xf32, #tpu.memory_space<vmem>>, vector<1x16xf32>,
      %swap3A_210 = vector.shape_cast %swap3A_209 : vector<1x16xf32> to vector<16xf32>
      %swap3A_211 = vector.shape_cast %add3A_206 : vector<16xf32> to vector<1x16xf32>
      tpu.vector_store %arg8[%swap3A_207, %swap3A_208], %swap3A_211 {strides = array<i32>} : memref<32x1024xf32, #tpu.memory_space<vmem>>, vector<1x16xf32>,
      %get3A_212 = arith.index_cast %scan3A_58 : i32 to index
      %get3A_213 = arith.constant 144 : index
      %get3A_214 = tpu.vector_load %arg8[%get3A_212, %get3A_213] {strides = array<i32>} : memref<32x1024xf32, #tpu.memory_space<vmem>>, vector<1x16xf32>,
      %get3A_215 = vector.shape_cast %get3A_214 : vector<1x16xf32> to vector<16xf32>
      %mul3A_216 = arith.mulf %get3A_215, %get3A_64 : vector<16xf32>
      %get3A_217 = arith.index_cast %scan3A_58 : i32 to index
      %get3A_218 = arith.constant 144 : index
      %get3A_219 = tpu.vector_load %arg9[%get3A_217, %get3A_218] {strides = array<i32>} : memref<32x1024xf32, #tpu.memory_space<vmem>>, vector<1x16xf32>,
      %get3A_220 = vector.shape_cast %get3A_219 : vector<1x16xf32> to vector<16xf32>
      %mul3A_221 = arith.mulf %get3A_220, %get3A_68 : vector<16xf32>
      %add3A_222 = arith.addf %mul3A_216, %mul3A_221 : vector<16xf32>
      %swap3A_223 = arith.index_cast %scan3A_58 : i32 to index
      %swap3A_224 = arith.constant 144 : index
      %swap3A_225 = tpu.vector_load %arg8[%swap3A_223, %swap3A_224] {strides = array<i32>} : memref<32x1024xf32, #tpu.memory_space<vmem>>, vector<1x16xf32>,
      %swap3A_226 = vector.shape_cast %swap3A_225 : vector<1x16xf32> to vector<16xf32>
      %swap3A_227 = vector.shape_cast %add3A_222 : vector<16xf32> to vector<1x16xf32>
      tpu.vector_store %arg8[%swap3A_223, %swap3A_224], %swap3A_227 {strides = array<i32>} : memref<32x1024xf32, #tpu.memory_space<vmem>>, vector<1x16xf32>,
      %get3A_228 = arith.index_cast %scan3A_58 : i32 to index
      %get3A_229 = arith.constant 160 : index
      %get3A_230 = tpu.vector_load %arg8[%get3A_228, %get3A_229] {strides = array<i32>} : memref<32x1024xf32, #tpu.memory_space<vmem>>, vector<1x16xf32>,
      %get3A_231 = vector.shape_cast %get3A_230 : vector<1x16xf32> to vector<16xf32>
      %mul3A_232 = arith.mulf %get3A_231, %get3A_64 : vector<16xf32>
      %get3A_233 = arith.index_cast %scan3A_58 : i32 to index
      %get3A_234 = arith.constant 160 : index
      %get3A_235 = tpu.vector_load %arg9[%get3A_233, %get3A_234] {strides = array<i32>} : memref<32x1024xf32, #tpu.memory_space<vmem>>, vector<1x16xf32>,
      %get3A_236 = vector.shape_cast %get3A_235 : vector<1x16xf32> to vector<16xf32>
      %mul3A_237 = arith.mulf %get3A_236, %get3A_68 : vector<16xf32>
      %add3A_238 = arith.addf %mul3A_232, %mul3A_237 : vector<16xf32>
      %swap3A_239 = arith.index_cast %scan3A_58 : i32 to index
      %swap3A_240 = arith.constant 160 : index
      %swap3A_241 = tpu.vector_load %arg8[%swap3A_239, %swap3A_240] {strides = array<i32>} : memref<32x1024xf32, #tpu.memory_space<vmem>>, vector<1x16xf32>,
      %swap3A_242 = vector.shape_cast %swap3A_241 : vector<1x16xf32> to vector<16xf32>
      %swap3A_243 = vector.shape_cast %add3A_238 : vector<16xf32> to vector<1x16xf32>
      tpu.vector_store %arg8[%swap3A_239, %swap3A_240], %swap3A_243 {strides = array<i32>} : memref<32x1024xf32, #tpu.memory_space<vmem>>, vector<1x16xf32>,
      %get3A_244 = arith.index_cast %scan3A_58 : i32 to index
      %get3A_245 = arith.constant 176 : index
      %get3A_246 = tpu.vector_load %arg8[%get3A_244, %get3A_245] {strides = array<i32>} : memref<32x1024xf32, #tpu.memory_space<vmem>>, vector<1x16xf32>,
      %get3A_247 = vector.shape_cast %get3A_246 : vector<1x16xf32> to vector<16xf32>
      %mul3A_248 = arith.mulf %get3A_247, %get3A_64 : vector<16xf32>
      %get3A_249 = arith.index_cast %scan3A_58 : i32 to index
      %get3A_250 = arith.constant 176 : index
      %get3A_251 = tpu.vector_load %arg9[%get3A_249, %get3A_250] {strides = array<i32>} : memref<32x1024xf32, #tpu.memory_space<vmem>>, vector<1x16xf32>,
      %get3A_252 = vector.shape_cast %get3A_251 : vector<1x16xf32> to vector<16xf32>
      %mul3A_253 = arith.mulf %get3A_252, %get3A_68 : vector<16xf32>
      %add3A_254 = arith.addf %mul3A_248, %mul3A_253 : vector<16xf32>
      %swap3A_255 = arith.index_cast %scan3A_58 : i32 to index
      %swap3A_256 = arith.constant 176 : index
      %swap3A_257 = tpu.vector_load %arg8[%swap3A_255, %swap3A_256] {strides = array<i32>} : memref<32x1024xf32, #tpu.memory_space<vmem>>, vector<1x16xf32>,
      %swap3A_258 = vector.shape_cast %swap3A_257 : vector<1x16xf32> to vector<16xf32>
      %swap3A_259 = vector.shape_cast %add3A_254 : vector<16xf32> to vector<1x16xf32>
      tpu.vector_store %arg8[%swap3A_255, %swap3A_256], %swap3A_259 {strides = array<i32>} : memref<32x1024xf32, #tpu.memory_space<vmem>>, vector<1x16xf32>,
      %get3A_260 = arith.index_cast %scan3A_58 : i32 to index
      %get3A_261 = arith.constant 192 : index
      %get3A_262 = tpu.vector_load %arg8[%get3A_260, %get3A_261] {strides = array<i32>} : memref<32x1024xf32, #tpu.memory_space<vmem>>, vector<1x16xf32>,
      %get3A_263 = vector.shape_cast %get3A_262 : vector<1x16xf32> to vector<16xf32>
      %mul3A_264 = arith.mulf %get3A_263, %get3A_64 : vector<16xf32>
      %get3A_265 = arith.index_cast %scan3A_58 : i32 to index
      %get3A_266 = arith.constant 192 : index
      %get3A_267 = tpu.vector_load %arg9[%get3A_265, %get3A_266] {strides = array<i32>} : memref<32x1024xf32, #tpu.memory_space<vmem>>, vector<1x16xf32>,
      %get3A_268 = vector.shape_cast %get3A_267 : vector<1x16xf32> to vector<16xf32>
      %mul3A_269 = arith.mulf %get3A_268, %get3A_68 : vector<16xf32>
      %add3A_270 = arith.addf %mul3A_264, %mul3A_269 : vector<16xf32>
      %swap3A_271 = arith.index_cast %scan3A_58 : i32 to index
      %swap3A_272 = arith.constant 192 : index
      %swap3A_273 = tpu.vector_load %arg8[%swap3A_271, %swap3A_272] {strides = array<i32>} : memref<32x1024xf32, #tpu.memory_space<vmem>>, vector<1x16xf32>,
      %swap3A_274 = vector.shape_cast %swap3A_273 : vector<1x16xf32> to vector<16xf32>
      %swap3A_275 = vector.shape_cast %add3A_270 : vector<16xf32> to vector<1x16xf32>
      tpu.vector_store %arg8[%swap3A_271, %swap3A_272], %swap3A_275 {strides = array<i32>} : memref<32x1024xf32, #tpu.memory_space<vmem>>, vector<1x16xf32>,
      %get3A_276 = arith.index_cast %scan3A_58 : i32 to index
      %get3A_277 = arith.constant 208 : index
      %get3A_278 = tpu.vector_load %arg8[%get3A_276, %get3A_277] {strides = array<i32>} : memref<32x1024xf32, #tpu.memory_space<vmem>>, vector<1x16xf32>,
      %get3A_279 = vector.shape_cast %get3A_278 : vector<1x16xf32> to vector<16xf32>
      %mul3A_280 = arith.mulf %get3A_279, %get3A_64 : vector<16xf32>
      %get3A_281 = arith.index_cast %scan3A_58 : i32 to index
      %get3A_282 = arith.constant 208 : index
      %get3A_283 = tpu.vector_load %arg9[%get3A_281, %get3A_282] {strides = array<i32>} : memref<32x1024xf32, #tpu.memory_space<vmem>>, vector<1x16xf32>,
      %get3A_284 = vector.shape_cast %get3A_283 : vector<1x16xf32> to vector<16xf32>
      %mul3A_285 = arith.mulf %get3A_284, %get3A_68 : vector<16xf32>
      %add3A_286 = arith.addf %mul3A_280, %mul3A_285 : vector<16xf32>
      %swap3A_287 = arith.index_cast %scan3A_58 : i32 to index
      %swap3A_288 = arith.constant 208 : index
      %swap3A_289 = tpu.vector_load %arg8[%swap3A_287, %swap3A_288] {strides = array<i32>} : memref<32x1024xf32, #tpu.memory_space<vmem>>, vector<1x16xf32>,
      %swap3A_290 = vector.shape_cast %swap3A_289 : vector<1x16xf32> to vector<16xf32>
      %swap3A_291 = vector.shape_cast %add3A_286 : vector<16xf32> to vector<1x16xf32>
      tpu.vector_store %arg8[%swap3A_287, %swap3A_288], %swap3A_291 {strides = array<i32>} : memref<32x1024xf32, #tpu.memory_space<vmem>>, vector<1x16xf32>,
      %get3A_292 = arith.index_cast %scan3A_58 : i32 to index
      %get3A_293 = arith.constant 224 : index
      %get3A_294 = tpu.vector_load %arg8[%get3A_292, %get3A_293] {strides = array<i32>} : memref<32x1024xf32, #tpu.memory_space<vmem>>, vector<1x16xf32>,
      %get3A_295 = vector.shape_cast %get3A_294 : vector<1x16xf32> to vector<16xf32>
      %mul3A_296 = arith.mulf %get3A_295, %get3A_64 : vector<16xf32>
      %get3A_297 = arith.index_cast %scan3A_58 : i32 to index
      %get3A_298 = arith.constant 224 : index
      %get3A_299 = tpu.vector_load %arg9[%get3A_297, %get3A_298] {strides = array<i32>} : memref<32x1024xf32, #tpu.memory_space<vmem>>, vector<1x16xf32>,
      %get3A_300 = vector.shape_cast %get3A_299 : vector<1x16xf32> to vector<16xf32>
      %mul3A_301 = arith.mulf %get3A_300, %get3A_68 : vector<16xf32>
      %add3A_302 = arith.addf %mul3A_296, %mul3A_301 : vector<16xf32>
      %swap3A_303 = arith.index_cast %scan3A_58 : i32 to index
      %swap3A_304 = arith.constant 224 : index
      %swap3A_305 = tpu.vector_load %arg8[%swap3A_303, %swap3A_304] {strides = array<i32>} : memref<32x1024xf32, #tpu.memory_space<vmem>>, vector<1x16xf32>,
      %swap3A_306 = vector.shape_cast %swap3A_305 : vector<1x16xf32> to vector<16xf32>
      %swap3A_307 = vector.shape_cast %add3A_302 : vector<16xf32> to vector<1x16xf32>
      tpu.vector_store %arg8[%swap3A_303, %swap3A_304], %swap3A_307 {strides = array<i32>} : memref<32x1024xf32, #tpu.memory_space<vmem>>, vector<1x16xf32>,
      %get3A_308 = arith.index_cast %scan3A_58 : i32 to index
      %get3A_309 = arith.constant 240 : index
      %get3A_310 = tpu.vector_load %arg8[%get3A_308, %get3A_309] {strides = array<i32>} : memref<32x1024xf32, #tpu.memory_space<vmem>>, vector<1x16xf32>,
      %get3A_311 = vector.shape_cast %get3A_310 : vector<1x16xf32> to vector<16xf32>
      %mul3A_312 = arith.mulf %get3A_311, %get3A_64 : vector<16xf32>
      %get3A_313 = arith.index_cast %scan3A_58 : i32 to index
      %get3A_314 = arith.constant 240 : index
      %get3A_315 = tpu.vector_load %arg9[%get3A_313, %get3A_314] {strides = array<i32>} : memref<32x1024xf32, #tpu.memory_space<vmem>>, vector<1x16xf32>,
      %get3A_316 = vector.shape_cast %get3A_315 : vector<1x16xf32> to vector<16xf32>
      %mul3A_317 = arith.mulf %get3A_316, %get3A_68 : vector<16xf32>
      %add3A_318 = arith.addf %mul3A_312, %mul3A_317 : vector<16xf32>
      %swap3A_319 = arith.index_cast %scan3A_58 : i32 to index
      %swap3A_320 = arith.constant 240 : index
      %swap3A_321 = tpu.vector_load %arg8[%swap3A_319, %swap3A_320] {strides = array<i32>} : memref<32x1024xf32, #tpu.memory_space<vmem>>, vector<1x16xf32>,
      %swap3A_322 = vector.shape_cast %swap3A_321 : vector<1x16xf32> to vector<16xf32>
      %swap3A_323 = vector.shape_cast %add3A_318 : vector<16xf32> to vector<1x16xf32>
      tpu.vector_store %arg8[%swap3A_319, %swap3A_320], %swap3A_323 {strides = array<i32>} : memref<32x1024xf32, #tpu.memory_space<vmem>>, vector<1x16xf32>,
      %get3A_324 = arith.index_cast %scan3A_58 : i32 to index
      %get3A_325 = arith.constant 256 : index
      %get3A_326 = tpu.vector_load %arg8[%get3A_324, %get3A_325] {strides = array<i32>} : memref<32x1024xf32, #tpu.memory_space<vmem>>, vector<1x16xf32>,
      %get3A_327 = vector.shape_cast %get3A_326 : vector<1x16xf32> to vector<16xf32>
      %mul3A_328 = arith.mulf %get3A_327, %get3A_64 : vector<16xf32>
      %get3A_329 = arith.index_cast %scan3A_58 : i32 to index
      %get3A_330 = arith.constant 256 : index
      %get3A_331 = tpu.vector_load %arg9[%get3A_329, %get3A_330] {strides = array<i32>} : memref<32x1024xf32, #tpu.memory_space<vmem>>, vector<1x16xf32>,
      %get3A_332 = vector.shape_cast %get3A_331 : vector<1x16xf32> to vector<16xf32>
      %mul3A_333 = arith.mulf %get3A_332, %get3A_68 : vector<16xf32>
      %add3A_334 = arith.addf %mul3A_328, %mul3A_333 : vector<16xf32>
      %swap3A_335 = arith.index_cast %scan3A_58 : i32 to index
      %swap3A_336 = arith.constant 256 : index
      %swap3A_337 = tpu.vector_load %arg8[%swap3A_335, %swap3A_336] {strides = array<i32>} : memref<32x1024xf32, #tpu.memory_space<vmem>>, vector<1x16xf32>,
      %swap3A_338 = vector.shape_cast %swap3A_337 : vector<1x16xf32> to vector<16xf32>
      %swap3A_339 = vector.shape_cast %add3A_334 : vector<16xf32> to vector<1x16xf32>
      tpu.vector_store %arg8[%swap3A_335, %swap3A_336], %swap3A_339 {strides = array<i32>} : memref<32x1024xf32, #tpu.memory_space<vmem>>, vector<1x16xf32>,
      %get3A_340 = arith.index_cast %scan3A_58 : i32 to index
      %get3A_341 = arith.constant 272 : index
      %get3A_342 = tpu.vector_load %arg8[%get3A_340, %get3A_341] {strides = array<i32>} : memref<32x1024xf32, #tpu.memory_space<vmem>>, vector<1x16xf32>,
      %get3A_343 = vector.shape_cast %get3A_342 : vector<1x16xf32> to vector<16xf32>
      %mul3A_344 = arith.mulf %get3A_343, %get3A_64 : vector<16xf32>
      %get3A_345 = arith.index_cast %scan3A_58 : i32 to index
      %get3A_346 = arith.constant 272 : index
      %get3A_347 = tpu.vector_load %arg9[%get3A_345, %get3A_346] {strides = array<i32>} : memref<32x1024xf32, #tpu.memory_space<vmem>>, vector<1x16xf32>,
      %get3A_348 = vector.shape_cast %get3A_347 : vector<1x16xf32> to vector<16xf32>
      %mul3A_349 = arith.mulf %get3A_348, %get3A_68 : vector<16xf32>
      %add3A_350 = arith.addf %mul3A_344, %mul3A_349 : vector<16xf32>
      %swap3A_351 = arith.index_cast %scan3A_58 : i32 to index
      %swap3A_352 = arith.constant 272 : index
      %swap3A_353 = tpu.vector_load %arg8[%swap3A_351, %swap3A_352] {strides = array<i32>} : memref<32x1024xf32, #tpu.memory_space<vmem>>, vector<1x16xf32>,
      %swap3A_354 = vector.shape_cast %swap3A_353 : vector<1x16xf32> to vector<16xf32>
      %swap3A_355 = vector.shape_cast %add3A_350 : vector<16xf32> to vector<1x16xf32>
      tpu.vector_store %arg8[%swap3A_351, %swap3A_352], %swap3A_355 {strides = array<i32>} : memref<32x1024xf32, #tpu.memory_space<vmem>>, vector<1x16xf32>,
      %get3A_356 = arith.index_cast %scan3A_58 : i32 to index
      %get3A_357 = arith.constant 288 : index
      %get3A_358 = tpu.vector_load %arg8[%get3A_356, %get3A_357] {strides = array<i32>} : memref<32x1024xf32, #tpu.memory_space<vmem>>, vector<1x16xf32>,
      %get3A_359 = vector.shape_cast %get3A_358 : vector<1x16xf32> to vector<16xf32>
      %mul3A_360 = arith.mulf %get3A_359, %get3A_64 : vector<16xf32>
      %get3A_361 = arith.index_cast %scan3A_58 : i32 to index
      %get3A_362 = arith.constant 288 : index
      %get3A_363 = tpu.vector_load %arg9[%get3A_361, %get3A_362] {strides = array<i32>} : memref<32x1024xf32, #tpu.memory_space<vmem>>, vector<1x16xf32>,
      %get3A_364 = vector.shape_cast %get3A_363 : vector<1x16xf32> to vector<16xf32>
      %mul3A_365 = arith.mulf %get3A_364, %get3A_68 : vector<16xf32>
      %add3A_366 = arith.addf %mul3A_360, %mul3A_365 : vector<16xf32>
      %swap3A_367 = arith.index_cast %scan3A_58 : i32 to index
      %swap3A_368 = arith.constant 288 : index
      %swap3A_369 = tpu.vector_load %arg8[%swap3A_367, %swap3A_368] {strides = array<i32>} : memref<32x1024xf32, #tpu.memory_space<vmem>>, vector<1x16xf32>,
      %swap3A_370 = vector.shape_cast %swap3A_369 : vector<1x16xf32> to vector<16xf32>
      %swap3A_371 = vector.shape_cast %add3A_366 : vector<16xf32> to vector<1x16xf32>
      tpu.vector_store %arg8[%swap3A_367, %swap3A_368], %swap3A_371 {strides = array<i32>} : memref<32x1024xf32, #tpu.memory_space<vmem>>, vector<1x16xf32>,
      %get3A_372 = arith.index_cast %scan3A_58 : i32 to index
      %get3A_373 = arith.constant 304 : index
      %get3A_374 = tpu.vector_load %arg8[%get3A_372, %get3A_373] {strides = array<i32>} : memref<32x1024xf32, #tpu.memory_space<vmem>>, vector<1x16xf32>,
      %get3A_375 = vector.shape_cast %get3A_374 : vector<1x16xf32> to vector<16xf32>
      %mul3A_376 = arith.mulf %get3A_375, %get3A_64 : vector<16xf32>
      %get3A_377 = arith.index_cast %scan3A_58 : i32 to index
      %get3A_378 = arith.constant 304 : index
      %get3A_379 = tpu.vector_load %arg9[%get3A_377, %get3A_378] {strides = array<i32>} : memref<32x1024xf32, #tpu.memory_space<vmem>>, vector<1x16xf32>,
      %get3A_380 = vector.shape_cast %get3A_379 : vector<1x16xf32> to vector<16xf32>
      %mul3A_381 = arith.mulf %get3A_380, %get3A_68 : vector<16xf32>
      %add3A_382 = arith.addf %mul3A_376, %mul3A_381 : vector<16xf32>
      %swap3A_383 = arith.index_cast %scan3A_58 : i32 to index
      %swap3A_384 = arith.constant 304 : index
      %swap3A_385 = tpu.vector_load %arg8[%swap3A_383, %swap3A_384] {strides = array<i32>} : memref<32x1024xf32, #tpu.memory_space<vmem>>, vector<1x16xf32>,
      %swap3A_386 = vector.shape_cast %swap3A_385 : vector<1x16xf32> to vector<16xf32>
      %swap3A_387 = vector.shape_cast %add3A_382 : vector<16xf32> to vector<1x16xf32>
      tpu.vector_store %arg8[%swap3A_383, %swap3A_384], %swap3A_387 {strides = array<i32>} : memref<32x1024xf32, #tpu.memory_space<vmem>>, vector<1x16xf32>,
      %get3A_388 = arith.index_cast %scan3A_58 : i32 to index
      %get3A_389 = arith.constant 320 : index
      %get3A_390 = tpu.vector_load %arg8[%get3A_388, %get3A_389] {strides = array<i32>} : memref<32x1024xf32, #tpu.memory_space<vmem>>, vector<1x16xf32>,
      %get3A_391 = vector.shape_cast %get3A_390 : vector<1x16xf32> to vector<16xf32>
      %mul3A_392 = arith.mulf %get3A_391, %get3A_64 : vector<16xf32>
      %get3A_393 = arith.index_cast %scan3A_58 : i32 to index
      %get3A_394 = arith.constant 320 : index
      %get3A_395 = tpu.vector_load %arg9[%get3A_393, %get3A_394] {strides = array<i32>} : memref<32x1024xf32, #tpu.memory_space<vmem>>, vector<1x16xf32>,
      %get3A_396 = vector.shape_cast %get3A_395 : vector<1x16xf32> to vector<16xf32>
      %mul3A_397 = arith.mulf %get3A_396, %get3A_68 : vector<16xf32>
      %add3A_398 = arith.addf %mul3A_392, %mul3A_397 : vector<16xf32>
      %swap3A_399 = arith.index_cast %scan3A_58 : i32 to index
      %swap3A_400 = arith.constant 320 : index
      %swap3A_401 = tpu.vector_load %arg8[%swap3A_399, %swap3A_400] {strides = array<i32>} : memref<32x1024xf32, #tpu.memory_space<vmem>>, vector<1x16xf32>,
      %swap3A_402 = vector.shape_cast %swap3A_401 : vector<1x16xf32> to vector<16xf32>
      %swap3A_403 = vector.shape_cast %add3A_398 : vector<16xf32> to vector<1x16xf32>
      tpu.vector_store %arg8[%swap3A_399, %swap3A_400], %swap3A_403 {strides = array<i32>} : memref<32x1024xf32, #tpu.memory_space<vmem>>, vector<1x16xf32>,
      %get3A_404 = arith.index_cast %scan3A_58 : i32 to index
      %get3A_405 = arith.constant 336 : index
      %get3A_406 = tpu.vector_load %arg8[%get3A_404, %get3A_405] {strides = array<i32>} : memref<32x1024xf32, #tpu.memory_space<vmem>>, vector<1x16xf32>,
      %get3A_407 = vector.shape_cast %get3A_406 : vector<1x16xf32> to vector<16xf32>
      %mul3A_408 = arith.mulf %get3A_407, %get3A_64 : vector<16xf32>
      %get3A_409 = arith.index_cast %scan3A_58 : i32 to index
      %get3A_410 = arith.constant 336 : index
      %get3A_411 = tpu.vector_load %arg9[%get3A_409, %get3A_410] {strides = array<i32>} : memref<32x1024xf32, #tpu.memory_space<vmem>>, vector<1x16xf32>,
      %get3A_412 = vector.shape_cast %get3A_411 : vector<1x16xf32> to vector<16xf32>
      %mul3A_413 = arith.mulf %get3A_412, %get3A_68 : vector<16xf32>
      %add3A_414 = arith.addf %mul3A_408, %mul3A_413 : vector<16xf32>
      %swap3A_415 = arith.index_cast %scan3A_58 : i32 to index
      %swap3A_416 = arith.constant 336 : index
      %swap3A_417 = tpu.vector_load %arg8[%swap3A_415, %swap3A_416] {strides = array<i32>} : memref<32x1024xf32, #tpu.memory_space<vmem>>, vector<1x16xf32>,
      %swap3A_418 = vector.shape_cast %swap3A_417 : vector<1x16xf32> to vector<16xf32>
      %swap3A_419 = vector.shape_cast %add3A_414 : vector<16xf32> to vector<1x16xf32>
      tpu.vector_store %arg8[%swap3A_415, %swap3A_416], %swap3A_419 {strides = array<i32>} : memref<32x1024xf32, #tpu.memory_space<vmem>>, vector<1x16xf32>,
      %get3A_420 = arith.index_cast %scan3A_58 : i32 to index
      %get3A_421 = arith.constant 352 : index
      %get3A_422 = tpu.vector_load %arg8[%get3A_420, %get3A_421] {strides = array<i32>} : memref<32x1024xf32, #tpu.memory_space<vmem>>, vector<1x16xf32>,
      %get3A_423 = vector.shape_cast %get3A_422 : vector<1x16xf32> to vector<16xf32>
      %mul3A_424 = arith.mulf %get3A_423, %get3A_64 : vector<16xf32>
      %get3A_425 = arith.index_cast %scan3A_58 : i32 to index
      %get3A_426 = arith.constant 352 : index
      %get3A_427 = tpu.vector_load %arg9[%get3A_425, %get3A_426] {strides = array<i32>} : memref<32x1024xf32, #tpu.memory_space<vmem>>, vector<1x16xf32>,
      %get3A_428 = vector.shape_cast %get3A_427 : vector<1x16xf32> to vector<16xf32>
      %mul3A_429 = arith.mulf %get3A_428, %get3A_68 : vector<16xf32>
      %add3A_430 = arith.addf %mul3A_424, %mul3A_429 : vector<16xf32>
      %swap3A_431 = arith.index_cast %scan3A_58 : i32 to index
      %swap3A_432 = arith.constant 352 : index
      %swap3A_433 = tpu.vector_load %arg8[%swap3A_431, %swap3A_432] {strides = array<i32>} : memref<32x1024xf32, #tpu.memory_space<vmem>>, vector<1x16xf32>,
      %swap3A_434 = vector.shape_cast %swap3A_433 : vector<1x16xf32> to vector<16xf32>
      %swap3A_435 = vector.shape_cast %add3A_430 : vector<16xf32> to vector<1x16xf32>
      tpu.vector_store %arg8[%swap3A_431, %swap3A_432], %swap3A_435 {strides = array<i32>} : memref<32x1024xf32, #tpu.memory_space<vmem>>, vector<1x16xf32>,
      %get3A_436 = arith.index_cast %scan3A_58 : i32 to index
      %get3A_437 = arith.constant 368 : index
      %get3A_438 = tpu.vector_load %arg8[%get3A_436, %get3A_437] {strides = array<i32>} : memref<32x1024xf32, #tpu.memory_space<vmem>>, vector<1x16xf32>,
      %get3A_439 = vector.shape_cast %get3A_438 : vector<1x16xf32> to vector<16xf32>
      %mul3A_440 = arith.mulf %get3A_439, %get3A_64 : vector<16xf32>
      %get3A_441 = arith.index_cast %scan3A_58 : i32 to index
      %get3A_442 = arith.constant 368 : index
      %get3A_443 = tpu.vector_load %arg9[%get3A_441, %get3A_442] {strides = array<i32>} : memref<32x1024xf32, #tpu.memory_space<vmem>>, vector<1x16xf32>,
      %get3A_444 = vector.shape_cast %get3A_443 : vector<1x16xf32> to vector<16xf32>
      %mul3A_445 = arith.mulf %get3A_444, %get3A_68 : vector<16xf32>
      %add3A_446 = arith.addf %mul3A_440, %mul3A_445 : vector<16xf32>
      %swap3A_447 = arith.index_cast %scan3A_58 : i32 to index
      %swap3A_448 = arith.constant 368 : index
      %swap3A_449 = tpu.vector_load %arg8[%swap3A_447, %swap3A_448] {strides = array<i32>} : memref<32x1024xf32, #tpu.memory_space<vmem>>, vector<1x16xf32>,
      %swap3A_450 = vector.shape_cast %swap3A_449 : vector<1x16xf32> to vector<16xf32>
      %swap3A_451 = vector.shape_cast %add3A_446 : vector<16xf32> to vector<1x16xf32>
      tpu.vector_store %arg8[%swap3A_447, %swap3A_448], %swap3A_451 {strides = array<i32>} : memref<32x1024xf32, #tpu.memory_space<vmem>>, vector<1x16xf32>,
      %get3A_452 = arith.index_cast %scan3A_58 : i32 to index
      %get3A_453 = arith.constant 384 : index
      %get3A_454 = tpu.vector_load %arg8[%get3A_452, %get3A_453] {strides = array<i32>} : memref<32x1024xf32, #tpu.memory_space<vmem>>, vector<1x16xf32>,
      %get3A_455 = vector.shape_cast %get3A_454 : vector<1x16xf32> to vector<16xf32>
      %mul3A_456 = arith.mulf %get3A_455, %get3A_64 : vector<16xf32>
      %get3A_457 = arith.index_cast %scan3A_58 : i32 to index
      %get3A_458 = arith.constant 384 : index
      %get3A_459 = tpu.vector_load %arg9[%get3A_457, %get3A_458] {strides = array<i32>} : memref<32x1024xf32, #tpu.memory_space<vmem>>, vector<1x16xf32>,
      %get3A_460 = vector.shape_cast %get3A_459 : vector<1x16xf32> to vector<16xf32>
      %mul3A_461 = arith.mulf %get3A_460, %get3A_68 : vector<16xf32>
      %add3A_462 = arith.addf %mul3A_456, %mul3A_461 : vector<16xf32>
      %swap3A_463 = arith.index_cast %scan3A_58 : i32 to index
      %swap3A_464 = arith.constant 384 : index
      %swap3A_465 = tpu.vector_load %arg8[%swap3A_463, %swap3A_464] {strides = array<i32>} : memref<32x1024xf32, #tpu.memory_space<vmem>>, vector<1x16xf32>,
      %swap3A_466 = vector.shape_cast %swap3A_465 : vector<1x16xf32> to vector<16xf32>
      %swap3A_467 = vector.shape_cast %add3A_462 : vector<16xf32> to vector<1x16xf32>
      tpu.vector_store %arg8[%swap3A_463, %swap3A_464], %swap3A_467 {strides = array<i32>} : memref<32x1024xf32, #tpu.memory_space<vmem>>, vector<1x16xf32>,
      %get3A_468 = arith.index_cast %scan3A_58 : i32 to index
      %get3A_469 = arith.constant 400 : index
      %get3A_470 = tpu.vector_load %arg8[%get3A_468, %get3A_469] {strides = array<i32>} : memref<32x1024xf32, #tpu.memory_space<vmem>>, vector<1x16xf32>,
      %get3A_471 = vector.shape_cast %get3A_470 : vector<1x16xf32> to vector<16xf32>
      %mul3A_472 = arith.mulf %get3A_471, %get3A_64 : vector<16xf32>
      %get3A_473 = arith.index_cast %scan3A_58 : i32 to index
      %get3A_474 = arith.constant 400 : index
      %get3A_475 = tpu.vector_load %arg9[%get3A_473, %get3A_474] {strides = array<i32>} : memref<32x1024xf32, #tpu.memory_space<vmem>>, vector<1x16xf32>,
      %get3A_476 = vector.shape_cast %get3A_475 : vector<1x16xf32> to vector<16xf32>
      %mul3A_477 = arith.mulf %get3A_476, %get3A_68 : vector<16xf32>
      %add3A_478 = arith.addf %mul3A_472, %mul3A_477 : vector<16xf32>
      %swap3A_479 = arith.index_cast %scan3A_58 : i32 to index
      %swap3A_480 = arith.constant 400 : index
      %swap3A_481 = tpu.vector_load %arg8[%swap3A_479, %swap3A_480] {strides = array<i32>} : memref<32x1024xf32, #tpu.memory_space<vmem>>, vector<1x16xf32>,
      %swap3A_482 = vector.shape_cast %swap3A_481 : vector<1x16xf32> to vector<16xf32>
      %swap3A_483 = vector.shape_cast %add3A_478 : vector<16xf32> to vector<1x16xf32>
      tpu.vector_store %arg8[%swap3A_479, %swap3A_480], %swap3A_483 {strides = array<i32>} : memref<32x1024xf32, #tpu.memory_space<vmem>>, vector<1x16xf32>,
      %get3A_484 = arith.index_cast %scan3A_58 : i32 to index
      %get3A_485 = arith.constant 416 : index
      %get3A_486 = tpu.vector_load %arg8[%get3A_484, %get3A_485] {strides = array<i32>} : memref<32x1024xf32, #tpu.memory_space<vmem>>, vector<1x16xf32>,
      %get3A_487 = vector.shape_cast %get3A_486 : vector<1x16xf32> to vector<16xf32>
      %mul3A_488 = arith.mulf %get3A_487, %get3A_64 : vector<16xf32>
      %get3A_489 = arith.index_cast %scan3A_58 : i32 to index
      %get3A_490 = arith.constant 416 : index
      %get3A_491 = tpu.vector_load %arg9[%get3A_489, %get3A_490] {strides = array<i32>} : memref<32x1024xf32, #tpu.memory_space<vmem>>, vector<1x16xf32>,
      %get3A_492 = vector.shape_cast %get3A_491 : vector<1x16xf32> to vector<16xf32>
      %mul3A_493 = arith.mulf %get3A_492, %get3A_68 : vector<16xf32>
      %add3A_494 = arith.addf %mul3A_488, %mul3A_493 : vector<16xf32>
      %swap3A_495 = arith.index_cast %scan3A_58 : i32 to index
      %swap3A_496 = arith.constant 416 : index
      %swap3A_497 = tpu.vector_load %arg8[%swap3A_495, %swap3A_496] {strides = array<i32>} : memref<32x1024xf32, #tpu.memory_space<vmem>>, vector<1x16xf32>,
      %swap3A_498 = vector.shape_cast %swap3A_497 : vector<1x16xf32> to vector<16xf32>
      %swap3A_499 = vector.shape_cast %add3A_494 : vector<16xf32> to vector<1x16xf32>
      tpu.vector_store %arg8[%swap3A_495, %swap3A_496], %swap3A_499 {strides = array<i32>} : memref<32x1024xf32, #tpu.memory_space<vmem>>, vector<1x16xf32>,
      %get3A_500 = arith.index_cast %scan3A_58 : i32 to index
      %get3A_501 = arith.constant 432 : index
      %get3A_502 = tpu.vector_load %arg8[%get3A_500, %get3A_501] {strides = array<i32>} : memref<32x1024xf32, #tpu.memory_space<vmem>>, vector<1x16xf32>,
      %get3A_503 = vector.shape_cast %get3A_502 : vector<1x16xf32> to vector<16xf32>
      %mul3A_504 = arith.mulf %get3A_503, %get3A_64 : vector<16xf32>
      %get3A_505 = arith.index_cast %scan3A_58 : i32 to index
      %get3A_506 = arith.constant 432 : index
      %get3A_507 = tpu.vector_load %arg9[%get3A_505, %get3A_506] {strides = array<i32>} : memref<32x1024xf32, #tpu.memory_space<vmem>>, vector<1x16xf32>,
      %get3A_508 = vector.shape_cast %get3A_507 : vector<1x16xf32> to vector<16xf32>
      %mul3A_509 = arith.mulf %get3A_508, %get3A_68 : vector<16xf32>
      %add3A_510 = arith.addf %mul3A_504, %mul3A_509 : vector<16xf32>
      %swap3A_511 = arith.index_cast %scan3A_58 : i32 to index
      %swap3A_512 = arith.constant 432 : index
      %swap3A_513 = tpu.vector_load %arg8[%swap3A_511, %swap3A_512] {strides = array<i32>} : memref<32x1024xf32, #tpu.memory_space<vmem>>, vector<1x16xf32>,
      %swap3A_514 = vector.shape_cast %swap3A_513 : vector<1x16xf32> to vector<16xf32>
      %swap3A_515 = vector.shape_cast %add3A_510 : vector<16xf32> to vector<1x16xf32>
      tpu.vector_store %arg8[%swap3A_511, %swap3A_512], %swap3A_515 {strides = array<i32>} : memref<32x1024xf32, #tpu.memory_space<vmem>>, vector<1x16xf32>,
      %get3A_516 = arith.index_cast %scan3A_58 : i32 to index
      %get3A_517 = arith.constant 448 : index
      %get3A_518 = tpu.vector_load %arg8[%get3A_516, %get3A_517] {strides = array<i32>} : memref<32x1024xf32, #tpu.memory_space<vmem>>, vector<1x16xf32>,
      %get3A_519 = vector.shape_cast %get3A_518 : vector<1x16xf32> to vector<16xf32>
      %mul3A_520 = arith.mulf %get3A_519, %get3A_64 : vector<16xf32>
      %get3A_521 = arith.index_cast %scan3A_58 : i32 to index
      %get3A_522 = arith.constant 448 : index
      %get3A_523 = tpu.vector_load %arg9[%get3A_521, %get3A_522] {strides = array<i32>} : memref<32x1024xf32, #tpu.memory_space<vmem>>, vector<1x16xf32>,
      %get3A_524 = vector.shape_cast %get3A_523 : vector<1x16xf32> to vector<16xf32>
      %mul3A_525 = arith.mulf %get3A_524, %get3A_68 : vector<16xf32>
      %add3A_526 = arith.addf %mul3A_520, %mul3A_525 : vector<16xf32>
      %swap3A_527 = arith.index_cast %scan3A_58 : i32 to index
      %swap3A_528 = arith.constant 448 : index
      %swap3A_529 = tpu.vector_load %arg8[%swap3A_527, %swap3A_528] {strides = array<i32>} : memref<32x1024xf32, #tpu.memory_space<vmem>>, vector<1x16xf32>,
      %swap3A_530 = vector.shape_cast %swap3A_529 : vector<1x16xf32> to vector<16xf32>
      %swap3A_531 = vector.shape_cast %add3A_526 : vector<16xf32> to vector<1x16xf32>
      tpu.vector_store %arg8[%swap3A_527, %swap3A_528], %swap3A_531 {strides = array<i32>} : memref<32x1024xf32, #tpu.memory_space<vmem>>, vector<1x16xf32>,
      %get3A_532 = arith.index_cast %scan3A_58 : i32 to index
      %get3A_533 = arith.constant 464 : index
      %get3A_534 = tpu.vector_load %arg8[%get3A_532, %get3A_533] {strides = array<i32>} : memref<32x1024xf32, #tpu.memory_space<vmem>>, vector<1x16xf32>,
      %get3A_535 = vector.shape_cast %get3A_534 : vector<1x16xf32> to vector<16xf32>
      %mul3A_536 = arith.mulf %get3A_535, %get3A_64 : vector<16xf32>
      %get3A_537 = arith.index_cast %scan3A_58 : i32 to index
      %get3A_538 = arith.constant 464 : index
      %get3A_539 = tpu.vector_load %arg9[%get3A_537, %get3A_538] {strides = array<i32>} : memref<32x1024xf32, #tpu.memory_space<vmem>>, vector<1x16xf32>,
      %get3A_540 = vector.shape_cast %get3A_539 : vector<1x16xf32> to vector<16xf32>
      %mul3A_541 = arith.mulf %get3A_540, %get3A_68 : vector<16xf32>
      %add3A_542 = arith.addf %mul3A_536, %mul3A_541 : vector<16xf32>
      %swap3A_543 = arith.index_cast %scan3A_58 : i32 to index
      %swap3A_544 = arith.constant 464 : index
      %swap3A_545 = tpu.vector_load %arg8[%swap3A_543, %swap3A_544] {strides = array<i32>} : memref<32x1024xf32, #tpu.memory_space<vmem>>, vector<1x16xf32>,
      %swap3A_546 = vector.shape_cast %swap3A_545 : vector<1x16xf32> to vector<16xf32>
      %swap3A_547 = vector.shape_cast %add3A_542 : vector<16xf32> to vector<1x16xf32>
      tpu.vector_store %arg8[%swap3A_543, %swap3A_544], %swap3A_547 {strides = array<i32>} : memref<32x1024xf32, #tpu.memory_space<vmem>>, vector<1x16xf32>,
      %get3A_548 = arith.index_cast %scan3A_58 : i32 to index
      %get3A_549 = arith.constant 480 : index
      %get3A_550 = tpu.vector_load %arg8[%get3A_548, %get3A_549] {strides = array<i32>} : memref<32x1024xf32, #tpu.memory_space<vmem>>, vector<1x16xf32>,
      %get3A_551 = vector.shape_cast %get3A_550 : vector<1x16xf32> to vector<16xf32>
      %mul3A_552 = arith.mulf %get3A_551, %get3A_64 : vector<16xf32>
      %get3A_553 = arith.index_cast %scan3A_58 : i32 to index
      %get3A_554 = arith.constant 480 : index
      %get3A_555 = tpu.vector_load %arg9[%get3A_553, %get3A_554] {strides = array<i32>} : memref<32x1024xf32, #tpu.memory_space<vmem>>, vector<1x16xf32>,
      %get3A_556 = vector.shape_cast %get3A_555 : vector<1x16xf32> to vector<16xf32>
      %mul3A_557 = arith.mulf %get3A_556, %get3A_68 : vector<16xf32>
      %add3A_558 = arith.addf %mul3A_552, %mul3A_557 : vector<16xf32>
      %swap3A_559 = arith.index_cast %scan3A_58 : i32 to index
      %swap3A_560 = arith.constant 480 : index
      %swap3A_561 = tpu.vector_load %arg8[%swap3A_559, %swap3A_560] {strides = array<i32>} : memref<32x1024xf32, #tpu.memory_space<vmem>>, vector<1x16xf32>,
      %swap3A_562 = vector.shape_cast %swap3A_561 : vector<1x16xf32> to vector<16xf32>
      %swap3A_563 = vector.shape_cast %add3A_558 : vector<16xf32> to vector<1x16xf32>
      tpu.vector_store %arg8[%swap3A_559, %swap3A_560], %swap3A_563 {strides = array<i32>} : memref<32x1024xf32, #tpu.memory_space<vmem>>, vector<1x16xf32>,
      %get3A_564 = arith.index_cast %scan3A_58 : i32 to index
      %get3A_565 = arith.constant 496 : index
      %get3A_566 = tpu.vector_load %arg8[%get3A_564, %get3A_565] {strides = array<i32>} : memref<32x1024xf32, #tpu.memory_space<vmem>>, vector<1x16xf32>,
      %get3A_567 = vector.shape_cast %get3A_566 : vector<1x16xf32> to vector<16xf32>
      %mul3A_568 = arith.mulf %get3A_567, %get3A_64 : vector<16xf32>
      %get3A_569 = arith.index_cast %scan3A_58 : i32 to index
      %get3A_570 = arith.constant 496 : index
      %get3A_571 = tpu.vector_load %arg9[%get3A_569, %get3A_570] {strides = array<i32>} : memref<32x1024xf32, #tpu.memory_space<vmem>>, vector<1x16xf32>,
      %get3A_572 = vector.shape_cast %get3A_571 : vector<1x16xf32> to vector<16xf32>
      %mul3A_573 = arith.mulf %get3A_572, %get3A_68 : vector<16xf32>
      %add3A_574 = arith.addf %mul3A_568, %mul3A_573 : vector<16xf32>
      %swap3A_575 = arith.index_cast %scan3A_58 : i32 to index
      %swap3A_576 = arith.constant 496 : index
      %swap3A_577 = tpu.vector_load %arg8[%swap3A_575, %swap3A_576] {strides = array<i32>} : memref<32x1024xf32, #tpu.memory_space<vmem>>, vector<1x16xf32>,
      %swap3A_578 = vector.shape_cast %swap3A_577 : vector<1x16xf32> to vector<16xf32>
      %swap3A_579 = vector.shape_cast %add3A_574 : vector<16xf32> to vector<1x16xf32>
      tpu.vector_store %arg8[%swap3A_575, %swap3A_576], %swap3A_579 {strides = array<i32>} : memref<32x1024xf32, #tpu.memory_space<vmem>>, vector<1x16xf32>,
      %get3A_580 = arith.index_cast %scan3A_58 : i32 to index
      %get3A_581 = arith.constant 512 : index
      %get3A_582 = tpu.vector_load %arg8[%get3A_580, %get3A_581] {strides = array<i32>} : memref<32x1024xf32, #tpu.memory_space<vmem>>, vector<1x16xf32>,
      %get3A_583 = vector.shape_cast %get3A_582 : vector<1x16xf32> to vector<16xf32>
      %mul3A_584 = arith.mulf %get3A_583, %get3A_64 : vector<16xf32>
      %get3A_585 = arith.index_cast %scan3A_58 : i32 to index
      %get3A_586 = arith.constant 512 : index
      %get3A_587 = tpu.vector_load %arg9[%get3A_585, %get3A_586] {strides = array<i32>} : memref<32x1024xf32, #tpu.memory_space<vmem>>, vector<1x16xf32>,
      %get3A_588 = vector.shape_cast %get3A_587 : vector<1x16xf32> to vector<16xf32>
      %mul3A_589 = arith.mulf %get3A_588, %get3A_68 : vector<16xf32>
      %add3A_590 = arith.addf %mul3A_584, %mul3A_589 : vector<16xf32>
      %swap3A_591 = arith.index_cast %scan3A_58 : i32 to index
      %swap3A_592 = arith.constant 512 : index
      %swap3A_593 = tpu.vector_load %arg8[%swap3A_591, %swap3A_592] {strides = array<i32>} : memref<32x1024xf32, #tpu.memory_space<vmem>>, vector<1x16xf32>,
      %swap3A_594 = vector.shape_cast %swap3A_593 : vector<1x16xf32> to vector<16xf32>
      %swap3A_595 = vector.shape_cast %add3A_590 : vector<16xf32> to vector<1x16xf32>
      tpu.vector_store %arg8[%swap3A_591, %swap3A_592], %swap3A_595 {strides = array<i32>} : memref<32x1024xf32, #tpu.memory_space<vmem>>, vector<1x16xf32>,
      %get3A_596 = arith.index_cast %scan3A_58 : i32 to index
      %get3A_597 = arith.constant 528 : index
      %get3A_598 = tpu.vector_load %arg8[%get3A_596, %get3A_597] {strides = array<i32>} : memref<32x1024xf32, #tpu.memory_space<vmem>>, vector<1x16xf32>,
      %get3A_599 = vector.shape_cast %get3A_598 : vector<1x16xf32> to vector<16xf32>
      %mul3A_600 = arith.mulf %get3A_599, %get3A_64 : vector<16xf32>
      %get3A_601 = arith.index_cast %scan3A_58 : i32 to index
      %get3A_602 = arith.constant 528 : index
      %get3A_603 = tpu.vector_load %arg9[%get3A_601, %get3A_602] {strides = array<i32>} : memref<32x1024xf32, #tpu.memory_space<vmem>>, vector<1x16xf32>,
      %get3A_604 = vector.shape_cast %get3A_603 : vector<1x16xf32> to vector<16xf32>
      %mul3A_605 = arith.mulf %get3A_604, %get3A_68 : vector<16xf32>
      %add3A_606 = arith.addf %mul3A_600, %mul3A_605 : vector<16xf32>
      %swap3A_607 = arith.index_cast %scan3A_58 : i32 to index
      %swap3A_608 = arith.constant 528 : index
      %swap3A_609 = tpu.vector_load %arg8[%swap3A_607, %swap3A_608] {strides = array<i32>} : memref<32x1024xf32, #tpu.memory_space<vmem>>, vector<1x16xf32>,
      %swap3A_610 = vector.shape_cast %swap3A_609 : vector<1x16xf32> to vector<16xf32>
      %swap3A_611 = vector.shape_cast %add3A_606 : vector<16xf32> to vector<1x16xf32>
      tpu.vector_store %arg8[%swap3A_607, %swap3A_608], %swap3A_611 {strides = array<i32>} : memref<32x1024xf32, #tpu.memory_space<vmem>>, vector<1x16xf32>,
      %get3A_612 = arith.index_cast %scan3A_58 : i32 to index
      %get3A_613 = arith.constant 544 : index
      %get3A_614 = tpu.vector_load %arg8[%get3A_612, %get3A_613] {strides = array<i32>} : memref<32x1024xf32, #tpu.memory_space<vmem>>, vector<1x16xf32>,
      %get3A_615 = vector.shape_cast %get3A_614 : vector<1x16xf32> to vector<16xf32>
      %mul3A_616 = arith.mulf %get3A_615, %get3A_64 : vector<16xf32>
      %get3A_617 = arith.index_cast %scan3A_58 : i32 to index
      %get3A_618 = arith.constant 544 : index
      %get3A_619 = tpu.vector_load %arg9[%get3A_617, %get3A_618] {strides = array<i32>} : memref<32x1024xf32, #tpu.memory_space<vmem>>, vector<1x16xf32>,
      %get3A_620 = vector.shape_cast %get3A_619 : vector<1x16xf32> to vector<16xf32>
      %mul3A_621 = arith.mulf %get3A_620, %get3A_68 : vector<16xf32>
      %add3A_622 = arith.addf %mul3A_616, %mul3A_621 : vector<16xf32>
      %swap3A_623 = arith.index_cast %scan3A_58 : i32 to index
      %swap3A_624 = arith.constant 544 : index
      %swap3A_625 = tpu.vector_load %arg8[%swap3A_623, %swap3A_624] {strides = array<i32>} : memref<32x1024xf32, #tpu.memory_space<vmem>>, vector<1x16xf32>,
      %swap3A_626 = vector.shape_cast %swap3A_625 : vector<1x16xf32> to vector<16xf32>
      %swap3A_627 = vector.shape_cast %add3A_622 : vector<16xf32> to vector<1x16xf32>
      tpu.vector_store %arg8[%swap3A_623, %swap3A_624], %swap3A_627 {strides = array<i32>} : memref<32x1024xf32, #tpu.memory_space<vmem>>, vector<1x16xf32>,
      %get3A_628 = arith.index_cast %scan3A_58 : i32 to index
      %get3A_629 = arith.constant 560 : index
      %get3A_630 = tpu.vector_load %arg8[%get3A_628, %get3A_629] {strides = array<i32>} : memref<32x1024xf32, #tpu.memory_space<vmem>>, vector<1x16xf32>,
      %get3A_631 = vector.shape_cast %get3A_630 : vector<1x16xf32> to vector<16xf32>
      %mul3A_632 = arith.mulf %get3A_631, %get3A_64 : vector<16xf32>
      %get3A_633 = arith.index_cast %scan3A_58 : i32 to index
      %get3A_634 = arith.constant 560 : index
      %get3A_635 = tpu.vector_load %arg9[%get3A_633, %get3A_634] {strides = array<i32>} : memref<32x1024xf32, #tpu.memory_space<vmem>>, vector<1x16xf32>,
      %get3A_636 = vector.shape_cast %get3A_635 : vector<1x16xf32> to vector<16xf32>
      %mul3A_637 = arith.mulf %get3A_636, %get3A_68 : vector<16xf32>
      %add3A_638 = arith.addf %mul3A_632, %mul3A_637 : vector<16xf32>
      %swap3A_639 = arith.index_cast %scan3A_58 : i32 to index
      %swap3A_640 = arith.constant 560 : index
      %swap3A_641 = tpu.vector_load %arg8[%swap3A_639, %swap3A_640] {strides = array<i32>} : memref<32x1024xf32, #tpu.memory_space<vmem>>, vector<1x16xf32>,
      %swap3A_642 = vector.shape_cast %swap3A_641 : vector<1x16xf32> to vector<16xf32>
      %swap3A_643 = vector.shape_cast %add3A_638 : vector<16xf32> to vector<1x16xf32>
      tpu.vector_store %arg8[%swap3A_639, %swap3A_640], %swap3A_643 {strides = array<i32>} : memref<32x1024xf32, #tpu.memory_space<vmem>>, vector<1x16xf32>,
      %get3A_644 = arith.index_cast %scan3A_58 : i32 to index
      %get3A_645 = arith.constant 576 : index
      %get3A_646 = tpu.vector_load %arg8[%get3A_644, %get3A_645] {strides = array<i32>} : memref<32x1024xf32, #tpu.memory_space<vmem>>, vector<1x16xf32>,
      %get3A_647 = vector.shape_cast %get3A_646 : vector<1x16xf32> to vector<16xf32>
      %mul3A_648 = arith.mulf %get3A_647, %get3A_64 : vector<16xf32>
      %get3A_649 = arith.index_cast %scan3A_58 : i32 to index
      %get3A_650 = arith.constant 576 : index
      %get3A_651 = tpu.vector_load %arg9[%get3A_649, %get3A_650] {strides = array<i32>} : memref<32x1024xf32, #tpu.memory_space<vmem>>, vector<1x16xf32>,
      %get3A_652 = vector.shape_cast %get3A_651 : vector<1x16xf32> to vector<16xf32>
      %mul3A_653 = arith.mulf %get3A_652, %get3A_68 : vector<16xf32>
      %add3A_654 = arith.addf %mul3A_648, %mul3A_653 : vector<16xf32>
      %swap3A_655 = arith.index_cast %scan3A_58 : i32 to index
      %swap3A_656 = arith.constant 576 : index
      %swap3A_657 = tpu.vector_load %arg8[%swap3A_655, %swap3A_656] {strides = array<i32>} : memref<32x1024xf32, #tpu.memory_space<vmem>>, vector<1x16xf32>,
      %swap3A_658 = vector.shape_cast %swap3A_657 : vector<1x16xf32> to vector<16xf32>
      %swap3A_659 = vector.shape_cast %add3A_654 : vector<16xf32> to vector<1x16xf32>
      tpu.vector_store %arg8[%swap3A_655, %swap3A_656], %swap3A_659 {strides = array<i32>} : memref<32x1024xf32, #tpu.memory_space<vmem>>, vector<1x16xf32>,
      %get3A_660 = arith.index_cast %scan3A_58 : i32 to index
      %get3A_661 = arith.constant 592 : index
      %get3A_662 = tpu.vector_load %arg8[%get3A_660, %get3A_661] {strides = array<i32>} : memref<32x1024xf32, #tpu.memory_space<vmem>>, vector<1x16xf32>,
      %get3A_663 = vector.shape_cast %get3A_662 : vector<1x16xf32> to vector<16xf32>
      %mul3A_664 = arith.mulf %get3A_663, %get3A_64 : vector<16xf32>
      %get3A_665 = arith.index_cast %scan3A_58 : i32 to index
      %get3A_666 = arith.constant 592 : index
      %get3A_667 = tpu.vector_load %arg9[%get3A_665, %get3A_666] {strides = array<i32>} : memref<32x1024xf32, #tpu.memory_space<vmem>>, vector<1x16xf32>,
      %get3A_668 = vector.shape_cast %get3A_667 : vector<1x16xf32> to vector<16xf32>
      %mul3A_669 = arith.mulf %get3A_668, %get3A_68 : vector<16xf32>
      %add3A_670 = arith.addf %mul3A_664, %mul3A_669 : vector<16xf32>
      %swap3A_671 = arith.index_cast %scan3A_58 : i32 to index
      %swap3A_672 = arith.constant 592 : index
      %swap3A_673 = tpu.vector_load %arg8[%swap3A_671, %swap3A_672] {strides = array<i32>} : memref<32x1024xf32, #tpu.memory_space<vmem>>, vector<1x16xf32>,
      %swap3A_674 = vector.shape_cast %swap3A_673 : vector<1x16xf32> to vector<16xf32>
      %swap3A_675 = vector.shape_cast %add3A_670 : vector<16xf32> to vector<1x16xf32>
      tpu.vector_store %arg8[%swap3A_671, %swap3A_672], %swap3A_675 {strides = array<i32>} : memref<32x1024xf32, #tpu.memory_space<vmem>>, vector<1x16xf32>,
      %get3A_676 = arith.index_cast %scan3A_58 : i32 to index
      %get3A_677 = arith.constant 608 : index
      %get3A_678 = tpu.vector_load %arg8[%get3A_676, %get3A_677] {strides = array<i32>} : memref<32x1024xf32, #tpu.memory_space<vmem>>, vector<1x16xf32>,
      %get3A_679 = vector.shape_cast %get3A_678 : vector<1x16xf32> to vector<16xf32>
      %mul3A_680 = arith.mulf %get3A_679, %get3A_64 : vector<16xf32>
      %get3A_681 = arith.index_cast %scan3A_58 : i32 to index
      %get3A_682 = arith.constant 608 : index
      %get3A_683 = tpu.vector_load %arg9[%get3A_681, %get3A_682] {strides = array<i32>} : memref<32x1024xf32, #tpu.memory_space<vmem>>, vector<1x16xf32>,
      %get3A_684 = vector.shape_cast %get3A_683 : vector<1x16xf32> to vector<16xf32>
      %mul3A_685 = arith.mulf %get3A_684, %get3A_68 : vector<16xf32>
      %add3A_686 = arith.addf %mul3A_680, %mul3A_685 : vector<16xf32>
      %swap3A_687 = arith.index_cast %scan3A_58 : i32 to index
      %swap3A_688 = arith.constant 608 : index
      %swap3A_689 = tpu.vector_load %arg8[%swap3A_687, %swap3A_688] {strides = array<i32>} : memref<32x1024xf32, #tpu.memory_space<vmem>>, vector<1x16xf32>,
      %swap3A_690 = vector.shape_cast %swap3A_689 : vector<1x16xf32> to vector<16xf32>
      %swap3A_691 = vector.shape_cast %add3A_686 : vector<16xf32> to vector<1x16xf32>
      tpu.vector_store %arg8[%swap3A_687, %swap3A_688], %swap3A_691 {strides = array<i32>} : memref<32x1024xf32, #tpu.memory_space<vmem>>, vector<1x16xf32>,
      %get3A_692 = arith.index_cast %scan3A_58 : i32 to index
      %get3A_693 = arith.constant 624 : index
      %get3A_694 = tpu.vector_load %arg8[%get3A_692, %get3A_693] {strides = array<i32>} : memref<32x1024xf32, #tpu.memory_space<vmem>>, vector<1x16xf32>,
      %get3A_695 = vector.shape_cast %get3A_694 : vector<1x16xf32> to vector<16xf32>
      %mul3A_696 = arith.mulf %get3A_695, %get3A_64 : vector<16xf32>
      %get3A_697 = arith.index_cast %scan3A_58 : i32 to index
      %get3A_698 = arith.constant 624 : index
      %get3A_699 = tpu.vector_load %arg9[%get3A_697, %get3A_698] {strides = array<i32>} : memref<32x1024xf32, #tpu.memory_space<vmem>>, vector<1x16xf32>,
      %get3A_700 = vector.shape_cast %get3A_699 : vector<1x16xf32> to vector<16xf32>
      %mul3A_701 = arith.mulf %get3A_700, %get3A_68 : vector<16xf32>
      %add3A_702 = arith.addf %mul3A_696, %mul3A_701 : vector<16xf32>
      %swap3A_703 = arith.index_cast %scan3A_58 : i32 to index
      %swap3A_704 = arith.constant 624 : index
      %swap3A_705 = tpu.vector_load %arg8[%swap3A_703, %swap3A_704] {strides = array<i32>} : memref<32x1024xf32, #tpu.memory_space<vmem>>, vector<1x16xf32>,
      %swap3A_706 = vector.shape_cast %swap3A_705 : vector<1x16xf32> to vector<16xf32>
      %swap3A_707 = vector.shape_cast %add3A_702 : vector<16xf32> to vector<1x16xf32>
      tpu.vector_store %arg8[%swap3A_703, %swap3A_704], %swap3A_707 {strides = array<i32>} : memref<32x1024xf32, #tpu.memory_space<vmem>>, vector<1x16xf32>,
      %get3A_708 = arith.index_cast %scan3A_58 : i32 to index
      %get3A_709 = arith.constant 640 : index
      %get3A_710 = tpu.vector_load %arg8[%get3A_708, %get3A_709] {strides = array<i32>} : memref<32x1024xf32, #tpu.memory_space<vmem>>, vector<1x16xf32>,
      %get3A_711 = vector.shape_cast %get3A_710 : vector<1x16xf32> to vector<16xf32>
      %mul3A_712 = arith.mulf %get3A_711, %get3A_64 : vector<16xf32>
      %get3A_713 = arith.index_cast %scan3A_58 : i32 to index
      %get3A_714 = arith.constant 640 : index
      %get3A_715 = tpu.vector_load %arg9[%get3A_713, %get3A_714] {strides = array<i32>} : memref<32x1024xf32, #tpu.memory_space<vmem>>, vector<1x16xf32>,
      %get3A_716 = vector.shape_cast %get3A_715 : vector<1x16xf32> to vector<16xf32>
      %mul3A_717 = arith.mulf %get3A_716, %get3A_68 : vector<16xf32>
      %add3A_718 = arith.addf %mul3A_712, %mul3A_717 : vector<16xf32>
      %swap3A_719 = arith.index_cast %scan3A_58 : i32 to index
      %swap3A_720 = arith.constant 640 : index
      %swap3A_721 = tpu.vector_load %arg8[%swap3A_719, %swap3A_720] {strides = array<i32>} : memref<32x1024xf32, #tpu.memory_space<vmem>>, vector<1x16xf32>,
      %swap3A_722 = vector.shape_cast %swap3A_721 : vector<1x16xf32> to vector<16xf32>
      %swap3A_723 = vector.shape_cast %add3A_718 : vector<16xf32> to vector<1x16xf32>
      tpu.vector_store %arg8[%swap3A_719, %swap3A_720], %swap3A_723 {strides = array<i32>} : memref<32x1024xf32, #tpu.memory_space<vmem>>, vector<1x16xf32>,
      %get3A_724 = arith.index_cast %scan3A_58 : i32 to index
      %get3A_725 = arith.constant 656 : index
      %get3A_726 = tpu.vector_load %arg8[%get3A_724, %get3A_725] {strides = array<i32>} : memref<32x1024xf32, #tpu.memory_space<vmem>>, vector<1x16xf32>,
      %get3A_727 = vector.shape_cast %get3A_726 : vector<1x16xf32> to vector<16xf32>
      %mul3A_728 = arith.mulf %get3A_727, %get3A_64 : vector<16xf32>
      %get3A_729 = arith.index_cast %scan3A_58 : i32 to index
      %get3A_730 = arith.constant 656 : index
      %get3A_731 = tpu.vector_load %arg9[%get3A_729, %get3A_730] {strides = array<i32>} : memref<32x1024xf32, #tpu.memory_space<vmem>>, vector<1x16xf32>,
      %get3A_732 = vector.shape_cast %get3A_731 : vector<1x16xf32> to vector<16xf32>
      %mul3A_733 = arith.mulf %get3A_732, %get3A_68 : vector<16xf32>
      %add3A_734 = arith.addf %mul3A_728, %mul3A_733 : vector<16xf32>
      %swap3A_735 = arith.index_cast %scan3A_58 : i32 to index
      %swap3A_736 = arith.constant 656 : index
      %swap3A_737 = tpu.vector_load %arg8[%swap3A_735, %swap3A_736] {strides = array<i32>} : memref<32x1024xf32, #tpu.memory_space<vmem>>, vector<1x16xf32>,
      %swap3A_738 = vector.shape_cast %swap3A_737 : vector<1x16xf32> to vector<16xf32>
      %swap3A_739 = vector.shape_cast %add3A_734 : vector<16xf32> to vector<1x16xf32>
      tpu.vector_store %arg8[%swap3A_735, %swap3A_736], %swap3A_739 {strides = array<i32>} : memref<32x1024xf32, #tpu.memory_space<vmem>>, vector<1x16xf32>,
      %get3A_740 = arith.index_cast %scan3A_58 : i32 to index
      %get3A_741 = arith.constant 672 : index
      %get3A_742 = tpu.vector_load %arg8[%get3A_740, %get3A_741] {strides = array<i32>} : memref<32x1024xf32, #tpu.memory_space<vmem>>, vector<1x16xf32>,
      %get3A_743 = vector.shape_cast %get3A_742 : vector<1x16xf32> to vector<16xf32>
      %mul3A_744 = arith.mulf %get3A_743, %get3A_64 : vector<16xf32>
      %get3A_745 = arith.index_cast %scan3A_58 : i32 to index
      %get3A_746 = arith.constant 672 : index
      %get3A_747 = tpu.vector_load %arg9[%get3A_745, %get3A_746] {strides = array<i32>} : memref<32x1024xf32, #tpu.memory_space<vmem>>, vector<1x16xf32>,
      %get3A_748 = vector.shape_cast %get3A_747 : vector<1x16xf32> to vector<16xf32>
      %mul3A_749 = arith.mulf %get3A_748, %get3A_68 : vector<16xf32>
      %add3A_750 = arith.addf %mul3A_744, %mul3A_749 : vector<16xf32>
      %swap3A_751 = arith.index_cast %scan3A_58 : i32 to index
      %swap3A_752 = arith.constant 672 : index
      %swap3A_753 = tpu.vector_load %arg8[%swap3A_751, %swap3A_752] {strides = array<i32>} : memref<32x1024xf32, #tpu.memory_space<vmem>>, vector<1x16xf32>,
      %swap3A_754 = vector.shape_cast %swap3A_753 : vector<1x16xf32> to vector<16xf32>
      %swap3A_755 = vector.shape_cast %add3A_750 : vector<16xf32> to vector<1x16xf32>
      tpu.vector_store %arg8[%swap3A_751, %swap3A_752], %swap3A_755 {strides = array<i32>} : memref<32x1024xf32, #tpu.memory_space<vmem>>, vector<1x16xf32>,
      %get3A_756 = arith.index_cast %scan3A_58 : i32 to index
      %get3A_757 = arith.constant 688 : index
      %get3A_758 = tpu.vector_load %arg8[%get3A_756, %get3A_757] {strides = array<i32>} : memref<32x1024xf32, #tpu.memory_space<vmem>>, vector<1x16xf32>,
      %get3A_759 = vector.shape_cast %get3A_758 : vector<1x16xf32> to vector<16xf32>
      %mul3A_760 = arith.mulf %get3A_759, %get3A_64 : vector<16xf32>
      %get3A_761 = arith.index_cast %scan3A_58 : i32 to index
      %get3A_762 = arith.constant 688 : index
      %get3A_763 = tpu.vector_load %arg9[%get3A_761, %get3A_762] {strides = array<i32>} : memref<32x1024xf32, #tpu.memory_space<vmem>>, vector<1x16xf32>,
      %get3A_764 = vector.shape_cast %get3A_763 : vector<1x16xf32> to vector<16xf32>
      %mul3A_765 = arith.mulf %get3A_764, %get3A_68 : vector<16xf32>
      %add3A_766 = arith.addf %mul3A_760, %mul3A_765 : vector<16xf32>
      %swap3A_767 = arith.index_cast %scan3A_58 : i32 to index
      %swap3A_768 = arith.constant 688 : index
      %swap3A_769 = tpu.vector_load %arg8[%swap3A_767, %swap3A_768] {strides = array<i32>} : memref<32x1024xf32, #tpu.memory_space<vmem>>, vector<1x16xf32>,
      %swap3A_770 = vector.shape_cast %swap3A_769 : vector<1x16xf32> to vector<16xf32>
      %swap3A_771 = vector.shape_cast %add3A_766 : vector<16xf32> to vector<1x16xf32>
      tpu.vector_store %arg8[%swap3A_767, %swap3A_768], %swap3A_771 {strides = array<i32>} : memref<32x1024xf32, #tpu.memory_space<vmem>>, vector<1x16xf32>,
      %get3A_772 = arith.index_cast %scan3A_58 : i32 to index
      %get3A_773 = arith.constant 704 : index
      %get3A_774 = tpu.vector_load %arg8[%get3A_772, %get3A_773] {strides = array<i32>} : memref<32x1024xf32, #tpu.memory_space<vmem>>, vector<1x16xf32>,
      %get3A_775 = vector.shape_cast %get3A_774 : vector<1x16xf32> to vector<16xf32>
      %mul3A_776 = arith.mulf %get3A_775, %get3A_64 : vector<16xf32>
      %get3A_777 = arith.index_cast %scan3A_58 : i32 to index
      %get3A_778 = arith.constant 704 : index
      %get3A_779 = tpu.vector_load %arg9[%get3A_777, %get3A_778] {strides = array<i32>} : memref<32x1024xf32, #tpu.memory_space<vmem>>, vector<1x16xf32>,
      %get3A_780 = vector.shape_cast %get3A_779 : vector<1x16xf32> to vector<16xf32>
      %mul3A_781 = arith.mulf %get3A_780, %get3A_68 : vector<16xf32>
      %add3A_782 = arith.addf %mul3A_776, %mul3A_781 : vector<16xf32>
      %swap3A_783 = arith.index_cast %scan3A_58 : i32 to index
      %swap3A_784 = arith.constant 704 : index
      %swap3A_785 = tpu.vector_load %arg8[%swap3A_783, %swap3A_784] {strides = array<i32>} : memref<32x1024xf32, #tpu.memory_space<vmem>>, vector<1x16xf32>,
      %swap3A_786 = vector.shape_cast %swap3A_785 : vector<1x16xf32> to vector<16xf32>
      %swap3A_787 = vector.shape_cast %add3A_782 : vector<16xf32> to vector<1x16xf32>
      tpu.vector_store %arg8[%swap3A_783, %swap3A_784], %swap3A_787 {strides = array<i32>} : memref<32x1024xf32, #tpu.memory_space<vmem>>, vector<1x16xf32>,
      %get3A_788 = arith.index_cast %scan3A_58 : i32 to index
      %get3A_789 = arith.constant 720 : index
      %get3A_790 = tpu.vector_load %arg8[%get3A_788, %get3A_789] {strides = array<i32>} : memref<32x1024xf32, #tpu.memory_space<vmem>>, vector<1x16xf32>,
      %get3A_791 = vector.shape_cast %get3A_790 : vector<1x16xf32> to vector<16xf32>
      %mul3A_792 = arith.mulf %get3A_791, %get3A_64 : vector<16xf32>
      %get3A_793 = arith.index_cast %scan3A_58 : i32 to index
      %get3A_794 = arith.constant 720 : index
      %get3A_795 = tpu.vector_load %arg9[%get3A_793, %get3A_794] {strides = array<i32>} : memref<32x1024xf32, #tpu.memory_space<vmem>>, vector<1x16xf32>,
      %get3A_796 = vector.shape_cast %get3A_795 : vector<1x16xf32> to vector<16xf32>
      %mul3A_797 = arith.mulf %get3A_796, %get3A_68 : vector<16xf32>
      %add3A_798 = arith.addf %mul3A_792, %mul3A_797 : vector<16xf32>
      %swap3A_799 = arith.index_cast %scan3A_58 : i32 to index
      %swap3A_800 = arith.constant 720 : index
      %swap3A_801 = tpu.vector_load %arg8[%swap3A_799, %swap3A_800] {strides = array<i32>} : memref<32x1024xf32, #tpu.memory_space<vmem>>, vector<1x16xf32>,
      %swap3A_802 = vector.shape_cast %swap3A_801 : vector<1x16xf32> to vector<16xf32>
      %swap3A_803 = vector.shape_cast %add3A_798 : vector<16xf32> to vector<1x16xf32>
      tpu.vector_store %arg8[%swap3A_799, %swap3A_800], %swap3A_803 {strides = array<i32>} : memref<32x1024xf32, #tpu.memory_space<vmem>>, vector<1x16xf32>,
      %get3A_804 = arith.index_cast %scan3A_58 : i32 to index
      %get3A_805 = arith.constant 736 : index
      %get3A_806 = tpu.vector_load %arg8[%get3A_804, %get3A_805] {strides = array<i32>} : memref<32x1024xf32, #tpu.memory_space<vmem>>, vector<1x16xf32>,
      %get3A_807 = vector.shape_cast %get3A_806 : vector<1x16xf32> to vector<16xf32>
      %mul3A_808 = arith.mulf %get3A_807, %get3A_64 : vector<16xf32>
      %get3A_809 = arith.index_cast %scan3A_58 : i32 to index
      %get3A_810 = arith.constant 736 : index
      %get3A_811 = tpu.vector_load %arg9[%get3A_809, %get3A_810] {strides = array<i32>} : memref<32x1024xf32, #tpu.memory_space<vmem>>, vector<1x16xf32>,
      %get3A_812 = vector.shape_cast %get3A_811 : vector<1x16xf32> to vector<16xf32>
      %mul3A_813 = arith.mulf %get3A_812, %get3A_68 : vector<16xf32>
      %add3A_814 = arith.addf %mul3A_808, %mul3A_813 : vector<16xf32>
      %swap3A_815 = arith.index_cast %scan3A_58 : i32 to index
      %swap3A_816 = arith.constant 736 : index
      %swap3A_817 = tpu.vector_load %arg8[%swap3A_815, %swap3A_816] {strides = array<i32>} : memref<32x1024xf32, #tpu.memory_space<vmem>>, vector<1x16xf32>,
      %swap3A_818 = vector.shape_cast %swap3A_817 : vector<1x16xf32> to vector<16xf32>
      %swap3A_819 = vector.shape_cast %add3A_814 : vector<16xf32> to vector<1x16xf32>
      tpu.vector_store %arg8[%swap3A_815, %swap3A_816], %swap3A_819 {strides = array<i32>} : memref<32x1024xf32, #tpu.memory_space<vmem>>, vector<1x16xf32>,
      %get3A_820 = arith.index_cast %scan3A_58 : i32 to index
      %get3A_821 = arith.constant 752 : index
      %get3A_822 = tpu.vector_load %arg8[%get3A_820, %get3A_821] {strides = array<i32>} : memref<32x1024xf32, #tpu.memory_space<vmem>>, vector<1x16xf32>,
      %get3A_823 = vector.shape_cast %get3A_822 : vector<1x16xf32> to vector<16xf32>
      %mul3A_824 = arith.mulf %get3A_823, %get3A_64 : vector<16xf32>
      %get3A_825 = arith.index_cast %scan3A_58 : i32 to index
      %get3A_826 = arith.constant 752 : index
      %get3A_827 = tpu.vector_load %arg9[%get3A_825, %get3A_826] {strides = array<i32>} : memref<32x1024xf32, #tpu.memory_space<vmem>>, vector<1x16xf32>,
      %get3A_828 = vector.shape_cast %get3A_827 : vector<1x16xf32> to vector<16xf32>
      %mul3A_829 = arith.mulf %get3A_828, %get3A_68 : vector<16xf32>
      %add3A_830 = arith.addf %mul3A_824, %mul3A_829 : vector<16xf32>
      %swap3A_831 = arith.index_cast %scan3A_58 : i32 to index
      %swap3A_832 = arith.constant 752 : index
      %swap3A_833 = tpu.vector_load %arg8[%swap3A_831, %swap3A_832] {strides = array<i32>} : memref<32x1024xf32, #tpu.memory_space<vmem>>, vector<1x16xf32>,
      %swap3A_834 = vector.shape_cast %swap3A_833 : vector<1x16xf32> to vector<16xf32>
      %swap3A_835 = vector.shape_cast %add3A_830 : vector<16xf32> to vector<1x16xf32>
      tpu.vector_store %arg8[%swap3A_831, %swap3A_832], %swap3A_835 {strides = array<i32>} : memref<32x1024xf32, #tpu.memory_space<vmem>>, vector<1x16xf32>,
      %get3A_836 = arith.index_cast %scan3A_58 : i32 to index
      %get3A_837 = arith.constant 768 : index
      %get3A_838 = tpu.vector_load %arg8[%get3A_836, %get3A_837] {strides = array<i32>} : memref<32x1024xf32, #tpu.memory_space<vmem>>, vector<1x16xf32>,
      %get3A_839 = vector.shape_cast %get3A_838 : vector<1x16xf32> to vector<16xf32>
      %mul3A_840 = arith.mulf %get3A_839, %get3A_64 : vector<16xf32>
      %get3A_841 = arith.index_cast %scan3A_58 : i32 to index
      %get3A_842 = arith.constant 768 : index
      %get3A_843 = tpu.vector_load %arg9[%get3A_841, %get3A_842] {strides = array<i32>} : memref<32x1024xf32, #tpu.memory_space<vmem>>, vector<1x16xf32>,
      %get3A_844 = vector.shape_cast %get3A_843 : vector<1x16xf32> to vector<16xf32>
      %mul3A_845 = arith.mulf %get3A_844, %get3A_68 : vector<16xf32>
      %add3A_846 = arith.addf %mul3A_840, %mul3A_845 : vector<16xf32>
      %swap3A_847 = arith.index_cast %scan3A_58 : i32 to index
      %swap3A_848 = arith.constant 768 : index
      %swap3A_849 = tpu.vector_load %arg8[%swap3A_847, %swap3A_848] {strides = array<i32>} : memref<32x1024xf32, #tpu.memory_space<vmem>>, vector<1x16xf32>,
      %swap3A_850 = vector.shape_cast %swap3A_849 : vector<1x16xf32> to vector<16xf32>
      %swap3A_851 = vector.shape_cast %add3A_846 : vector<16xf32> to vector<1x16xf32>
      tpu.vector_store %arg8[%swap3A_847, %swap3A_848], %swap3A_851 {strides = array<i32>} : memref<32x1024xf32, #tpu.memory_space<vmem>>, vector<1x16xf32>,
      %get3A_852 = arith.index_cast %scan3A_58 : i32 to index
      %get3A_853 = arith.constant 784 : index
      %get3A_854 = tpu.vector_load %arg8[%get3A_852, %get3A_853] {strides = array<i32>} : memref<32x1024xf32, #tpu.memory_space<vmem>>, vector<1x16xf32>,
      %get3A_855 = vector.shape_cast %get3A_854 : vector<1x16xf32> to vector<16xf32>
      %mul3A_856 = arith.mulf %get3A_855, %get3A_64 : vector<16xf32>
      %get3A_857 = arith.index_cast %scan3A_58 : i32 to index
      %get3A_858 = arith.constant 784 : index
      %get3A_859 = tpu.vector_load %arg9[%get3A_857, %get3A_858] {strides = array<i32>} : memref<32x1024xf32, #tpu.memory_space<vmem>>, vector<1x16xf32>,
      %get3A_860 = vector.shape_cast %get3A_859 : vector<1x16xf32> to vector<16xf32>
      %mul3A_861 = arith.mulf %get3A_860, %get3A_68 : vector<16xf32>
      %add3A_862 = arith.addf %mul3A_856, %mul3A_861 : vector<16xf32>
      %swap3A_863 = arith.index_cast %scan3A_58 : i32 to index
      %swap3A_864 = arith.constant 784 : index
      %swap3A_865 = tpu.vector_load %arg8[%swap3A_863, %swap3A_864] {strides = array<i32>} : memref<32x1024xf32, #tpu.memory_space<vmem>>, vector<1x16xf32>,
      %swap3A_866 = vector.shape_cast %swap3A_865 : vector<1x16xf32> to vector<16xf32>
      %swap3A_867 = vector.shape_cast %add3A_862 : vector<16xf32> to vector<1x16xf32>
      tpu.vector_store %arg8[%swap3A_863, %swap3A_864], %swap3A_867 {strides = array<i32>} : memref<32x1024xf32, #tpu.memory_space<vmem>>, vector<1x16xf32>,
      %get3A_868 = arith.index_cast %scan3A_58 : i32 to index
      %get3A_869 = arith.constant 800 : index
      %get3A_870 = tpu.vector_load %arg8[%get3A_868, %get3A_869] {strides = array<i32>} : memref<32x1024xf32, #tpu.memory_space<vmem>>, vector<1x16xf32>,
      %get3A_871 = vector.shape_cast %get3A_870 : vector<1x16xf32> to vector<16xf32>
      %mul3A_872 = arith.mulf %get3A_871, %get3A_64 : vector<16xf32>
      %get3A_873 = arith.index_cast %scan3A_58 : i32 to index
      %get3A_874 = arith.constant 800 : index
      %get3A_875 = tpu.vector_load %arg9[%get3A_873, %get3A_874] {strides = array<i32>} : memref<32x1024xf32, #tpu.memory_space<vmem>>, vector<1x16xf32>,
      %get3A_876 = vector.shape_cast %get3A_875 : vector<1x16xf32> to vector<16xf32>
      %mul3A_877 = arith.mulf %get3A_876, %get3A_68 : vector<16xf32>
      %add3A_878 = arith.addf %mul3A_872, %mul3A_877 : vector<16xf32>
      %swap3A_879 = arith.index_cast %scan3A_58 : i32 to index
      %swap3A_880 = arith.constant 800 : index
      %swap3A_881 = tpu.vector_load %arg8[%swap3A_879, %swap3A_880] {strides = array<i32>} : memref<32x1024xf32, #tpu.memory_space<vmem>>, vector<1x16xf32>,
      %swap3A_882 = vector.shape_cast %swap3A_881 : vector<1x16xf32> to vector<16xf32>
      %swap3A_883 = vector.shape_cast %add3A_878 : vector<16xf32> to vector<1x16xf32>
      tpu.vector_store %arg8[%swap3A_879, %swap3A_880], %swap3A_883 {strides = array<i32>} : memref<32x1024xf32, #tpu.memory_space<vmem>>, vector<1x16xf32>,
      %get3A_884 = arith.index_cast %scan3A_58 : i32 to index
      %get3A_885 = arith.constant 816 : index
      %get3A_886 = tpu.vector_load %arg8[%get3A_884, %get3A_885] {strides = array<i32>} : memref<32x1024xf32, #tpu.memory_space<vmem>>, vector<1x16xf32>,
      %get3A_887 = vector.shape_cast %get3A_886 : vector<1x16xf32> to vector<16xf32>
      %mul3A_888 = arith.mulf %get3A_887, %get3A_64 : vector<16xf32>
      %get3A_889 = arith.index_cast %scan3A_58 : i32 to index
      %get3A_890 = arith.constant 816 : index
      %get3A_891 = tpu.vector_load %arg9[%get3A_889, %get3A_890] {strides = array<i32>} : memref<32x1024xf32, #tpu.memory_space<vmem>>, vector<1x16xf32>,
      %get3A_892 = vector.shape_cast %get3A_891 : vector<1x16xf32> to vector<16xf32>
      %mul3A_893 = arith.mulf %get3A_892, %get3A_68 : vector<16xf32>
      %add3A_894 = arith.addf %mul3A_888, %mul3A_893 : vector<16xf32>
      %swap3A_895 = arith.index_cast %scan3A_58 : i32 to index
      %swap3A_896 = arith.constant 816 : index
      %swap3A_897 = tpu.vector_load %arg8[%swap3A_895, %swap3A_896] {strides = array<i32>} : memref<32x1024xf32, #tpu.memory_space<vmem>>, vector<1x16xf32>,
      %swap3A_898 = vector.shape_cast %swap3A_897 : vector<1x16xf32> to vector<16xf32>
      %swap3A_899 = vector.shape_cast %add3A_894 : vector<16xf32> to vector<1x16xf32>
      tpu.vector_store %arg8[%swap3A_895, %swap3A_896], %swap3A_899 {strides = array<i32>} : memref<32x1024xf32, #tpu.memory_space<vmem>>, vector<1x16xf32>,
      %get3A_900 = arith.index_cast %scan3A_58 : i32 to index
      %get3A_901 = arith.constant 832 : index
      %get3A_902 = tpu.vector_load %arg8[%get3A_900, %get3A_901] {strides = array<i32>} : memref<32x1024xf32, #tpu.memory_space<vmem>>, vector<1x16xf32>,
      %get3A_903 = vector.shape_cast %get3A_902 : vector<1x16xf32> to vector<16xf32>
      %mul3A_904 = arith.mulf %get3A_903, %get3A_64 : vector<16xf32>
      %get3A_905 = arith.index_cast %scan3A_58 : i32 to index
      %get3A_906 = arith.constant 832 : index
      %get3A_907 = tpu.vector_load %arg9[%get3A_905, %get3A_906] {strides = array<i32>} : memref<32x1024xf32, #tpu.memory_space<vmem>>, vector<1x16xf32>,
      %get3A_908 = vector.shape_cast %get3A_907 : vector<1x16xf32> to vector<16xf32>
      %mul3A_909 = arith.mulf %get3A_908, %get3A_68 : vector<16xf32>
      %add3A_910 = arith.addf %mul3A_904, %mul3A_909 : vector<16xf32>
      %swap3A_911 = arith.index_cast %scan3A_58 : i32 to index
      %swap3A_912 = arith.constant 832 : index
      %swap3A_913 = tpu.vector_load %arg8[%swap3A_911, %swap3A_912] {strides = array<i32>} : memref<32x1024xf32, #tpu.memory_space<vmem>>, vector<1x16xf32>,
      %swap3A_914 = vector.shape_cast %swap3A_913 : vector<1x16xf32> to vector<16xf32>
      %swap3A_915 = vector.shape_cast %add3A_910 : vector<16xf32> to vector<1x16xf32>
      tpu.vector_store %arg8[%swap3A_911, %swap3A_912], %swap3A_915 {strides = array<i32>} : memref<32x1024xf32, #tpu.memory_space<vmem>>, vector<1x16xf32>,
      %get3A_916 = arith.index_cast %scan3A_58 : i32 to index
      %get3A_917 = arith.constant 848 : index
      %get3A_918 = tpu.vector_load %arg8[%get3A_916, %get3A_917] {strides = array<i32>} : memref<32x1024xf32, #tpu.memory_space<vmem>>, vector<1x16xf32>,
      %get3A_919 = vector.shape_cast %get3A_918 : vector<1x16xf32> to vector<16xf32>
      %mul3A_920 = arith.mulf %get3A_919, %get3A_64 : vector<16xf32>
      %get3A_921 = arith.index_cast %scan3A_58 : i32 to index
      %get3A_922 = arith.constant 848 : index
      %get3A_923 = tpu.vector_load %arg9[%get3A_921, %get3A_922] {strides = array<i32>} : memref<32x1024xf32, #tpu.memory_space<vmem>>, vector<1x16xf32>,
      %get3A_924 = vector.shape_cast %get3A_923 : vector<1x16xf32> to vector<16xf32>
      %mul3A_925 = arith.mulf %get3A_924, %get3A_68 : vector<16xf32>
      %add3A_926 = arith.addf %mul3A_920, %mul3A_925 : vector<16xf32>
      %swap3A_927 = arith.index_cast %scan3A_58 : i32 to index
      %swap3A_928 = arith.constant 848 : index
      %swap3A_929 = tpu.vector_load %arg8[%swap3A_927, %swap3A_928] {strides = array<i32>} : memref<32x1024xf32, #tpu.memory_space<vmem>>, vector<1x16xf32>,
      %swap3A_930 = vector.shape_cast %swap3A_929 : vector<1x16xf32> to vector<16xf32>
      %swap3A_931 = vector.shape_cast %add3A_926 : vector<16xf32> to vector<1x16xf32>
      tpu.vector_store %arg8[%swap3A_927, %swap3A_928], %swap3A_931 {strides = array<i32>} : memref<32x1024xf32, #tpu.memory_space<vmem>>, vector<1x16xf32>,
      %get3A_932 = arith.index_cast %scan3A_58 : i32 to index
      %get3A_933 = arith.constant 864 : index
      %get3A_934 = tpu.vector_load %arg8[%get3A_932, %get3A_933] {strides = array<i32>} : memref<32x1024xf32, #tpu.memory_space<vmem>>, vector<1x16xf32>,
      %get3A_935 = vector.shape_cast %get3A_934 : vector<1x16xf32> to vector<16xf32>
      %mul3A_936 = arith.mulf %get3A_935, %get3A_64 : vector<16xf32>
      %get3A_937 = arith.index_cast %scan3A_58 : i32 to index
      %get3A_938 = arith.constant 864 : index
      %get3A_939 = tpu.vector_load %arg9[%get3A_937, %get3A_938] {strides = array<i32>} : memref<32x1024xf32, #tpu.memory_space<vmem>>, vector<1x16xf32>,
      %get3A_940 = vector.shape_cast %get3A_939 : vector<1x16xf32> to vector<16xf32>
      %mul3A_941 = arith.mulf %get3A_940, %get3A_68 : vector<16xf32>
      %add3A_942 = arith.addf %mul3A_936, %mul3A_941 : vector<16xf32>
      %swap3A_943 = arith.index_cast %scan3A_58 : i32 to index
      %swap3A_944 = arith.constant 864 : index
      %swap3A_945 = tpu.vector_load %arg8[%swap3A_943, %swap3A_944] {strides = array<i32>} : memref<32x1024xf32, #tpu.memory_space<vmem>>, vector<1x16xf32>,
      %swap3A_946 = vector.shape_cast %swap3A_945 : vector<1x16xf32> to vector<16xf32>
      %swap3A_947 = vector.shape_cast %add3A_942 : vector<16xf32> to vector<1x16xf32>
      tpu.vector_store %arg8[%swap3A_943, %swap3A_944], %swap3A_947 {strides = array<i32>} : memref<32x1024xf32, #tpu.memory_space<vmem>>, vector<1x16xf32>,
      %get3A_948 = arith.index_cast %scan3A_58 : i32 to index
      %get3A_949 = arith.constant 880 : index
      %get3A_950 = tpu.vector_load %arg8[%get3A_948, %get3A_949] {strides = array<i32>} : memref<32x1024xf32, #tpu.memory_space<vmem>>, vector<1x16xf32>,
      %get3A_951 = vector.shape_cast %get3A_950 : vector<1x16xf32> to vector<16xf32>
      %mul3A_952 = arith.mulf %get3A_951, %get3A_64 : vector<16xf32>
      %get3A_953 = arith.index_cast %scan3A_58 : i32 to index
      %get3A_954 = arith.constant 880 : index
      %get3A_955 = tpu.vector_load %arg9[%get3A_953, %get3A_954] {strides = array<i32>} : memref<32x1024xf32, #tpu.memory_space<vmem>>, vector<1x16xf32>,
      %get3A_956 = vector.shape_cast %get3A_955 : vector<1x16xf32> to vector<16xf32>
      %mul3A_957 = arith.mulf %get3A_956, %get3A_68 : vector<16xf32>
      %add3A_958 = arith.addf %mul3A_952, %mul3A_957 : vector<16xf32>
      %swap3A_959 = arith.index_cast %scan3A_58 : i32 to index
      %swap3A_960 = arith.constant 880 : index
      %swap3A_961 = tpu.vector_load %arg8[%swap3A_959, %swap3A_960] {strides = array<i32>} : memref<32x1024xf32, #tpu.memory_space<vmem>>, vector<1x16xf32>,
      %swap3A_962 = vector.shape_cast %swap3A_961 : vector<1x16xf32> to vector<16xf32>
      %swap3A_963 = vector.shape_cast %add3A_958 : vector<16xf32> to vector<1x16xf32>
      tpu.vector_store %arg8[%swap3A_959, %swap3A_960], %swap3A_963 {strides = array<i32>} : memref<32x1024xf32, #tpu.memory_space<vmem>>, vector<1x16xf32>,
      %get3A_964 = arith.index_cast %scan3A_58 : i32 to index
      %get3A_965 = arith.constant 896 : index
      %get3A_966 = tpu.vector_load %arg8[%get3A_964, %get3A_965] {strides = array<i32>} : memref<32x1024xf32, #tpu.memory_space<vmem>>, vector<1x16xf32>,
      %get3A_967 = vector.shape_cast %get3A_966 : vector<1x16xf32> to vector<16xf32>
      %mul3A_968 = arith.mulf %get3A_967, %get3A_64 : vector<16xf32>
      %get3A_969 = arith.index_cast %scan3A_58 : i32 to index
      %get3A_970 = arith.constant 896 : index
      %get3A_971 = tpu.vector_load %arg9[%get3A_969, %get3A_970] {strides = array<i32>} : memref<32x1024xf32, #tpu.memory_space<vmem>>, vector<1x16xf32>,
      %get3A_972 = vector.shape_cast %get3A_971 : vector<1x16xf32> to vector<16xf32>
      %mul3A_973 = arith.mulf %get3A_972, %get3A_68 : vector<16xf32>
      %add3A_974 = arith.addf %mul3A_968, %mul3A_973 : vector<16xf32>
      %swap3A_975 = arith.index_cast %scan3A_58 : i32 to index
      %swap3A_976 = arith.constant 896 : index
      %swap3A_977 = tpu.vector_load %arg8[%swap3A_975, %swap3A_976] {strides = array<i32>} : memref<32x1024xf32, #tpu.memory_space<vmem>>, vector<1x16xf32>,
      %swap3A_978 = vector.shape_cast %swap3A_977 : vector<1x16xf32> to vector<16xf32>
      %swap3A_979 = vector.shape_cast %add3A_974 : vector<16xf32> to vector<1x16xf32>
      tpu.vector_store %arg8[%swap3A_975, %swap3A_976], %swap3A_979 {strides = array<i32>} : memref<32x1024xf32, #tpu.memory_space<vmem>>, vector<1x16xf32>,
      %get3A_980 = arith.index_cast %scan3A_58 : i32 to index
      %get3A_981 = arith.constant 912 : index
      %get3A_982 = tpu.vector_load %arg8[%get3A_980, %get3A_981] {strides = array<i32>} : memref<32x1024xf32, #tpu.memory_space<vmem>>, vector<1x16xf32>,
      %get3A_983 = vector.shape_cast %get3A_982 : vector<1x16xf32> to vector<16xf32>
      %mul3A_984 = arith.mulf %get3A_983, %get3A_64 : vector<16xf32>
      %get3A_985 = arith.index_cast %scan3A_58 : i32 to index
      %get3A_986 = arith.constant 912 : index
      %get3A_987 = tpu.vector_load %arg9[%get3A_985, %get3A_986] {strides = array<i32>} : memref<32x1024xf32, #tpu.memory_space<vmem>>, vector<1x16xf32>,
      %get3A_988 = vector.shape_cast %get3A_987 : vector<1x16xf32> to vector<16xf32>
      %mul3A_989 = arith.mulf %get3A_988, %get3A_68 : vector<16xf32>
      %add3A_990 = arith.addf %mul3A_984, %mul3A_989 : vector<16xf32>
      %swap3A_991 = arith.index_cast %scan3A_58 : i32 to index
      %swap3A_992 = arith.constant 912 : index
      %swap3A_993 = tpu.vector_load %arg8[%swap3A_991, %swap3A_992] {strides = array<i32>} : memref<32x1024xf32, #tpu.memory_space<vmem>>, vector<1x16xf32>,
      %swap3A_994 = vector.shape_cast %swap3A_993 : vector<1x16xf32> to vector<16xf32>
      %swap3A_995 = vector.shape_cast %add3A_990 : vector<16xf32> to vector<1x16xf32>
      tpu.vector_store %arg8[%swap3A_991, %swap3A_992], %swap3A_995 {strides = array<i32>} : memref<32x1024xf32, #tpu.memory_space<vmem>>, vector<1x16xf32>,
      %get3A_996 = arith.index_cast %scan3A_58 : i32 to index
      %get3A_997 = arith.constant 928 : index
      %get3A_998 = tpu.vector_load %arg8[%get3A_996, %get3A_997] {strides = array<i32>} : memref<32x1024xf32, #tpu.memory_space<vmem>>, vector<1x16xf32>,
      %get3A_999 = vector.shape_cast %get3A_998 : vector<1x16xf32> to vector<16xf32>
      %mul3A_1000 = arith.mulf %get3A_999, %get3A_64 : vector<16xf32>
      %get3A_1001 = arith.index_cast %scan3A_58 : i32 to index
      %get3A_1002 = arith.constant 928 : index
      %get3A_1003 = tpu.vector_load %arg9[%get3A_1001, %get3A_1002] {strides = array<i32>} : memref<32x1024xf32, #tpu.memory_space<vmem>>, vector<1x16xf32>,
      %get3A_1004 = vector.shape_cast %get3A_1003 : vector<1x16xf32> to vector<16xf32>
      %mul3A_1005 = arith.mulf %get3A_1004, %get3A_68 : vector<16xf32>
      %add3A_1006 = arith.addf %mul3A_1000, %mul3A_1005 : vector<16xf32>
      %swap3A_1007 = arith.index_cast %scan3A_58 : i32 to index
      %swap3A_1008 = arith.constant 928 : index
      %swap3A_1009 = tpu.vector_load %arg8[%swap3A_1007, %swap3A_1008] {strides = array<i32>} : memref<32x1024xf32, #tpu.memory_space<vmem>>, vector<1x16xf32>,
      %swap3A_1010 = vector.shape_cast %swap3A_1009 : vector<1x16xf32> to vector<16xf32>
      %swap3A_1011 = vector.shape_cast %add3A_1006 : vector<16xf32> to vector<1x16xf32>
      tpu.vector_store %arg8[%swap3A_1007, %swap3A_1008], %swap3A_1011 {strides = array<i32>} : memref<32x1024xf32, #tpu.memory_space<vmem>>, vector<1x16xf32>,
      %get3A_1012 = arith.index_cast %scan3A_58 : i32 to index
      %get3A_1013 = arith.constant 944 : index
      %get3A_1014 = tpu.vector_load %arg8[%get3A_1012, %get3A_1013] {strides = array<i32>} : memref<32x1024xf32, #tpu.memory_space<vmem>>, vector<1x16xf32>,
      %get3A_1015 = vector.shape_cast %get3A_1014 : vector<1x16xf32> to vector<16xf32>
      %mul3A_1016 = arith.mulf %get3A_1015, %get3A_64 : vector<16xf32>
      %get3A_1017 = arith.index_cast %scan3A_58 : i32 to index
      %get3A_1018 = arith.constant 944 : index
      %get3A_1019 = tpu.vector_load %arg9[%get3A_1017, %get3A_1018] {strides = array<i32>} : memref<32x1024xf32, #tpu.memory_space<vmem>>, vector<1x16xf32>,
      %get3A_1020 = vector.shape_cast %get3A_1019 : vector<1x16xf32> to vector<16xf32>
      %mul3A_1021 = arith.mulf %get3A_1020, %get3A_68 : vector<16xf32>
      %add3A_1022 = arith.addf %mul3A_1016, %mul3A_1021 : vector<16xf32>
      %swap3A_1023 = arith.index_cast %scan3A_58 : i32 to index
      %swap3A_1024 = arith.constant 944 : index
      %swap3A_1025 = tpu.vector_load %arg8[%swap3A_1023, %swap3A_1024] {strides = array<i32>} : memref<32x1024xf32, #tpu.memory_space<vmem>>, vector<1x16xf32>,
      %swap3A_1026 = vector.shape_cast %swap3A_1025 : vector<1x16xf32> to vector<16xf32>
      %swap3A_1027 = vector.shape_cast %add3A_1022 : vector<16xf32> to vector<1x16xf32>
      tpu.vector_store %arg8[%swap3A_1023, %swap3A_1024], %swap3A_1027 {strides = array<i32>} : memref<32x1024xf32, #tpu.memory_space<vmem>>, vector<1x16xf32>,
      %get3A_1028 = arith.index_cast %scan3A_58 : i32 to index
      %get3A_1029 = arith.constant 960 : index
      %get3A_1030 = tpu.vector_load %arg8[%get3A_1028, %get3A_1029] {strides = array<i32>} : memref<32x1024xf32, #tpu.memory_space<vmem>>, vector<1x16xf32>,
      %get3A_1031 = vector.shape_cast %get3A_1030 : vector<1x16xf32> to vector<16xf32>
      %mul3A_1032 = arith.mulf %get3A_1031, %get3A_64 : vector<16xf32>
      %get3A_1033 = arith.index_cast %scan3A_58 : i32 to index
      %get3A_1034 = arith.constant 960 : index
      %get3A_1035 = tpu.vector_load %arg9[%get3A_1033, %get3A_1034] {strides = array<i32>} : memref<32x1024xf32, #tpu.memory_space<vmem>>, vector<1x16xf32>,
      %get3A_1036 = vector.shape_cast %get3A_1035 : vector<1x16xf32> to vector<16xf32>
      %mul3A_1037 = arith.mulf %get3A_1036, %get3A_68 : vector<16xf32>
      %add3A_1038 = arith.addf %mul3A_1032, %mul3A_1037 : vector<16xf32>
      %swap3A_1039 = arith.index_cast %scan3A_58 : i32 to index
      %swap3A_1040 = arith.constant 960 : index
      %swap3A_1041 = tpu.vector_load %arg8[%swap3A_1039, %swap3A_1040] {strides = array<i32>} : memref<32x1024xf32, #tpu.memory_space<vmem>>, vector<1x16xf32>,
      %swap3A_1042 = vector.shape_cast %swap3A_1041 : vector<1x16xf32> to vector<16xf32>
      %swap3A_1043 = vector.shape_cast %add3A_1038 : vector<16xf32> to vector<1x16xf32>
      tpu.vector_store %arg8[%swap3A_1039, %swap3A_1040], %swap3A_1043 {strides = array<i32>} : memref<32x1024xf32, #tpu.memory_space<vmem>>, vector<1x16xf32>,
      %get3A_1044 = arith.index_cast %scan3A_58 : i32 to index
      %get3A_1045 = arith.constant 976 : index
      %get3A_1046 = tpu.vector_load %arg8[%get3A_1044, %get3A_1045] {strides = array<i32>} : memref<32x1024xf32, #tpu.memory_space<vmem>>, vector<1x16xf32>,
      %get3A_1047 = vector.shape_cast %get3A_1046 : vector<1x16xf32> to vector<16xf32>
      %mul3A_1048 = arith.mulf %get3A_1047, %get3A_64 : vector<16xf32>
      %get3A_1049 = arith.index_cast %scan3A_58 : i32 to index
      %get3A_1050 = arith.constant 976 : index
      %get3A_1051 = tpu.vector_load %arg9[%get3A_1049, %get3A_1050] {strides = array<i32>} : memref<32x1024xf32, #tpu.memory_space<vmem>>, vector<1x16xf32>,
      %get3A_1052 = vector.shape_cast %get3A_1051 : vector<1x16xf32> to vector<16xf32>
      %mul3A_1053 = arith.mulf %get3A_1052, %get3A_68 : vector<16xf32>
      %add3A_1054 = arith.addf %mul3A_1048, %mul3A_1053 : vector<16xf32>
      %swap3A_1055 = arith.index_cast %scan3A_58 : i32 to index
      %swap3A_1056 = arith.constant 976 : index
      %swap3A_1057 = tpu.vector_load %arg8[%swap3A_1055, %swap3A_1056] {strides = array<i32>} : memref<32x1024xf32, #tpu.memory_space<vmem>>, vector<1x16xf32>,
      %swap3A_1058 = vector.shape_cast %swap3A_1057 : vector<1x16xf32> to vector<16xf32>
      %swap3A_1059 = vector.shape_cast %add3A_1054 : vector<16xf32> to vector<1x16xf32>
      tpu.vector_store %arg8[%swap3A_1055, %swap3A_1056], %swap3A_1059 {strides = array<i32>} : memref<32x1024xf32, #tpu.memory_space<vmem>>, vector<1x16xf32>,
      %get3A_1060 = arith.index_cast %scan3A_58 : i32 to index
      %get3A_1061 = arith.constant 992 : index
      %get3A_1062 = tpu.vector_load %arg8[%get3A_1060, %get3A_1061] {strides = array<i32>} : memref<32x1024xf32, #tpu.memory_space<vmem>>, vector<1x16xf32>,
      %get3A_1063 = vector.shape_cast %get3A_1062 : vector<1x16xf32> to vector<16xf32>
      %mul3A_1064 = arith.mulf %get3A_1063, %get3A_64 : vector<16xf32>
      %get3A_1065 = arith.index_cast %scan3A_58 : i32 to index
      %get3A_1066 = arith.constant 992 : index
      %get3A_1067 = tpu.vector_load %arg9[%get3A_1065, %get3A_1066] {strides = array<i32>} : memref<32x1024xf32, #tpu.memory_space<vmem>>, vector<1x16xf32>,
      %get3A_1068 = vector.shape_cast %get3A_1067 : vector<1x16xf32> to vector<16xf32>
      %mul3A_1069 = arith.mulf %get3A_1068, %get3A_68 : vector<16xf32>
      %add3A_1070 = arith.addf %mul3A_1064, %mul3A_1069 : vector<16xf32>
      %swap3A_1071 = arith.index_cast %scan3A_58 : i32 to index
      %swap3A_1072 = arith.constant 992 : index
      %swap3A_1073 = tpu.vector_load %arg8[%swap3A_1071, %swap3A_1072] {strides = array<i32>} : memref<32x1024xf32, #tpu.memory_space<vmem>>, vector<1x16xf32>,
      %swap3A_1074 = vector.shape_cast %swap3A_1073 : vector<1x16xf32> to vector<16xf32>
      %swap3A_1075 = vector.shape_cast %add3A_1070 : vector<16xf32> to vector<1x16xf32>
      tpu.vector_store %arg8[%swap3A_1071, %swap3A_1072], %swap3A_1075 {strides = array<i32>} : memref<32x1024xf32, #tpu.memory_space<vmem>>, vector<1x16xf32>,
      %get3A_1076 = arith.index_cast %scan3A_58 : i32 to index
      %get3A_1077 = arith.constant 1008 : index
      %get3A_1078 = tpu.vector_load %arg8[%get3A_1076, %get3A_1077] {strides = array<i32>} : memref<32x1024xf32, #tpu.memory_space<vmem>>, vector<1x16xf32>,
      %get3A_1079 = vector.shape_cast %get3A_1078 : vector<1x16xf32> to vector<16xf32>
      %mul3A_1080 = arith.mulf %get3A_1079, %get3A_64 : vector<16xf32>
      %get3A_1081 = arith.index_cast %scan3A_58 : i32 to index
      %get3A_1082 = arith.constant 1008 : index
      %get3A_1083 = tpu.vector_load %arg9[%get3A_1081, %get3A_1082] {strides = array<i32>} : memref<32x1024xf32, #tpu.memory_space<vmem>>, vector<1x16xf32>,
      %get3A_1084 = vector.shape_cast %get3A_1083 : vector<1x16xf32> to vector<16xf32>
      %mul3A_1085 = arith.mulf %get3A_1084, %get3A_68 : vector<16xf32>
      %add3A_1086 = arith.addf %mul3A_1080, %mul3A_1085 : vector<16xf32>
      %swap3A_1087 = arith.index_cast %scan3A_58 : i32 to index
      %swap3A_1088 = arith.constant 1008 : index
      %swap3A_1089 = tpu.vector_load %arg8[%swap3A_1087, %swap3A_1088] {strides = array<i32>} : memref<32x1024xf32, #tpu.memory_space<vmem>>, vector<1x16xf32>,
      %swap3A_1090 = vector.shape_cast %swap3A_1089 : vector<1x16xf32> to vector<16xf32>
      %swap3A_1091 = vector.shape_cast %add3A_1086 : vector<16xf32> to vector<1x16xf32>
      tpu.vector_store %arg8[%swap3A_1087, %swap3A_1088], %swap3A_1091 {strides = array<i32>} : memref<32x1024xf32, #tpu.memory_space<vmem>>, vector<1x16xf32>,
      %scan3A_1092 = arith.constant 0 : i32
      scf.yield %scan3A_1092 : i32
    }
    %scan3A_28 = arith.constant 32 : i32
    "tpu.region"() ({
      %run_scoped3A = tpu.sem_alloc : memref<!tpu.dma_semaphore, #tpu.memory_space<semaphore_mem>>
      %dma_start3A_58 = arith.constant 0 : i32
      %dma_start3A_59 = tpu.memref_slice %arg7[%add3A_4, %dma_start3A_58] : memref<2048x1024xf32, #tpu.memory_space<hbm>> -> memref<32x1024xf32, #tpu.memory_space<hbm>>
      %dma_start3A_60 = arith.constant 0 : i32
      %dma_start3A_61 = tpu.memref_slice %arg7[%add3A_4, %dma_start3A_60] : memref<2048x1024xf32, #tpu.memory_space<hbm>> -> memref<32x1024xf32, #tpu.memory_space<hbm>>
      tpu.enqueue_dma source(%arg8 : memref<32x1024xf32, #tpu.memory_space<vmem>>) target(%dma_start3A_61 : memref<32x1024xf32, #tpu.memory_space<hbm>>) target_semaphore(%run_scoped3A : memref<!tpu.dma_semaphore, #tpu.memory_space<semaphore_mem>>)
      %dma_wait3A_62 = arith.constant 0 : i32
      %dma_wait3A_63 = tpu.memref_slice %arg7[%add3A_4, %dma_wait3A_62] : memref<2048x1024xf32, #tpu.memory_space<hbm>> -> memref<32x1024xf32, #tpu.memory_space<hbm>>
      %dma_wait3A_64 = arith.constant 0 : i32
      %dma_wait3A_65 = tpu.memref_slice %arg7[%add3A_4, %dma_wait3A_64] : memref<2048x1024xf32, #tpu.memory_space<hbm>> -> memref<32x1024xf32, #tpu.memory_space<hbm>>
      tpu.wait_dma2 semaphore(%run_scoped3A : memref<!tpu.dma_semaphore, #tpu.memory_space<semaphore_mem>>) src(%arg8 : memref<32x1024xf32, #tpu.memory_space<vmem>>) dst(%dma_wait3A_65 : memref<32x1024xf32, #tpu.memory_space<hbm>>)
      tpu.yield
    }) : () -> ()
    %add3A_29 = arith.constant 32 : i32
    %add3A_30 = arith.addi %mul3A_2, %add3A_29 : i32
    %dma_start3A_31 = arith.constant 32 : i32
    %dma_start3A_32 = tpu.memref_slice %arg10[%dma_start3A_31] : memref<64xi32, #tpu.memory_space<vmem>> -> memref<32xi32, #tpu.memory_space<vmem>>
    %dma_start3A_33 = arith.constant 0 : i32
    %dma_start3A_34 = arith.constant 0 : i32
    %dma_start3A_35 = tpu.memref_slice %arg2[%dma_start3A_33, %dma_start3A_34] : memref<6144x1024xf32, #tpu.memory_space<hbm>> -> memref<6144x1024xf32, #tpu.memory_space<hbm>>
    tpu.enqueue_indirect_dma source(%dma_start3A_35 : memref<6144x1024xf32, #tpu.memory_space<hbm>>) target(%arg8 : memref<32x1024xf32, #tpu.memory_space<vmem>>) offsets(%dma_start3A_32 : memref<32xi32, #tpu.memory_space<vmem>>) semaphore(%arg14 : memref<!tpu.dma_semaphore, #tpu.memory_space<semaphore_mem>>)
    %dma_start3A_36 = arith.constant 32 : i32
    %dma_start3A_37 = tpu.memref_slice %arg11[%dma_start3A_36] : memref<64xi32, #tpu.memory_space<vmem>> -> memref<32xi32, #tpu.memory_space<vmem>>
    %dma_start3A_38 = arith.constant 0 : i32
    %dma_start3A_39 = arith.constant 0 : i32
    %dma_start3A_40 = tpu.memref_slice %arg2[%dma_start3A_38, %dma_start3A_39] : memref<6144x1024xf32, #tpu.memory_space<hbm>> -> memref<6144x1024xf32, #tpu.memory_space<hbm>>
    tpu.enqueue_indirect_dma source(%dma_start3A_40 : memref<6144x1024xf32, #tpu.memory_space<hbm>>) target(%arg9 : memref<32x1024xf32, #tpu.memory_space<vmem>>) offsets(%dma_start3A_37 : memref<32xi32, #tpu.memory_space<vmem>>) semaphore(%arg15 : memref<!tpu.dma_semaphore, #tpu.memory_space<semaphore_mem>>)
    %dma_wait3A_41 = arith.constant 32 : i32
    %dma_wait3A_42 = tpu.memref_slice %arg10[%dma_wait3A_41] : memref<64xi32, #tpu.memory_space<vmem>> -> memref<32xi32, #tpu.memory_space<vmem>>
    %dma_wait3A_43 = arith.constant 0 : i32
    %dma_wait3A_44 = arith.constant 0 : i32
    %dma_wait3A_45 = tpu.memref_slice %arg2[%dma_wait3A_43, %dma_wait3A_44] : memref<6144x1024xf32, #tpu.memory_space<hbm>> -> memref<6144x1024xf32, #tpu.memory_space<hbm>>
    tpu.wait_indirect_dma semaphore(%arg14 : memref<!tpu.dma_semaphore, #tpu.memory_space<semaphore_mem>>) src(%dma_wait3A_45 : memref<6144x1024xf32, #tpu.memory_space<hbm>>) dst(%arg8 : memref<32x1024xf32, #tpu.memory_space<vmem>>)
    %dma_wait3A_46 = arith.constant 32 : i32
    %dma_wait3A_47 = tpu.memref_slice %arg11[%dma_wait3A_46] : memref<64xi32, #tpu.memory_space<vmem>> -> memref<32xi32, #tpu.memory_space<vmem>>
    %dma_wait3A_48 = arith.constant 0 : i32
    %dma_wait3A_49 = arith.constant 0 : i32
    %dma_wait3A_50 = tpu.memref_slice %arg2[%dma_wait3A_48, %dma_wait3A_49] : memref<6144x1024xf32, #tpu.memory_space<hbm>> -> memref<6144x1024xf32, #tpu.memory_space<hbm>>
    tpu.wait_indirect_dma semaphore(%arg15 : memref<!tpu.dma_semaphore, #tpu.memory_space<semaphore_mem>>) src(%dma_wait3A_50 : memref<6144x1024xf32, #tpu.memory_space<hbm>>) dst(%arg9 : memref<32x1024xf32, #tpu.memory_space<vmem>>)
    %scan3A_51 = arith.constant 0 : i32
    %scan3A_52 = arith.constant 0 : i32
    %scan3A_53 = arith.constant 32 : i32
    %scan3A_54 = arith.addi %scan3A_52, %scan3A_53 : i32
    %scan3A_55 = arith.constant 1 : i32
    %scan3A_56 = scf.for %scan3A_58 = %scan3A_52 to %scan3A_54 step %scan3A_55 iter_args(%scan3A_59 = %scan3A_51) -> (i32)  : i32 {
      %add3A_60 = arith.constant 32 : i32
      %add3A_61 = arith.addi %add3A_60, %scan3A_58 : i32
      %get3A = arith.index_cast %add3A_61 : i32 to index
      %get3A_62 = arith.constant 0 : index
      %get3A_63 = tpu.vector_load %arg12[%get3A, %get3A_62] {strides = array<i32>} : memref<64x16xf32, #tpu.memory_space<vmem>>, vector<1x16xf32>,
      %get3A_64 = vector.shape_cast %get3A_63 : vector<1x16xf32> to vector<16xf32>
      %get3A_65 = arith.index_cast %add3A_61 : i32 to index
      %get3A_66 = arith.constant 0 : index
      %get3A_67 = tpu.vector_load %arg13[%get3A_65, %get3A_66] {strides = array<i32>} : memref<64x16xf32, #tpu.memory_space<vmem>>, vector<1x16xf32>,
      %get3A_68 = vector.shape_cast %get3A_67 : vector<1x16xf32> to vector<16xf32>
      %get3A_69 = arith.index_cast %scan3A_58 : i32 to index
      %get3A_70 = arith.constant 0 : index
      %get3A_71 = tpu.vector_load %arg8[%get3A_69, %get3A_70] {strides = array<i32>} : memref<32x1024xf32, #tpu.memory_space<vmem>>, vector<1x16xf32>,
      %get3A_72 = vector.shape_cast %get3A_71 : vector<1x16xf32> to vector<16xf32>
      %mul3A_73 = arith.mulf %get3A_72, %get3A_64 : vector<16xf32>
      %get3A_74 = arith.index_cast %scan3A_58 : i32 to index
      %get3A_75 = arith.constant 0 : index
      %get3A_76 = tpu.vector_load %arg9[%get3A_74, %get3A_75] {strides = array<i32>} : memref<32x1024xf32, #tpu.memory_space<vmem>>, vector<1x16xf32>,
      %get3A_77 = vector.shape_cast %get3A_76 : vector<1x16xf32> to vector<16xf32>
      %mul3A_78 = arith.mulf %get3A_77, %get3A_68 : vector<16xf32>
      %add3A_79 = arith.addf %mul3A_73, %mul3A_78 : vector<16xf32>
      %swap3A = arith.index_cast %scan3A_58 : i32 to index
      %swap3A_80 = arith.constant 0 : index
      %swap3A_81 = tpu.vector_load %arg8[%swap3A, %swap3A_80] {strides = array<i32>} : memref<32x1024xf32, #tpu.memory_space<vmem>>, vector<1x16xf32>,
      %swap3A_82 = vector.shape_cast %swap3A_81 : vector<1x16xf32> to vector<16xf32>
      %swap3A_83 = vector.shape_cast %add3A_79 : vector<16xf32> to vector<1x16xf32>
      tpu.vector_store %arg8[%swap3A, %swap3A_80], %swap3A_83 {strides = array<i32>} : memref<32x1024xf32, #tpu.memory_space<vmem>>, vector<1x16xf32>,
      %get3A_84 = arith.index_cast %scan3A_58 : i32 to index
      %get3A_85 = arith.constant 16 : index
      %get3A_86 = tpu.vector_load %arg8[%get3A_84, %get3A_85] {strides = array<i32>} : memref<32x1024xf32, #tpu.memory_space<vmem>>, vector<1x16xf32>,
      %get3A_87 = vector.shape_cast %get3A_86 : vector<1x16xf32> to vector<16xf32>
      %mul3A_88 = arith.mulf %get3A_87, %get3A_64 : vector<16xf32>
      %get3A_89 = arith.index_cast %scan3A_58 : i32 to index
      %get3A_90 = arith.constant 16 : index
      %get3A_91 = tpu.vector_load %arg9[%get3A_89, %get3A_90] {strides = array<i32>} : memref<32x1024xf32, #tpu.memory_space<vmem>>, vector<1x16xf32>,
      %get3A_92 = vector.shape_cast %get3A_91 : vector<1x16xf32> to vector<16xf32>
      %mul3A_93 = arith.mulf %get3A_92, %get3A_68 : vector<16xf32>
      %add3A_94 = arith.addf %mul3A_88, %mul3A_93 : vector<16xf32>
      %swap3A_95 = arith.index_cast %scan3A_58 : i32 to index
      %swap3A_96 = arith.constant 16 : index
      %swap3A_97 = tpu.vector_load %arg8[%swap3A_95, %swap3A_96] {strides = array<i32>} : memref<32x1024xf32, #tpu.memory_space<vmem>>, vector<1x16xf32>,
      %swap3A_98 = vector.shape_cast %swap3A_97 : vector<1x16xf32> to vector<16xf32>
      %swap3A_99 = vector.shape_cast %add3A_94 : vector<16xf32> to vector<1x16xf32>
      tpu.vector_store %arg8[%swap3A_95, %swap3A_96], %swap3A_99 {strides = array<i32>} : memref<32x1024xf32, #tpu.memory_space<vmem>>, vector<1x16xf32>,
      %get3A_100 = arith.index_cast %scan3A_58 : i32 to index
      %get3A_101 = arith.constant 32 : index
      %get3A_102 = tpu.vector_load %arg8[%get3A_100, %get3A_101] {strides = array<i32>} : memref<32x1024xf32, #tpu.memory_space<vmem>>, vector<1x16xf32>,
      %get3A_103 = vector.shape_cast %get3A_102 : vector<1x16xf32> to vector<16xf32>
      %mul3A_104 = arith.mulf %get3A_103, %get3A_64 : vector<16xf32>
      %get3A_105 = arith.index_cast %scan3A_58 : i32 to index
      %get3A_106 = arith.constant 32 : index
      %get3A_107 = tpu.vector_load %arg9[%get3A_105, %get3A_106] {strides = array<i32>} : memref<32x1024xf32, #tpu.memory_space<vmem>>, vector<1x16xf32>,
      %get3A_108 = vector.shape_cast %get3A_107 : vector<1x16xf32> to vector<16xf32>
      %mul3A_109 = arith.mulf %get3A_108, %get3A_68 : vector<16xf32>
      %add3A_110 = arith.addf %mul3A_104, %mul3A_109 : vector<16xf32>
      %swap3A_111 = arith.index_cast %scan3A_58 : i32 to index
      %swap3A_112 = arith.constant 32 : index
      %swap3A_113 = tpu.vector_load %arg8[%swap3A_111, %swap3A_112] {strides = array<i32>} : memref<32x1024xf32, #tpu.memory_space<vmem>>, vector<1x16xf32>,
      %swap3A_114 = vector.shape_cast %swap3A_113 : vector<1x16xf32> to vector<16xf32>
      %swap3A_115 = vector.shape_cast %add3A_110 : vector<16xf32> to vector<1x16xf32>
      tpu.vector_store %arg8[%swap3A_111, %swap3A_112], %swap3A_115 {strides = array<i32>} : memref<32x1024xf32, #tpu.memory_space<vmem>>, vector<1x16xf32>,
      %get3A_116 = arith.index_cast %scan3A_58 : i32 to index
      %get3A_117 = arith.constant 48 : index
      %get3A_118 = tpu.vector_load %arg8[%get3A_116, %get3A_117] {strides = array<i32>} : memref<32x1024xf32, #tpu.memory_space<vmem>>, vector<1x16xf32>,
      %get3A_119 = vector.shape_cast %get3A_118 : vector<1x16xf32> to vector<16xf32>
      %mul3A_120 = arith.mulf %get3A_119, %get3A_64 : vector<16xf32>
      %get3A_121 = arith.index_cast %scan3A_58 : i32 to index
      %get3A_122 = arith.constant 48 : index
      %get3A_123 = tpu.vector_load %arg9[%get3A_121, %get3A_122] {strides = array<i32>} : memref<32x1024xf32, #tpu.memory_space<vmem>>, vector<1x16xf32>,
      %get3A_124 = vector.shape_cast %get3A_123 : vector<1x16xf32> to vector<16xf32>
      %mul3A_125 = arith.mulf %get3A_124, %get3A_68 : vector<16xf32>
      %add3A_126 = arith.addf %mul3A_120, %mul3A_125 : vector<16xf32>
      %swap3A_127 = arith.index_cast %scan3A_58 : i32 to index
      %swap3A_128 = arith.constant 48 : index
      %swap3A_129 = tpu.vector_load %arg8[%swap3A_127, %swap3A_128] {strides = array<i32>} : memref<32x1024xf32, #tpu.memory_space<vmem>>, vector<1x16xf32>,
      %swap3A_130 = vector.shape_cast %swap3A_129 : vector<1x16xf32> to vector<16xf32>
      %swap3A_131 = vector.shape_cast %add3A_126 : vector<16xf32> to vector<1x16xf32>
      tpu.vector_store %arg8[%swap3A_127, %swap3A_128], %swap3A_131 {strides = array<i32>} : memref<32x1024xf32, #tpu.memory_space<vmem>>, vector<1x16xf32>,
      %get3A_132 = arith.index_cast %scan3A_58 : i32 to index
      %get3A_133 = arith.constant 64 : index
      %get3A_134 = tpu.vector_load %arg8[%get3A_132, %get3A_133] {strides = array<i32>} : memref<32x1024xf32, #tpu.memory_space<vmem>>, vector<1x16xf32>,
      %get3A_135 = vector.shape_cast %get3A_134 : vector<1x16xf32> to vector<16xf32>
      %mul3A_136 = arith.mulf %get3A_135, %get3A_64 : vector<16xf32>
      %get3A_137 = arith.index_cast %scan3A_58 : i32 to index
      %get3A_138 = arith.constant 64 : index
      %get3A_139 = tpu.vector_load %arg9[%get3A_137, %get3A_138] {strides = array<i32>} : memref<32x1024xf32, #tpu.memory_space<vmem>>, vector<1x16xf32>,
      %get3A_140 = vector.shape_cast %get3A_139 : vector<1x16xf32> to vector<16xf32>
      %mul3A_141 = arith.mulf %get3A_140, %get3A_68 : vector<16xf32>
      %add3A_142 = arith.addf %mul3A_136, %mul3A_141 : vector<16xf32>
      %swap3A_143 = arith.index_cast %scan3A_58 : i32 to index
      %swap3A_144 = arith.constant 64 : index
      %swap3A_145 = tpu.vector_load %arg8[%swap3A_143, %swap3A_144] {strides = array<i32>} : memref<32x1024xf32, #tpu.memory_space<vmem>>, vector<1x16xf32>,
      %swap3A_146 = vector.shape_cast %swap3A_145 : vector<1x16xf32> to vector<16xf32>
      %swap3A_147 = vector.shape_cast %add3A_142 : vector<16xf32> to vector<1x16xf32>
      tpu.vector_store %arg8[%swap3A_143, %swap3A_144], %swap3A_147 {strides = array<i32>} : memref<32x1024xf32, #tpu.memory_space<vmem>>, vector<1x16xf32>,
      %get3A_148 = arith.index_cast %scan3A_58 : i32 to index
      %get3A_149 = arith.constant 80 : index
      %get3A_150 = tpu.vector_load %arg8[%get3A_148, %get3A_149] {strides = array<i32>} : memref<32x1024xf32, #tpu.memory_space<vmem>>, vector<1x16xf32>,
      %get3A_151 = vector.shape_cast %get3A_150 : vector<1x16xf32> to vector<16xf32>
      %mul3A_152 = arith.mulf %get3A_151, %get3A_64 : vector<16xf32>
      %get3A_153 = arith.index_cast %scan3A_58 : i32 to index
      %get3A_154 = arith.constant 80 : index
      %get3A_155 = tpu.vector_load %arg9[%get3A_153, %get3A_154] {strides = array<i32>} : memref<32x1024xf32, #tpu.memory_space<vmem>>, vector<1x16xf32>,
      %get3A_156 = vector.shape_cast %get3A_155 : vector<1x16xf32> to vector<16xf32>
      %mul3A_157 = arith.mulf %get3A_156, %get3A_68 : vector<16xf32>
      %add3A_158 = arith.addf %mul3A_152, %mul3A_157 : vector<16xf32>
      %swap3A_159 = arith.index_cast %scan3A_58 : i32 to index
      %swap3A_160 = arith.constant 80 : index
      %swap3A_161 = tpu.vector_load %arg8[%swap3A_159, %swap3A_160] {strides = array<i32>} : memref<32x1024xf32, #tpu.memory_space<vmem>>, vector<1x16xf32>,
      %swap3A_162 = vector.shape_cast %swap3A_161 : vector<1x16xf32> to vector<16xf32>
      %swap3A_163 = vector.shape_cast %add3A_158 : vector<16xf32> to vector<1x16xf32>
      tpu.vector_store %arg8[%swap3A_159, %swap3A_160], %swap3A_163 {strides = array<i32>} : memref<32x1024xf32, #tpu.memory_space<vmem>>, vector<1x16xf32>,
      %get3A_164 = arith.index_cast %scan3A_58 : i32 to index
      %get3A_165 = arith.constant 96 : index
      %get3A_166 = tpu.vector_load %arg8[%get3A_164, %get3A_165] {strides = array<i32>} : memref<32x1024xf32, #tpu.memory_space<vmem>>, vector<1x16xf32>,
      %get3A_167 = vector.shape_cast %get3A_166 : vector<1x16xf32> to vector<16xf32>
      %mul3A_168 = arith.mulf %get3A_167, %get3A_64 : vector<16xf32>
      %get3A_169 = arith.index_cast %scan3A_58 : i32 to index
      %get3A_170 = arith.constant 96 : index
      %get3A_171 = tpu.vector_load %arg9[%get3A_169, %get3A_170] {strides = array<i32>} : memref<32x1024xf32, #tpu.memory_space<vmem>>, vector<1x16xf32>,
      %get3A_172 = vector.shape_cast %get3A_171 : vector<1x16xf32> to vector<16xf32>
      %mul3A_173 = arith.mulf %get3A_172, %get3A_68 : vector<16xf32>
      %add3A_174 = arith.addf %mul3A_168, %mul3A_173 : vector<16xf32>
      %swap3A_175 = arith.index_cast %scan3A_58 : i32 to index
      %swap3A_176 = arith.constant 96 : index
      %swap3A_177 = tpu.vector_load %arg8[%swap3A_175, %swap3A_176] {strides = array<i32>} : memref<32x1024xf32, #tpu.memory_space<vmem>>, vector<1x16xf32>,
      %swap3A_178 = vector.shape_cast %swap3A_177 : vector<1x16xf32> to vector<16xf32>
      %swap3A_179 = vector.shape_cast %add3A_174 : vector<16xf32> to vector<1x16xf32>
      tpu.vector_store %arg8[%swap3A_175, %swap3A_176], %swap3A_179 {strides = array<i32>} : memref<32x1024xf32, #tpu.memory_space<vmem>>, vector<1x16xf32>,
      %get3A_180 = arith.index_cast %scan3A_58 : i32 to index
      %get3A_181 = arith.constant 112 : index
      %get3A_182 = tpu.vector_load %arg8[%get3A_180, %get3A_181] {strides = array<i32>} : memref<32x1024xf32, #tpu.memory_space<vmem>>, vector<1x16xf32>,
      %get3A_183 = vector.shape_cast %get3A_182 : vector<1x16xf32> to vector<16xf32>
      %mul3A_184 = arith.mulf %get3A_183, %get3A_64 : vector<16xf32>
      %get3A_185 = arith.index_cast %scan3A_58 : i32 to index
      %get3A_186 = arith.constant 112 : index
      %get3A_187 = tpu.vector_load %arg9[%get3A_185, %get3A_186] {strides = array<i32>} : memref<32x1024xf32, #tpu.memory_space<vmem>>, vector<1x16xf32>,
      %get3A_188 = vector.shape_cast %get3A_187 : vector<1x16xf32> to vector<16xf32>
      %mul3A_189 = arith.mulf %get3A_188, %get3A_68 : vector<16xf32>
      %add3A_190 = arith.addf %mul3A_184, %mul3A_189 : vector<16xf32>
      %swap3A_191 = arith.index_cast %scan3A_58 : i32 to index
      %swap3A_192 = arith.constant 112 : index
      %swap3A_193 = tpu.vector_load %arg8[%swap3A_191, %swap3A_192] {strides = array<i32>} : memref<32x1024xf32, #tpu.memory_space<vmem>>, vector<1x16xf32>,
      %swap3A_194 = vector.shape_cast %swap3A_193 : vector<1x16xf32> to vector<16xf32>
      %swap3A_195 = vector.shape_cast %add3A_190 : vector<16xf32> to vector<1x16xf32>
      tpu.vector_store %arg8[%swap3A_191, %swap3A_192], %swap3A_195 {strides = array<i32>} : memref<32x1024xf32, #tpu.memory_space<vmem>>, vector<1x16xf32>,
      %get3A_196 = arith.index_cast %scan3A_58 : i32 to index
      %get3A_197 = arith.constant 128 : index
      %get3A_198 = tpu.vector_load %arg8[%get3A_196, %get3A_197] {strides = array<i32>} : memref<32x1024xf32, #tpu.memory_space<vmem>>, vector<1x16xf32>,
      %get3A_199 = vector.shape_cast %get3A_198 : vector<1x16xf32> to vector<16xf32>
      %mul3A_200 = arith.mulf %get3A_199, %get3A_64 : vector<16xf32>
      %get3A_201 = arith.index_cast %scan3A_58 : i32 to index
      %get3A_202 = arith.constant 128 : index
      %get3A_203 = tpu.vector_load %arg9[%get3A_201, %get3A_202] {strides = array<i32>} : memref<32x1024xf32, #tpu.memory_space<vmem>>, vector<1x16xf32>,
      %get3A_204 = vector.shape_cast %get3A_203 : vector<1x16xf32> to vector<16xf32>
      %mul3A_205 = arith.mulf %get3A_204, %get3A_68 : vector<16xf32>
      %add3A_206 = arith.addf %mul3A_200, %mul3A_205 : vector<16xf32>
      %swap3A_207 = arith.index_cast %scan3A_58 : i32 to index
      %swap3A_208 = arith.constant 128 : index
      %swap3A_209 = tpu.vector_load %arg8[%swap3A_207, %swap3A_208] {strides = array<i32>} : memref<32x1024xf32, #tpu.memory_space<vmem>>, vector<1x16xf32>,
      %swap3A_210 = vector.shape_cast %swap3A_209 : vector<1x16xf32> to vector<16xf32>
      %swap3A_211 = vector.shape_cast %add3A_206 : vector<16xf32> to vector<1x16xf32>
      tpu.vector_store %arg8[%swap3A_207, %swap3A_208], %swap3A_211 {strides = array<i32>} : memref<32x1024xf32, #tpu.memory_space<vmem>>, vector<1x16xf32>,
      %get3A_212 = arith.index_cast %scan3A_58 : i32 to index
      %get3A_213 = arith.constant 144 : index
      %get3A_214 = tpu.vector_load %arg8[%get3A_212, %get3A_213] {strides = array<i32>} : memref<32x1024xf32, #tpu.memory_space<vmem>>, vector<1x16xf32>,
      %get3A_215 = vector.shape_cast %get3A_214 : vector<1x16xf32> to vector<16xf32>
      %mul3A_216 = arith.mulf %get3A_215, %get3A_64 : vector<16xf32>
      %get3A_217 = arith.index_cast %scan3A_58 : i32 to index
      %get3A_218 = arith.constant 144 : index
      %get3A_219 = tpu.vector_load %arg9[%get3A_217, %get3A_218] {strides = array<i32>} : memref<32x1024xf32, #tpu.memory_space<vmem>>, vector<1x16xf32>,
      %get3A_220 = vector.shape_cast %get3A_219 : vector<1x16xf32> to vector<16xf32>
      %mul3A_221 = arith.mulf %get3A_220, %get3A_68 : vector<16xf32>
      %add3A_222 = arith.addf %mul3A_216, %mul3A_221 : vector<16xf32>
      %swap3A_223 = arith.index_cast %scan3A_58 : i32 to index
      %swap3A_224 = arith.constant 144 : index
      %swap3A_225 = tpu.vector_load %arg8[%swap3A_223, %swap3A_224] {strides = array<i32>} : memref<32x1024xf32, #tpu.memory_space<vmem>>, vector<1x16xf32>,
      %swap3A_226 = vector.shape_cast %swap3A_225 : vector<1x16xf32> to vector<16xf32>
      %swap3A_227 = vector.shape_cast %add3A_222 : vector<16xf32> to vector<1x16xf32>
      tpu.vector_store %arg8[%swap3A_223, %swap3A_224], %swap3A_227 {strides = array<i32>} : memref<32x1024xf32, #tpu.memory_space<vmem>>, vector<1x16xf32>,
      %get3A_228 = arith.index_cast %scan3A_58 : i32 to index
      %get3A_229 = arith.constant 160 : index
      %get3A_230 = tpu.vector_load %arg8[%get3A_228, %get3A_229] {strides = array<i32>} : memref<32x1024xf32, #tpu.memory_space<vmem>>, vector<1x16xf32>,
      %get3A_231 = vector.shape_cast %get3A_230 : vector<1x16xf32> to vector<16xf32>
      %mul3A_232 = arith.mulf %get3A_231, %get3A_64 : vector<16xf32>
      %get3A_233 = arith.index_cast %scan3A_58 : i32 to index
      %get3A_234 = arith.constant 160 : index
      %get3A_235 = tpu.vector_load %arg9[%get3A_233, %get3A_234] {strides = array<i32>} : memref<32x1024xf32, #tpu.memory_space<vmem>>, vector<1x16xf32>,
      %get3A_236 = vector.shape_cast %get3A_235 : vector<1x16xf32> to vector<16xf32>
      %mul3A_237 = arith.mulf %get3A_236, %get3A_68 : vector<16xf32>
      %add3A_238 = arith.addf %mul3A_232, %mul3A_237 : vector<16xf32>
      %swap3A_239 = arith.index_cast %scan3A_58 : i32 to index
      %swap3A_240 = arith.constant 160 : index
      %swap3A_241 = tpu.vector_load %arg8[%swap3A_239, %swap3A_240] {strides = array<i32>} : memref<32x1024xf32, #tpu.memory_space<vmem>>, vector<1x16xf32>,
      %swap3A_242 = vector.shape_cast %swap3A_241 : vector<1x16xf32> to vector<16xf32>
      %swap3A_243 = vector.shape_cast %add3A_238 : vector<16xf32> to vector<1x16xf32>
      tpu.vector_store %arg8[%swap3A_239, %swap3A_240], %swap3A_243 {strides = array<i32>} : memref<32x1024xf32, #tpu.memory_space<vmem>>, vector<1x16xf32>,
      %get3A_244 = arith.index_cast %scan3A_58 : i32 to index
      %get3A_245 = arith.constant 176 : index
      %get3A_246 = tpu.vector_load %arg8[%get3A_244, %get3A_245] {strides = array<i32>} : memref<32x1024xf32, #tpu.memory_space<vmem>>, vector<1x16xf32>,
      %get3A_247 = vector.shape_cast %get3A_246 : vector<1x16xf32> to vector<16xf32>
      %mul3A_248 = arith.mulf %get3A_247, %get3A_64 : vector<16xf32>
      %get3A_249 = arith.index_cast %scan3A_58 : i32 to index
      %get3A_250 = arith.constant 176 : index
      %get3A_251 = tpu.vector_load %arg9[%get3A_249, %get3A_250] {strides = array<i32>} : memref<32x1024xf32, #tpu.memory_space<vmem>>, vector<1x16xf32>,
      %get3A_252 = vector.shape_cast %get3A_251 : vector<1x16xf32> to vector<16xf32>
      %mul3A_253 = arith.mulf %get3A_252, %get3A_68 : vector<16xf32>
      %add3A_254 = arith.addf %mul3A_248, %mul3A_253 : vector<16xf32>
      %swap3A_255 = arith.index_cast %scan3A_58 : i32 to index
      %swap3A_256 = arith.constant 176 : index
      %swap3A_257 = tpu.vector_load %arg8[%swap3A_255, %swap3A_256] {strides = array<i32>} : memref<32x1024xf32, #tpu.memory_space<vmem>>, vector<1x16xf32>,
      %swap3A_258 = vector.shape_cast %swap3A_257 : vector<1x16xf32> to vector<16xf32>
      %swap3A_259 = vector.shape_cast %add3A_254 : vector<16xf32> to vector<1x16xf32>
      tpu.vector_store %arg8[%swap3A_255, %swap3A_256], %swap3A_259 {strides = array<i32>} : memref<32x1024xf32, #tpu.memory_space<vmem>>, vector<1x16xf32>,
      %get3A_260 = arith.index_cast %scan3A_58 : i32 to index
      %get3A_261 = arith.constant 192 : index
      %get3A_262 = tpu.vector_load %arg8[%get3A_260, %get3A_261] {strides = array<i32>} : memref<32x1024xf32, #tpu.memory_space<vmem>>, vector<1x16xf32>,
      %get3A_263 = vector.shape_cast %get3A_262 : vector<1x16xf32> to vector<16xf32>
      %mul3A_264 = arith.mulf %get3A_263, %get3A_64 : vector<16xf32>
      %get3A_265 = arith.index_cast %scan3A_58 : i32 to index
      %get3A_266 = arith.constant 192 : index
      %get3A_267 = tpu.vector_load %arg9[%get3A_265, %get3A_266] {strides = array<i32>} : memref<32x1024xf32, #tpu.memory_space<vmem>>, vector<1x16xf32>,
      %get3A_268 = vector.shape_cast %get3A_267 : vector<1x16xf32> to vector<16xf32>
      %mul3A_269 = arith.mulf %get3A_268, %get3A_68 : vector<16xf32>
      %add3A_270 = arith.addf %mul3A_264, %mul3A_269 : vector<16xf32>
      %swap3A_271 = arith.index_cast %scan3A_58 : i32 to index
      %swap3A_272 = arith.constant 192 : index
      %swap3A_273 = tpu.vector_load %arg8[%swap3A_271, %swap3A_272] {strides = array<i32>} : memref<32x1024xf32, #tpu.memory_space<vmem>>, vector<1x16xf32>,
      %swap3A_274 = vector.shape_cast %swap3A_273 : vector<1x16xf32> to vector<16xf32>
      %swap3A_275 = vector.shape_cast %add3A_270 : vector<16xf32> to vector<1x16xf32>
      tpu.vector_store %arg8[%swap3A_271, %swap3A_272], %swap3A_275 {strides = array<i32>} : memref<32x1024xf32, #tpu.memory_space<vmem>>, vector<1x16xf32>,
      %get3A_276 = arith.index_cast %scan3A_58 : i32 to index
      %get3A_277 = arith.constant 208 : index
      %get3A_278 = tpu.vector_load %arg8[%get3A_276, %get3A_277] {strides = array<i32>} : memref<32x1024xf32, #tpu.memory_space<vmem>>, vector<1x16xf32>,
      %get3A_279 = vector.shape_cast %get3A_278 : vector<1x16xf32> to vector<16xf32>
      %mul3A_280 = arith.mulf %get3A_279, %get3A_64 : vector<16xf32>
      %get3A_281 = arith.index_cast %scan3A_58 : i32 to index
      %get3A_282 = arith.constant 208 : index
      %get3A_283 = tpu.vector_load %arg9[%get3A_281, %get3A_282] {strides = array<i32>} : memref<32x1024xf32, #tpu.memory_space<vmem>>, vector<1x16xf32>,
      %get3A_284 = vector.shape_cast %get3A_283 : vector<1x16xf32> to vector<16xf32>
      %mul3A_285 = arith.mulf %get3A_284, %get3A_68 : vector<16xf32>
      %add3A_286 = arith.addf %mul3A_280, %mul3A_285 : vector<16xf32>
      %swap3A_287 = arith.index_cast %scan3A_58 : i32 to index
      %swap3A_288 = arith.constant 208 : index
      %swap3A_289 = tpu.vector_load %arg8[%swap3A_287, %swap3A_288] {strides = array<i32>} : memref<32x1024xf32, #tpu.memory_space<vmem>>, vector<1x16xf32>,
      %swap3A_290 = vector.shape_cast %swap3A_289 : vector<1x16xf32> to vector<16xf32>
      %swap3A_291 = vector.shape_cast %add3A_286 : vector<16xf32> to vector<1x16xf32>
      tpu.vector_store %arg8[%swap3A_287, %swap3A_288], %swap3A_291 {strides = array<i32>} : memref<32x1024xf32, #tpu.memory_space<vmem>>, vector<1x16xf32>,
      %get3A_292 = arith.index_cast %scan3A_58 : i32 to index
      %get3A_293 = arith.constant 224 : index
      %get3A_294 = tpu.vector_load %arg8[%get3A_292, %get3A_293] {strides = array<i32>} : memref<32x1024xf32, #tpu.memory_space<vmem>>, vector<1x16xf32>,
      %get3A_295 = vector.shape_cast %get3A_294 : vector<1x16xf32> to vector<16xf32>
      %mul3A_296 = arith.mulf %get3A_295, %get3A_64 : vector<16xf32>
      %get3A_297 = arith.index_cast %scan3A_58 : i32 to index
      %get3A_298 = arith.constant 224 : index
      %get3A_299 = tpu.vector_load %arg9[%get3A_297, %get3A_298] {strides = array<i32>} : memref<32x1024xf32, #tpu.memory_space<vmem>>, vector<1x16xf32>,
      %get3A_300 = vector.shape_cast %get3A_299 : vector<1x16xf32> to vector<16xf32>
      %mul3A_301 = arith.mulf %get3A_300, %get3A_68 : vector<16xf32>
      %add3A_302 = arith.addf %mul3A_296, %mul3A_301 : vector<16xf32>
      %swap3A_303 = arith.index_cast %scan3A_58 : i32 to index
      %swap3A_304 = arith.constant 224 : index
      %swap3A_305 = tpu.vector_load %arg8[%swap3A_303, %swap3A_304] {strides = array<i32>} : memref<32x1024xf32, #tpu.memory_space<vmem>>, vector<1x16xf32>,
      %swap3A_306 = vector.shape_cast %swap3A_305 : vector<1x16xf32> to vector<16xf32>
      %swap3A_307 = vector.shape_cast %add3A_302 : vector<16xf32> to vector<1x16xf32>
      tpu.vector_store %arg8[%swap3A_303, %swap3A_304], %swap3A_307 {strides = array<i32>} : memref<32x1024xf32, #tpu.memory_space<vmem>>, vector<1x16xf32>,
      %get3A_308 = arith.index_cast %scan3A_58 : i32 to index
      %get3A_309 = arith.constant 240 : index
      %get3A_310 = tpu.vector_load %arg8[%get3A_308, %get3A_309] {strides = array<i32>} : memref<32x1024xf32, #tpu.memory_space<vmem>>, vector<1x16xf32>,
      %get3A_311 = vector.shape_cast %get3A_310 : vector<1x16xf32> to vector<16xf32>
      %mul3A_312 = arith.mulf %get3A_311, %get3A_64 : vector<16xf32>
      %get3A_313 = arith.index_cast %scan3A_58 : i32 to index
      %get3A_314 = arith.constant 240 : index
      %get3A_315 = tpu.vector_load %arg9[%get3A_313, %get3A_314] {strides = array<i32>} : memref<32x1024xf32, #tpu.memory_space<vmem>>, vector<1x16xf32>,
      %get3A_316 = vector.shape_cast %get3A_315 : vector<1x16xf32> to vector<16xf32>
      %mul3A_317 = arith.mulf %get3A_316, %get3A_68 : vector<16xf32>
      %add3A_318 = arith.addf %mul3A_312, %mul3A_317 : vector<16xf32>
      %swap3A_319 = arith.index_cast %scan3A_58 : i32 to index
      %swap3A_320 = arith.constant 240 : index
      %swap3A_321 = tpu.vector_load %arg8[%swap3A_319, %swap3A_320] {strides = array<i32>} : memref<32x1024xf32, #tpu.memory_space<vmem>>, vector<1x16xf32>,
      %swap3A_322 = vector.shape_cast %swap3A_321 : vector<1x16xf32> to vector<16xf32>
      %swap3A_323 = vector.shape_cast %add3A_318 : vector<16xf32> to vector<1x16xf32>
      tpu.vector_store %arg8[%swap3A_319, %swap3A_320], %swap3A_323 {strides = array<i32>} : memref<32x1024xf32, #tpu.memory_space<vmem>>, vector<1x16xf32>,
      %get3A_324 = arith.index_cast %scan3A_58 : i32 to index
      %get3A_325 = arith.constant 256 : index
      %get3A_326 = tpu.vector_load %arg8[%get3A_324, %get3A_325] {strides = array<i32>} : memref<32x1024xf32, #tpu.memory_space<vmem>>, vector<1x16xf32>,
      %get3A_327 = vector.shape_cast %get3A_326 : vector<1x16xf32> to vector<16xf32>
      %mul3A_328 = arith.mulf %get3A_327, %get3A_64 : vector<16xf32>
      %get3A_329 = arith.index_cast %scan3A_58 : i32 to index
      %get3A_330 = arith.constant 256 : index
      %get3A_331 = tpu.vector_load %arg9[%get3A_329, %get3A_330] {strides = array<i32>} : memref<32x1024xf32, #tpu.memory_space<vmem>>, vector<1x16xf32>,
      %get3A_332 = vector.shape_cast %get3A_331 : vector<1x16xf32> to vector<16xf32>
      %mul3A_333 = arith.mulf %get3A_332, %get3A_68 : vector<16xf32>
      %add3A_334 = arith.addf %mul3A_328, %mul3A_333 : vector<16xf32>
      %swap3A_335 = arith.index_cast %scan3A_58 : i32 to index
      %swap3A_336 = arith.constant 256 : index
      %swap3A_337 = tpu.vector_load %arg8[%swap3A_335, %swap3A_336] {strides = array<i32>} : memref<32x1024xf32, #tpu.memory_space<vmem>>, vector<1x16xf32>,
      %swap3A_338 = vector.shape_cast %swap3A_337 : vector<1x16xf32> to vector<16xf32>
      %swap3A_339 = vector.shape_cast %add3A_334 : vector<16xf32> to vector<1x16xf32>
      tpu.vector_store %arg8[%swap3A_335, %swap3A_336], %swap3A_339 {strides = array<i32>} : memref<32x1024xf32, #tpu.memory_space<vmem>>, vector<1x16xf32>,
      %get3A_340 = arith.index_cast %scan3A_58 : i32 to index
      %get3A_341 = arith.constant 272 : index
      %get3A_342 = tpu.vector_load %arg8[%get3A_340, %get3A_341] {strides = array<i32>} : memref<32x1024xf32, #tpu.memory_space<vmem>>, vector<1x16xf32>,
      %get3A_343 = vector.shape_cast %get3A_342 : vector<1x16xf32> to vector<16xf32>
      %mul3A_344 = arith.mulf %get3A_343, %get3A_64 : vector<16xf32>
      %get3A_345 = arith.index_cast %scan3A_58 : i32 to index
      %get3A_346 = arith.constant 272 : index
      %get3A_347 = tpu.vector_load %arg9[%get3A_345, %get3A_346] {strides = array<i32>} : memref<32x1024xf32, #tpu.memory_space<vmem>>, vector<1x16xf32>,
      %get3A_348 = vector.shape_cast %get3A_347 : vector<1x16xf32> to vector<16xf32>
      %mul3A_349 = arith.mulf %get3A_348, %get3A_68 : vector<16xf32>
      %add3A_350 = arith.addf %mul3A_344, %mul3A_349 : vector<16xf32>
      %swap3A_351 = arith.index_cast %scan3A_58 : i32 to index
      %swap3A_352 = arith.constant 272 : index
      %swap3A_353 = tpu.vector_load %arg8[%swap3A_351, %swap3A_352] {strides = array<i32>} : memref<32x1024xf32, #tpu.memory_space<vmem>>, vector<1x16xf32>,
      %swap3A_354 = vector.shape_cast %swap3A_353 : vector<1x16xf32> to vector<16xf32>
      %swap3A_355 = vector.shape_cast %add3A_350 : vector<16xf32> to vector<1x16xf32>
      tpu.vector_store %arg8[%swap3A_351, %swap3A_352], %swap3A_355 {strides = array<i32>} : memref<32x1024xf32, #tpu.memory_space<vmem>>, vector<1x16xf32>,
      %get3A_356 = arith.index_cast %scan3A_58 : i32 to index
      %get3A_357 = arith.constant 288 : index
      %get3A_358 = tpu.vector_load %arg8[%get3A_356, %get3A_357] {strides = array<i32>} : memref<32x1024xf32, #tpu.memory_space<vmem>>, vector<1x16xf32>,
      %get3A_359 = vector.shape_cast %get3A_358 : vector<1x16xf32> to vector<16xf32>
      %mul3A_360 = arith.mulf %get3A_359, %get3A_64 : vector<16xf32>
      %get3A_361 = arith.index_cast %scan3A_58 : i32 to index
      %get3A_362 = arith.constant 288 : index
      %get3A_363 = tpu.vector_load %arg9[%get3A_361, %get3A_362] {strides = array<i32>} : memref<32x1024xf32, #tpu.memory_space<vmem>>, vector<1x16xf32>,
      %get3A_364 = vector.shape_cast %get3A_363 : vector<1x16xf32> to vector<16xf32>
      %mul3A_365 = arith.mulf %get3A_364, %get3A_68 : vector<16xf32>
      %add3A_366 = arith.addf %mul3A_360, %mul3A_365 : vector<16xf32>
      %swap3A_367 = arith.index_cast %scan3A_58 : i32 to index
      %swap3A_368 = arith.constant 288 : index
      %swap3A_369 = tpu.vector_load %arg8[%swap3A_367, %swap3A_368] {strides = array<i32>} : memref<32x1024xf32, #tpu.memory_space<vmem>>, vector<1x16xf32>,
      %swap3A_370 = vector.shape_cast %swap3A_369 : vector<1x16xf32> to vector<16xf32>
      %swap3A_371 = vector.shape_cast %add3A_366 : vector<16xf32> to vector<1x16xf32>
      tpu.vector_store %arg8[%swap3A_367, %swap3A_368], %swap3A_371 {strides = array<i32>} : memref<32x1024xf32, #tpu.memory_space<vmem>>, vector<1x16xf32>,
      %get3A_372 = arith.index_cast %scan3A_58 : i32 to index
      %get3A_373 = arith.constant 304 : index
      %get3A_374 = tpu.vector_load %arg8[%get3A_372, %get3A_373] {strides = array<i32>} : memref<32x1024xf32, #tpu.memory_space<vmem>>, vector<1x16xf32>,
      %get3A_375 = vector.shape_cast %get3A_374 : vector<1x16xf32> to vector<16xf32>
      %mul3A_376 = arith.mulf %get3A_375, %get3A_64 : vector<16xf32>
      %get3A_377 = arith.index_cast %scan3A_58 : i32 to index
      %get3A_378 = arith.constant 304 : index
      %get3A_379 = tpu.vector_load %arg9[%get3A_377, %get3A_378] {strides = array<i32>} : memref<32x1024xf32, #tpu.memory_space<vmem>>, vector<1x16xf32>,
      %get3A_380 = vector.shape_cast %get3A_379 : vector<1x16xf32> to vector<16xf32>
      %mul3A_381 = arith.mulf %get3A_380, %get3A_68 : vector<16xf32>
      %add3A_382 = arith.addf %mul3A_376, %mul3A_381 : vector<16xf32>
      %swap3A_383 = arith.index_cast %scan3A_58 : i32 to index
      %swap3A_384 = arith.constant 304 : index
      %swap3A_385 = tpu.vector_load %arg8[%swap3A_383, %swap3A_384] {strides = array<i32>} : memref<32x1024xf32, #tpu.memory_space<vmem>>, vector<1x16xf32>,
      %swap3A_386 = vector.shape_cast %swap3A_385 : vector<1x16xf32> to vector<16xf32>
      %swap3A_387 = vector.shape_cast %add3A_382 : vector<16xf32> to vector<1x16xf32>
      tpu.vector_store %arg8[%swap3A_383, %swap3A_384], %swap3A_387 {strides = array<i32>} : memref<32x1024xf32, #tpu.memory_space<vmem>>, vector<1x16xf32>,
      %get3A_388 = arith.index_cast %scan3A_58 : i32 to index
      %get3A_389 = arith.constant 320 : index
      %get3A_390 = tpu.vector_load %arg8[%get3A_388, %get3A_389] {strides = array<i32>} : memref<32x1024xf32, #tpu.memory_space<vmem>>, vector<1x16xf32>,
      %get3A_391 = vector.shape_cast %get3A_390 : vector<1x16xf32> to vector<16xf32>
      %mul3A_392 = arith.mulf %get3A_391, %get3A_64 : vector<16xf32>
      %get3A_393 = arith.index_cast %scan3A_58 : i32 to index
      %get3A_394 = arith.constant 320 : index
      %get3A_395 = tpu.vector_load %arg9[%get3A_393, %get3A_394] {strides = array<i32>} : memref<32x1024xf32, #tpu.memory_space<vmem>>, vector<1x16xf32>,
      %get3A_396 = vector.shape_cast %get3A_395 : vector<1x16xf32> to vector<16xf32>
      %mul3A_397 = arith.mulf %get3A_396, %get3A_68 : vector<16xf32>
      %add3A_398 = arith.addf %mul3A_392, %mul3A_397 : vector<16xf32>
      %swap3A_399 = arith.index_cast %scan3A_58 : i32 to index
      %swap3A_400 = arith.constant 320 : index
      %swap3A_401 = tpu.vector_load %arg8[%swap3A_399, %swap3A_400] {strides = array<i32>} : memref<32x1024xf32, #tpu.memory_space<vmem>>, vector<1x16xf32>,
      %swap3A_402 = vector.shape_cast %swap3A_401 : vector<1x16xf32> to vector<16xf32>
      %swap3A_403 = vector.shape_cast %add3A_398 : vector<16xf32> to vector<1x16xf32>
      tpu.vector_store %arg8[%swap3A_399, %swap3A_400], %swap3A_403 {strides = array<i32>} : memref<32x1024xf32, #tpu.memory_space<vmem>>, vector<1x16xf32>,
      %get3A_404 = arith.index_cast %scan3A_58 : i32 to index
      %get3A_405 = arith.constant 336 : index
      %get3A_406 = tpu.vector_load %arg8[%get3A_404, %get3A_405] {strides = array<i32>} : memref<32x1024xf32, #tpu.memory_space<vmem>>, vector<1x16xf32>,
      %get3A_407 = vector.shape_cast %get3A_406 : vector<1x16xf32> to vector<16xf32>
      %mul3A_408 = arith.mulf %get3A_407, %get3A_64 : vector<16xf32>
      %get3A_409 = arith.index_cast %scan3A_58 : i32 to index
      %get3A_410 = arith.constant 336 : index
      %get3A_411 = tpu.vector_load %arg9[%get3A_409, %get3A_410] {strides = array<i32>} : memref<32x1024xf32, #tpu.memory_space<vmem>>, vector<1x16xf32>,
      %get3A_412 = vector.shape_cast %get3A_411 : vector<1x16xf32> to vector<16xf32>
      %mul3A_413 = arith.mulf %get3A_412, %get3A_68 : vector<16xf32>
      %add3A_414 = arith.addf %mul3A_408, %mul3A_413 : vector<16xf32>
      %swap3A_415 = arith.index_cast %scan3A_58 : i32 to index
      %swap3A_416 = arith.constant 336 : index
      %swap3A_417 = tpu.vector_load %arg8[%swap3A_415, %swap3A_416] {strides = array<i32>} : memref<32x1024xf32, #tpu.memory_space<vmem>>, vector<1x16xf32>,
      %swap3A_418 = vector.shape_cast %swap3A_417 : vector<1x16xf32> to vector<16xf32>
      %swap3A_419 = vector.shape_cast %add3A_414 : vector<16xf32> to vector<1x16xf32>
      tpu.vector_store %arg8[%swap3A_415, %swap3A_416], %swap3A_419 {strides = array<i32>} : memref<32x1024xf32, #tpu.memory_space<vmem>>, vector<1x16xf32>,
      %get3A_420 = arith.index_cast %scan3A_58 : i32 to index
      %get3A_421 = arith.constant 352 : index
      %get3A_422 = tpu.vector_load %arg8[%get3A_420, %get3A_421] {strides = array<i32>} : memref<32x1024xf32, #tpu.memory_space<vmem>>, vector<1x16xf32>,
      %get3A_423 = vector.shape_cast %get3A_422 : vector<1x16xf32> to vector<16xf32>
      %mul3A_424 = arith.mulf %get3A_423, %get3A_64 : vector<16xf32>
      %get3A_425 = arith.index_cast %scan3A_58 : i32 to index
      %get3A_426 = arith.constant 352 : index
      %get3A_427 = tpu.vector_load %arg9[%get3A_425, %get3A_426] {strides = array<i32>} : memref<32x1024xf32, #tpu.memory_space<vmem>>, vector<1x16xf32>,
      %get3A_428 = vector.shape_cast %get3A_427 : vector<1x16xf32> to vector<16xf32>
      %mul3A_429 = arith.mulf %get3A_428, %get3A_68 : vector<16xf32>
      %add3A_430 = arith.addf %mul3A_424, %mul3A_429 : vector<16xf32>
      %swap3A_431 = arith.index_cast %scan3A_58 : i32 to index
      %swap3A_432 = arith.constant 352 : index
      %swap3A_433 = tpu.vector_load %arg8[%swap3A_431, %swap3A_432] {strides = array<i32>} : memref<32x1024xf32, #tpu.memory_space<vmem>>, vector<1x16xf32>,
      %swap3A_434 = vector.shape_cast %swap3A_433 : vector<1x16xf32> to vector<16xf32>
      %swap3A_435 = vector.shape_cast %add3A_430 : vector<16xf32> to vector<1x16xf32>
      tpu.vector_store %arg8[%swap3A_431, %swap3A_432], %swap3A_435 {strides = array<i32>} : memref<32x1024xf32, #tpu.memory_space<vmem>>, vector<1x16xf32>,
      %get3A_436 = arith.index_cast %scan3A_58 : i32 to index
      %get3A_437 = arith.constant 368 : index
      %get3A_438 = tpu.vector_load %arg8[%get3A_436, %get3A_437] {strides = array<i32>} : memref<32x1024xf32, #tpu.memory_space<vmem>>, vector<1x16xf32>,
      %get3A_439 = vector.shape_cast %get3A_438 : vector<1x16xf32> to vector<16xf32>
      %mul3A_440 = arith.mulf %get3A_439, %get3A_64 : vector<16xf32>
      %get3A_441 = arith.index_cast %scan3A_58 : i32 to index
      %get3A_442 = arith.constant 368 : index
      %get3A_443 = tpu.vector_load %arg9[%get3A_441, %get3A_442] {strides = array<i32>} : memref<32x1024xf32, #tpu.memory_space<vmem>>, vector<1x16xf32>,
      %get3A_444 = vector.shape_cast %get3A_443 : vector<1x16xf32> to vector<16xf32>
      %mul3A_445 = arith.mulf %get3A_444, %get3A_68 : vector<16xf32>
      %add3A_446 = arith.addf %mul3A_440, %mul3A_445 : vector<16xf32>
      %swap3A_447 = arith.index_cast %scan3A_58 : i32 to index
      %swap3A_448 = arith.constant 368 : index
      %swap3A_449 = tpu.vector_load %arg8[%swap3A_447, %swap3A_448] {strides = array<i32>} : memref<32x1024xf32, #tpu.memory_space<vmem>>, vector<1x16xf32>,
      %swap3A_450 = vector.shape_cast %swap3A_449 : vector<1x16xf32> to vector<16xf32>
      %swap3A_451 = vector.shape_cast %add3A_446 : vector<16xf32> to vector<1x16xf32>
      tpu.vector_store %arg8[%swap3A_447, %swap3A_448], %swap3A_451 {strides = array<i32>} : memref<32x1024xf32, #tpu.memory_space<vmem>>, vector<1x16xf32>,
      %get3A_452 = arith.index_cast %scan3A_58 : i32 to index
      %get3A_453 = arith.constant 384 : index
      %get3A_454 = tpu.vector_load %arg8[%get3A_452, %get3A_453] {strides = array<i32>} : memref<32x1024xf32, #tpu.memory_space<vmem>>, vector<1x16xf32>,
      %get3A_455 = vector.shape_cast %get3A_454 : vector<1x16xf32> to vector<16xf32>
      %mul3A_456 = arith.mulf %get3A_455, %get3A_64 : vector<16xf32>
      %get3A_457 = arith.index_cast %scan3A_58 : i32 to index
      %get3A_458 = arith.constant 384 : index
      %get3A_459 = tpu.vector_load %arg9[%get3A_457, %get3A_458] {strides = array<i32>} : memref<32x1024xf32, #tpu.memory_space<vmem>>, vector<1x16xf32>,
      %get3A_460 = vector.shape_cast %get3A_459 : vector<1x16xf32> to vector<16xf32>
      %mul3A_461 = arith.mulf %get3A_460, %get3A_68 : vector<16xf32>
      %add3A_462 = arith.addf %mul3A_456, %mul3A_461 : vector<16xf32>
      %swap3A_463 = arith.index_cast %scan3A_58 : i32 to index
      %swap3A_464 = arith.constant 384 : index
      %swap3A_465 = tpu.vector_load %arg8[%swap3A_463, %swap3A_464] {strides = array<i32>} : memref<32x1024xf32, #tpu.memory_space<vmem>>, vector<1x16xf32>,
      %swap3A_466 = vector.shape_cast %swap3A_465 : vector<1x16xf32> to vector<16xf32>
      %swap3A_467 = vector.shape_cast %add3A_462 : vector<16xf32> to vector<1x16xf32>
      tpu.vector_store %arg8[%swap3A_463, %swap3A_464], %swap3A_467 {strides = array<i32>} : memref<32x1024xf32, #tpu.memory_space<vmem>>, vector<1x16xf32>,
      %get3A_468 = arith.index_cast %scan3A_58 : i32 to index
      %get3A_469 = arith.constant 400 : index
      %get3A_470 = tpu.vector_load %arg8[%get3A_468, %get3A_469] {strides = array<i32>} : memref<32x1024xf32, #tpu.memory_space<vmem>>, vector<1x16xf32>,
      %get3A_471 = vector.shape_cast %get3A_470 : vector<1x16xf32> to vector<16xf32>
      %mul3A_472 = arith.mulf %get3A_471, %get3A_64 : vector<16xf32>
      %get3A_473 = arith.index_cast %scan3A_58 : i32 to index
      %get3A_474 = arith.constant 400 : index
      %get3A_475 = tpu.vector_load %arg9[%get3A_473, %get3A_474] {strides = array<i32>} : memref<32x1024xf32, #tpu.memory_space<vmem>>, vector<1x16xf32>,
      %get3A_476 = vector.shape_cast %get3A_475 : vector<1x16xf32> to vector<16xf32>
      %mul3A_477 = arith.mulf %get3A_476, %get3A_68 : vector<16xf32>
      %add3A_478 = arith.addf %mul3A_472, %mul3A_477 : vector<16xf32>
      %swap3A_479 = arith.index_cast %scan3A_58 : i32 to index
      %swap3A_480 = arith.constant 400 : index
      %swap3A_481 = tpu.vector_load %arg8[%swap3A_479, %swap3A_480] {strides = array<i32>} : memref<32x1024xf32, #tpu.memory_space<vmem>>, vector<1x16xf32>,
      %swap3A_482 = vector.shape_cast %swap3A_481 : vector<1x16xf32> to vector<16xf32>
      %swap3A_483 = vector.shape_cast %add3A_478 : vector<16xf32> to vector<1x16xf32>
      tpu.vector_store %arg8[%swap3A_479, %swap3A_480], %swap3A_483 {strides = array<i32>} : memref<32x1024xf32, #tpu.memory_space<vmem>>, vector<1x16xf32>,
      %get3A_484 = arith.index_cast %scan3A_58 : i32 to index
      %get3A_485 = arith.constant 416 : index
      %get3A_486 = tpu.vector_load %arg8[%get3A_484, %get3A_485] {strides = array<i32>} : memref<32x1024xf32, #tpu.memory_space<vmem>>, vector<1x16xf32>,
      %get3A_487 = vector.shape_cast %get3A_486 : vector<1x16xf32> to vector<16xf32>
      %mul3A_488 = arith.mulf %get3A_487, %get3A_64 : vector<16xf32>
      %get3A_489 = arith.index_cast %scan3A_58 : i32 to index
      %get3A_490 = arith.constant 416 : index
      %get3A_491 = tpu.vector_load %arg9[%get3A_489, %get3A_490] {strides = array<i32>} : memref<32x1024xf32, #tpu.memory_space<vmem>>, vector<1x16xf32>,
      %get3A_492 = vector.shape_cast %get3A_491 : vector<1x16xf32> to vector<16xf32>
      %mul3A_493 = arith.mulf %get3A_492, %get3A_68 : vector<16xf32>
      %add3A_494 = arith.addf %mul3A_488, %mul3A_493 : vector<16xf32>
      %swap3A_495 = arith.index_cast %scan3A_58 : i32 to index
      %swap3A_496 = arith.constant 416 : index
      %swap3A_497 = tpu.vector_load %arg8[%swap3A_495, %swap3A_496] {strides = array<i32>} : memref<32x1024xf32, #tpu.memory_space<vmem>>, vector<1x16xf32>,
      %swap3A_498 = vector.shape_cast %swap3A_497 : vector<1x16xf32> to vector<16xf32>
      %swap3A_499 = vector.shape_cast %add3A_494 : vector<16xf32> to vector<1x16xf32>
      tpu.vector_store %arg8[%swap3A_495, %swap3A_496], %swap3A_499 {strides = array<i32>} : memref<32x1024xf32, #tpu.memory_space<vmem>>, vector<1x16xf32>,
      %get3A_500 = arith.index_cast %scan3A_58 : i32 to index
      %get3A_501 = arith.constant 432 : index
      %get3A_502 = tpu.vector_load %arg8[%get3A_500, %get3A_501] {strides = array<i32>} : memref<32x1024xf32, #tpu.memory_space<vmem>>, vector<1x16xf32>,
      %get3A_503 = vector.shape_cast %get3A_502 : vector<1x16xf32> to vector<16xf32>
      %mul3A_504 = arith.mulf %get3A_503, %get3A_64 : vector<16xf32>
      %get3A_505 = arith.index_cast %scan3A_58 : i32 to index
      %get3A_506 = arith.constant 432 : index
      %get3A_507 = tpu.vector_load %arg9[%get3A_505, %get3A_506] {strides = array<i32>} : memref<32x1024xf32, #tpu.memory_space<vmem>>, vector<1x16xf32>,
      %get3A_508 = vector.shape_cast %get3A_507 : vector<1x16xf32> to vector<16xf32>
      %mul3A_509 = arith.mulf %get3A_508, %get3A_68 : vector<16xf32>
      %add3A_510 = arith.addf %mul3A_504, %mul3A_509 : vector<16xf32>
      %swap3A_511 = arith.index_cast %scan3A_58 : i32 to index
      %swap3A_512 = arith.constant 432 : index
      %swap3A_513 = tpu.vector_load %arg8[%swap3A_511, %swap3A_512] {strides = array<i32>} : memref<32x1024xf32, #tpu.memory_space<vmem>>, vector<1x16xf32>,
      %swap3A_514 = vector.shape_cast %swap3A_513 : vector<1x16xf32> to vector<16xf32>
      %swap3A_515 = vector.shape_cast %add3A_510 : vector<16xf32> to vector<1x16xf32>
      tpu.vector_store %arg8[%swap3A_511, %swap3A_512], %swap3A_515 {strides = array<i32>} : memref<32x1024xf32, #tpu.memory_space<vmem>>, vector<1x16xf32>,
      %get3A_516 = arith.index_cast %scan3A_58 : i32 to index
      %get3A_517 = arith.constant 448 : index
      %get3A_518 = tpu.vector_load %arg8[%get3A_516, %get3A_517] {strides = array<i32>} : memref<32x1024xf32, #tpu.memory_space<vmem>>, vector<1x16xf32>,
      %get3A_519 = vector.shape_cast %get3A_518 : vector<1x16xf32> to vector<16xf32>
      %mul3A_520 = arith.mulf %get3A_519, %get3A_64 : vector<16xf32>
      %get3A_521 = arith.index_cast %scan3A_58 : i32 to index
      %get3A_522 = arith.constant 448 : index
      %get3A_523 = tpu.vector_load %arg9[%get3A_521, %get3A_522] {strides = array<i32>} : memref<32x1024xf32, #tpu.memory_space<vmem>>, vector<1x16xf32>,
      %get3A_524 = vector.shape_cast %get3A_523 : vector<1x16xf32> to vector<16xf32>
      %mul3A_525 = arith.mulf %get3A_524, %get3A_68 : vector<16xf32>
      %add3A_526 = arith.addf %mul3A_520, %mul3A_525 : vector<16xf32>
      %swap3A_527 = arith.index_cast %scan3A_58 : i32 to index
      %swap3A_528 = arith.constant 448 : index
      %swap3A_529 = tpu.vector_load %arg8[%swap3A_527, %swap3A_528] {strides = array<i32>} : memref<32x1024xf32, #tpu.memory_space<vmem>>, vector<1x16xf32>,
      %swap3A_530 = vector.shape_cast %swap3A_529 : vector<1x16xf32> to vector<16xf32>
      %swap3A_531 = vector.shape_cast %add3A_526 : vector<16xf32> to vector<1x16xf32>
      tpu.vector_store %arg8[%swap3A_527, %swap3A_528], %swap3A_531 {strides = array<i32>} : memref<32x1024xf32, #tpu.memory_space<vmem>>, vector<1x16xf32>,
      %get3A_532 = arith.index_cast %scan3A_58 : i32 to index
      %get3A_533 = arith.constant 464 : index
      %get3A_534 = tpu.vector_load %arg8[%get3A_532, %get3A_533] {strides = array<i32>} : memref<32x1024xf32, #tpu.memory_space<vmem>>, vector<1x16xf32>,
      %get3A_535 = vector.shape_cast %get3A_534 : vector<1x16xf32> to vector<16xf32>
      %mul3A_536 = arith.mulf %get3A_535, %get3A_64 : vector<16xf32>
      %get3A_537 = arith.index_cast %scan3A_58 : i32 to index
      %get3A_538 = arith.constant 464 : index
      %get3A_539 = tpu.vector_load %arg9[%get3A_537, %get3A_538] {strides = array<i32>} : memref<32x1024xf32, #tpu.memory_space<vmem>>, vector<1x16xf32>,
      %get3A_540 = vector.shape_cast %get3A_539 : vector<1x16xf32> to vector<16xf32>
      %mul3A_541 = arith.mulf %get3A_540, %get3A_68 : vector<16xf32>
      %add3A_542 = arith.addf %mul3A_536, %mul3A_541 : vector<16xf32>
      %swap3A_543 = arith.index_cast %scan3A_58 : i32 to index
      %swap3A_544 = arith.constant 464 : index
      %swap3A_545 = tpu.vector_load %arg8[%swap3A_543, %swap3A_544] {strides = array<i32>} : memref<32x1024xf32, #tpu.memory_space<vmem>>, vector<1x16xf32>,
      %swap3A_546 = vector.shape_cast %swap3A_545 : vector<1x16xf32> to vector<16xf32>
      %swap3A_547 = vector.shape_cast %add3A_542 : vector<16xf32> to vector<1x16xf32>
      tpu.vector_store %arg8[%swap3A_543, %swap3A_544], %swap3A_547 {strides = array<i32>} : memref<32x1024xf32, #tpu.memory_space<vmem>>, vector<1x16xf32>,
      %get3A_548 = arith.index_cast %scan3A_58 : i32 to index
      %get3A_549 = arith.constant 480 : index
      %get3A_550 = tpu.vector_load %arg8[%get3A_548, %get3A_549] {strides = array<i32>} : memref<32x1024xf32, #tpu.memory_space<vmem>>, vector<1x16xf32>,
      %get3A_551 = vector.shape_cast %get3A_550 : vector<1x16xf32> to vector<16xf32>
      %mul3A_552 = arith.mulf %get3A_551, %get3A_64 : vector<16xf32>
      %get3A_553 = arith.index_cast %scan3A_58 : i32 to index
      %get3A_554 = arith.constant 480 : index
      %get3A_555 = tpu.vector_load %arg9[%get3A_553, %get3A_554] {strides = array<i32>} : memref<32x1024xf32, #tpu.memory_space<vmem>>, vector<1x16xf32>,
      %get3A_556 = vector.shape_cast %get3A_555 : vector<1x16xf32> to vector<16xf32>
      %mul3A_557 = arith.mulf %get3A_556, %get3A_68 : vector<16xf32>
      %add3A_558 = arith.addf %mul3A_552, %mul3A_557 : vector<16xf32>
      %swap3A_559 = arith.index_cast %scan3A_58 : i32 to index
      %swap3A_560 = arith.constant 480 : index
      %swap3A_561 = tpu.vector_load %arg8[%swap3A_559, %swap3A_560] {strides = array<i32>} : memref<32x1024xf32, #tpu.memory_space<vmem>>, vector<1x16xf32>,
      %swap3A_562 = vector.shape_cast %swap3A_561 : vector<1x16xf32> to vector<16xf32>
      %swap3A_563 = vector.shape_cast %add3A_558 : vector<16xf32> to vector<1x16xf32>
      tpu.vector_store %arg8[%swap3A_559, %swap3A_560], %swap3A_563 {strides = array<i32>} : memref<32x1024xf32, #tpu.memory_space<vmem>>, vector<1x16xf32>,
      %get3A_564 = arith.index_cast %scan3A_58 : i32 to index
      %get3A_565 = arith.constant 496 : index
      %get3A_566 = tpu.vector_load %arg8[%get3A_564, %get3A_565] {strides = array<i32>} : memref<32x1024xf32, #tpu.memory_space<vmem>>, vector<1x16xf32>,
      %get3A_567 = vector.shape_cast %get3A_566 : vector<1x16xf32> to vector<16xf32>
      %mul3A_568 = arith.mulf %get3A_567, %get3A_64 : vector<16xf32>
      %get3A_569 = arith.index_cast %scan3A_58 : i32 to index
      %get3A_570 = arith.constant 496 : index
      %get3A_571 = tpu.vector_load %arg9[%get3A_569, %get3A_570] {strides = array<i32>} : memref<32x1024xf32, #tpu.memory_space<vmem>>, vector<1x16xf32>,
      %get3A_572 = vector.shape_cast %get3A_571 : vector<1x16xf32> to vector<16xf32>
      %mul3A_573 = arith.mulf %get3A_572, %get3A_68 : vector<16xf32>
      %add3A_574 = arith.addf %mul3A_568, %mul3A_573 : vector<16xf32>
      %swap3A_575 = arith.index_cast %scan3A_58 : i32 to index
      %swap3A_576 = arith.constant 496 : index
      %swap3A_577 = tpu.vector_load %arg8[%swap3A_575, %swap3A_576] {strides = array<i32>} : memref<32x1024xf32, #tpu.memory_space<vmem>>, vector<1x16xf32>,
      %swap3A_578 = vector.shape_cast %swap3A_577 : vector<1x16xf32> to vector<16xf32>
      %swap3A_579 = vector.shape_cast %add3A_574 : vector<16xf32> to vector<1x16xf32>
      tpu.vector_store %arg8[%swap3A_575, %swap3A_576], %swap3A_579 {strides = array<i32>} : memref<32x1024xf32, #tpu.memory_space<vmem>>, vector<1x16xf32>,
      %get3A_580 = arith.index_cast %scan3A_58 : i32 to index
      %get3A_581 = arith.constant 512 : index
      %get3A_582 = tpu.vector_load %arg8[%get3A_580, %get3A_581] {strides = array<i32>} : memref<32x1024xf32, #tpu.memory_space<vmem>>, vector<1x16xf32>,
      %get3A_583 = vector.shape_cast %get3A_582 : vector<1x16xf32> to vector<16xf32>
      %mul3A_584 = arith.mulf %get3A_583, %get3A_64 : vector<16xf32>
      %get3A_585 = arith.index_cast %scan3A_58 : i32 to index
      %get3A_586 = arith.constant 512 : index
      %get3A_587 = tpu.vector_load %arg9[%get3A_585, %get3A_586] {strides = array<i32>} : memref<32x1024xf32, #tpu.memory_space<vmem>>, vector<1x16xf32>,
      %get3A_588 = vector.shape_cast %get3A_587 : vector<1x16xf32> to vector<16xf32>
      %mul3A_589 = arith.mulf %get3A_588, %get3A_68 : vector<16xf32>
      %add3A_590 = arith.addf %mul3A_584, %mul3A_589 : vector<16xf32>
      %swap3A_591 = arith.index_cast %scan3A_58 : i32 to index
      %swap3A_592 = arith.constant 512 : index
      %swap3A_593 = tpu.vector_load %arg8[%swap3A_591, %swap3A_592] {strides = array<i32>} : memref<32x1024xf32, #tpu.memory_space<vmem>>, vector<1x16xf32>,
      %swap3A_594 = vector.shape_cast %swap3A_593 : vector<1x16xf32> to vector<16xf32>
      %swap3A_595 = vector.shape_cast %add3A_590 : vector<16xf32> to vector<1x16xf32>
      tpu.vector_store %arg8[%swap3A_591, %swap3A_592], %swap3A_595 {strides = array<i32>} : memref<32x1024xf32, #tpu.memory_space<vmem>>, vector<1x16xf32>,
      %get3A_596 = arith.index_cast %scan3A_58 : i32 to index
      %get3A_597 = arith.constant 528 : index
      %get3A_598 = tpu.vector_load %arg8[%get3A_596, %get3A_597] {strides = array<i32>} : memref<32x1024xf32, #tpu.memory_space<vmem>>, vector<1x16xf32>,
      %get3A_599 = vector.shape_cast %get3A_598 : vector<1x16xf32> to vector<16xf32>
      %mul3A_600 = arith.mulf %get3A_599, %get3A_64 : vector<16xf32>
      %get3A_601 = arith.index_cast %scan3A_58 : i32 to index
      %get3A_602 = arith.constant 528 : index
      %get3A_603 = tpu.vector_load %arg9[%get3A_601, %get3A_602] {strides = array<i32>} : memref<32x1024xf32, #tpu.memory_space<vmem>>, vector<1x16xf32>,
      %get3A_604 = vector.shape_cast %get3A_603 : vector<1x16xf32> to vector<16xf32>
      %mul3A_605 = arith.mulf %get3A_604, %get3A_68 : vector<16xf32>
      %add3A_606 = arith.addf %mul3A_600, %mul3A_605 : vector<16xf32>
      %swap3A_607 = arith.index_cast %scan3A_58 : i32 to index
      %swap3A_608 = arith.constant 528 : index
      %swap3A_609 = tpu.vector_load %arg8[%swap3A_607, %swap3A_608] {strides = array<i32>} : memref<32x1024xf32, #tpu.memory_space<vmem>>, vector<1x16xf32>,
      %swap3A_610 = vector.shape_cast %swap3A_609 : vector<1x16xf32> to vector<16xf32>
      %swap3A_611 = vector.shape_cast %add3A_606 : vector<16xf32> to vector<1x16xf32>
      tpu.vector_store %arg8[%swap3A_607, %swap3A_608], %swap3A_611 {strides = array<i32>} : memref<32x1024xf32, #tpu.memory_space<vmem>>, vector<1x16xf32>,
      %get3A_612 = arith.index_cast %scan3A_58 : i32 to index
      %get3A_613 = arith.constant 544 : index
      %get3A_614 = tpu.vector_load %arg8[%get3A_612, %get3A_613] {strides = array<i32>} : memref<32x1024xf32, #tpu.memory_space<vmem>>, vector<1x16xf32>,
      %get3A_615 = vector.shape_cast %get3A_614 : vector<1x16xf32> to vector<16xf32>
      %mul3A_616 = arith.mulf %get3A_615, %get3A_64 : vector<16xf32>
      %get3A_617 = arith.index_cast %scan3A_58 : i32 to index
      %get3A_618 = arith.constant 544 : index
      %get3A_619 = tpu.vector_load %arg9[%get3A_617, %get3A_618] {strides = array<i32>} : memref<32x1024xf32, #tpu.memory_space<vmem>>, vector<1x16xf32>,
      %get3A_620 = vector.shape_cast %get3A_619 : vector<1x16xf32> to vector<16xf32>
      %mul3A_621 = arith.mulf %get3A_620, %get3A_68 : vector<16xf32>
      %add3A_622 = arith.addf %mul3A_616, %mul3A_621 : vector<16xf32>
      %swap3A_623 = arith.index_cast %scan3A_58 : i32 to index
      %swap3A_624 = arith.constant 544 : index
      %swap3A_625 = tpu.vector_load %arg8[%swap3A_623, %swap3A_624] {strides = array<i32>} : memref<32x1024xf32, #tpu.memory_space<vmem>>, vector<1x16xf32>,
      %swap3A_626 = vector.shape_cast %swap3A_625 : vector<1x16xf32> to vector<16xf32>
      %swap3A_627 = vector.shape_cast %add3A_622 : vector<16xf32> to vector<1x16xf32>
      tpu.vector_store %arg8[%swap3A_623, %swap3A_624], %swap3A_627 {strides = array<i32>} : memref<32x1024xf32, #tpu.memory_space<vmem>>, vector<1x16xf32>,
      %get3A_628 = arith.index_cast %scan3A_58 : i32 to index
      %get3A_629 = arith.constant 560 : index
      %get3A_630 = tpu.vector_load %arg8[%get3A_628, %get3A_629] {strides = array<i32>} : memref<32x1024xf32, #tpu.memory_space<vmem>>, vector<1x16xf32>,
      %get3A_631 = vector.shape_cast %get3A_630 : vector<1x16xf32> to vector<16xf32>
      %mul3A_632 = arith.mulf %get3A_631, %get3A_64 : vector<16xf32>
      %get3A_633 = arith.index_cast %scan3A_58 : i32 to index
      %get3A_634 = arith.constant 560 : index
      %get3A_635 = tpu.vector_load %arg9[%get3A_633, %get3A_634] {strides = array<i32>} : memref<32x1024xf32, #tpu.memory_space<vmem>>, vector<1x16xf32>,
      %get3A_636 = vector.shape_cast %get3A_635 : vector<1x16xf32> to vector<16xf32>
      %mul3A_637 = arith.mulf %get3A_636, %get3A_68 : vector<16xf32>
      %add3A_638 = arith.addf %mul3A_632, %mul3A_637 : vector<16xf32>
      %swap3A_639 = arith.index_cast %scan3A_58 : i32 to index
      %swap3A_640 = arith.constant 560 : index
      %swap3A_641 = tpu.vector_load %arg8[%swap3A_639, %swap3A_640] {strides = array<i32>} : memref<32x1024xf32, #tpu.memory_space<vmem>>, vector<1x16xf32>,
      %swap3A_642 = vector.shape_cast %swap3A_641 : vector<1x16xf32> to vector<16xf32>
      %swap3A_643 = vector.shape_cast %add3A_638 : vector<16xf32> to vector<1x16xf32>
      tpu.vector_store %arg8[%swap3A_639, %swap3A_640], %swap3A_643 {strides = array<i32>} : memref<32x1024xf32, #tpu.memory_space<vmem>>, vector<1x16xf32>,
      %get3A_644 = arith.index_cast %scan3A_58 : i32 to index
      %get3A_645 = arith.constant 576 : index
      %get3A_646 = tpu.vector_load %arg8[%get3A_644, %get3A_645] {strides = array<i32>} : memref<32x1024xf32, #tpu.memory_space<vmem>>, vector<1x16xf32>,
      %get3A_647 = vector.shape_cast %get3A_646 : vector<1x16xf32> to vector<16xf32>
      %mul3A_648 = arith.mulf %get3A_647, %get3A_64 : vector<16xf32>
      %get3A_649 = arith.index_cast %scan3A_58 : i32 to index
      %get3A_650 = arith.constant 576 : index
      %get3A_651 = tpu.vector_load %arg9[%get3A_649, %get3A_650] {strides = array<i32>} : memref<32x1024xf32, #tpu.memory_space<vmem>>, vector<1x16xf32>,
      %get3A_652 = vector.shape_cast %get3A_651 : vector<1x16xf32> to vector<16xf32>
      %mul3A_653 = arith.mulf %get3A_652, %get3A_68 : vector<16xf32>
      %add3A_654 = arith.addf %mul3A_648, %mul3A_653 : vector<16xf32>
      %swap3A_655 = arith.index_cast %scan3A_58 : i32 to index
      %swap3A_656 = arith.constant 576 : index
      %swap3A_657 = tpu.vector_load %arg8[%swap3A_655, %swap3A_656] {strides = array<i32>} : memref<32x1024xf32, #tpu.memory_space<vmem>>, vector<1x16xf32>,
      %swap3A_658 = vector.shape_cast %swap3A_657 : vector<1x16xf32> to vector<16xf32>
      %swap3A_659 = vector.shape_cast %add3A_654 : vector<16xf32> to vector<1x16xf32>
      tpu.vector_store %arg8[%swap3A_655, %swap3A_656], %swap3A_659 {strides = array<i32>} : memref<32x1024xf32, #tpu.memory_space<vmem>>, vector<1x16xf32>,
      %get3A_660 = arith.index_cast %scan3A_58 : i32 to index
      %get3A_661 = arith.constant 592 : index
      %get3A_662 = tpu.vector_load %arg8[%get3A_660, %get3A_661] {strides = array<i32>} : memref<32x1024xf32, #tpu.memory_space<vmem>>, vector<1x16xf32>,
      %get3A_663 = vector.shape_cast %get3A_662 : vector<1x16xf32> to vector<16xf32>
      %mul3A_664 = arith.mulf %get3A_663, %get3A_64 : vector<16xf32>
      %get3A_665 = arith.index_cast %scan3A_58 : i32 to index
      %get3A_666 = arith.constant 592 : index
      %get3A_667 = tpu.vector_load %arg9[%get3A_665, %get3A_666] {strides = array<i32>} : memref<32x1024xf32, #tpu.memory_space<vmem>>, vector<1x16xf32>,
      %get3A_668 = vector.shape_cast %get3A_667 : vector<1x16xf32> to vector<16xf32>
      %mul3A_669 = arith.mulf %get3A_668, %get3A_68 : vector<16xf32>
      %add3A_670 = arith.addf %mul3A_664, %mul3A_669 : vector<16xf32>
      %swap3A_671 = arith.index_cast %scan3A_58 : i32 to index
      %swap3A_672 = arith.constant 592 : index
      %swap3A_673 = tpu.vector_load %arg8[%swap3A_671, %swap3A_672] {strides = array<i32>} : memref<32x1024xf32, #tpu.memory_space<vmem>>, vector<1x16xf32>,
      %swap3A_674 = vector.shape_cast %swap3A_673 : vector<1x16xf32> to vector<16xf32>
      %swap3A_675 = vector.shape_cast %add3A_670 : vector<16xf32> to vector<1x16xf32>
      tpu.vector_store %arg8[%swap3A_671, %swap3A_672], %swap3A_675 {strides = array<i32>} : memref<32x1024xf32, #tpu.memory_space<vmem>>, vector<1x16xf32>,
      %get3A_676 = arith.index_cast %scan3A_58 : i32 to index
      %get3A_677 = arith.constant 608 : index
      %get3A_678 = tpu.vector_load %arg8[%get3A_676, %get3A_677] {strides = array<i32>} : memref<32x1024xf32, #tpu.memory_space<vmem>>, vector<1x16xf32>,
      %get3A_679 = vector.shape_cast %get3A_678 : vector<1x16xf32> to vector<16xf32>
      %mul3A_680 = arith.mulf %get3A_679, %get3A_64 : vector<16xf32>
      %get3A_681 = arith.index_cast %scan3A_58 : i32 to index
      %get3A_682 = arith.constant 608 : index
      %get3A_683 = tpu.vector_load %arg9[%get3A_681, %get3A_682] {strides = array<i32>} : memref<32x1024xf32, #tpu.memory_space<vmem>>, vector<1x16xf32>,
      %get3A_684 = vector.shape_cast %get3A_683 : vector<1x16xf32> to vector<16xf32>
      %mul3A_685 = arith.mulf %get3A_684, %get3A_68 : vector<16xf32>
      %add3A_686 = arith.addf %mul3A_680, %mul3A_685 : vector<16xf32>
      %swap3A_687 = arith.index_cast %scan3A_58 : i32 to index
      %swap3A_688 = arith.constant 608 : index
      %swap3A_689 = tpu.vector_load %arg8[%swap3A_687, %swap3A_688] {strides = array<i32>} : memref<32x1024xf32, #tpu.memory_space<vmem>>, vector<1x16xf32>,
      %swap3A_690 = vector.shape_cast %swap3A_689 : vector<1x16xf32> to vector<16xf32>
      %swap3A_691 = vector.shape_cast %add3A_686 : vector<16xf32> to vector<1x16xf32>
      tpu.vector_store %arg8[%swap3A_687, %swap3A_688], %swap3A_691 {strides = array<i32>} : memref<32x1024xf32, #tpu.memory_space<vmem>>, vector<1x16xf32>,
      %get3A_692 = arith.index_cast %scan3A_58 : i32 to index
      %get3A_693 = arith.constant 624 : index
      %get3A_694 = tpu.vector_load %arg8[%get3A_692, %get3A_693] {strides = array<i32>} : memref<32x1024xf32, #tpu.memory_space<vmem>>, vector<1x16xf32>,
      %get3A_695 = vector.shape_cast %get3A_694 : vector<1x16xf32> to vector<16xf32>
      %mul3A_696 = arith.mulf %get3A_695, %get3A_64 : vector<16xf32>
      %get3A_697 = arith.index_cast %scan3A_58 : i32 to index
      %get3A_698 = arith.constant 624 : index
      %get3A_699 = tpu.vector_load %arg9[%get3A_697, %get3A_698] {strides = array<i32>} : memref<32x1024xf32, #tpu.memory_space<vmem>>, vector<1x16xf32>,
      %get3A_700 = vector.shape_cast %get3A_699 : vector<1x16xf32> to vector<16xf32>
      %mul3A_701 = arith.mulf %get3A_700, %get3A_68 : vector<16xf32>
      %add3A_702 = arith.addf %mul3A_696, %mul3A_701 : vector<16xf32>
      %swap3A_703 = arith.index_cast %scan3A_58 : i32 to index
      %swap3A_704 = arith.constant 624 : index
      %swap3A_705 = tpu.vector_load %arg8[%swap3A_703, %swap3A_704] {strides = array<i32>} : memref<32x1024xf32, #tpu.memory_space<vmem>>, vector<1x16xf32>,
      %swap3A_706 = vector.shape_cast %swap3A_705 : vector<1x16xf32> to vector<16xf32>
      %swap3A_707 = vector.shape_cast %add3A_702 : vector<16xf32> to vector<1x16xf32>
      tpu.vector_store %arg8[%swap3A_703, %swap3A_704], %swap3A_707 {strides = array<i32>} : memref<32x1024xf32, #tpu.memory_space<vmem>>, vector<1x16xf32>,
      %get3A_708 = arith.index_cast %scan3A_58 : i32 to index
      %get3A_709 = arith.constant 640 : index
      %get3A_710 = tpu.vector_load %arg8[%get3A_708, %get3A_709] {strides = array<i32>} : memref<32x1024xf32, #tpu.memory_space<vmem>>, vector<1x16xf32>,
      %get3A_711 = vector.shape_cast %get3A_710 : vector<1x16xf32> to vector<16xf32>
      %mul3A_712 = arith.mulf %get3A_711, %get3A_64 : vector<16xf32>
      %get3A_713 = arith.index_cast %scan3A_58 : i32 to index
      %get3A_714 = arith.constant 640 : index
      %get3A_715 = tpu.vector_load %arg9[%get3A_713, %get3A_714] {strides = array<i32>} : memref<32x1024xf32, #tpu.memory_space<vmem>>, vector<1x16xf32>,
      %get3A_716 = vector.shape_cast %get3A_715 : vector<1x16xf32> to vector<16xf32>
      %mul3A_717 = arith.mulf %get3A_716, %get3A_68 : vector<16xf32>
      %add3A_718 = arith.addf %mul3A_712, %mul3A_717 : vector<16xf32>
      %swap3A_719 = arith.index_cast %scan3A_58 : i32 to index
      %swap3A_720 = arith.constant 640 : index
      %swap3A_721 = tpu.vector_load %arg8[%swap3A_719, %swap3A_720] {strides = array<i32>} : memref<32x1024xf32, #tpu.memory_space<vmem>>, vector<1x16xf32>,
      %swap3A_722 = vector.shape_cast %swap3A_721 : vector<1x16xf32> to vector<16xf32>
      %swap3A_723 = vector.shape_cast %add3A_718 : vector<16xf32> to vector<1x16xf32>
      tpu.vector_store %arg8[%swap3A_719, %swap3A_720], %swap3A_723 {strides = array<i32>} : memref<32x1024xf32, #tpu.memory_space<vmem>>, vector<1x16xf32>,
      %get3A_724 = arith.index_cast %scan3A_58 : i32 to index
      %get3A_725 = arith.constant 656 : index
      %get3A_726 = tpu.vector_load %arg8[%get3A_724, %get3A_725] {strides = array<i32>} : memref<32x1024xf32, #tpu.memory_space<vmem>>, vector<1x16xf32>,
      %get3A_727 = vector.shape_cast %get3A_726 : vector<1x16xf32> to vector<16xf32>
      %mul3A_728 = arith.mulf %get3A_727, %get3A_64 : vector<16xf32>
      %get3A_729 = arith.index_cast %scan3A_58 : i32 to index
      %get3A_730 = arith.constant 656 : index
      %get3A_731 = tpu.vector_load %arg9[%get3A_729, %get3A_730] {strides = array<i32>} : memref<32x1024xf32, #tpu.memory_space<vmem>>, vector<1x16xf32>,
      %get3A_732 = vector.shape_cast %get3A_731 : vector<1x16xf32> to vector<16xf32>
      %mul3A_733 = arith.mulf %get3A_732, %get3A_68 : vector<16xf32>
      %add3A_734 = arith.addf %mul3A_728, %mul3A_733 : vector<16xf32>
      %swap3A_735 = arith.index_cast %scan3A_58 : i32 to index
      %swap3A_736 = arith.constant 656 : index
      %swap3A_737 = tpu.vector_load %arg8[%swap3A_735, %swap3A_736] {strides = array<i32>} : memref<32x1024xf32, #tpu.memory_space<vmem>>, vector<1x16xf32>,
      %swap3A_738 = vector.shape_cast %swap3A_737 : vector<1x16xf32> to vector<16xf32>
      %swap3A_739 = vector.shape_cast %add3A_734 : vector<16xf32> to vector<1x16xf32>
      tpu.vector_store %arg8[%swap3A_735, %swap3A_736], %swap3A_739 {strides = array<i32>} : memref<32x1024xf32, #tpu.memory_space<vmem>>, vector<1x16xf32>,
      %get3A_740 = arith.index_cast %scan3A_58 : i32 to index
      %get3A_741 = arith.constant 672 : index
      %get3A_742 = tpu.vector_load %arg8[%get3A_740, %get3A_741] {strides = array<i32>} : memref<32x1024xf32, #tpu.memory_space<vmem>>, vector<1x16xf32>,
      %get3A_743 = vector.shape_cast %get3A_742 : vector<1x16xf32> to vector<16xf32>
      %mul3A_744 = arith.mulf %get3A_743, %get3A_64 : vector<16xf32>
      %get3A_745 = arith.index_cast %scan3A_58 : i32 to index
      %get3A_746 = arith.constant 672 : index
      %get3A_747 = tpu.vector_load %arg9[%get3A_745, %get3A_746] {strides = array<i32>} : memref<32x1024xf32, #tpu.memory_space<vmem>>, vector<1x16xf32>,
      %get3A_748 = vector.shape_cast %get3A_747 : vector<1x16xf32> to vector<16xf32>
      %mul3A_749 = arith.mulf %get3A_748, %get3A_68 : vector<16xf32>
      %add3A_750 = arith.addf %mul3A_744, %mul3A_749 : vector<16xf32>
      %swap3A_751 = arith.index_cast %scan3A_58 : i32 to index
      %swap3A_752 = arith.constant 672 : index
      %swap3A_753 = tpu.vector_load %arg8[%swap3A_751, %swap3A_752] {strides = array<i32>} : memref<32x1024xf32, #tpu.memory_space<vmem>>, vector<1x16xf32>,
      %swap3A_754 = vector.shape_cast %swap3A_753 : vector<1x16xf32> to vector<16xf32>
      %swap3A_755 = vector.shape_cast %add3A_750 : vector<16xf32> to vector<1x16xf32>
      tpu.vector_store %arg8[%swap3A_751, %swap3A_752], %swap3A_755 {strides = array<i32>} : memref<32x1024xf32, #tpu.memory_space<vmem>>, vector<1x16xf32>,
      %get3A_756 = arith.index_cast %scan3A_58 : i32 to index
      %get3A_757 = arith.constant 688 : index
      %get3A_758 = tpu.vector_load %arg8[%get3A_756, %get3A_757] {strides = array<i32>} : memref<32x1024xf32, #tpu.memory_space<vmem>>, vector<1x16xf32>,
      %get3A_759 = vector.shape_cast %get3A_758 : vector<1x16xf32> to vector<16xf32>
      %mul3A_760 = arith.mulf %get3A_759, %get3A_64 : vector<16xf32>
      %get3A_761 = arith.index_cast %scan3A_58 : i32 to index
      %get3A_762 = arith.constant 688 : index
      %get3A_763 = tpu.vector_load %arg9[%get3A_761, %get3A_762] {strides = array<i32>} : memref<32x1024xf32, #tpu.memory_space<vmem>>, vector<1x16xf32>,
      %get3A_764 = vector.shape_cast %get3A_763 : vector<1x16xf32> to vector<16xf32>
      %mul3A_765 = arith.mulf %get3A_764, %get3A_68 : vector<16xf32>
      %add3A_766 = arith.addf %mul3A_760, %mul3A_765 : vector<16xf32>
      %swap3A_767 = arith.index_cast %scan3A_58 : i32 to index
      %swap3A_768 = arith.constant 688 : index
      %swap3A_769 = tpu.vector_load %arg8[%swap3A_767, %swap3A_768] {strides = array<i32>} : memref<32x1024xf32, #tpu.memory_space<vmem>>, vector<1x16xf32>,
      %swap3A_770 = vector.shape_cast %swap3A_769 : vector<1x16xf32> to vector<16xf32>
      %swap3A_771 = vector.shape_cast %add3A_766 : vector<16xf32> to vector<1x16xf32>
      tpu.vector_store %arg8[%swap3A_767, %swap3A_768], %swap3A_771 {strides = array<i32>} : memref<32x1024xf32, #tpu.memory_space<vmem>>, vector<1x16xf32>,
      %get3A_772 = arith.index_cast %scan3A_58 : i32 to index
      %get3A_773 = arith.constant 704 : index
      %get3A_774 = tpu.vector_load %arg8[%get3A_772, %get3A_773] {strides = array<i32>} : memref<32x1024xf32, #tpu.memory_space<vmem>>, vector<1x16xf32>,
      %get3A_775 = vector.shape_cast %get3A_774 : vector<1x16xf32> to vector<16xf32>
      %mul3A_776 = arith.mulf %get3A_775, %get3A_64 : vector<16xf32>
      %get3A_777 = arith.index_cast %scan3A_58 : i32 to index
      %get3A_778 = arith.constant 704 : index
      %get3A_779 = tpu.vector_load %arg9[%get3A_777, %get3A_778] {strides = array<i32>} : memref<32x1024xf32, #tpu.memory_space<vmem>>, vector<1x16xf32>,
      %get3A_780 = vector.shape_cast %get3A_779 : vector<1x16xf32> to vector<16xf32>
      %mul3A_781 = arith.mulf %get3A_780, %get3A_68 : vector<16xf32>
      %add3A_782 = arith.addf %mul3A_776, %mul3A_781 : vector<16xf32>
      %swap3A_783 = arith.index_cast %scan3A_58 : i32 to index
      %swap3A_784 = arith.constant 704 : index
      %swap3A_785 = tpu.vector_load %arg8[%swap3A_783, %swap3A_784] {strides = array<i32>} : memref<32x1024xf32, #tpu.memory_space<vmem>>, vector<1x16xf32>,
      %swap3A_786 = vector.shape_cast %swap3A_785 : vector<1x16xf32> to vector<16xf32>
      %swap3A_787 = vector.shape_cast %add3A_782 : vector<16xf32> to vector<1x16xf32>
      tpu.vector_store %arg8[%swap3A_783, %swap3A_784], %swap3A_787 {strides = array<i32>} : memref<32x1024xf32, #tpu.memory_space<vmem>>, vector<1x16xf32>,
      %get3A_788 = arith.index_cast %scan3A_58 : i32 to index
      %get3A_789 = arith.constant 720 : index
      %get3A_790 = tpu.vector_load %arg8[%get3A_788, %get3A_789] {strides = array<i32>} : memref<32x1024xf32, #tpu.memory_space<vmem>>, vector<1x16xf32>,
      %get3A_791 = vector.shape_cast %get3A_790 : vector<1x16xf32> to vector<16xf32>
      %mul3A_792 = arith.mulf %get3A_791, %get3A_64 : vector<16xf32>
      %get3A_793 = arith.index_cast %scan3A_58 : i32 to index
      %get3A_794 = arith.constant 720 : index
      %get3A_795 = tpu.vector_load %arg9[%get3A_793, %get3A_794] {strides = array<i32>} : memref<32x1024xf32, #tpu.memory_space<vmem>>, vector<1x16xf32>,
      %get3A_796 = vector.shape_cast %get3A_795 : vector<1x16xf32> to vector<16xf32>
      %mul3A_797 = arith.mulf %get3A_796, %get3A_68 : vector<16xf32>
      %add3A_798 = arith.addf %mul3A_792, %mul3A_797 : vector<16xf32>
      %swap3A_799 = arith.index_cast %scan3A_58 : i32 to index
      %swap3A_800 = arith.constant 720 : index
      %swap3A_801 = tpu.vector_load %arg8[%swap3A_799, %swap3A_800] {strides = array<i32>} : memref<32x1024xf32, #tpu.memory_space<vmem>>, vector<1x16xf32>,
      %swap3A_802 = vector.shape_cast %swap3A_801 : vector<1x16xf32> to vector<16xf32>
      %swap3A_803 = vector.shape_cast %add3A_798 : vector<16xf32> to vector<1x16xf32>
      tpu.vector_store %arg8[%swap3A_799, %swap3A_800], %swap3A_803 {strides = array<i32>} : memref<32x1024xf32, #tpu.memory_space<vmem>>, vector<1x16xf32>,
      %get3A_804 = arith.index_cast %scan3A_58 : i32 to index
      %get3A_805 = arith.constant 736 : index
      %get3A_806 = tpu.vector_load %arg8[%get3A_804, %get3A_805] {strides = array<i32>} : memref<32x1024xf32, #tpu.memory_space<vmem>>, vector<1x16xf32>,
      %get3A_807 = vector.shape_cast %get3A_806 : vector<1x16xf32> to vector<16xf32>
      %mul3A_808 = arith.mulf %get3A_807, %get3A_64 : vector<16xf32>
      %get3A_809 = arith.index_cast %scan3A_58 : i32 to index
      %get3A_810 = arith.constant 736 : index
      %get3A_811 = tpu.vector_load %arg9[%get3A_809, %get3A_810] {strides = array<i32>} : memref<32x1024xf32, #tpu.memory_space<vmem>>, vector<1x16xf32>,
      %get3A_812 = vector.shape_cast %get3A_811 : vector<1x16xf32> to vector<16xf32>
      %mul3A_813 = arith.mulf %get3A_812, %get3A_68 : vector<16xf32>
      %add3A_814 = arith.addf %mul3A_808, %mul3A_813 : vector<16xf32>
      %swap3A_815 = arith.index_cast %scan3A_58 : i32 to index
      %swap3A_816 = arith.constant 736 : index
      %swap3A_817 = tpu.vector_load %arg8[%swap3A_815, %swap3A_816] {strides = array<i32>} : memref<32x1024xf32, #tpu.memory_space<vmem>>, vector<1x16xf32>,
      %swap3A_818 = vector.shape_cast %swap3A_817 : vector<1x16xf32> to vector<16xf32>
      %swap3A_819 = vector.shape_cast %add3A_814 : vector<16xf32> to vector<1x16xf32>
      tpu.vector_store %arg8[%swap3A_815, %swap3A_816], %swap3A_819 {strides = array<i32>} : memref<32x1024xf32, #tpu.memory_space<vmem>>, vector<1x16xf32>,
      %get3A_820 = arith.index_cast %scan3A_58 : i32 to index
      %get3A_821 = arith.constant 752 : index
      %get3A_822 = tpu.vector_load %arg8[%get3A_820, %get3A_821] {strides = array<i32>} : memref<32x1024xf32, #tpu.memory_space<vmem>>, vector<1x16xf32>,
      %get3A_823 = vector.shape_cast %get3A_822 : vector<1x16xf32> to vector<16xf32>
      %mul3A_824 = arith.mulf %get3A_823, %get3A_64 : vector<16xf32>
      %get3A_825 = arith.index_cast %scan3A_58 : i32 to index
      %get3A_826 = arith.constant 752 : index
      %get3A_827 = tpu.vector_load %arg9[%get3A_825, %get3A_826] {strides = array<i32>} : memref<32x1024xf32, #tpu.memory_space<vmem>>, vector<1x16xf32>,
      %get3A_828 = vector.shape_cast %get3A_827 : vector<1x16xf32> to vector<16xf32>
      %mul3A_829 = arith.mulf %get3A_828, %get3A_68 : vector<16xf32>
      %add3A_830 = arith.addf %mul3A_824, %mul3A_829 : vector<16xf32>
      %swap3A_831 = arith.index_cast %scan3A_58 : i32 to index
      %swap3A_832 = arith.constant 752 : index
      %swap3A_833 = tpu.vector_load %arg8[%swap3A_831, %swap3A_832] {strides = array<i32>} : memref<32x1024xf32, #tpu.memory_space<vmem>>, vector<1x16xf32>,
      %swap3A_834 = vector.shape_cast %swap3A_833 : vector<1x16xf32> to vector<16xf32>
      %swap3A_835 = vector.shape_cast %add3A_830 : vector<16xf32> to vector<1x16xf32>
      tpu.vector_store %arg8[%swap3A_831, %swap3A_832], %swap3A_835 {strides = array<i32>} : memref<32x1024xf32, #tpu.memory_space<vmem>>, vector<1x16xf32>,
      %get3A_836 = arith.index_cast %scan3A_58 : i32 to index
      %get3A_837 = arith.constant 768 : index
      %get3A_838 = tpu.vector_load %arg8[%get3A_836, %get3A_837] {strides = array<i32>} : memref<32x1024xf32, #tpu.memory_space<vmem>>, vector<1x16xf32>,
      %get3A_839 = vector.shape_cast %get3A_838 : vector<1x16xf32> to vector<16xf32>
      %mul3A_840 = arith.mulf %get3A_839, %get3A_64 : vector<16xf32>
      %get3A_841 = arith.index_cast %scan3A_58 : i32 to index
      %get3A_842 = arith.constant 768 : index
      %get3A_843 = tpu.vector_load %arg9[%get3A_841, %get3A_842] {strides = array<i32>} : memref<32x1024xf32, #tpu.memory_space<vmem>>, vector<1x16xf32>,
      %get3A_844 = vector.shape_cast %get3A_843 : vector<1x16xf32> to vector<16xf32>
      %mul3A_845 = arith.mulf %get3A_844, %get3A_68 : vector<16xf32>
      %add3A_846 = arith.addf %mul3A_840, %mul3A_845 : vector<16xf32>
      %swap3A_847 = arith.index_cast %scan3A_58 : i32 to index
      %swap3A_848 = arith.constant 768 : index
      %swap3A_849 = tpu.vector_load %arg8[%swap3A_847, %swap3A_848] {strides = array<i32>} : memref<32x1024xf32, #tpu.memory_space<vmem>>, vector<1x16xf32>,
      %swap3A_850 = vector.shape_cast %swap3A_849 : vector<1x16xf32> to vector<16xf32>
      %swap3A_851 = vector.shape_cast %add3A_846 : vector<16xf32> to vector<1x16xf32>
      tpu.vector_store %arg8[%swap3A_847, %swap3A_848], %swap3A_851 {strides = array<i32>} : memref<32x1024xf32, #tpu.memory_space<vmem>>, vector<1x16xf32>,
      %get3A_852 = arith.index_cast %scan3A_58 : i32 to index
      %get3A_853 = arith.constant 784 : index
      %get3A_854 = tpu.vector_load %arg8[%get3A_852, %get3A_853] {strides = array<i32>} : memref<32x1024xf32, #tpu.memory_space<vmem>>, vector<1x16xf32>,
      %get3A_855 = vector.shape_cast %get3A_854 : vector<1x16xf32> to vector<16xf32>
      %mul3A_856 = arith.mulf %get3A_855, %get3A_64 : vector<16xf32>
      %get3A_857 = arith.index_cast %scan3A_58 : i32 to index
      %get3A_858 = arith.constant 784 : index
      %get3A_859 = tpu.vector_load %arg9[%get3A_857, %get3A_858] {strides = array<i32>} : memref<32x1024xf32, #tpu.memory_space<vmem>>, vector<1x16xf32>,
      %get3A_860 = vector.shape_cast %get3A_859 : vector<1x16xf32> to vector<16xf32>
      %mul3A_861 = arith.mulf %get3A_860, %get3A_68 : vector<16xf32>
      %add3A_862 = arith.addf %mul3A_856, %mul3A_861 : vector<16xf32>
      %swap3A_863 = arith.index_cast %scan3A_58 : i32 to index
      %swap3A_864 = arith.constant 784 : index
      %swap3A_865 = tpu.vector_load %arg8[%swap3A_863, %swap3A_864] {strides = array<i32>} : memref<32x1024xf32, #tpu.memory_space<vmem>>, vector<1x16xf32>,
      %swap3A_866 = vector.shape_cast %swap3A_865 : vector<1x16xf32> to vector<16xf32>
      %swap3A_867 = vector.shape_cast %add3A_862 : vector<16xf32> to vector<1x16xf32>
      tpu.vector_store %arg8[%swap3A_863, %swap3A_864], %swap3A_867 {strides = array<i32>} : memref<32x1024xf32, #tpu.memory_space<vmem>>, vector<1x16xf32>,
      %get3A_868 = arith.index_cast %scan3A_58 : i32 to index
      %get3A_869 = arith.constant 800 : index
      %get3A_870 = tpu.vector_load %arg8[%get3A_868, %get3A_869] {strides = array<i32>} : memref<32x1024xf32, #tpu.memory_space<vmem>>, vector<1x16xf32>,
      %get3A_871 = vector.shape_cast %get3A_870 : vector<1x16xf32> to vector<16xf32>
      %mul3A_872 = arith.mulf %get3A_871, %get3A_64 : vector<16xf32>
      %get3A_873 = arith.index_cast %scan3A_58 : i32 to index
      %get3A_874 = arith.constant 800 : index
      %get3A_875 = tpu.vector_load %arg9[%get3A_873, %get3A_874] {strides = array<i32>} : memref<32x1024xf32, #tpu.memory_space<vmem>>, vector<1x16xf32>,
      %get3A_876 = vector.shape_cast %get3A_875 : vector<1x16xf32> to vector<16xf32>
      %mul3A_877 = arith.mulf %get3A_876, %get3A_68 : vector<16xf32>
      %add3A_878 = arith.addf %mul3A_872, %mul3A_877 : vector<16xf32>
      %swap3A_879 = arith.index_cast %scan3A_58 : i32 to index
      %swap3A_880 = arith.constant 800 : index
      %swap3A_881 = tpu.vector_load %arg8[%swap3A_879, %swap3A_880] {strides = array<i32>} : memref<32x1024xf32, #tpu.memory_space<vmem>>, vector<1x16xf32>,
      %swap3A_882 = vector.shape_cast %swap3A_881 : vector<1x16xf32> to vector<16xf32>
      %swap3A_883 = vector.shape_cast %add3A_878 : vector<16xf32> to vector<1x16xf32>
      tpu.vector_store %arg8[%swap3A_879, %swap3A_880], %swap3A_883 {strides = array<i32>} : memref<32x1024xf32, #tpu.memory_space<vmem>>, vector<1x16xf32>,
      %get3A_884 = arith.index_cast %scan3A_58 : i32 to index
      %get3A_885 = arith.constant 816 : index
      %get3A_886 = tpu.vector_load %arg8[%get3A_884, %get3A_885] {strides = array<i32>} : memref<32x1024xf32, #tpu.memory_space<vmem>>, vector<1x16xf32>,
      %get3A_887 = vector.shape_cast %get3A_886 : vector<1x16xf32> to vector<16xf32>
      %mul3A_888 = arith.mulf %get3A_887, %get3A_64 : vector<16xf32>
      %get3A_889 = arith.index_cast %scan3A_58 : i32 to index
      %get3A_890 = arith.constant 816 : index
      %get3A_891 = tpu.vector_load %arg9[%get3A_889, %get3A_890] {strides = array<i32>} : memref<32x1024xf32, #tpu.memory_space<vmem>>, vector<1x16xf32>,
      %get3A_892 = vector.shape_cast %get3A_891 : vector<1x16xf32> to vector<16xf32>
      %mul3A_893 = arith.mulf %get3A_892, %get3A_68 : vector<16xf32>
      %add3A_894 = arith.addf %mul3A_888, %mul3A_893 : vector<16xf32>
      %swap3A_895 = arith.index_cast %scan3A_58 : i32 to index
      %swap3A_896 = arith.constant 816 : index
      %swap3A_897 = tpu.vector_load %arg8[%swap3A_895, %swap3A_896] {strides = array<i32>} : memref<32x1024xf32, #tpu.memory_space<vmem>>, vector<1x16xf32>,
      %swap3A_898 = vector.shape_cast %swap3A_897 : vector<1x16xf32> to vector<16xf32>
      %swap3A_899 = vector.shape_cast %add3A_894 : vector<16xf32> to vector<1x16xf32>
      tpu.vector_store %arg8[%swap3A_895, %swap3A_896], %swap3A_899 {strides = array<i32>} : memref<32x1024xf32, #tpu.memory_space<vmem>>, vector<1x16xf32>,
      %get3A_900 = arith.index_cast %scan3A_58 : i32 to index
      %get3A_901 = arith.constant 832 : index
      %get3A_902 = tpu.vector_load %arg8[%get3A_900, %get3A_901] {strides = array<i32>} : memref<32x1024xf32, #tpu.memory_space<vmem>>, vector<1x16xf32>,
      %get3A_903 = vector.shape_cast %get3A_902 : vector<1x16xf32> to vector<16xf32>
      %mul3A_904 = arith.mulf %get3A_903, %get3A_64 : vector<16xf32>
      %get3A_905 = arith.index_cast %scan3A_58 : i32 to index
      %get3A_906 = arith.constant 832 : index
      %get3A_907 = tpu.vector_load %arg9[%get3A_905, %get3A_906] {strides = array<i32>} : memref<32x1024xf32, #tpu.memory_space<vmem>>, vector<1x16xf32>,
      %get3A_908 = vector.shape_cast %get3A_907 : vector<1x16xf32> to vector<16xf32>
      %mul3A_909 = arith.mulf %get3A_908, %get3A_68 : vector<16xf32>
      %add3A_910 = arith.addf %mul3A_904, %mul3A_909 : vector<16xf32>
      %swap3A_911 = arith.index_cast %scan3A_58 : i32 to index
      %swap3A_912 = arith.constant 832 : index
      %swap3A_913 = tpu.vector_load %arg8[%swap3A_911, %swap3A_912] {strides = array<i32>} : memref<32x1024xf32, #tpu.memory_space<vmem>>, vector<1x16xf32>,
      %swap3A_914 = vector.shape_cast %swap3A_913 : vector<1x16xf32> to vector<16xf32>
      %swap3A_915 = vector.shape_cast %add3A_910 : vector<16xf32> to vector<1x16xf32>
      tpu.vector_store %arg8[%swap3A_911, %swap3A_912], %swap3A_915 {strides = array<i32>} : memref<32x1024xf32, #tpu.memory_space<vmem>>, vector<1x16xf32>,
      %get3A_916 = arith.index_cast %scan3A_58 : i32 to index
      %get3A_917 = arith.constant 848 : index
      %get3A_918 = tpu.vector_load %arg8[%get3A_916, %get3A_917] {strides = array<i32>} : memref<32x1024xf32, #tpu.memory_space<vmem>>, vector<1x16xf32>,
      %get3A_919 = vector.shape_cast %get3A_918 : vector<1x16xf32> to vector<16xf32>
      %mul3A_920 = arith.mulf %get3A_919, %get3A_64 : vector<16xf32>
      %get3A_921 = arith.index_cast %scan3A_58 : i32 to index
      %get3A_922 = arith.constant 848 : index
      %get3A_923 = tpu.vector_load %arg9[%get3A_921, %get3A_922] {strides = array<i32>} : memref<32x1024xf32, #tpu.memory_space<vmem>>, vector<1x16xf32>,
      %get3A_924 = vector.shape_cast %get3A_923 : vector<1x16xf32> to vector<16xf32>
      %mul3A_925 = arith.mulf %get3A_924, %get3A_68 : vector<16xf32>
      %add3A_926 = arith.addf %mul3A_920, %mul3A_925 : vector<16xf32>
      %swap3A_927 = arith.index_cast %scan3A_58 : i32 to index
      %swap3A_928 = arith.constant 848 : index
      %swap3A_929 = tpu.vector_load %arg8[%swap3A_927, %swap3A_928] {strides = array<i32>} : memref<32x1024xf32, #tpu.memory_space<vmem>>, vector<1x16xf32>,
      %swap3A_930 = vector.shape_cast %swap3A_929 : vector<1x16xf32> to vector<16xf32>
      %swap3A_931 = vector.shape_cast %add3A_926 : vector<16xf32> to vector<1x16xf32>
      tpu.vector_store %arg8[%swap3A_927, %swap3A_928], %swap3A_931 {strides = array<i32>} : memref<32x1024xf32, #tpu.memory_space<vmem>>, vector<1x16xf32>,
      %get3A_932 = arith.index_cast %scan3A_58 : i32 to index
      %get3A_933 = arith.constant 864 : index
      %get3A_934 = tpu.vector_load %arg8[%get3A_932, %get3A_933] {strides = array<i32>} : memref<32x1024xf32, #tpu.memory_space<vmem>>, vector<1x16xf32>,
      %get3A_935 = vector.shape_cast %get3A_934 : vector<1x16xf32> to vector<16xf32>
      %mul3A_936 = arith.mulf %get3A_935, %get3A_64 : vector<16xf32>
      %get3A_937 = arith.index_cast %scan3A_58 : i32 to index
      %get3A_938 = arith.constant 864 : index
      %get3A_939 = tpu.vector_load %arg9[%get3A_937, %get3A_938] {strides = array<i32>} : memref<32x1024xf32, #tpu.memory_space<vmem>>, vector<1x16xf32>,
      %get3A_940 = vector.shape_cast %get3A_939 : vector<1x16xf32> to vector<16xf32>
      %mul3A_941 = arith.mulf %get3A_940, %get3A_68 : vector<16xf32>
      %add3A_942 = arith.addf %mul3A_936, %mul3A_941 : vector<16xf32>
      %swap3A_943 = arith.index_cast %scan3A_58 : i32 to index
      %swap3A_944 = arith.constant 864 : index
      %swap3A_945 = tpu.vector_load %arg8[%swap3A_943, %swap3A_944] {strides = array<i32>} : memref<32x1024xf32, #tpu.memory_space<vmem>>, vector<1x16xf32>,
      %swap3A_946 = vector.shape_cast %swap3A_945 : vector<1x16xf32> to vector<16xf32>
      %swap3A_947 = vector.shape_cast %add3A_942 : vector<16xf32> to vector<1x16xf32>
      tpu.vector_store %arg8[%swap3A_943, %swap3A_944], %swap3A_947 {strides = array<i32>} : memref<32x1024xf32, #tpu.memory_space<vmem>>, vector<1x16xf32>,
      %get3A_948 = arith.index_cast %scan3A_58 : i32 to index
      %get3A_949 = arith.constant 880 : index
      %get3A_950 = tpu.vector_load %arg8[%get3A_948, %get3A_949] {strides = array<i32>} : memref<32x1024xf32, #tpu.memory_space<vmem>>, vector<1x16xf32>,
      %get3A_951 = vector.shape_cast %get3A_950 : vector<1x16xf32> to vector<16xf32>
      %mul3A_952 = arith.mulf %get3A_951, %get3A_64 : vector<16xf32>
      %get3A_953 = arith.index_cast %scan3A_58 : i32 to index
      %get3A_954 = arith.constant 880 : index
      %get3A_955 = tpu.vector_load %arg9[%get3A_953, %get3A_954] {strides = array<i32>} : memref<32x1024xf32, #tpu.memory_space<vmem>>, vector<1x16xf32>,
      %get3A_956 = vector.shape_cast %get3A_955 : vector<1x16xf32> to vector<16xf32>
      %mul3A_957 = arith.mulf %get3A_956, %get3A_68 : vector<16xf32>
      %add3A_958 = arith.addf %mul3A_952, %mul3A_957 : vector<16xf32>
      %swap3A_959 = arith.index_cast %scan3A_58 : i32 to index
      %swap3A_960 = arith.constant 880 : index
      %swap3A_961 = tpu.vector_load %arg8[%swap3A_959, %swap3A_960] {strides = array<i32>} : memref<32x1024xf32, #tpu.memory_space<vmem>>, vector<1x16xf32>,
      %swap3A_962 = vector.shape_cast %swap3A_961 : vector<1x16xf32> to vector<16xf32>
      %swap3A_963 = vector.shape_cast %add3A_958 : vector<16xf32> to vector<1x16xf32>
      tpu.vector_store %arg8[%swap3A_959, %swap3A_960], %swap3A_963 {strides = array<i32>} : memref<32x1024xf32, #tpu.memory_space<vmem>>, vector<1x16xf32>,
      %get3A_964 = arith.index_cast %scan3A_58 : i32 to index
      %get3A_965 = arith.constant 896 : index
      %get3A_966 = tpu.vector_load %arg8[%get3A_964, %get3A_965] {strides = array<i32>} : memref<32x1024xf32, #tpu.memory_space<vmem>>, vector<1x16xf32>,
      %get3A_967 = vector.shape_cast %get3A_966 : vector<1x16xf32> to vector<16xf32>
      %mul3A_968 = arith.mulf %get3A_967, %get3A_64 : vector<16xf32>
      %get3A_969 = arith.index_cast %scan3A_58 : i32 to index
      %get3A_970 = arith.constant 896 : index
      %get3A_971 = tpu.vector_load %arg9[%get3A_969, %get3A_970] {strides = array<i32>} : memref<32x1024xf32, #tpu.memory_space<vmem>>, vector<1x16xf32>,
      %get3A_972 = vector.shape_cast %get3A_971 : vector<1x16xf32> to vector<16xf32>
      %mul3A_973 = arith.mulf %get3A_972, %get3A_68 : vector<16xf32>
      %add3A_974 = arith.addf %mul3A_968, %mul3A_973 : vector<16xf32>
      %swap3A_975 = arith.index_cast %scan3A_58 : i32 to index
      %swap3A_976 = arith.constant 896 : index
      %swap3A_977 = tpu.vector_load %arg8[%swap3A_975, %swap3A_976] {strides = array<i32>} : memref<32x1024xf32, #tpu.memory_space<vmem>>, vector<1x16xf32>,
      %swap3A_978 = vector.shape_cast %swap3A_977 : vector<1x16xf32> to vector<16xf32>
      %swap3A_979 = vector.shape_cast %add3A_974 : vector<16xf32> to vector<1x16xf32>
      tpu.vector_store %arg8[%swap3A_975, %swap3A_976], %swap3A_979 {strides = array<i32>} : memref<32x1024xf32, #tpu.memory_space<vmem>>, vector<1x16xf32>,
      %get3A_980 = arith.index_cast %scan3A_58 : i32 to index
      %get3A_981 = arith.constant 912 : index
      %get3A_982 = tpu.vector_load %arg8[%get3A_980, %get3A_981] {strides = array<i32>} : memref<32x1024xf32, #tpu.memory_space<vmem>>, vector<1x16xf32>,
      %get3A_983 = vector.shape_cast %get3A_982 : vector<1x16xf32> to vector<16xf32>
      %mul3A_984 = arith.mulf %get3A_983, %get3A_64 : vector<16xf32>
      %get3A_985 = arith.index_cast %scan3A_58 : i32 to index
      %get3A_986 = arith.constant 912 : index
      %get3A_987 = tpu.vector_load %arg9[%get3A_985, %get3A_986] {strides = array<i32>} : memref<32x1024xf32, #tpu.memory_space<vmem>>, vector<1x16xf32>,
      %get3A_988 = vector.shape_cast %get3A_987 : vector<1x16xf32> to vector<16xf32>
      %mul3A_989 = arith.mulf %get3A_988, %get3A_68 : vector<16xf32>
      %add3A_990 = arith.addf %mul3A_984, %mul3A_989 : vector<16xf32>
      %swap3A_991 = arith.index_cast %scan3A_58 : i32 to index
      %swap3A_992 = arith.constant 912 : index
      %swap3A_993 = tpu.vector_load %arg8[%swap3A_991, %swap3A_992] {strides = array<i32>} : memref<32x1024xf32, #tpu.memory_space<vmem>>, vector<1x16xf32>,
      %swap3A_994 = vector.shape_cast %swap3A_993 : vector<1x16xf32> to vector<16xf32>
      %swap3A_995 = vector.shape_cast %add3A_990 : vector<16xf32> to vector<1x16xf32>
      tpu.vector_store %arg8[%swap3A_991, %swap3A_992], %swap3A_995 {strides = array<i32>} : memref<32x1024xf32, #tpu.memory_space<vmem>>, vector<1x16xf32>,
      %get3A_996 = arith.index_cast %scan3A_58 : i32 to index
      %get3A_997 = arith.constant 928 : index
      %get3A_998 = tpu.vector_load %arg8[%get3A_996, %get3A_997] {strides = array<i32>} : memref<32x1024xf32, #tpu.memory_space<vmem>>, vector<1x16xf32>,
      %get3A_999 = vector.shape_cast %get3A_998 : vector<1x16xf32> to vector<16xf32>
      %mul3A_1000 = arith.mulf %get3A_999, %get3A_64 : vector<16xf32>
      %get3A_1001 = arith.index_cast %scan3A_58 : i32 to index
      %get3A_1002 = arith.constant 928 : index
      %get3A_1003 = tpu.vector_load %arg9[%get3A_1001, %get3A_1002] {strides = array<i32>} : memref<32x1024xf32, #tpu.memory_space<vmem>>, vector<1x16xf32>,
      %get3A_1004 = vector.shape_cast %get3A_1003 : vector<1x16xf32> to vector<16xf32>
      %mul3A_1005 = arith.mulf %get3A_1004, %get3A_68 : vector<16xf32>
      %add3A_1006 = arith.addf %mul3A_1000, %mul3A_1005 : vector<16xf32>
      %swap3A_1007 = arith.index_cast %scan3A_58 : i32 to index
      %swap3A_1008 = arith.constant 928 : index
      %swap3A_1009 = tpu.vector_load %arg8[%swap3A_1007, %swap3A_1008] {strides = array<i32>} : memref<32x1024xf32, #tpu.memory_space<vmem>>, vector<1x16xf32>,
      %swap3A_1010 = vector.shape_cast %swap3A_1009 : vector<1x16xf32> to vector<16xf32>
      %swap3A_1011 = vector.shape_cast %add3A_1006 : vector<16xf32> to vector<1x16xf32>
      tpu.vector_store %arg8[%swap3A_1007, %swap3A_1008], %swap3A_1011 {strides = array<i32>} : memref<32x1024xf32, #tpu.memory_space<vmem>>, vector<1x16xf32>,
      %get3A_1012 = arith.index_cast %scan3A_58 : i32 to index
      %get3A_1013 = arith.constant 944 : index
      %get3A_1014 = tpu.vector_load %arg8[%get3A_1012, %get3A_1013] {strides = array<i32>} : memref<32x1024xf32, #tpu.memory_space<vmem>>, vector<1x16xf32>,
      %get3A_1015 = vector.shape_cast %get3A_1014 : vector<1x16xf32> to vector<16xf32>
      %mul3A_1016 = arith.mulf %get3A_1015, %get3A_64 : vector<16xf32>
      %get3A_1017 = arith.index_cast %scan3A_58 : i32 to index
      %get3A_1018 = arith.constant 944 : index
      %get3A_1019 = tpu.vector_load %arg9[%get3A_1017, %get3A_1018] {strides = array<i32>} : memref<32x1024xf32, #tpu.memory_space<vmem>>, vector<1x16xf32>,
      %get3A_1020 = vector.shape_cast %get3A_1019 : vector<1x16xf32> to vector<16xf32>
      %mul3A_1021 = arith.mulf %get3A_1020, %get3A_68 : vector<16xf32>
      %add3A_1022 = arith.addf %mul3A_1016, %mul3A_1021 : vector<16xf32>
      %swap3A_1023 = arith.index_cast %scan3A_58 : i32 to index
      %swap3A_1024 = arith.constant 944 : index
      %swap3A_1025 = tpu.vector_load %arg8[%swap3A_1023, %swap3A_1024] {strides = array<i32>} : memref<32x1024xf32, #tpu.memory_space<vmem>>, vector<1x16xf32>,
      %swap3A_1026 = vector.shape_cast %swap3A_1025 : vector<1x16xf32> to vector<16xf32>
      %swap3A_1027 = vector.shape_cast %add3A_1022 : vector<16xf32> to vector<1x16xf32>
      tpu.vector_store %arg8[%swap3A_1023, %swap3A_1024], %swap3A_1027 {strides = array<i32>} : memref<32x1024xf32, #tpu.memory_space<vmem>>, vector<1x16xf32>,
      %get3A_1028 = arith.index_cast %scan3A_58 : i32 to index
      %get3A_1029 = arith.constant 960 : index
      %get3A_1030 = tpu.vector_load %arg8[%get3A_1028, %get3A_1029] {strides = array<i32>} : memref<32x1024xf32, #tpu.memory_space<vmem>>, vector<1x16xf32>,
      %get3A_1031 = vector.shape_cast %get3A_1030 : vector<1x16xf32> to vector<16xf32>
      %mul3A_1032 = arith.mulf %get3A_1031, %get3A_64 : vector<16xf32>
      %get3A_1033 = arith.index_cast %scan3A_58 : i32 to index
      %get3A_1034 = arith.constant 960 : index
      %get3A_1035 = tpu.vector_load %arg9[%get3A_1033, %get3A_1034] {strides = array<i32>} : memref<32x1024xf32, #tpu.memory_space<vmem>>, vector<1x16xf32>,
      %get3A_1036 = vector.shape_cast %get3A_1035 : vector<1x16xf32> to vector<16xf32>
      %mul3A_1037 = arith.mulf %get3A_1036, %get3A_68 : vector<16xf32>
      %add3A_1038 = arith.addf %mul3A_1032, %mul3A_1037 : vector<16xf32>
      %swap3A_1039 = arith.index_cast %scan3A_58 : i32 to index
      %swap3A_1040 = arith.constant 960 : index
      %swap3A_1041 = tpu.vector_load %arg8[%swap3A_1039, %swap3A_1040] {strides = array<i32>} : memref<32x1024xf32, #tpu.memory_space<vmem>>, vector<1x16xf32>,
      %swap3A_1042 = vector.shape_cast %swap3A_1041 : vector<1x16xf32> to vector<16xf32>
      %swap3A_1043 = vector.shape_cast %add3A_1038 : vector<16xf32> to vector<1x16xf32>
      tpu.vector_store %arg8[%swap3A_1039, %swap3A_1040], %swap3A_1043 {strides = array<i32>} : memref<32x1024xf32, #tpu.memory_space<vmem>>, vector<1x16xf32>,
      %get3A_1044 = arith.index_cast %scan3A_58 : i32 to index
      %get3A_1045 = arith.constant 976 : index
      %get3A_1046 = tpu.vector_load %arg8[%get3A_1044, %get3A_1045] {strides = array<i32>} : memref<32x1024xf32, #tpu.memory_space<vmem>>, vector<1x16xf32>,
      %get3A_1047 = vector.shape_cast %get3A_1046 : vector<1x16xf32> to vector<16xf32>
      %mul3A_1048 = arith.mulf %get3A_1047, %get3A_64 : vector<16xf32>
      %get3A_1049 = arith.index_cast %scan3A_58 : i32 to index
      %get3A_1050 = arith.constant 976 : index
      %get3A_1051 = tpu.vector_load %arg9[%get3A_1049, %get3A_1050] {strides = array<i32>} : memref<32x1024xf32, #tpu.memory_space<vmem>>, vector<1x16xf32>,
      %get3A_1052 = vector.shape_cast %get3A_1051 : vector<1x16xf32> to vector<16xf32>
      %mul3A_1053 = arith.mulf %get3A_1052, %get3A_68 : vector<16xf32>
      %add3A_1054 = arith.addf %mul3A_1048, %mul3A_1053 : vector<16xf32>
      %swap3A_1055 = arith.index_cast %scan3A_58 : i32 to index
      %swap3A_1056 = arith.constant 976 : index
      %swap3A_1057 = tpu.vector_load %arg8[%swap3A_1055, %swap3A_1056] {strides = array<i32>} : memref<32x1024xf32, #tpu.memory_space<vmem>>, vector<1x16xf32>,
      %swap3A_1058 = vector.shape_cast %swap3A_1057 : vector<1x16xf32> to vector<16xf32>
      %swap3A_1059 = vector.shape_cast %add3A_1054 : vector<16xf32> to vector<1x16xf32>
      tpu.vector_store %arg8[%swap3A_1055, %swap3A_1056], %swap3A_1059 {strides = array<i32>} : memref<32x1024xf32, #tpu.memory_space<vmem>>, vector<1x16xf32>,
      %get3A_1060 = arith.index_cast %scan3A_58 : i32 to index
      %get3A_1061 = arith.constant 992 : index
      %get3A_1062 = tpu.vector_load %arg8[%get3A_1060, %get3A_1061] {strides = array<i32>} : memref<32x1024xf32, #tpu.memory_space<vmem>>, vector<1x16xf32>,
      %get3A_1063 = vector.shape_cast %get3A_1062 : vector<1x16xf32> to vector<16xf32>
      %mul3A_1064 = arith.mulf %get3A_1063, %get3A_64 : vector<16xf32>
      %get3A_1065 = arith.index_cast %scan3A_58 : i32 to index
      %get3A_1066 = arith.constant 992 : index
      %get3A_1067 = tpu.vector_load %arg9[%get3A_1065, %get3A_1066] {strides = array<i32>} : memref<32x1024xf32, #tpu.memory_space<vmem>>, vector<1x16xf32>,
      %get3A_1068 = vector.shape_cast %get3A_1067 : vector<1x16xf32> to vector<16xf32>
      %mul3A_1069 = arith.mulf %get3A_1068, %get3A_68 : vector<16xf32>
      %add3A_1070 = arith.addf %mul3A_1064, %mul3A_1069 : vector<16xf32>
      %swap3A_1071 = arith.index_cast %scan3A_58 : i32 to index
      %swap3A_1072 = arith.constant 992 : index
      %swap3A_1073 = tpu.vector_load %arg8[%swap3A_1071, %swap3A_1072] {strides = array<i32>} : memref<32x1024xf32, #tpu.memory_space<vmem>>, vector<1x16xf32>,
      %swap3A_1074 = vector.shape_cast %swap3A_1073 : vector<1x16xf32> to vector<16xf32>
      %swap3A_1075 = vector.shape_cast %add3A_1070 : vector<16xf32> to vector<1x16xf32>
      tpu.vector_store %arg8[%swap3A_1071, %swap3A_1072], %swap3A_1075 {strides = array<i32>} : memref<32x1024xf32, #tpu.memory_space<vmem>>, vector<1x16xf32>,
      %get3A_1076 = arith.index_cast %scan3A_58 : i32 to index
      %get3A_1077 = arith.constant 1008 : index
      %get3A_1078 = tpu.vector_load %arg8[%get3A_1076, %get3A_1077] {strides = array<i32>} : memref<32x1024xf32, #tpu.memory_space<vmem>>, vector<1x16xf32>,
      %get3A_1079 = vector.shape_cast %get3A_1078 : vector<1x16xf32> to vector<16xf32>
      %mul3A_1080 = arith.mulf %get3A_1079, %get3A_64 : vector<16xf32>
      %get3A_1081 = arith.index_cast %scan3A_58 : i32 to index
      %get3A_1082 = arith.constant 1008 : index
      %get3A_1083 = tpu.vector_load %arg9[%get3A_1081, %get3A_1082] {strides = array<i32>} : memref<32x1024xf32, #tpu.memory_space<vmem>>, vector<1x16xf32>,
      %get3A_1084 = vector.shape_cast %get3A_1083 : vector<1x16xf32> to vector<16xf32>
      %mul3A_1085 = arith.mulf %get3A_1084, %get3A_68 : vector<16xf32>
      %add3A_1086 = arith.addf %mul3A_1080, %mul3A_1085 : vector<16xf32>
      %swap3A_1087 = arith.index_cast %scan3A_58 : i32 to index
      %swap3A_1088 = arith.constant 1008 : index
      %swap3A_1089 = tpu.vector_load %arg8[%swap3A_1087, %swap3A_1088] {strides = array<i32>} : memref<32x1024xf32, #tpu.memory_space<vmem>>, vector<1x16xf32>,
      %swap3A_1090 = vector.shape_cast %swap3A_1089 : vector<1x16xf32> to vector<16xf32>
      %swap3A_1091 = vector.shape_cast %add3A_1086 : vector<16xf32> to vector<1x16xf32>
      tpu.vector_store %arg8[%swap3A_1087, %swap3A_1088], %swap3A_1091 {strides = array<i32>} : memref<32x1024xf32, #tpu.memory_space<vmem>>, vector<1x16xf32>,
      %scan3A_1092 = arith.constant 0 : i32
      scf.yield %scan3A_1092 : i32
    }
    %scan3A_57 = arith.constant 32 : i32
    "tpu.region"() ({
      %run_scoped3A = tpu.sem_alloc : memref<!tpu.dma_semaphore, #tpu.memory_space<semaphore_mem>>
      %dma_start3A_58 = arith.constant 0 : i32
      %dma_start3A_59 = tpu.memref_slice %arg7[%add3A_30, %dma_start3A_58] : memref<2048x1024xf32, #tpu.memory_space<hbm>> -> memref<32x1024xf32, #tpu.memory_space<hbm>>
      %dma_start3A_60 = arith.constant 0 : i32
      %dma_start3A_61 = tpu.memref_slice %arg7[%add3A_30, %dma_start3A_60] : memref<2048x1024xf32, #tpu.memory_space<hbm>> -> memref<32x1024xf32, #tpu.memory_space<hbm>>
      tpu.enqueue_dma source(%arg8 : memref<32x1024xf32, #tpu.memory_space<vmem>>) target(%dma_start3A_61 : memref<32x1024xf32, #tpu.memory_space<hbm>>) target_semaphore(%run_scoped3A : memref<!tpu.dma_semaphore, #tpu.memory_space<semaphore_mem>>)
      %dma_wait3A_62 = arith.constant 0 : i32
      %dma_wait3A_63 = tpu.memref_slice %arg7[%add3A_30, %dma_wait3A_62] : memref<2048x1024xf32, #tpu.memory_space<hbm>> -> memref<32x1024xf32, #tpu.memory_space<hbm>>
      %dma_wait3A_64 = arith.constant 0 : i32
      %dma_wait3A_65 = tpu.memref_slice %arg7[%add3A_30, %dma_wait3A_64] : memref<2048x1024xf32, #tpu.memory_space<hbm>> -> memref<32x1024xf32, #tpu.memory_space<hbm>>
      tpu.wait_dma2 semaphore(%run_scoped3A : memref<!tpu.dma_semaphore, #tpu.memory_space<semaphore_mem>>) src(%arg8 : memref<32x1024xf32, #tpu.memory_space<vmem>>) dst(%dma_wait3A_65 : memref<32x1024xf32, #tpu.memory_space<hbm>>)
      tpu.yield
    }) : () -> ()
    return
  }
}

#map = affine_map<(d0, d1) -> (0, 0)>
#map1 = affine_map<(d0, d1) -> (0)>
module attributes {stable_mosaic.version = 14 : i64} {
  func.func @_dispatch(%arg0: i32, %arg1: i32, %arg2: memref<2048x512xf32, #tpu.memory_space<hbm>>, %arg3: memref<2048xi32, #tpu.memory_space<hbm>>, %arg4: memref<2048xi32, #tpu.memory_space<hbm>>, %arg5: memref<6144x512xf32, #tpu.memory_space<hbm>>, %arg6: memref<64x512xf32, #tpu.memory_space<vmem>>, %arg7: memref<64xi32, #tpu.memory_space<vmem>>, %arg8: memref<64xi32, #tpu.memory_space<vmem>>, %arg9: memref<!tpu.dma_semaphore, #tpu.memory_space<semaphore_mem>>, %arg10: memref<!tpu.dma_semaphore, #tpu.memory_space<semaphore_mem>>) attributes {dimension_semantics = [#tpu.dimension_semantics<core_parallel>, #tpu.dimension_semantics<subcore_parallel>], iteration_bounds = array<i64: 2, 16>, scalar_prefetch = 0 : i64, scratch_operands = 5 : i64, tpu.core_type = #tpu.core_type<sc_vector_subcore>, window_params = [{transform_indices = #map}, {transform_indices = #map1}, {transform_indices = #map1}, {transform_indices = #map}]} {
    %mul3A = arith.constant 2 : i32
    %mul3A_0 = arith.muli %arg1, %mul3A : i32
    %add3A = arith.addi %mul3A_0, %arg0 : i32
    %mul3A_1 = arith.constant 64 : i32
    %mul3A_2 = arith.muli %add3A, %mul3A_1 : i32
    "tpu.region"() ({
      %run_scoped3A = tpu.sem_alloc : memref<!tpu.dma_semaphore, #tpu.memory_space<semaphore_mem>>
      %dma_start3A_13 = arith.constant 0 : i32
      %dma_start3A_14 = tpu.memref_slice %arg2[%mul3A_2, %dma_start3A_13] : memref<2048x512xf32, #tpu.memory_space<hbm>> -> memref<64x512xf32, #tpu.memory_space<hbm>>
      %dma_start3A_15 = arith.constant 0 : i32
      %dma_start3A_16 = tpu.memref_slice %arg2[%mul3A_2, %dma_start3A_15] : memref<2048x512xf32, #tpu.memory_space<hbm>> -> memref<64x512xf32, #tpu.memory_space<hbm>>
      tpu.enqueue_dma source(%dma_start3A_16 : memref<64x512xf32, #tpu.memory_space<hbm>>) target(%arg6 : memref<64x512xf32, #tpu.memory_space<vmem>>) target_semaphore(%run_scoped3A : memref<!tpu.dma_semaphore, #tpu.memory_space<semaphore_mem>>)
      %dma_wait3A_17 = arith.constant 0 : i32
      %dma_wait3A_18 = tpu.memref_slice %arg2[%mul3A_2, %dma_wait3A_17] : memref<2048x512xf32, #tpu.memory_space<hbm>> -> memref<64x512xf32, #tpu.memory_space<hbm>>
      %dma_wait3A_19 = arith.constant 0 : i32
      %dma_wait3A_20 = tpu.memref_slice %arg2[%mul3A_2, %dma_wait3A_19] : memref<2048x512xf32, #tpu.memory_space<hbm>> -> memref<64x512xf32, #tpu.memory_space<hbm>>
      tpu.wait_dma2 semaphore(%run_scoped3A : memref<!tpu.dma_semaphore, #tpu.memory_space<semaphore_mem>>) src(%dma_wait3A_20 : memref<64x512xf32, #tpu.memory_space<hbm>>) dst(%arg6 : memref<64x512xf32, #tpu.memory_space<vmem>>)
      tpu.yield
    }) : () -> ()
    "tpu.region"() ({
      %run_scoped3A = tpu.sem_alloc : memref<!tpu.dma_semaphore, #tpu.memory_space<semaphore_mem>>
      %dma_start3A_13 = tpu.memref_slice %arg3[%mul3A_2] : memref<2048xi32, #tpu.memory_space<hbm>> -> memref<64xi32, #tpu.memory_space<hbm>>
      %dma_start3A_14 = tpu.memref_slice %arg3[%mul3A_2] : memref<2048xi32, #tpu.memory_space<hbm>> -> memref<64xi32, #tpu.memory_space<hbm>>
      tpu.enqueue_dma source(%dma_start3A_14 : memref<64xi32, #tpu.memory_space<hbm>>) target(%arg7 : memref<64xi32, #tpu.memory_space<vmem>>) target_semaphore(%run_scoped3A : memref<!tpu.dma_semaphore, #tpu.memory_space<semaphore_mem>>)
      %dma_wait3A_15 = tpu.memref_slice %arg3[%mul3A_2] : memref<2048xi32, #tpu.memory_space<hbm>> -> memref<64xi32, #tpu.memory_space<hbm>>
      %dma_wait3A_16 = tpu.memref_slice %arg3[%mul3A_2] : memref<2048xi32, #tpu.memory_space<hbm>> -> memref<64xi32, #tpu.memory_space<hbm>>
      tpu.wait_dma2 semaphore(%run_scoped3A : memref<!tpu.dma_semaphore, #tpu.memory_space<semaphore_mem>>) src(%dma_wait3A_16 : memref<64xi32, #tpu.memory_space<hbm>>) dst(%arg7 : memref<64xi32, #tpu.memory_space<vmem>>)
      tpu.yield
    }) : () -> ()
    "tpu.region"() ({
      %run_scoped3A = tpu.sem_alloc : memref<!tpu.dma_semaphore, #tpu.memory_space<semaphore_mem>>
      %dma_start3A_13 = tpu.memref_slice %arg4[%mul3A_2] : memref<2048xi32, #tpu.memory_space<hbm>> -> memref<64xi32, #tpu.memory_space<hbm>>
      %dma_start3A_14 = tpu.memref_slice %arg4[%mul3A_2] : memref<2048xi32, #tpu.memory_space<hbm>> -> memref<64xi32, #tpu.memory_space<hbm>>
      tpu.enqueue_dma source(%dma_start3A_14 : memref<64xi32, #tpu.memory_space<hbm>>) target(%arg8 : memref<64xi32, #tpu.memory_space<vmem>>) target_semaphore(%run_scoped3A : memref<!tpu.dma_semaphore, #tpu.memory_space<semaphore_mem>>)
      %dma_wait3A_15 = tpu.memref_slice %arg4[%mul3A_2] : memref<2048xi32, #tpu.memory_space<hbm>> -> memref<64xi32, #tpu.memory_space<hbm>>
      %dma_wait3A_16 = tpu.memref_slice %arg4[%mul3A_2] : memref<2048xi32, #tpu.memory_space<hbm>> -> memref<64xi32, #tpu.memory_space<hbm>>
      tpu.wait_dma2 semaphore(%run_scoped3A : memref<!tpu.dma_semaphore, #tpu.memory_space<semaphore_mem>>) src(%dma_wait3A_16 : memref<64xi32, #tpu.memory_space<hbm>>) dst(%arg8 : memref<64xi32, #tpu.memory_space<vmem>>)
      tpu.yield
    }) : () -> ()
    %dma_start3A = arith.constant 0 : i32
    %dma_start3A_3 = arith.constant 0 : i32
    %dma_start3A_4 = tpu.memref_slice %arg5[%dma_start3A, %dma_start3A_3] : memref<6144x512xf32, #tpu.memory_space<hbm>> -> memref<6144x512xf32, #tpu.memory_space<hbm>>
    tpu.enqueue_indirect_dma source(%arg6 : memref<64x512xf32, #tpu.memory_space<vmem>>) target(%dma_start3A_4 : memref<6144x512xf32, #tpu.memory_space<hbm>>) offsets(%arg7 : memref<64xi32, #tpu.memory_space<vmem>>) semaphore(%arg9 : memref<!tpu.dma_semaphore, #tpu.memory_space<semaphore_mem>>)
    %dma_start3A_5 = arith.constant 0 : i32
    %dma_start3A_6 = arith.constant 0 : i32
    %dma_start3A_7 = tpu.memref_slice %arg5[%dma_start3A_5, %dma_start3A_6] : memref<6144x512xf32, #tpu.memory_space<hbm>> -> memref<6144x512xf32, #tpu.memory_space<hbm>>
    tpu.enqueue_indirect_dma source(%arg6 : memref<64x512xf32, #tpu.memory_space<vmem>>) target(%dma_start3A_7 : memref<6144x512xf32, #tpu.memory_space<hbm>>) offsets(%arg8 : memref<64xi32, #tpu.memory_space<vmem>>) semaphore(%arg10 : memref<!tpu.dma_semaphore, #tpu.memory_space<semaphore_mem>>)
    %dma_wait3A = arith.constant 0 : i32
    %dma_wait3A_8 = arith.constant 0 : i32
    %dma_wait3A_9 = tpu.memref_slice %arg5[%dma_wait3A, %dma_wait3A_8] : memref<6144x512xf32, #tpu.memory_space<hbm>> -> memref<6144x512xf32, #tpu.memory_space<hbm>>
    tpu.wait_indirect_dma semaphore(%arg9 : memref<!tpu.dma_semaphore, #tpu.memory_space<semaphore_mem>>) src(%arg6 : memref<64x512xf32, #tpu.memory_space<vmem>>) dst(%dma_wait3A_9 : memref<6144x512xf32, #tpu.memory_space<hbm>>)
    %dma_wait3A_10 = arith.constant 0 : i32
    %dma_wait3A_11 = arith.constant 0 : i32
    %dma_wait3A_12 = tpu.memref_slice %arg5[%dma_wait3A_10, %dma_wait3A_11] : memref<6144x512xf32, #tpu.memory_space<hbm>> -> memref<6144x512xf32, #tpu.memory_space<hbm>>
    tpu.wait_indirect_dma semaphore(%arg10 : memref<!tpu.dma_semaphore, #tpu.memory_space<semaphore_mem>>) src(%arg6 : memref<64x512xf32, #tpu.memory_space<vmem>>) dst(%dma_wait3A_12 : memref<6144x512xf32, #tpu.memory_space<hbm>>)
    return
  }
}

module attributes {stable_mosaic.version = 14 : i64} {
  func.func @_route_body(%arg0: memref<2048x1024xf32, #tpu.memory_space<vmem>>, %arg1: memref<1024x8xf32, #tpu.memory_space<vmem>>, %arg2: memref<2048x8xf32, #tpu.memory_space<vmem>>, %arg3: memref<2048x512xf32, #tpu.memory_space<vmem>>, %arg4: memref<2048xi32, #tpu.memory_space<vmem>>, %arg5: memref<2048xi32, #tpu.memory_space<vmem>>, %arg6: memref<2048x16xf32, #tpu.memory_space<vmem>>, %arg7: memref<2048x16xf32, #tpu.memory_space<vmem>>, %arg8: memref<24xi32, #tpu.memory_space<vmem>>, %arg9: memref<1x8xf32, #tpu.memory_space<vmem>>) attributes {dimension_semantics = [], scalar_prefetch = 0 : i64, scratch_operands = 0 : i64, tpu.core_type = #tpu.core_type<tc>} {
    %get3A = arith.constant 0 : index
    %get3A_0 = arith.constant 0 : index
    %get3A_1 = vector.load %arg0[%get3A, %get3A_0] : memref<2048x1024xf32, #tpu.memory_space<vmem>>, vector<2048x1024xf32>
    %bitcast_convert_type3A = tpu.bitcast %get3A_1 : vector<2048x1024xf32> -> vector<2048x1024xi32>
    %add3A = arith.constant 32767 : i32
    %add3A_2 = vector.broadcast %add3A : i32 to vector<2048x1024xi32>
    %add3A_3 = arith.addi %bitcast_convert_type3A, %add3A_2 : vector<2048x1024xi32>
    %shift_right_arithmetic3A = arith.constant 16 : i32
    %shift_right_arithmetic3A_4 = vector.broadcast %shift_right_arithmetic3A : i32 to vector<2048x1024xi32>
    %shift_right_arithmetic3A_5 = arith.shrsi %bitcast_convert_type3A, %shift_right_arithmetic3A_4 : vector<2048x1024xi32>
    %and3A = arith.constant 1 : i32
    %and3A_6 = vector.broadcast %and3A : i32 to vector<2048x1024xi32>
    %and3A_7 = arith.andi %shift_right_arithmetic3A_5, %and3A_6 : vector<2048x1024xi32>
    %add3A_8 = arith.addi %add3A_3, %and3A_7 : vector<2048x1024xi32>
    %shift_right_arithmetic3A_9 = arith.constant 16 : i32
    %shift_right_arithmetic3A_10 = vector.broadcast %shift_right_arithmetic3A_9 : i32 to vector<2048x1024xi32>
    %shift_right_arithmetic3A_11 = arith.shrsi %add3A_8, %shift_right_arithmetic3A_10 : vector<2048x1024xi32>
    %slice3A = vector.extract_strided_slice %shift_right_arithmetic3A_11 {offsets = [0, 0], sizes = [2048, 512], strides = [1, 1]} : vector<2048x1024xi32> to vector<2048x512xi32>
    %and3A_12 = arith.constant 65535 : i32
    %and3A_13 = vector.broadcast %and3A_12 : i32 to vector<2048x512xi32>
    %and3A_14 = arith.andi %slice3A, %and3A_13 : vector<2048x512xi32>
    %slice3A_15 = vector.extract_strided_slice %shift_right_arithmetic3A_11 {offsets = [0, 512], sizes = [2048, 512], strides = [1, 1]} : vector<2048x1024xi32> to vector<2048x512xi32>
    %shift_left3A = arith.constant 16 : i32
    %shift_left3A_16 = vector.broadcast %shift_left3A : i32 to vector<2048x512xi32>
    %shift_left3A_17 = arith.shli %slice3A_15, %shift_left3A_16 : vector<2048x512xi32>
    %or3A = arith.ori %and3A_14, %shift_left3A_17 : vector<2048x512xi32>
    %bitcast_convert_type3A_18 = tpu.bitcast %or3A : vector<2048x512xi32> -> vector<2048x512xf32>
    %swap3A = arith.constant 0 : index
    %swap3A_19 = arith.constant 0 : index
    %swap3A_20 = vector.load %arg3[%swap3A, %swap3A_19] : memref<2048x512xf32, #tpu.memory_space<vmem>>, vector<2048x512xf32>
    tpu.vector_store %arg3[%swap3A, %swap3A_19], %bitcast_convert_type3A_18 {strides = array<i32>} : memref<2048x512xf32, #tpu.memory_space<vmem>>, vector<2048x512xf32>,
    %get3A_21 = arith.constant 0 : index
    %get3A_22 = arith.constant 0 : index
    %get3A_23 = vector.load %arg1[%get3A_21, %get3A_22] : memref<1024x8xf32, #tpu.memory_space<vmem>>, vector<1024x8xf32>
    %dot_general3A = arith.constant dense<0.000000e+00> : vector<2048x8xf32>
    %dot_general3A_24 = tpu.matmul %get3A_1, %get3A_23, %dot_general3A {dimension_numbers = #tpu.dot_dimension_numbers<[1], [0], [0], [1], [0, 0, 1, 1], [], []>, transpose_lhs_hint = false} : vector<2048x1024xf32>, vector<1024x8xf32>, vector<2048x8xf32> -> vector<2048x8xf32>
    %swap3A_25 = arith.constant 0 : index
    %swap3A_26 = arith.constant 0 : index
    %swap3A_27 = vector.load %arg2[%swap3A_25, %swap3A_26] : memref<2048x8xf32, #tpu.memory_space<vmem>>, vector<2048x8xf32>
    tpu.vector_store %arg2[%swap3A_25, %swap3A_26], %dot_general3A_24 {strides = array<i32>} : memref<2048x8xf32, #tpu.memory_space<vmem>>, vector<2048x8xf32>,
    %reduce_max3A = arith.constant dense<0xFF800000> : vector<2048xf32>
    %reduce_max3A_28 = vector.multi_reduction <maximumf>, %dot_general3A_24, %reduce_max3A [1] : vector<2048x8xf32> to vector<2048xf32>
    %broadcast_in_dim3A = vector.shape_cast %reduce_max3A_28 : vector<2048xf32> to vector<2048x1xf32>
    %sub3A = vector.broadcast %broadcast_in_dim3A : vector<2048x1xf32> to vector<2048x8xf32>
    %sub3A_29 = arith.subf %dot_general3A_24, %sub3A : vector<2048x8xf32>
    %exp3A = math.exp %sub3A_29 : vector<2048x8xf32>
    %reduce_sum3A = arith.constant dense<0.000000e+00> : vector<2048xf32>
    %reduce_sum3A_30 = vector.multi_reduction <add>, %exp3A, %reduce_sum3A [1] : vector<2048x8xf32> to vector<2048xf32>
    %broadcast_in_dim3A_31 = vector.shape_cast %reduce_sum3A_30 : vector<2048xf32> to vector<2048x1xf32>
    %div3A = vector.broadcast %broadcast_in_dim3A_31 : vector<2048x1xf32> to vector<2048x8xf32>
    %div3A_32 = arith.divf %exp3A, %div3A : vector<2048x8xf32>
    %iota3A = tpu.iota {dimensions = array<i32: 1>} : vector<2048x8xi32>
    %reduce_max3A_33 = arith.constant dense<0xFF800000> : vector<2048xf32>
    %reduce_max3A_34 = vector.multi_reduction <maximumf>, %div3A_32, %reduce_max3A_33 [1] : vector<2048x8xf32> to vector<2048xf32>
    %broadcast_in_dim3A_35 = vector.shape_cast %reduce_max3A_34 : vector<2048xf32> to vector<2048x1xf32>
    %eq3A = vector.broadcast %broadcast_in_dim3A_35 : vector<2048x1xf32> to vector<2048x8xf32>
    %eq3A_36 = arith.cmpf oeq, %div3A_32, %eq3A : vector<2048x8xf32>
    %jit3A = arith.constant 8 : i32
    %broadcast_in_dim3A_37 = vector.broadcast %jit3A : i32 to vector<2048x8xi32>
    %select_n3A = arith.select %eq3A_36, %iota3A, %broadcast_in_dim3A_37 : vector<2048x8xi1>, vector<2048x8xi32>
    %reduce_min3A = arith.constant dense<2147483647> : vector<2048xi32>
    %reduce_min3A_38 = vector.multi_reduction <minsi>, %select_n3A, %reduce_min3A [1] : vector<2048x8xi32> to vector<2048xi32>
    %broadcast_in_dim3A_39 = vector.shape_cast %reduce_min3A_38 : vector<2048xi32> to vector<2048x1xi32>
    %eq3A_40 = vector.broadcast %broadcast_in_dim3A_39 : vector<2048x1xi32> to vector<2048x8xi32>
    %eq3A_41 = arith.cmpi eq, %iota3A, %eq3A_40 : vector<2048x8xi32>
    %jit3A_42 = arith.constant -1.000000e+00 : f32
    %broadcast_in_dim3A_43 = vector.broadcast %jit3A_42 : f32 to vector<2048x8xf32>
    %select_n3A_44 = arith.select %eq3A_41, %broadcast_in_dim3A_43, %div3A_32 : vector<2048x8xi1>, vector<2048x8xf32>
    %reduce_max3A_45 = arith.constant dense<0xFF800000> : vector<2048xf32>
    %reduce_max3A_46 = vector.multi_reduction <maximumf>, %select_n3A_44, %reduce_max3A_45 [1] : vector<2048x8xf32> to vector<2048xf32>
    %broadcast_in_dim3A_47 = vector.shape_cast %reduce_max3A_46 : vector<2048xf32> to vector<2048x1xf32>
    %eq3A_48 = vector.broadcast %broadcast_in_dim3A_47 : vector<2048x1xf32> to vector<2048x8xf32>
    %eq3A_49 = arith.cmpf oeq, %select_n3A_44, %eq3A_48 : vector<2048x8xf32>
    %jit3A_50 = arith.constant 8 : i32
    %broadcast_in_dim3A_51 = vector.broadcast %jit3A_50 : i32 to vector<2048x8xi32>
    %select_n3A_52 = arith.select %eq3A_49, %iota3A, %broadcast_in_dim3A_51 : vector<2048x8xi1>, vector<2048x8xi32>
    %reduce_min3A_53 = arith.constant dense<2147483647> : vector<2048xi32>
    %reduce_min3A_54 = vector.multi_reduction <minsi>, %select_n3A_52, %reduce_min3A_53 [1] : vector<2048x8xi32> to vector<2048xi32>
    %broadcast_in_dim3A_55 = vector.shape_cast %reduce_min3A_54 : vector<2048xi32> to vector<2048x1xi32>
    %eq3A_56 = vector.broadcast %broadcast_in_dim3A_55 : vector<2048x1xi32> to vector<2048x8xi32>
    %eq3A_57 = arith.cmpi eq, %iota3A, %eq3A_56 : vector<2048x8xi32>
    %add3A_58 = arith.addf %broadcast_in_dim3A_35, %broadcast_in_dim3A_47 : vector<2048x1xf32>
    %div3A_59 = arith.divf %broadcast_in_dim3A_35, %add3A_58 : vector<2048x1xf32>
    %broadcast_in_dim3A_60 = vector.shape_cast %div3A_59 : vector<2048x1xf32> to vector<2048x1xf32>
    %broadcast_in_dim3A_61 = vector.broadcast %broadcast_in_dim3A_60 : vector<2048x1xf32> to vector<2048x16xf32>
    %swap3A_62 = arith.constant 0 : index
    %swap3A_63 = arith.constant 0 : index
    %swap3A_64 = vector.load %arg6[%swap3A_62, %swap3A_63] : memref<2048x16xf32, #tpu.memory_space<vmem>>, vector<2048x16xf32>
    tpu.vector_store %arg6[%swap3A_62, %swap3A_63], %broadcast_in_dim3A_61 {strides = array<i32>} : memref<2048x16xf32, #tpu.memory_space<vmem>>, vector<2048x16xf32>,
    %div3A_65 = arith.divf %broadcast_in_dim3A_47, %add3A_58 : vector<2048x1xf32>
    %broadcast_in_dim3A_66 = vector.shape_cast %div3A_65 : vector<2048x1xf32> to vector<2048x1xf32>
    %broadcast_in_dim3A_67 = vector.broadcast %broadcast_in_dim3A_66 : vector<2048x1xf32> to vector<2048x16xf32>
    %swap3A_68 = arith.constant 0 : index
    %swap3A_69 = arith.constant 0 : index
    %swap3A_70 = vector.load %arg7[%swap3A_68, %swap3A_69] : memref<2048x16xf32, #tpu.memory_space<vmem>>, vector<2048x16xf32>
    tpu.vector_store %arg7[%swap3A_68, %swap3A_69], %broadcast_in_dim3A_67 {strides = array<i32>} : memref<2048x16xf32, #tpu.memory_space<vmem>>, vector<2048x16xf32>,
    %or3A_71 = arith.ori %eq3A_41, %eq3A_57 : vector<2048x8xi1>
    %convert_element_type3A = arith.extui %or3A_71 : vector<2048x8xi1> to vector<2048x8xi32>
    %convert_element_type3A_72 = arith.sitofp %convert_element_type3A : vector<2048x8xi32> to vector<2048x8xf32>
    %iota3A_73 = tpu.iota {dimensions = array<i32: 0>} : vector<2048x2048xi32>
    %iota3A_74 = tpu.iota {dimensions = array<i32: 1>} : vector<2048x2048xi32>
    %ge3A = arith.cmpi sge, %iota3A_73, %iota3A_74 : vector<2048x2048xi32>
    %convert_element_type3A_75 = arith.extui %ge3A : vector<2048x2048xi1> to vector<2048x2048xi32>
    %convert_element_type3A_76 = arith.sitofp %convert_element_type3A_75 : vector<2048x2048xi32> to vector<2048x2048xf32>
    %convert_element_type3A_77 = arith.truncf %convert_element_type3A_76 : vector<2048x2048xf32> to vector<2048x2048xbf16>
    %convert_element_type3A_78 = arith.truncf %convert_element_type3A_72 : vector<2048x8xf32> to vector<2048x8xbf16>
    %dot_general3A_79 = arith.constant dense<0.000000e+00> : vector<2048x8xf32>
    %dot_general3A_80 = tpu.matmul %convert_element_type3A_77, %convert_element_type3A_78, %dot_general3A_79 {dimension_numbers = #tpu.dot_dimension_numbers<[1], [0], [0], [1], [0, 0, 1, 1], [], []>, transpose_lhs_hint = false} : vector<2048x2048xbf16>, vector<2048x8xbf16>, vector<2048x8xf32> -> vector<2048x8xf32>
    %slice3A_81 = vector.extract_strided_slice %dot_general3A_80 {offsets = [2047, 0], sizes = [1, 8], strides = [1, 1]} : vector<2048x8xf32> to vector<1x8xf32>
    %swap3A_82 = arith.constant 0 : index
    %swap3A_83 = arith.constant 0 : index
    %swap3A_84 = vector.load %arg9[%swap3A_82, %swap3A_83] : memref<1x8xf32, #tpu.memory_space<vmem>>, vector<1x8xf32>
    tpu.vector_store %arg9[%swap3A_82, %swap3A_83], %slice3A_81 {strides = array<i32>} : memref<1x8xf32, #tpu.memory_space<vmem>>, vector<1x8xf32>,
    %sub3A_85 = arith.subf %dot_general3A_80, %convert_element_type3A_72 : vector<2048x8xf32>
    %convert_element_type3A_86 = arith.fptosi %slice3A_81 : vector<1x8xf32> to vector<1x8xi32>
    %add3A_87 = arith.constant 255 : i32
    %add3A_88 = vector.broadcast %add3A_87 : i32 to vector<1x8xi32>
    %add3A_89 = arith.addi %convert_element_type3A_86, %add3A_88 : vector<1x8xi32>
    %jit3A_90 = arith.constant 256 : i32
    %div3A_91 = vector.broadcast %jit3A_90 : i32 to vector<1x8xi32>
    %div3A_92 = arith.divsi %add3A_89, %div3A_91 : vector<1x8xi32>
    %sign3A = arith.constant 0 : i32
    %sign3A_93 = vector.broadcast %sign3A : i32 to vector<1x8xi32>
    %sign3A_94 = arith.cmpi sgt, %add3A_89, %sign3A_93 : vector<1x8xi32>
    %sign3A_95 = arith.extui %sign3A_94 : vector<1x8xi1> to vector<1x8xi32>
    %sign3A_96 = arith.constant 0 : i32
    %sign3A_97 = vector.broadcast %sign3A_96 : i32 to vector<1x8xi32>
    %sign3A_98 = arith.cmpi slt, %add3A_89, %sign3A_97 : vector<1x8xi32>
    %sign3A_99 = arith.extui %sign3A_98 : vector<1x8xi1> to vector<1x8xi32>
    %sign3A_100 = arith.subi %sign3A_95, %sign3A_99 : vector<1x8xi32>
    %sign3A_101 = arith.constant 0 : i32
    %sign3A_102 = arith.cmpi sgt, %jit3A_90, %sign3A_101 : i32
    %sign3A_103 = arith.extui %sign3A_102 : i1 to i32
    %sign3A_104 = arith.constant 0 : i32
    %sign3A_105 = arith.cmpi slt, %jit3A_90, %sign3A_104 : i32
    %sign3A_106 = arith.extui %sign3A_105 : i1 to i32
    %sign3A_107 = arith.subi %sign3A_103, %sign3A_106 : i32
    %ne3A = vector.broadcast %sign3A_107 : i32 to vector<1x8xi32>
    %ne3A_108 = arith.cmpi ne, %sign3A_100, %ne3A : vector<1x8xi32>
    %rem3A = vector.broadcast %jit3A_90 : i32 to vector<1x8xi32>
    %rem3A_109 = arith.remsi %add3A_89, %rem3A : vector<1x8xi32>
    %ne3A_110 = arith.constant 0 : i32
    %ne3A_111 = vector.broadcast %ne3A_110 : i32 to vector<1x8xi32>
    %ne3A_112 = arith.cmpi ne, %rem3A_109, %ne3A_111 : vector<1x8xi32>
    %and3A_113 = arith.andi %ne3A_108, %ne3A_112 : vector<1x8xi1>
    %sub3A_114 = arith.constant 1 : i32
    %sub3A_115 = vector.broadcast %sub3A_114 : i32 to vector<1x8xi32>
    %sub3A_116 = arith.subi %div3A_92, %sub3A_115 : vector<1x8xi32>
    %select_n3A_117 = arith.select %and3A_113, %sub3A_116, %div3A_92 : vector<1x8xi1>, vector<1x8xi32>
    %mul3A = arith.constant 256 : i32
    %mul3A_118 = vector.broadcast %mul3A : i32 to vector<1x8xi32>
    %mul3A_119 = arith.muli %select_n3A_117, %mul3A_118 : vector<1x8xi32>
    %broadcast_in_dim3A_120 = arith.constant 0 : i32
    %broadcast_in_dim3A_121 = vector.broadcast %broadcast_in_dim3A_120 : i32 to vector<1x1xi32>
    %slice3A_122 = vector.extract_strided_slice %mul3A_119 {offsets = [0, 0], sizes = [1, 1], strides = [1, 1]} : vector<1x8xi32> to vector<1x1xi32>
    %add3A_123 = arith.addi %broadcast_in_dim3A_121, %slice3A_122 : vector<1x1xi32>
    %slice3A_124 = vector.extract_strided_slice %mul3A_119 {offsets = [0, 1], sizes = [1, 1], strides = [1, 1]} : vector<1x8xi32> to vector<1x1xi32>
    %add3A_125 = arith.addi %add3A_123, %slice3A_124 : vector<1x1xi32>
    %slice3A_126 = vector.extract_strided_slice %mul3A_119 {offsets = [0, 2], sizes = [1, 1], strides = [1, 1]} : vector<1x8xi32> to vector<1x1xi32>
    %add3A_127 = arith.addi %add3A_125, %slice3A_126 : vector<1x1xi32>
    %slice3A_128 = vector.extract_strided_slice %mul3A_119 {offsets = [0, 3], sizes = [1, 1], strides = [1, 1]} : vector<1x8xi32> to vector<1x1xi32>
    %add3A_129 = arith.addi %add3A_127, %slice3A_128 : vector<1x1xi32>
    %slice3A_130 = vector.extract_strided_slice %mul3A_119 {offsets = [0, 4], sizes = [1, 1], strides = [1, 1]} : vector<1x8xi32> to vector<1x1xi32>
    %add3A_131 = arith.addi %add3A_129, %slice3A_130 : vector<1x1xi32>
    %slice3A_132 = vector.extract_strided_slice %mul3A_119 {offsets = [0, 5], sizes = [1, 1], strides = [1, 1]} : vector<1x8xi32> to vector<1x1xi32>
    %add3A_133 = arith.addi %add3A_131, %slice3A_132 : vector<1x1xi32>
    %slice3A_134 = vector.extract_strided_slice %mul3A_119 {offsets = [0, 6], sizes = [1, 1], strides = [1, 1]} : vector<1x8xi32> to vector<1x1xi32>
    %add3A_135 = arith.addi %add3A_133, %slice3A_134 : vector<1x1xi32>
    %concatenate3A = tpu.concatenate %broadcast_in_dim3A_121, %add3A_123, %add3A_125, %add3A_127, %add3A_129, %add3A_131, %add3A_133, %add3A_135 in 1 : vector<1x1xi32>, vector<1x1xi32>, vector<1x1xi32>, vector<1x1xi32>, vector<1x1xi32>, vector<1x1xi32>, vector<1x1xi32>, vector<1x1xi32> -> vector<1x8xi32>
    %convert_element_type3A_136 = arith.sitofp %concatenate3A : vector<1x8xi32> to vector<1x8xf32>
    %add3A_137 = vector.broadcast %convert_element_type3A_136 : vector<1x8xf32> to vector<2048x8xf32>
    %add3A_138 = arith.addf %add3A_137, %sub3A_85 : vector<2048x8xf32>
    %jit3A_139 = arith.constant 0.000000e+00 : f32
    %broadcast_in_dim3A_140 = vector.broadcast %jit3A_139 : f32 to vector<2048x8xf32>
    %select_n3A_141 = arith.select %eq3A_41, %add3A_138, %broadcast_in_dim3A_140 : vector<2048x8xi1>, vector<2048x8xf32>
    %reduce_sum3A_142 = arith.constant dense<0.000000e+00> : vector<2048xf32>
    %reduce_sum3A_143 = vector.multi_reduction <add>, %select_n3A_141, %reduce_sum3A_142 [1] : vector<2048x8xf32> to vector<2048xf32>
    %convert_element_type3A_144 = arith.fptosi %reduce_sum3A_143 : vector<2048xf32> to vector<2048xi32>
    %swap3A_145 = arith.constant 0 : index
    %swap3A_146 = vector.load %arg4[%swap3A_145] : memref<2048xi32, #tpu.memory_space<vmem>>, vector<2048xi32>
    tpu.vector_store %arg4[%swap3A_145], %convert_element_type3A_144 {strides = array<i32>} : memref<2048xi32, #tpu.memory_space<vmem>>, vector<2048xi32>,
    %jit3A_147 = arith.constant 0.000000e+00 : f32
    %broadcast_in_dim3A_148 = vector.broadcast %jit3A_147 : f32 to vector<2048x8xf32>
    %select_n3A_149 = arith.select %eq3A_57, %add3A_138, %broadcast_in_dim3A_148 : vector<2048x8xi1>, vector<2048x8xf32>
    %reduce_sum3A_150 = arith.constant dense<0.000000e+00> : vector<2048xf32>
    %reduce_sum3A_151 = vector.multi_reduction <add>, %select_n3A_149, %reduce_sum3A_150 [1] : vector<2048x8xf32> to vector<2048xf32>
    %convert_element_type3A_152 = arith.fptosi %reduce_sum3A_151 : vector<2048xf32> to vector<2048xi32>
    %swap3A_153 = arith.constant 0 : index
    %swap3A_154 = vector.load %arg5[%swap3A_153] : memref<2048xi32, #tpu.memory_space<vmem>>, vector<2048xi32>
    tpu.vector_store %arg5[%swap3A_153], %convert_element_type3A_152 {strides = array<i32>} : memref<2048xi32, #tpu.memory_space<vmem>>, vector<2048xi32>,
    %iota3A_155 = tpu.iota {dimensions = array<i32: 1>} : vector<1x24xi32>
    %mul3A_156 = arith.constant 256 : i32
    %mul3A_157 = vector.broadcast %mul3A_156 : i32 to vector<1x24xi32>
    %mul3A_158 = arith.muli %iota3A_155, %mul3A_157 : vector<1x24xi32>
    %broadcast_in_dim3A_159 = arith.constant 0 : i32
    %broadcast_in_dim3A_160 = vector.broadcast %broadcast_in_dim3A_159 : i32 to vector<1x24xi32>
    %slice3A_161 = vector.extract_strided_slice %concatenate3A {offsets = [0, 0], sizes = [1, 1], strides = [1, 1]} : vector<1x8xi32> to vector<1x1xi32>
    %ge3A_162 = vector.broadcast %slice3A_161 : vector<1x1xi32> to vector<1x24xi32>
    %ge3A_163 = arith.cmpi sge, %mul3A_158, %ge3A_162 : vector<1x24xi32>
    %convert_element_type3A_164 = arith.extui %ge3A_163 : vector<1x24xi1> to vector<1x24xi32>
    %add3A_165 = arith.addi %broadcast_in_dim3A_160, %convert_element_type3A_164 : vector<1x24xi32>
    %slice3A_166 = vector.extract_strided_slice %concatenate3A {offsets = [0, 1], sizes = [1, 1], strides = [1, 1]} : vector<1x8xi32> to vector<1x1xi32>
    %ge3A_167 = vector.broadcast %slice3A_166 : vector<1x1xi32> to vector<1x24xi32>
    %ge3A_168 = arith.cmpi sge, %mul3A_158, %ge3A_167 : vector<1x24xi32>
    %convert_element_type3A_169 = arith.extui %ge3A_168 : vector<1x24xi1> to vector<1x24xi32>
    %add3A_170 = arith.addi %add3A_165, %convert_element_type3A_169 : vector<1x24xi32>
    %slice3A_171 = vector.extract_strided_slice %concatenate3A {offsets = [0, 2], sizes = [1, 1], strides = [1, 1]} : vector<1x8xi32> to vector<1x1xi32>
    %ge3A_172 = vector.broadcast %slice3A_171 : vector<1x1xi32> to vector<1x24xi32>
    %ge3A_173 = arith.cmpi sge, %mul3A_158, %ge3A_172 : vector<1x24xi32>
    %convert_element_type3A_174 = arith.extui %ge3A_173 : vector<1x24xi1> to vector<1x24xi32>
    %add3A_175 = arith.addi %add3A_170, %convert_element_type3A_174 : vector<1x24xi32>
    %slice3A_176 = vector.extract_strided_slice %concatenate3A {offsets = [0, 3], sizes = [1, 1], strides = [1, 1]} : vector<1x8xi32> to vector<1x1xi32>
    %ge3A_177 = vector.broadcast %slice3A_176 : vector<1x1xi32> to vector<1x24xi32>
    %ge3A_178 = arith.cmpi sge, %mul3A_158, %ge3A_177 : vector<1x24xi32>
    %convert_element_type3A_179 = arith.extui %ge3A_178 : vector<1x24xi1> to vector<1x24xi32>
    %add3A_180 = arith.addi %add3A_175, %convert_element_type3A_179 : vector<1x24xi32>
    %slice3A_181 = vector.extract_strided_slice %concatenate3A {offsets = [0, 4], sizes = [1, 1], strides = [1, 1]} : vector<1x8xi32> to vector<1x1xi32>
    %ge3A_182 = vector.broadcast %slice3A_181 : vector<1x1xi32> to vector<1x24xi32>
    %ge3A_183 = arith.cmpi sge, %mul3A_158, %ge3A_182 : vector<1x24xi32>
    %convert_element_type3A_184 = arith.extui %ge3A_183 : vector<1x24xi1> to vector<1x24xi32>
    %add3A_185 = arith.addi %add3A_180, %convert_element_type3A_184 : vector<1x24xi32>
    %slice3A_186 = vector.extract_strided_slice %concatenate3A {offsets = [0, 5], sizes = [1, 1], strides = [1, 1]} : vector<1x8xi32> to vector<1x1xi32>
    %ge3A_187 = vector.broadcast %slice3A_186 : vector<1x1xi32> to vector<1x24xi32>
    %ge3A_188 = arith.cmpi sge, %mul3A_158, %ge3A_187 : vector<1x24xi32>
    %convert_element_type3A_189 = arith.extui %ge3A_188 : vector<1x24xi1> to vector<1x24xi32>
    %add3A_190 = arith.addi %add3A_185, %convert_element_type3A_189 : vector<1x24xi32>
    %slice3A_191 = vector.extract_strided_slice %concatenate3A {offsets = [0, 6], sizes = [1, 1], strides = [1, 1]} : vector<1x8xi32> to vector<1x1xi32>
    %ge3A_192 = vector.broadcast %slice3A_191 : vector<1x1xi32> to vector<1x24xi32>
    %ge3A_193 = arith.cmpi sge, %mul3A_158, %ge3A_192 : vector<1x24xi32>
    %convert_element_type3A_194 = arith.extui %ge3A_193 : vector<1x24xi1> to vector<1x24xi32>
    %add3A_195 = arith.addi %add3A_190, %convert_element_type3A_194 : vector<1x24xi32>
    %slice3A_196 = vector.extract_strided_slice %concatenate3A {offsets = [0, 7], sizes = [1, 1], strides = [1, 1]} : vector<1x8xi32> to vector<1x1xi32>
    %ge3A_197 = vector.broadcast %slice3A_196 : vector<1x1xi32> to vector<1x24xi32>
    %ge3A_198 = arith.cmpi sge, %mul3A_158, %ge3A_197 : vector<1x24xi32>
    %convert_element_type3A_199 = arith.extui %ge3A_198 : vector<1x24xi1> to vector<1x24xi32>
    %add3A_200 = arith.addi %add3A_195, %convert_element_type3A_199 : vector<1x24xi32>
    %sub3A_201 = arith.constant 1 : i32
    %sub3A_202 = vector.broadcast %sub3A_201 : i32 to vector<1x24xi32>
    %sub3A_203 = arith.subi %add3A_200, %sub3A_202 : vector<1x24xi32>
    %reshape3A = vector.shape_cast %sub3A_203 : vector<1x24xi32> to vector<24xi32>
    %swap3A_204 = arith.constant 0 : index
    %swap3A_205 = vector.load %arg8[%swap3A_204] : memref<24xi32, #tpu.memory_space<vmem>>, vector<24xi32>
    tpu.vector_store %arg8[%swap3A_204], %reshape3A {strides = array<i32>} : memref<24xi32, #tpu.memory_space<vmem>>, vector<24xi32>,
    return
  }
}

module attributes {stable_mosaic.version = 14 : i64} {
  func.func @_experts_body(%arg0: i32, %arg1: memref<24xi32, #tpu.memory_space<smem>>, %arg2: memref<256x512xf32, #tpu.memory_space<vmem>>, %arg3: memref<1x1024x768xf32, #tpu.memory_space<vmem>>, %arg4: memref<1x1x768xf32, #tpu.memory_space<vmem>>, %arg5: memref<1x768x1024xf32, #tpu.memory_space<vmem>>, %arg6: memref<1x1x1024xf32, #tpu.memory_space<vmem>>, %arg7: memref<256x1024xf32, #tpu.memory_space<vmem>>) attributes {dimension_semantics = [#tpu.dimension_semantics<arbitrary>], iteration_bounds = array<i64: 24>, scalar_prefetch = 1 : i64, scratch_operands = 0 : i64, tpu.core_type = #tpu.core_type<tc>, window_params = [{transform_indices = @transform_0, window_bounds = array<i64: 256, 512>}, {transform_indices = @transform_1, window_bounds = array<i64: 1, 1024, 768>}, {transform_indices = @transform_2, window_bounds = array<i64: 1, 1, 768>}, {transform_indices = @transform_3, window_bounds = array<i64: 1, 768, 1024>}, {transform_indices = @transform_4, window_bounds = array<i64: 1, 1, 1024>}, {transform_indices = @transform_5, window_bounds = array<i64: 256, 1024>}]} {
    %get3A = arith.constant 0 : index
    %get3A_0 = arith.constant 0 : index
    %get3A_1 = vector.load %arg2[%get3A, %get3A_0] : memref<256x512xf32, #tpu.memory_space<vmem>>, vector<256x512xf32>
    %bitcast_convert_type3A = tpu.bitcast %get3A_1 : vector<256x512xf32> -> vector<256x512xi32>
    %shift_left3A = arith.constant 16 : i32
    %shift_left3A_2 = vector.broadcast %shift_left3A : i32 to vector<256x512xi32>
    %shift_left3A_3 = arith.shli %bitcast_convert_type3A, %shift_left3A_2 : vector<256x512xi32>
    %bitcast_convert_type3A_4 = tpu.bitcast %shift_left3A_3 : vector<256x512xi32> -> vector<256x512xf32>
    %and3A = arith.constant -65536 : i32
    %and3A_5 = vector.broadcast %and3A : i32 to vector<256x512xi32>
    %and3A_6 = arith.andi %bitcast_convert_type3A, %and3A_5 : vector<256x512xi32>
    %bitcast_convert_type3A_7 = tpu.bitcast %and3A_6 : vector<256x512xi32> -> vector<256x512xf32>
    %concatenate3A = tpu.concatenate %bitcast_convert_type3A_4, %bitcast_convert_type3A_7 in 1 : vector<256x512xf32>, vector<256x512xf32> -> vector<256x1024xf32>
    %convert_element_type3A = arith.truncf %concatenate3A : vector<256x1024xf32> to vector<256x1024xbf16>
    %get3A_8 = arith.constant 0 : index
    %get3A_9 = arith.constant 0 : index
    %get3A_10 = arith.constant 0 : index
    %get3A_11 = vector.load %arg3[%get3A_8, %get3A_9, %get3A_10] : memref<1x1024x768xf32, #tpu.memory_space<vmem>>, vector<1x1024x768xf32>
    %get3A_12 = vector.shape_cast %get3A_11 : vector<1x1024x768xf32> to vector<1024x768xf32>
    %convert_element_type3A_13 = arith.truncf %get3A_12 : vector<1024x768xf32> to vector<1024x768xbf16>
    %dot_general3A = arith.constant dense<0.000000e+00> : vector<256x768xf32>
    %dot_general3A_14 = tpu.matmul %convert_element_type3A, %convert_element_type3A_13, %dot_general3A {dimension_numbers = #tpu.dot_dimension_numbers<[1], [0], [0], [1], [0, 0, 1, 1], [], []>, transpose_lhs_hint = false} : vector<256x1024xbf16>, vector<1024x768xbf16>, vector<256x768xf32> -> vector<256x768xf32>
    %get3A_15 = arith.constant 0 : index
    %get3A_16 = arith.constant 0 : index
    %get3A_17 = arith.constant 0 : index
    %get3A_18 = vector.load %arg4[%get3A_15, %get3A_16, %get3A_17] : memref<1x1x768xf32, #tpu.memory_space<vmem>>, vector<1x1x768xf32>
    %get3A_19 = vector.shape_cast %get3A_18 : vector<1x1x768xf32> to vector<1x768xf32>
    %add3A = vector.broadcast %get3A_19 : vector<1x768xf32> to vector<256x768xf32>
    %add3A_20 = arith.addf %dot_general3A_14, %add3A : vector<256x768xf32>
    %logistic3A = arith.negf %add3A_20 : vector<256x768xf32>
    %logistic3A_21 = math.exp %logistic3A : vector<256x768xf32>
    %logistic3A_22 = arith.constant 1.000000e+00 : f32
    %logistic3A_23 = vector.broadcast %logistic3A_22 : f32 to vector<256x768xf32>
    %logistic3A_24 = arith.addf %logistic3A_23, %logistic3A_21 : vector<256x768xf32>
    %logistic3A_25 = arith.divf %logistic3A_23, %logistic3A_24 : vector<256x768xf32>
    %mul3A = arith.mulf %add3A_20, %logistic3A_25 : vector<256x768xf32>
    %convert_element_type3A_26 = arith.truncf %mul3A : vector<256x768xf32> to vector<256x768xbf16>
    %get3A_27 = arith.constant 0 : index
    %get3A_28 = arith.constant 0 : index
    %get3A_29 = arith.constant 0 : index
    %get3A_30 = vector.load %arg5[%get3A_27, %get3A_28, %get3A_29] : memref<1x768x1024xf32, #tpu.memory_space<vmem>>, vector<1x768x1024xf32>
    %get3A_31 = vector.shape_cast %get3A_30 : vector<1x768x1024xf32> to vector<768x1024xf32>
    %convert_element_type3A_32 = arith.truncf %get3A_31 : vector<768x1024xf32> to vector<768x1024xbf16>
    %dot_general3A_33 = arith.constant dense<0.000000e+00> : vector<256x1024xf32>
    %dot_general3A_34 = tpu.matmul %convert_element_type3A_26, %convert_element_type3A_32, %dot_general3A_33 {dimension_numbers = #tpu.dot_dimension_numbers<[1], [0], [0], [1], [0, 0, 1, 1], [], []>, transpose_lhs_hint = false} : vector<256x768xbf16>, vector<768x1024xbf16>, vector<256x1024xf32> -> vector<256x1024xf32>
    %get3A_35 = arith.constant 0 : index
    %get3A_36 = arith.constant 0 : index
    %get3A_37 = arith.constant 0 : index
    %get3A_38 = vector.load %arg6[%get3A_35, %get3A_36, %get3A_37] : memref<1x1x1024xf32, #tpu.memory_space<vmem>>, vector<1x1x1024xf32>
    %get3A_39 = vector.shape_cast %get3A_38 : vector<1x1x1024xf32> to vector<1x1024xf32>
    %add3A_40 = vector.broadcast %get3A_39 : vector<1x1024xf32> to vector<256x1024xf32>
    %add3A_41 = arith.addf %dot_general3A_34, %add3A_40 : vector<256x1024xf32>
    %swap3A = arith.constant 0 : index
    %swap3A_42 = arith.constant 0 : index
    %swap3A_43 = vector.load %arg7[%swap3A, %swap3A_42] : memref<256x1024xf32, #tpu.memory_space<vmem>>, vector<256x1024xf32>
    tpu.vector_store %arg7[%swap3A, %swap3A_42], %add3A_41 {strides = array<i32>} : memref<256x1024xf32, #tpu.memory_space<vmem>>, vector<256x1024xf32>,
    return
  }
  func.func @transform_0(%arg0: i32, %arg1: memref<24xi32, #tpu.memory_space<smem>>) -> (i32, i32) {
    %c0_i32 = arith.constant 0 : i32
    %c0_i32_0 = arith.constant 0 : i32
    return %arg0, %c0_i32 : i32, i32
  }
  func.func @transform_1(%arg0: i32, %arg1: memref<24xi32, #tpu.memory_space<smem>>) -> (i32, i32, i32) {
    %get3A = arith.index_cast %arg0 : i32 to index
    %get3A_0 = memref.load %arg1[%get3A] : memref<24xi32, #tpu.memory_space<smem>>
    %c0_i32 = arith.constant 0 : i32
    %c0_i32_1 = arith.constant 0 : i32
    %c0_i32_2 = arith.constant 0 : i32
    return %get3A_0, %c0_i32, %c0_i32_1 : i32, i32, i32
  }
  func.func @transform_2(%arg0: i32, %arg1: memref<24xi32, #tpu.memory_space<smem>>) -> (i32, i32, i32) {
    %get3A = arith.index_cast %arg0 : i32 to index
    %get3A_0 = memref.load %arg1[%get3A] : memref<24xi32, #tpu.memory_space<smem>>
    %c0_i32 = arith.constant 0 : i32
    %c0_i32_1 = arith.constant 0 : i32
    %c0_i32_2 = arith.constant 0 : i32
    return %get3A_0, %c0_i32, %c0_i32_1 : i32, i32, i32
  }
  func.func @transform_3(%arg0: i32, %arg1: memref<24xi32, #tpu.memory_space<smem>>) -> (i32, i32, i32) {
    %get3A = arith.index_cast %arg0 : i32 to index
    %get3A_0 = memref.load %arg1[%get3A] : memref<24xi32, #tpu.memory_space<smem>>
    %c0_i32 = arith.constant 0 : i32
    %c0_i32_1 = arith.constant 0 : i32
    %c0_i32_2 = arith.constant 0 : i32
    return %get3A_0, %c0_i32, %c0_i32_1 : i32, i32, i32
  }
  func.func @transform_4(%arg0: i32, %arg1: memref<24xi32, #tpu.memory_space<smem>>) -> (i32, i32, i32) {
    %get3A = arith.index_cast %arg0 : i32 to index
    %get3A_0 = memref.load %arg1[%get3A] : memref<24xi32, #tpu.memory_space<smem>>
    %c0_i32 = arith.constant 0 : i32
    %c0_i32_1 = arith.constant 0 : i32
    %c0_i32_2 = arith.constant 0 : i32
    return %get3A_0, %c0_i32, %c0_i32_1 : i32, i32, i32
  }
  func.func @transform_5(%arg0: i32, %arg1: memref<24xi32, #tpu.memory_space<smem>>) -> (i32, i32) {
    %c0_i32 = arith.constant 0 : i32
    %c0_i32_0 = arith.constant 0 : i32
    return %arg0, %c0_i32 : i32, i32
  }
}

</mosaic_0001>

<sc_bundles>
// kernel: _moe_sparse.6.cloned.1.call-start
scs
__scs_entry_jumppad:
0x0: {  	(pc) =	sbr.rel $0x88, $3  }
0x1: {  	(tag) =	ssettag $0x0;
	lr =	simm.s32 $0x1  }
0x2: {  	[smem:$0x3F9B] =	sst lr;
	_ =	strace $0xD0000000  }
0x3: {  	_ = 	snop  }
0x4: {  	_ = 	snop  }
0x5: {  	_ = 	snop  }
0x6: {  	_ = 	snop  }
0x7: {  	_ = 	snop  }
__scs_overlays_trampoline_lowered:
0x8: {  	[smem:$0x3FAA] =	sst s0  }
0x9: {  	[smem:$0x3FAB] =	sst s1  }
0xa: {  	[smem:$0x3FAC] =	sst s2  }
0xb: {  	[smem:$0x3FAD] =	sst s3  }
0xc: {  	[smem:$0x3FAE] =	sst s4  }
0xd: {  	[smem:$0x3FAF] =	sst s5  }
0xe: {  	[smem:$0x3FB0] =	sst s6  }
0xf: {  	[smem:$0x3FB1] =	sst s7  }
0x10: {  	[smem:$0x3FB2] =	sst s8  }
0x11: {  	[smem:$0x3FB3] =	sst s9;
	s0 =	simm.s32 @!p0 $0x0  }
0x12: {  	s1 =	sld [smem:$0x3F99];
	s0 =	simm.s32 @p0 $0x1  }
0x13: {  	[smem:$0x3FB4] =	sst s0;
	s0 =	simm.s32 @!p1 $0x0  }
0x14: {  	s2 =	sld [smem:$0x3F98];
	s0 =	simm.s32 @p1 $0x1  }
0x15: {  	[smem:$0x3FB5] =	sst s0;
	s0 =	simm.s32 @!p2 $0x0  }
0x16: {  	s3 =	sld [smem:$0x3FDB];
	s0 =	simm.s32 @p2 $0x1  }
0x17: {  	s4 =	simm.s32 $0x1BF5;
	[smem:$0x3FB7] =	sst s0  }
0x18: {  	s0 =	sld [smem:$0x3F9A];
	_ =	swait.ge [sflag:s4], $0x0  }
0x19: {  	s7 =	sld [smem:$0x3F9B]  }
0x1a: {  	s8 =	sadd.s32 $0xFFFFE003, lr  }
0x1b: {  	s9 =	sadd.s32 $0xFFFFFEF7, lr;
	s5 =	simm.s32 $0xFFFFFFFF;
	p2 =	slt.u32 s8, $0xFFFFF086  }
0x1c: {  	p1 =	slt.u32 s9, $0xF7A;
	s5 =	simm.s32 @!p2 $0x0  }
0x1d: {  	s5 =	simm.s32 @p1 $0x1;
	p0 =	seq.s32 s7, s2  }
0x1e: {  	s7 =	smul.u32 @!p0 $0xF7A, s2;
	p2 =	seq.s32 @!p0 s5, $0x0  }
0x1f: {  	s9 =	smul.u32 $0xF7A, s1;
	s8 =	simm.s32 @!p0 $0x1BF5;
	p2 =	por !p2, p0  }
0x20: {  	[sflag:s8] =	ssyncset.s32 @!p0 $0xFFFFF086;
	s6 =	sadd.s32 @!p0 s3, s7;
	s7 =	simm.s32 @!p0 $0x108  }
0x21: {  	s3 =	sadd.s32 s3, s9;
	s6 =	sadd.s32 @!p0 $0x88, s6;
	s7 =	simm.s32 @p2 $0x1082  }
0x22: {  	[simem:s7], [sflag:s8] =	dma.local @!p0 [hbm:s6], $0xF7A  }
0x23: {  	s9 =	sor.u32 $0xD0000000, s2;
	s6 =	simm.s32 $0x108;
	_ =	swait.ge @!p0 [sflag:s8], $0x0  }
0x24: {  	s3 =	sadd.s32 $0x88, s3;
	s6 =	simm.s32 @!p1 $0x1082;
	[sflag:s4] =	ssyncset.s32 $0xFFFFF086  }
0x25: {  	[simem:s6], [sflag:s4] =	dma.local [hbm:s3], $0xF7A  }
0x26: {  	[smem:$0x3F9B] =	sst s1;
	(tag) =	ssettag s2;
	_ =	strace s9  }
0x27: {  	s1 =	sld [smem:$0x3FAB]  }
0x28: {  	s2 =	sld [smem:$0x3FAC]  }
0x29: {  	s4 =	sld [smem:$0x3FAE]  }
0x2a: {  	p0 =	seq.s32 s5, $0x0;
	s5 =	sld [smem:$0x3FAF]  }
0x2b: {  	s6 =	sld [smem:$0x3FB0]  }
0x2c: {  	s7 =	sld [smem:$0x3FB1]  }
0x2d: {  	s3 =	simm.s32 $0x108;
	s8 =	sld [smem:$0x3FB2]  }
0x2e: {  	s3 =	simm.s32 @!p0 $0x1082;
	s9 =	sld [smem:$0x3FB3]  }
0x2f: {  	lr =	sadd.s32 s0, s3;
	s0 =	sld [smem:$0x3FAA]  }
0x30: {  	s3 =	sld [smem:$0x3FAD]  }
0x31: {  	[smem:$0x3FB6] =	sst s10  }
0x32: {  	s10 =	sld [smem:$0x3FB4];
	_ =	sdelay $0x3  }
0x33: {  	p0 =	seq.s32 s10, $0x1;
	s10 =	sld [smem:$0x3FB6];
	_ =	sdelay $0x3  }
0x34: {  	[smem:$0x3FB6] =	sst s10  }
0x35: {  	s10 =	sld [smem:$0x3FB5];
	_ =	sdelay $0x3  }
0x36: {  	p1 =	seq.s32 s10, $0x1;
	s10 =	sld [smem:$0x3FB6];
	_ =	sdelay $0x3  }
0x37: {  	[smem:$0x3FB6] =	sst s10  }
0x38: {  	s10 =	sld [smem:$0x3FB7]  }
0x39: {  	_ = 	snop;
	(pc) =	sbr.ind lr, $3  }
0x3a: {  	_ = 	snop  }
0x3b: {  	_ = 	snop  }
0x3c: {  	p2 =	seq.s32 s10, $0x1;
	s10 =	sld [smem:$0x3FB6]  }
0x3d: {  	_ =	shalt  }
0x3e: {  	_ =	shalt  }
0x3f: {  	_ =	shalt  }
0x40: {  	_ =	shalt  }
0x41: {  	_ =	shalt  }
0x42: {  	_ =	shalt  }
0x43: {  	_ =	shalt  }
0x44: {  	_ =	shalt  }
0x45: {  	_ =	shalt  }
0x46: {  	_ =	shalt  }
0x47: {  	_ =	shalt  }
0x48: {  	_ =	shalt  }
0x49: {  	_ =	shalt  }
0x4a: {  	_ =	shalt  }
0x4b: {  	_ =	shalt  }
0x4c: {  	_ =	shalt  }
0x4d: {  	_ =	shalt  }
0x4e: {  	_ =	shalt  }
0x4f: {  	_ =	shalt  }
0x50: {  	_ =	shalt  }
0x51: {  	_ =	shalt  }
0x52: {  	_ =	shalt  }
0x53: {  	_ =	shalt  }
0x54: {  	_ =	shalt  }
0x55: {  	_ =	shalt  }
0x56: {  	_ =	shalt  }
0x57: {  	_ =	shalt  }
0x58: {  	_ =	shalt  }
0x59: {  	_ =	shalt  }
0x5a: {  	_ =	shalt  }
0x5b: {  	_ =	shalt  }
0x5c: {  	_ =	shalt  }
0x5d: {  	_ =	shalt  }
0x5e: {  	_ =	shalt  }
0x5f: {  	_ =	shalt  }
0x60: {  	_ =	shalt  }
0x61: {  	_ =	shalt  }
0x62: {  	_ =	shalt  }
0x63: {  	_ =	shalt  }
0x64: {  	_ =	shalt  }
0x65: {  	_ =	shalt  }
0x66: {  	_ =	shalt  }
0x67: {  	_ =	shalt  }
0x68: {  	_ =	shalt  }
0x69: {  	_ =	shalt  }
0x6a: {  	_ =	shalt  }
0x6b: {  	_ =	shalt  }
0x6c: {  	_ =	shalt  }
0x6d: {  	_ =	shalt  }
0x6e: {  	_ =	shalt  }
0x6f: {  	_ =	shalt  }
0x70: {  	_ =	shalt  }
0x71: {  	_ =	shalt  }
0x72: {  	_ =	shalt  }
0x73: {  	_ =	shalt  }
0x74: {  	_ =	shalt  }
0x75: {  	_ =	shalt  }
0x76: {  	_ =	shalt  }
0x77: {  	_ =	shalt  }
0x78: {  	_ =	shalt  }
0x79: {  	_ =	shalt  }
0x7a: {  	_ =	shalt  }
0x7b: {  	_ =	shalt  }
0x7c: {  	_ =	shalt  }
0x7d: {  	_ =	shalt  }
0x7e: {  	_ =	shalt  }
0x7f: {  	_ =	shalt  }
0x80: {  	_ =	shalt  }
0x81: {  	_ =	shalt  }
0x82: {  	_ =	shalt  }
0x83: {  	_ =	shalt  }
0x84: {  	_ =	shalt  }
0x85: {  	_ =	shalt  }
0x86: {  	_ =	shalt  }
0x87: {  	_ =	shalt  }
.Lfunc_end0:
.L_simem_size_0:
called_computation_lowered:
.L_overlay_start_0:
0x88: {  	s2 =	sld [smem:$0x3FD9]  }
0x89: {  	s3 =	sld [smem:$0x3FFE];
	_ =	sdelay $0x1  }
0x8a: {  	s1 =	srdreg.scid  }
0x8b: {  	s0 =	sand.u32 $0x1, s1  }
0x8c: {  	s14 =	sshll.u32 s0, $0xA;
	s2 =	sadd.s32 s3, s2  }
0x8d: {  	s2 =	sadd.s32 s2, s14  }
0x8e: {  	[smem:$0x3FC2] =	sst s2  }
0x8f: {  	_ = 	snop  }
0x90: {  	s2 =	sld [smem:$0x3FD0];
	_ =	sdelay $0x2  }
0x91: {  	s15 =	simm.s32 $0xA;
	s4 =	simm.s32 $0x10  }
0x92: {  	[smem:s4], [sflag:s15] =	dma.local [hbm:s2], $0x1  }
0x93: {  	_ =	swait.eq [sflag:s15], $0x1  }
0x94: {  	[sflag:s15] =	ssyncset.done $0x0  }
0x95: {  	[sflag:s15] =	ssyncadd.s32 $0xFFFFFFFF  }
0x96: {  	s16 =	sld [smem:$0x10];
	(tm) =	ssettm $0x1  }
0x97: {  	s17 =	sld [smem:$0x3FFB];
	_ =	sdelay $0x3  }
0x98: {  	_ =	strace s17  }
0x99: {  	s3 =	sld [smem:$0x3FFC];
	_ =	sdelay $0x3  }
0x9a: {  	_ =	strace s3  }
0x9b: {  	s3 =	sld [smem:$0x3FFD];
	_ =	sdelay $0x3  }
0x9c: {  	_ =	strace s3  }
0x9d: {  	_ =	strace $0x8FFFFFFF  }
0x9e: {  	s18 =	sld [smem:$0x3FDB];
	_ =	sdelay $0x1  }
0x9f: {  	s19 =	simm.s32 $_scs_section_size  }
0xa0: {  	s5 =	simm.s32 $_size__tile_overlayer_lowered;
	s6 =	simm.s32 $_tile_overlayer_lowered  }
0xa1: {  	s22 =	simm.s32 $0x1BFF;
	s21 =	sshll.u32 s6, $0x1;
	s3 =	sadd.s32 s19, s18  }
0xa2: {  	s7 =	simm.s32 $0x0;
	s20 =	sshll.u32 s5, $0x1;
	s5 =	sadd.s32 s21, s3  }
0xa3: {  	[timem:s7], [sflag:s22] =	dma.local [hbm:s5], s20  }
0xa4: {  	_ =	swait.ge [sflag:s22], s20  }
0xa5: {  	s4 =	ssub.s32 $0x0, s20;
	[sflag:s22] =	ssyncset.done $0x0  }
0xa6: {  	[sflag:s22] =	ssyncadd.s32 s4;
	_ =	sdelay $0x1  }
0xa7: {  	s23 =	simm.s32 $0x1B8B  }
0xa8: {  	_ =	swait.ge [sflag:s23], $0x1  }
0xa9: {  	[sflag:s23] =	ssyncset.done $0x0  }
0xaa: {  	s25 =	simm.s32 $0x1B8E;
	s24 =	sld [smem:$0x3FFE];
	[sflag:s23] =	ssyncadd.s32 $0xFFFFFFFF  }
0xab: {  	s26 =	simm.s32 $execute0_lowered;
	[smem:$0x3FD2] =	sst s25  }
0xac: {  	s5 =	sshll.u32 s26, $0x1;
	_ =	strace $0x80000046;
	[dreg:$0x1] =	wrdreg $0xFFFFFFFF  }
0xad: {  	s28 =	simm.s32 $_size_execute0_lowered;
	s3 =	sadd.s32 s3, s5;
	[dreg:$0x0] =	wrdreg $0x0  }
0xae: {  	s5 =	sshll.u32 s28, $0x1;
	[dreg:$0x2] =	wrdreg s3  }
0xaf: {  	[dreg:$0x3] =	wrdreg s5  }
0xb0: {  	[dreg:$0x4] =	wrdreg $0xC0  }
0xb1: {  	_ =	task [dreg:s7], $0x5FFFF  }
0xb2: {  	[dreg:$0x1] =	wrdreg $0xFFFFFFFF  }
0xb3: {  	[dreg:$0x0] =	wrdreg $0x60  }
0xb4: {  	[dreg:$0x2] =	wrdreg s16  }
0xb5: {  	[dreg:$0x3] =	wrdreg s24  }
0xb6: {  	[dreg:$0x4] =	wrdreg $0x9  }
0xb7: {  	_ =	task.clear_ibuf [dreg:s7], $0x5FFFF;
	_ =	strace $0x90000046  }
0xb8: {  	s29 =	simm.s32 $0x9;
	_ =	strace $0x80000048  }
0xb9: {  	_ =	swait.ge [sflag:s29], $0x1  }
0xba: {  	[sflag:s29] =	ssyncadd.s32 $0xFFFFFFFF  }
0xbb: {  	_ =	strace $0x90000048  }
0xbc: {  	_ =	sfence  }
0xbd: {  	s30 =	sld [smem:$0x0];
	_ =	sdelay $0x2  }
0xbe: {  	s31 =	sshll.u32 s1, $0xD;
	s1 =	sshrl.u32 s1, $0x2  }
0xbf: {  	s3 =	sand.u32 $0x4000, s31;
	s1 =	sadd.s32 s1, s30  }
0xc0: {  	s0 =	sor.u32 s3, s0;
	s1 =	sshll.u32 s1, $0x11  }
0xc1: {  	s0 =	sor.u32 s1, s0  }
0xc2: {  	s0 =	sadd.s32 $0x8F2B, s0  }
0xc3: {  	[sflag:s0] =	ssyncadd.remote.s32 $0x1  }
0xc4: {  	_ =	sfence.sel $0xFFFF  }
0xc5: {  	[dreg:$0x0] =	wrdreg $0xFFFFFFFF;
	(pc) =	sbr.abs _section_cstart, $3  }
0xc6: {  	[dreg:$0x1] =	wrdreg $0xFFFFFFFF  }
0xc7: {  	_ =	task.clear_ibuf [dreg:s7], $0x2FFFF;
	_ =	strace $0x9FFFFFFF  }
0xc8: {  	(tm) =	ssettm $0x7FFFFFFF  }
0xc9: {  	_ =	shalt  }
tec
execute0_lowered:
.L_overlay_start_1:
0x0: {  	(tag) =	ssettag $0x1  }
0x1: {  	s4 =	rddreg [dreg:$0x0]  }
0x2: {  	s7 =	rddreg [dreg:$0x1];
	s2 =	srdreg.scid  }
0x3: {  	s0 =	rddreg [dreg:$0x2];
	s1 =	stileid.u32  }
0x4: {  	s10 =	simm.s32 $0x8000;
	s11 =	simm.s32 $0x8080;
	s12 =	simm.s32 $0x800  }
0x5: {  	s13 =	simm.s32 $0x1000;
	s14 =	simm.s32 $0x1800;
	s15 =	simm.s32 $0x2000  }
0x6: {  	s16 =	simm.s32 $0x2800;
	s17 =	simm.s32 $0x3000;
	s18 =	simm.s32 $0x3800  }
0x7: {  	s19 =	simm.s32 $0x4000;
	s20 =	simm.s32 $0x4800;
	s21 =	simm.s32 $0x5000  }
0x8: {  	s22 =	simm.s32 $0x5800;
	s23 =	simm.s32 $0x6000;
	s24 =	simm.s32 $0x6800  }
0x9: {  	s25 =	simm.s32 $0x7000;
	s26 =	simm.s32 $0x7800;
	s28 =	simm.s32 $0x1  }
0xa: {  	s29 =	simm.s32 $0x2;
	s3 =	sand.u32 $0x1, s2;
	s2 =	simm.s32 $0x0  }
0xb: {  	s5 =	sshll.u32 s1, $0x7;
	s6 =	sshll.u32 s3, $0x6;
	[smem:$0x7FF] =	sst s2  }
0xc: {  	s8 =	ssub.s32 $0x2, s3;
	s3 =	sadd.s32 $0x12000, s7;
	s5 =	sor.u32 s6, s5  }
0xd: {  	_ =	strace $0x80000047;
	s9 =	sshrl.u32 s8, $0x1;
	s6 =	sshrl.u32 s5, $0x3  }
0xe: {  	v2 =	vlaneseq.u32;
	s5 =	sshll.u32 s5, $0x6;
	s8 =	ssub.s32 s8, s9;
	s9 =	simm.s32 $0x3  }
0xf: {  	vm0 =	vmmov $0xffff;
	v1 =	vshrl.u32 v2, $0x3;
	s6 =	sadd.s32 s6, s7;
	s4 =	sadd.s32 s4, s5;
	s7 =	sadd.s32 $0x12100, s7  }
0x10: {  	v0 =	vand.u32 $0x7, v2;
	v2 =	vor.u32 $0x8, v2;
	v1 =	vmul.u32 $0x8, v1;
	s8 =	smax.u32 s8, $0x1;
	s5 =	sadd.s32 $0x1C00, s6;
	s6 =	sadd.s32 $0x1E00, s6  }
.LBB2_1:
0x11: {  	[tilespmem:s2], [sflag:$0x3] =	stream.linear.gather [hbm4b:s4+s2], $0x8000, $0x38;
	[tilespmem:$0x8100] =	vst v63  }
0x12: {  	_ =	swait.ge [sflag:s9], $0x8000  }
0x13: {  	[sflag:s9] =	ssyncset.done $0x0  }
0x14: {  	[sflag:s9] =	ssyncadd.s32 $0xFFFF8000  }
0x15: {  	[tilespmem:s10], [sflag:$0x3] =	stream.linear.gather [hbm4b:s5+s2], $0x40, $0x38;
	[tilespmem:$0x8100] =	vst v63  }
0x16: {  	_ =	swait.ge [sflag:s9], $0x40  }
0x17: {  	[sflag:s9] =	ssyncset.done $0x0  }
0x18: {  	[sflag:s9] =	ssyncadd.s32 $0xFFFFFFC0  }
0x19: {  	[tilespmem:s11], [sflag:$0x3] =	stream.linear.gather [hbm4b:s6+s2], $0x40, $0x38;
	[tilespmem:$0x8100] =	vst v63  }
0x1a: {  	_ =	swait.ge [sflag:s9], $0x40  }
0x1b: {  	[sflag:s9] =	ssyncset.done $0x0  }
0x1c: {  	[sflag:s9] =	ssyncadd.s32 $0xFFFFFFC0  }
0x1d: {  	v3 =	vld [tilespmem:$0x8000];
	_ =	sdelay $0x4  }
0x1e: {  	v4 =	vshll.u32 v3, $0x2  }
0x1f: {  	v3 =	vand.u32 $0x7, v3;
	v4 =	vand.u32 $0xFFFFFFE0, v4  }
0x20: {  	v3 =	vor.u32 v3, v4  }
0x21: {  	v4 =	vperm.xlane v3, v0;
	_ =	sdelay $0x1  }
0x22: {  	v4 =	vadd.s32 v1, v4;
	_ =	sdelay $0x1  }
0x23: {  	v3 =	vperm.xlane v3, v2;
	_ =	sdelay $0x1  }
0x24: {  	v3 =	vadd.s32 v1, v3  }
0x25: {  	[hbm4b:s3+s2] =	stream.indirect_vreg.scatter [tilespmem:s2], [sflag:$0x1], $0x80, v4, vm0, $0xb8;
	[tilespmem:$0x8100] =	vst v63  }
0x26: {  	_ = 	snop  }
0x27: {  	[hbm4b:s7+s2] =	stream.indirect_vreg.scatter [tilespmem:s12], [sflag:$0x1], $0x80, v4, vm0, $0xb8;
	[tilespmem:$0x8100] =	vst v63  }
0x28: {  	_ = 	snop  }
0x29: {  	[hbm4b:s3+s2] =	stream.indirect_vreg.scatter [tilespmem:s13], [sflag:$0x1], $0x80, v3, vm0, $0xb8;
	[tilespmem:$0x8100] =	vst v63  }
0x2a: {  	_ = 	snop  }
0x2b: {  	[hbm4b:s7+s2] =	stream.indirect_vreg.scatter [tilespmem:s14], [sflag:$0x1], $0x80, v3, vm0, $0xb8;
	[tilespmem:$0x8100] =	vst v63  }
0x2c: {  	v3 =	vld [tilespmem:$0x8010];
	_ =	sdelay $0x4  }
0x2d: {  	v57 =	vshll.u32 v3, $0x2  }
0x2e: {  	v3 =	vand.u32 $0x7, v3;
	v4 =	vand.u32 $0xFFFFFFE0, v57  }
0x2f: {  	v3 =	vor.u32 v3, v4  }
0x30: {  	v4 =	vperm.xlane v3, v0;
	_ =	sdelay $0x1  }
0x31: {  	v4 =	vadd.s32 v1, v4;
	_ =	sdelay $0x1  }
0x32: {  	v3 =	vperm.xlane v3, v2;
	_ =	sdelay $0x1  }
0x33: {  	v3 =	vadd.s32 v1, v3  }
0x34: {  	[hbm4b:s3+s2] =	stream.indirect_vreg.scatter [tilespmem:s15], [sflag:$0x1], $0x80, v4, vm0, $0xb8;
	[tilespmem:$0x8100] =	vst v63  }
0x35: {  	_ = 	snop  }
0x36: {  	[hbm4b:s7+s2] =	stream.indirect_vreg.scatter [tilespmem:s16], [sflag:$0x1], $0x80, v4, vm0, $0xb8;
	[tilespmem:$0x8100] =	vst v63  }
0x37: {  	_ = 	snop  }
0x38: {  	[hbm4b:s3+s2] =	stream.indirect_vreg.scatter [tilespmem:s17], [sflag:$0x1], $0x80, v3, vm0, $0xb8;
	[tilespmem:$0x8100] =	vst v63  }
0x39: {  	_ = 	snop  }
0x3a: {  	[hbm4b:s7+s2] =	stream.indirect_vreg.scatter [tilespmem:s18], [sflag:$0x1], $0x80, v3, vm0, $0xb8;
	[tilespmem:$0x8100] =	vst v63  }
0x3b: {  	v3 =	vld [tilespmem:$0x8020];
	_ =	sdelay $0x4  }
0x3c: {  	v58 =	vshll.u32 v3, $0x2  }
0x3d: {  	v3 =	vand.u32 $0x7, v3;
	v4 =	vand.u32 $0xFFFFFFE0, v58  }
0x3e: {  	v3 =	vor.u32 v3, v4  }
0x3f: {  	v4 =	vperm.xlane v3, v0;
	_ =	sdelay $0x1  }
0x40: {  	v4 =	vadd.s32 v1, v4;
	_ =	sdelay $0x1  }
0x41: {  	v3 =	vperm.xlane v3, v2;
	_ =	sdelay $0x1  }
0x42: {  	v3 =	vadd.s32 v1, v3  }
0x43: {  	[hbm4b:s3+s2] =	stream.indirect_vreg.scatter [tilespmem:s19], [sflag:$0x1], $0x80, v4, vm0, $0xb8;
	[tilespmem:$0x8100] =	vst v63  }
0x44: {  	_ = 	snop  }
0x45: {  	[hbm4b:s7+s2] =	stream.indirect_vreg.scatter [tilespmem:s20], [sflag:$0x1], $0x80, v4, vm0, $0xb8;
	[tilespmem:$0x8100] =	vst v63  }
0x46: {  	_ = 	snop  }
0x47: {  	[hbm4b:s3+s2] =	stream.indirect_vreg.scatter [tilespmem:s21], [sflag:$0x1], $0x80, v3, vm0, $0xb8;
	[tilespmem:$0x8100] =	vst v63  }
0x48: {  	_ = 	snop  }
0x49: {  	[hbm4b:s7+s2] =	stream.indirect_vreg.scatter [tilespmem:s22], [sflag:$0x1], $0x80, v3, vm0, $0xb8;
	[tilespmem:$0x8100] =	vst v63  }
0x4a: {  	v3 =	vld [tilespmem:$0x8030];
	_ =	sdelay $0x4  }
0x4b: {  	v59 =	vshll.u32 v3, $0x2  }
0x4c: {  	v3 =	vand.u32 $0x7, v3;
	v4 =	vand.u32 $0xFFFFFFE0, v59  }
0x4d: {  	v3 =	vor.u32 v3, v4  }
0x4e: {  	v4 =	vperm.xlane v3, v0;
	_ =	sdelay $0x1  }
0x4f: {  	v4 =	vadd.s32 v1, v4;
	_ =	sdelay $0x1  }
0x50: {  	v3 =	vperm.xlane v3, v2;
	_ =	sdelay $0x1  }
0x51: {  	v3 =	vadd.s32 v1, v3  }
0x52: {  	[hbm4b:s3+s2] =	stream.indirect_vreg.scatter [tilespmem:s23], [sflag:$0x1], $0x80, v4, vm0, $0xb8;
	[tilespmem:$0x8100] =	vst v63  }
0x53: {  	_ = 	snop  }
0x54: {  	[hbm4b:s7+s2] =	stream.indirect_vreg.scatter [tilespmem:s24], [sflag:$0x1], $0x80, v4, vm0, $0xb8;
	[tilespmem:$0x8100] =	vst v63  }
0x55: {  	_ = 	snop  }
0x56: {  	[hbm4b:s3+s2] =	stream.indirect_vreg.scatter [tilespmem:s25], [sflag:$0x1], $0x80, v3, vm0, $0xb8;
	[tilespmem:$0x8100] =	vst v63  }
0x57: {  	_ = 	snop  }
0x58: {  	[hbm4b:s7+s2] =	stream.indirect_vreg.scatter [tilespmem:s26], [sflag:$0x1], $0x80, v3, vm0, $0xb8;
	[tilespmem:$0x8100] =	vst v63  }
0x59: {  	v3 =	vld [tilespmem:$0x8080];
	_ =	sdelay $0x4  }
0x5a: {  	v60 =	vshll.u32 v3, $0x2  }
0x5b: {  	v3 =	vand.u32 $0x7, v3;
	v4 =	vand.u32 $0xFFFFFFE0, v60  }
0x5c: {  	v3 =	vor.u32 v3, v4  }
0x5d: {  	v4 =	vperm.xlane v3, v0;
	_ =	sdelay $0x1  }
0x5e: {  	v4 =	vadd.s32 v1, v4;
	_ =	sdelay $0x1  }
0x5f: {  	v3 =	vperm.xlane v3, v2;
	_ =	sdelay $0x1  }
0x60: {  	v3 =	vadd.s32 v1, v3  }
0x61: {  	[hbm4b:s3+s2] =	stream.indirect_vreg.scatter [tilespmem:s2], [sflag:$0x2], $0x80, v4, vm0, $0xb8;
	[tilespmem:$0x8100] =	vst v63  }
0x62: {  	_ = 	snop  }
0x63: {  	[hbm4b:s7+s2] =	stream.indirect_vreg.scatter [tilespmem:s12], [sflag:$0x2], $0x80, v4, vm0, $0xb8;
	[tilespmem:$0x8100] =	vst v63  }
0x64: {  	_ = 	snop  }
0x65: {  	[hbm4b:s3+s2] =	stream.indirect_vreg.scatter [tilespmem:s13], [sflag:$0x2], $0x80, v3, vm0, $0xb8;
	[tilespmem:$0x8100] =	vst v63  }
0x66: {  	_ = 	snop  }
0x67: {  	[hbm4b:s7+s2] =	stream.indirect_vreg.scatter [tilespmem:s14], [sflag:$0x2], $0x80, v3, vm0, $0xb8;
	[tilespmem:$0x8100] =	vst v63  }
0x68: {  	v3 =	vld [tilespmem:$0x8090];
	_ =	sdelay $0x4  }
0x69: {  	v61 =	vshll.u32 v3, $0x2  }
0x6a: {  	v3 =	vand.u32 $0x7, v3;
	v4 =	vand.u32 $0xFFFFFFE0, v61  }
0x6b: {  	v3 =	vor.u32 v3, v4  }
0x6c: {  	v4 =	vperm.xlane v3, v0;
	_ =	sdelay $0x1  }
0x6d: {  	v4 =	vadd.s32 v1, v4;
	_ =	sdelay $0x1  }
0x6e: {  	v3 =	vperm.xlane v3, v2;
	_ =	sdelay $0x1  }
0x6f: {  	v3 =	vadd.s32 v1, v3  }
0x70: {  	[hbm4b:s3+s2] =	stream.indirect_vreg.scatter [tilespmem:s15], [sflag:$0x2], $0x80, v4, vm0, $0xb8;
	[tilespmem:$0x8100] =	vst v63  }
0x71: {  	_ = 	snop  }
0x72: {  	[hbm4b:s7+s2] =	stream.indirect_vreg.scatter [tilespmem:s16], [sflag:$0x2], $0x80, v4, vm0, $0xb8;
	[tilespmem:$0x8100] =	vst v63  }
0x73: {  	_ = 	snop  }
0x74: {  	[hbm4b:s3+s2] =	stream.indirect_vreg.scatter [tilespmem:s17], [sflag:$0x2], $0x80, v3, vm0, $0xb8;
	[tilespmem:$0x8100] =	vst v63  }
0x75: {  	_ = 	snop  }
0x76: {  	[hbm4b:s7+s2] =	stream.indirect_vreg.scatter [tilespmem:s18], [sflag:$0x2], $0x80, v3, vm0, $0xb8;
	[tilespmem:$0x8100] =	vst v63  }
0x77: {  	v3 =	vld [tilespmem:$0x80A0];
	_ =	sdelay $0x4  }
0x78: {  	v62 =	vshll.u32 v3, $0x2  }
0x79: {  	v3 =	vand.u32 $0x7, v3;
	v4 =	vand.u32 $0xFFFFFFE0, v62  }
0x7a: {  	v3 =	vor.u32 v3, v4  }
0x7b: {  	v4 =	vperm.xlane v3, v0;
	_ =	sdelay $0x1  }
0x7c: {  	v4 =	vadd.s32 v1, v4;
	_ =	sdelay $0x1  }
0x7d: {  	v3 =	vperm.xlane v3, v2;
	_ =	sdelay $0x1  }
0x7e: {  	v3 =	vadd.s32 v1, v3  }
0x7f: {  	[hbm4b:s3+s2] =	stream.indirect_vreg.scatter [tilespmem:s19], [sflag:$0x2], $0x80, v4, vm0, $0xb8;
	[tilespmem:$0x8100] =	vst v63  }
0x80: {  	_ = 	snop  }
0x81: {  	[hbm4b:s7+s2] =	stream.indirect_vreg.scatter [tilespmem:s20], [sflag:$0x2], $0x80, v4, vm0, $0xb8;
	[tilespmem:$0x8100] =	vst v63  }
0x82: {  	_ = 	snop  }
0x83: {  	[hbm4b:s3+s2] =	stream.indirect_vreg.scatter [tilespmem:s21], [sflag:$0x2], $0x80, v3, vm0, $0xb8;
	[tilespmem:$0x8100] =	vst v63  }
0x84: {  	_ = 	snop  }
0x85: {  	[hbm4b:s7+s2] =	stream.indirect_vreg.scatter [tilespmem:s22], [sflag:$0x2], $0x80, v3, vm0, $0xb8;
	[tilespmem:$0x8100] =	vst v63  }
0x86: {  	v3 =	vld [tilespmem:$0x80B0];
	_ =	sdelay $0x4  }
0x87: {  	v63 =	vshll.u32 v3, $0x2  }
0x88: {  	v3 =	vand.u32 $0x7, v3;
	v4 =	vand.u32 $0xFFFFFFE0, v63  }
0x89: {  	v3 =	vor.u32 v3, v4  }
0x8a: {  	v4 =	vperm.xlane v3, v0;
	_ =	sdelay $0x1  }
0x8b: {  	v4 =	vadd.s32 v1, v4;
	_ =	sdelay $0x1  }
0x8c: {  	v3 =	vperm.xlane v3, v2;
	_ =	sdelay $0x1  }
0x8d: {  	v3 =	vadd.s32 v1, v3  }
0x8e: {  	[hbm4b:s3+s2] =	stream.indirect_vreg.scatter [tilespmem:s23], [sflag:$0x2], $0x80, v4, vm0, $0xb8;
	[tilespmem:$0x8100] =	vst v63  }
0x8f: {  	_ = 	snop  }
0x90: {  	[hbm4b:s7+s2] =	stream.indirect_vreg.scatter [tilespmem:s24], [sflag:$0x2], $0x80, v4, vm0, $0xb8;
	[tilespmem:$0x8100] =	vst v63  }
0x91: {  	_ = 	snop  }
0x92: {  	[hbm4b:s3+s2] =	stream.indirect_vreg.scatter [tilespmem:s25], [sflag:$0x2], $0x80, v3, vm0, $0xb8;
	[tilespmem:$0x8100] =	vst v63  }
0x93: {  	_ = 	snop  }
0x94: {  	[hbm4b:s7+s2] =	stream.indirect_vreg.scatter [tilespmem:s26], [sflag:$0x2], $0x80, v3, vm0, $0xb8;
	[tilespmem:$0x8100] =	vst v63  }
0x95: {  	p0 =	sne.s32 s8, $0x1;
	_ =	swait.ge [sflag:s28], $0x8000  }
.Ltmp0:
0x96: {  	[sflag:s28] =	ssyncset.done $0x0;
	(pc) =	sbr.rel @p0 .LBB2_1-.Ltmp0, $4  }
0x97: {  	[sflag:s28] =	ssyncadd.s32 $0xFFFF8000  }
0x98: {  	_ =	swait.ge [sflag:s29], $0x8000  }
0x99: {  	[sflag:s29] =	ssyncset.done $0x0  }
0x9a: {  	s8 =	sadd.s32 $0xFFFFFFFF, s8;
	[sflag:s29] =	ssyncadd.s32 $0xFFFF8000  }
0x9b: {  	_ =	sfence.sel $0x180000  }
0x9c: {  	[bflag:$0x0] =	sbarrier.arrive $0xFFFF  }
0x9d: {  	p0 =	sne.s32 s1, $0x0;
	_ =	strace $0x90000047  }
0x9e: {  	s0 =	sadd.s32 @!p0 $0x100000, s0;
	[bflag:$0x2] =	sbarrier.arrive $0xFFFF  }
0x9f: {  	[sflag:s0] =	ssyncadd.tile.s32 @!p0 $0x1;
	_ =	shalt  }
.Lfunc_end2:
_tile_overlayer_lowered:
.L_overlay_start_2:
0xa0: {  	(tag) =	ssettag $0x2  }
0xa1: {  	s0 =	rddreg [dreg:$0x0];
	s2 =	stileid.u32  }
0xa2: {  	s1 =	rddreg [dreg:$0x1];
	p0 =	sne.s32 s2, $0x0  }
0xa3: {  	s3 =	rddreg [dreg:$0x2];
	[bflag:$0x3] =	sbarrier.arrive $0xFFFF;
	s2 =	simm.s32 @!p0 $0x1C03  }
0xa4: {  	[timem:s3], [sflag:s2] =	dma.local @!p0 [hbm:s0], s1  }
0xa5: {  	s0 =	simm.s32 @!p0 $0x3  }
0xa6: {  	_ =	swait.ge @!p0 [sflag:s0], s1  }
0xa7: {  	s1 =	ssub.s32 @!p0 $0x0, s1;
	[sflag:s0] =	ssyncset.done @!p0 $0x0  }
0xa8: {  	[sflag:s0] =	ssyncadd.s32 @!p0 s1  }
0xa9: {  	[bflag:$0x3] =	sbarrier.arrive $0xFFFF  }
0xaa: {  	_ =	shalt  }

// kernel: _moe_sparse.9.cloned.1.call-start
scs
__scs_entry_jumppad:
0x0: {  	(pc) =	sbr.rel $0x88, $3  }
0x1: {  	(tag) =	ssettag $0x0;
	lr =	simm.s32 $0x1  }
0x2: {  	[smem:$0x3F9B] =	sst lr;
	_ =	strace $0xD0000000  }
0x3: {  	_ = 	snop  }
0x4: {  	_ = 	snop  }
0x5: {  	_ = 	snop  }
0x6: {  	_ = 	snop  }
0x7: {  	_ = 	snop  }
__scs_overlays_trampoline_lowered:
0x8: {  	[smem:$0x3FAA] =	sst s0  }
0x9: {  	[smem:$0x3FAB] =	sst s1  }
0xa: {  	[smem:$0x3FAC] =	sst s2  }
0xb: {  	[smem:$0x3FAD] =	sst s3  }
0xc: {  	[smem:$0x3FAE] =	sst s4  }
0xd: {  	[smem:$0x3FAF] =	sst s5  }
0xe: {  	[smem:$0x3FB0] =	sst s6  }
0xf: {  	[smem:$0x3FB1] =	sst s7  }
0x10: {  	[smem:$0x3FB2] =	sst s8  }
0x11: {  	[smem:$0x3FB3] =	sst s9;
	s0 =	simm.s32 @!p0 $0x0  }
0x12: {  	s1 =	sld [smem:$0x3F99];
	s0 =	simm.s32 @p0 $0x1  }
0x13: {  	[smem:$0x3FB4] =	sst s0;
	s0 =	simm.s32 @!p1 $0x0  }
0x14: {  	s2 =	sld [smem:$0x3F98];
	s0 =	simm.s32 @p1 $0x1  }
0x15: {  	[smem:$0x3FB5] =	sst s0;
	s0 =	simm.s32 @!p2 $0x0  }
0x16: {  	s3 =	sld [smem:$0x3FDB];
	s0 =	simm.s32 @p2 $0x1  }
0x17: {  	s4 =	simm.s32 $0x1BF5;
	[smem:$0x3FB7] =	sst s0  }
0x18: {  	s0 =	sld [smem:$0x3F9A];
	_ =	swait.ge [sflag:s4], $0x0  }
0x19: {  	s7 =	sld [smem:$0x3F9B]  }
0x1a: {  	s8 =	sadd.s32 $0xFFFFE003, lr  }
0x1b: {  	s9 =	sadd.s32 $0xFFFFFEF7, lr;
	s5 =	simm.s32 $0xFFFFFFFF;
	p2 =	slt.u32 s8, $0xFFFFF086  }
0x1c: {  	p1 =	slt.u32 s9, $0xF7A;
	s5 =	simm.s32 @!p2 $0x0  }
0x1d: {  	s5 =	simm.s32 @p1 $0x1;
	p0 =	seq.s32 s7, s2  }
0x1e: {  	s7 =	smul.u32 @!p0 $0xF7A, s2;
	p2 =	seq.s32 @!p0 s5, $0x0  }
0x1f: {  	s9 =	smul.u32 $0xF7A, s1;
	s8 =	simm.s32 @!p0 $0x1BF5;
	p2 =	por !p2, p0  }
0x20: {  	[sflag:s8] =	ssyncset.s32 @!p0 $0xFFFFF086;
	s6 =	sadd.s32 @!p0 s3, s7;
	s7 =	simm.s32 @!p0 $0x108  }
0x21: {  	s3 =	sadd.s32 s3, s9;
	s6 =	sadd.s32 @!p0 $0x88, s6;
	s7 =	simm.s32 @p2 $0x1082  }
0x22: {  	[simem:s7], [sflag:s8] =	dma.local @!p0 [hbm:s6], $0xF7A  }
0x23: {  	s9 =	sor.u32 $0xD0000000, s2;
	s6 =	simm.s32 $0x108;
	_ =	swait.ge @!p0 [sflag:s8], $0x0  }
0x24: {  	s3 =	sadd.s32 $0x88, s3;
	s6 =	simm.s32 @!p1 $0x1082;
	[sflag:s4] =	ssyncset.s32 $0xFFFFF086  }
0x25: {  	[simem:s6], [sflag:s4] =	dma.local [hbm:s3], $0xF7A  }
0x26: {  	[smem:$0x3F9B] =	sst s1;
	(tag) =	ssettag s2;
	_ =	strace s9  }
0x27: {  	s1 =	sld [smem:$0x3FAB]  }
0x28: {  	s2 =	sld [smem:$0x3FAC]  }
0x29: {  	s4 =	sld [smem:$0x3FAE]  }
0x2a: {  	p0 =	seq.s32 s5, $0x0;
	s5 =	sld [smem:$0x3FAF]  }
0x2b: {  	s6 =	sld [smem:$0x3FB0]  }
0x2c: {  	s7 =	sld [smem:$0x3FB1]  }
0x2d: {  	s3 =	simm.s32 $0x108;
	s8 =	sld [smem:$0x3FB2]  }
0x2e: {  	s3 =	simm.s32 @!p0 $0x1082;
	s9 =	sld [smem:$0x3FB3]  }
0x2f: {  	lr =	sadd.s32 s0, s3;
	s0 =	sld [smem:$0x3FAA]  }
0x30: {  	s3 =	sld [smem:$0x3FAD]  }
0x31: {  	[smem:$0x3FB6] =	sst s10  }
0x32: {  	s10 =	sld [smem:$0x3FB4];
	_ =	sdelay $0x3  }
0x33: {  	p0 =	seq.s32 s10, $0x1;
	s10 =	sld [smem:$0x3FB6];
	_ =	sdelay $0x3  }
0x34: {  	[smem:$0x3FB6] =	sst s10  }
0x35: {  	s10 =	sld [smem:$0x3FB5];
	_ =	sdelay $0x3  }
0x36: {  	p1 =	seq.s32 s10, $0x1;
	s10 =	sld [smem:$0x3FB6];
	_ =	sdelay $0x3  }
0x37: {  	[smem:$0x3FB6] =	sst s10  }
0x38: {  	s10 =	sld [smem:$0x3FB7]  }
0x39: {  	_ = 	snop;
	(pc) =	sbr.ind lr, $3  }
0x3a: {  	_ = 	snop  }
0x3b: {  	_ = 	snop  }
0x3c: {  	p2 =	seq.s32 s10, $0x1;
	s10 =	sld [smem:$0x3FB6]  }
0x3d: {  	_ =	shalt  }
0x3e: {  	_ =	shalt  }
0x3f: {  	_ =	shalt  }
0x40: {  	_ =	shalt  }
0x41: {  	_ =	shalt  }
0x42: {  	_ =	shalt  }
0x43: {  	_ =	shalt  }
0x44: {  	_ =	shalt  }
0x45: {  	_ =	shalt  }
0x46: {  	_ =	shalt  }
0x47: {  	_ =	shalt  }
0x48: {  	_ =	shalt  }
0x49: {  	_ =	shalt  }
0x4a: {  	_ =	shalt  }
0x4b: {  	_ =	shalt  }
0x4c: {  	_ =	shalt  }
0x4d: {  	_ =	shalt  }
0x4e: {  	_ =	shalt  }
0x4f: {  	_ =	shalt  }
0x50: {  	_ =	shalt  }
0x51: {  	_ =	shalt  }
0x52: {  	_ =	shalt  }
0x53: {  	_ =	shalt  }
0x54: {  	_ =	shalt  }
0x55: {  	_ =	shalt  }
0x56: {  	_ =	shalt  }
0x57: {  	_ =	shalt  }
0x58: {  	_ =	shalt  }
0x59: {  	_ =	shalt  }
0x5a: {  	_ =	shalt  }
0x5b: {  	_ =	shalt  }
0x5c: {  	_ =	shalt  }
0x5d: {  	_ =	shalt  }
0x5e: {  	_ =	shalt  }
0x5f: {  	_ =	shalt  }
0x60: {  	_ =	shalt  }
0x61: {  	_ =	shalt  }
0x62: {  	_ =	shalt  }
0x63: {  	_ =	shalt  }
0x64: {  	_ =	shalt  }
0x65: {  	_ =	shalt  }
0x66: {  	_ =	shalt  }
0x67: {  	_ =	shalt  }
0x68: {  	_ =	shalt  }
0x69: {  	_ =	shalt  }
0x6a: {  	_ =	shalt  }
0x6b: {  	_ =	shalt  }
0x6c: {  	_ =	shalt  }
0x6d: {  	_ =	shalt  }
0x6e: {  	_ =	shalt  }
0x6f: {  	_ =	shalt  }
0x70: {  	_ =	shalt  }
0x71: {  	_ =	shalt  }
0x72: {  	_ =	shalt  }
0x73: {  	_ =	shalt  }
0x74: {  	_ =	shalt  }
0x75: {  	_ =	shalt  }
0x76: {  	_ =	shalt  }
0x77: {  	_ =	shalt  }
0x78: {  	_ =	shalt  }
0x79: {  	_ =	shalt  }
0x7a: {  	_ =	shalt  }
0x7b: {  	_ =	shalt  }
0x7c: {  	_ =	shalt  }
0x7d: {  	_ =	shalt  }
0x7e: {  	_ =	shalt  }
0x7f: {  	_ =	shalt  }
0x80: {  	_ =	shalt  }
0x81: {  	_ =	shalt  }
0x82: {  	_ =	shalt  }
0x83: {  	_ =	shalt  }
0x84: {  	_ =	shalt  }
0x85: {  	_ =	shalt  }
0x86: {  	_ =	shalt  }
0x87: {  	_ =	shalt  }
.Lfunc_end0:
.L_simem_size_0:
called_computation.1_lowered:
.L_overlay_start_0:
0x88: {  	s2 =	sld [smem:$0x3FD9]  }
0x89: {  	s3 =	sld [smem:$0x3FFE];
	_ =	sdelay $0x1  }
0x8a: {  	s1 =	srdreg.scid  }
0x8b: {  	s0 =	sand.u32 $0x1, s1  }
0x8c: {  	s14 =	sshll.u32 s0, $0xA;
	s2 =	sadd.s32 s3, s2  }
0x8d: {  	s2 =	sadd.s32 s2, s14  }
0x8e: {  	[smem:$0x3FC2] =	sst s2  }
0x8f: {  	_ = 	snop  }
0x90: {  	s2 =	sld [smem:$0x3FD0];
	_ =	sdelay $0x2  }
0x91: {  	s15 =	simm.s32 $0xA;
	s4 =	simm.s32 $0x10  }
0x92: {  	[smem:s4], [sflag:s15] =	dma.local [hbm:s2], $0x1  }
0x93: {  	_ =	swait.eq [sflag:s15], $0x1  }
0x94: {  	[sflag:s15] =	ssyncset.done $0x0  }
0x95: {  	[sflag:s15] =	ssyncadd.s32 $0xFFFFFFFF  }
0x96: {  	s16 =	sld [smem:$0x10];
	(tm) =	ssettm $0x1  }
0x97: {  	s17 =	sld [smem:$0x3FFB];
	_ =	sdelay $0x3  }
0x98: {  	_ =	strace s17  }
0x99: {  	s3 =	sld [smem:$0x3FFC];
	_ =	sdelay $0x3  }
0x9a: {  	_ =	strace s3  }
0x9b: {  	s3 =	sld [smem:$0x3FFD];
	_ =	sdelay $0x3  }
0x9c: {  	_ =	strace s3  }
0x9d: {  	_ =	strace $0x8FFFFFFF  }
0x9e: {  	s18 =	sld [smem:$0x3FDB];
	_ =	sdelay $0x1  }
0x9f: {  	s19 =	simm.s32 $_scs_section_size  }
0xa0: {  	s5 =	simm.s32 $_size__tile_overlayer_lowered;
	s6 =	simm.s32 $_tile_overlayer_lowered  }
0xa1: {  	s22 =	simm.s32 $0x1BFF;
	s21 =	sshll.u32 s6, $0x1;
	s3 =	sadd.s32 s19, s18  }
0xa2: {  	s7 =	simm.s32 $0x0;
	s20 =	sshll.u32 s5, $0x1;
	s5 =	sadd.s32 s21, s3  }
0xa3: {  	[timem:s7], [sflag:s22] =	dma.local [hbm:s5], s20  }
0xa4: {  	_ =	swait.ge [sflag:s22], s20  }
0xa5: {  	s4 =	ssub.s32 $0x0, s20;
	[sflag:s22] =	ssyncset.done $0x0  }
0xa6: {  	[sflag:s22] =	ssyncadd.s32 s4;
	_ =	sdelay $0x1  }
0xa7: {  	s23 =	simm.s32 $0x1B8B  }
0xa8: {  	_ =	swait.ge [sflag:s23], $0x1  }
0xa9: {  	[sflag:s23] =	ssyncset.done $0x0  }
0xaa: {  	s25 =	simm.s32 $0x1B8E;
	s24 =	sld [smem:$0x3FFE];
	[sflag:s23] =	ssyncadd.s32 $0xFFFFFFFF  }
0xab: {  	s26 =	simm.s32 $execute0_lowered;
	[smem:$0x3FD2] =	sst s25  }
0xac: {  	s5 =	sshll.u32 s26, $0x1;
	_ =	strace $0x80000049;
	[dreg:$0x1] =	wrdreg $0xFFFFFFFF  }
0xad: {  	s28 =	simm.s32 $_size_execute0_lowered;
	s3 =	sadd.s32 s3, s5;
	[dreg:$0x0] =	wrdreg $0x0  }
0xae: {  	s5 =	sshll.u32 s28, $0x1;
	[dreg:$0x2] =	wrdreg s3  }
0xaf: {  	[dreg:$0x3] =	wrdreg s5  }
0xb0: {  	[dreg:$0x4] =	wrdreg $0xC0  }
0xb1: {  	_ =	task [dreg:s7], $0x5FFFF  }
0xb2: {  	[dreg:$0x1] =	wrdreg $0xFFFFFFFF  }
0xb3: {  	[dreg:$0x0] =	wrdreg $0x60  }
0xb4: {  	[dreg:$0x2] =	wrdreg s24  }
0xb5: {  	[dreg:$0x3] =	wrdreg s16  }
0xb6: {  	[dreg:$0x4] =	wrdreg $0x9  }
0xb7: {  	_ =	task.clear_ibuf [dreg:s7], $0x5FFFF;
	_ =	strace $0x90000049  }
0xb8: {  	s29 =	simm.s32 $0x9;
	_ =	strace $0x8000004B  }
0xb9: {  	_ =	swait.ge [sflag:s29], $0x1  }
0xba: {  	[sflag:s29] =	ssyncadd.s32 $0xFFFFFFFF  }
0xbb: {  	_ =	strace $0x9000004B  }
0xbc: {  	_ =	sfence  }
0xbd: {  	s30 =	sld [smem:$0x0];
	_ =	sdelay $0x2  }
0xbe: {  	s31 =	sshll.u32 s1, $0xD;
	s1 =	sshrl.u32 s1, $0x2  }
0xbf: {  	s3 =	sand.u32 $0x4000, s31;
	s1 =	sadd.s32 s1, s30  }
0xc0: {  	s0 =	sor.u32 s3, s0;
	s1 =	sshll.u32 s1, $0x11  }
0xc1: {  	s0 =	sor.u32 s1, s0  }
0xc2: {  	s0 =	sadd.s32 $0x8F2B, s0  }
0xc3: {  	[sflag:s0] =	ssyncadd.remote.s32 $0x1  }
0xc4: {  	_ =	sfence.sel $0xFFFF  }
0xc5: {  	[dreg:$0x0] =	wrdreg $0xFFFFFFFF;
	(pc) =	sbr.abs _section_cstart, $3  }
0xc6: {  	[dreg:$0x1] =	wrdreg $0xFFFFFFFF  }
0xc7: {  	_ =	task.clear_ibuf [dreg:s7], $0x2FFFF;
	_ =	strace $0x9FFFFFFF  }
0xc8: {  	(tm) =	ssettm $0x7FFFFFFF  }
0xc9: {  	_ =	shalt  }
tec
execute0_lowered:
.L_overlay_start_1:
0x0: {  	(tag) =	ssettag $0x1  }
0x1: {  	s0 =	rddreg [dreg:$0x0]  }
0x2: {  	s1 =	rddreg [dreg:$0x1]  }
0x3: {  	s2 =	simm.s32 $0x0;
	s3 =	srdreg.scid;
	s5 =	stileid.u32  }
0x4: {  	s15 =	simm.s32 $0x3;
	s17 =	simm.s32 $0x9800;
	s18 =	simm.s32 $0xA000  }
0x5: {  	s19 =	simm.s32 $0xA800;
	s20 =	simm.s32 $0xB800;
	s21 =	simm.s32 $0xC800  }
0x6: {  	s22 =	simm.s32 $0xD800;
	s23 =	simm.s32 $0xE800;
	s28 =	simm.s32 $0x2  }
0x7: {  	s29 =	simm.s32 $0x0;
	[smem:$0x7FF] =	sst s2;
	s4 =	sand.u32 $0x1, s3  }
0x8: {  	s5 =	sshll.u32 s5, $0x7;
	s3 =	sadd.s32 $0x12000, s0;
	s9 =	sadd.s32 $0x12200, s0  }
0x9: {  	s10 =	sadd.s32 $0x12300, s0;
	s6 =	sshll.u32 s4, $0x6;
	s4 =	ssub.s32 $0x2, s4  }
0xa: {  	_ =	strace $0x8000004A;
	s5 =	sor.u32 s6, s5;
	s8 =	sshrl.u32 s4, $0x1  }
0xb: {  	s6 =	sshrl.u32 s5, $0x3;
	s7 =	sshll.u32 s5, $0x4;
	s4 =	ssub.s32 s4, s8  }
0xc: {  	s8 =	sadd.s32 $0x12100, s0;
	s6 =	sadd.s32 s6, s0;
	s31 =	smax.u32 s4, $0x1  }
0xd: {  	s5 =	sshll.u32 s5, $0x7;
	s24 =	sadd.s32 $0x1C00, s6;
	[dreg:$0x8] =	wrdreg s31  }
0xe: {  	s7 =	sadd.s32 s7, s0;
	s6 =	sadd.s32 $0x1E00, s6;
	[dreg:$0x3] =	wrdreg s24  }
0xf: {  	v2 =	vlaneseq.u32;
	s11 =	sadd.s32 s1, s5;
	s25 =	sadd.s32 $0x2000, s7;
	[dreg:$0x4] =	wrdreg s6  }
0x10: {  	v0 =	vand.u32 $0x7, v2;
	v1 =	vshrl.u32 v2, $0x3;
	s4 =	simm.s32 $0xB000;
	s26 =	sadd.s32 $0xA000, s7;
	[dreg:$0x5] =	wrdreg s25  }
0x11: {  	v63 =	vor.u32 $0x8, v2;
	[tilespmem:$0x1FFD0] =	vst v0;
	v62 =	vmul.u32 $0x8, v1;
	s5 =	simm.s32 $0xC000;
	s30 =	sadd.s32 $0x1000, s11;
	[dreg:$0x6] =	wrdreg s26  }
0x12: {  	[tilespmem:$0x1FFF0] =	vst v63;
	s7 =	simm.s32 $0xE000;
	[dreg:$0x7] =	wrdreg s30;
	s6 =	simm.s32 $0xD000  }
0x13: {  	vm0 =	vmmov $0xffff;
	[tilespmem:$0x1FFE0] =	vst v62;
	s24 =	simm.s32 $0xF000;
	s25 =	simm.s32 $0xF800;
	s26 =	simm.s32 $0x1  }
.LBB2_1:
0x14: {  	s0 =	rddreg [dreg:$0x3];
	s1 =	simm.s32 $0x10000  }
0x15: {  	[tilespmem:s1], [sflag:$0x3] =	stream.linear.gather [hbm4b:s0+s2], $0x40, $0x38;
	[tilespmem:$0x14100] =	vst v63  }
0x16: {  	_ =	swait.ge [sflag:s15], $0x40  }
0x17: {  	[sflag:s15] =	ssyncset.done $0x0  }
0x18: {  	s16 =	simm.s32 $0x10080;
	s14 =	rddreg [dreg:$0x4];
	[sflag:s15] =	ssyncadd.s32 $0xFFFFFFC0  }
0x19: {  	[tilespmem:s16], [sflag:$0x3] =	stream.linear.gather [hbm4b:s14+s2], $0x40, $0x38;
	[tilespmem:$0x14100] =	vst v63  }
0x1a: {  	_ =	swait.ge [sflag:s15], $0x40  }
0x1b: {  	[sflag:s15] =	ssyncset.done $0x0  }
0x1c: {  	s12 =	simm.s32 $0x10100;
	s1 =	rddreg [dreg:$0x5];
	[sflag:s15] =	ssyncadd.s32 $0xFFFFFFC0  }
0x1d: {  	[tilespmem:s12], [sflag:$0x3] =	stream.linear.gather [hbm4b:s1+s2], $0x2000, $0x38;
	[tilespmem:$0x14100] =	vst v63  }
0x1e: {  	_ =	swait.ge [sflag:s15], $0x2000  }
0x1f: {  	[sflag:s15] =	ssyncset.done $0x0  }
0x20: {  	s30 =	simm.s32 $0x12100;
	s13 =	rddreg [dreg:$0x6];
	[sflag:s15] =	ssyncadd.s32 $0xFFFFE000  }
0x21: {  	[tilespmem:s30], [sflag:$0x3] =	stream.linear.gather [hbm4b:s13+s2], $0x2000, $0x38;
	[tilespmem:$0x14100] =	vst v63  }
0x22: {  	_ =	swait.ge [sflag:s15], $0x2000  }
0x23: {  	[sflag:s15] =	ssyncset.done $0x0  }
0x24: {  	[sflag:s15] =	ssyncadd.s32 $0xFFFFE000  }
0x25: {  	v3 =	vld [tilespmem:$0x10000];
	_ =	sdelay $0x2  }
0x26: {  	v0 =	vld [tilespmem:$0x1FFD0];
	_ =	sdelay $0x1  }
0x27: {  	v1 =	vld [tilespmem:$0x1FFE0];
	v4 =	vshll.u32 v3, $0x3  }
0x28: {  	v3 =	vand.u32 $0x7, v3;
	v4 =	vand.u32 $0xFFFFFFC0, v4  }
0x29: {  	v3 =	vor.u32 v3, v4  }
0x2a: {  	v4 =	vperm.xlane v3, v0;
	_ =	sdelay $0x1  }
0x2b: {  	v4 =	vadd.s32 v1, v4  }
0x2c: {  	v2 =	vld [tilespmem:$0x1FFF0];
	_ =	sdelay $0x3  }
0x2d: {  	[tilespmem:s2], [sflag:$0x1] =	stream.indirect_vreg.gather [hbm4b:s3+s2], $0x80, v4, vm0, $0xb8;
	[tilespmem:$0x14100] =	vst v63  }
0x2e: {  	s14 =	simm.s32 $0x800;
	v3 =	vperm.xlane v3, v2  }
0x2f: {  	[tilespmem:s14], [sflag:$0x1] =	stream.indirect_vreg.gather [hbm4b:s8+s2], $0x80, v4, vm0, $0xb8;
	[tilespmem:$0x14100] =	vst v63  }
0x30: {  	s16 =	simm.s32 $0x1000;
	v3 =	vadd.s32 v1, v3  }
0x31: {  	[tilespmem:s16], [sflag:$0x1] =	stream.indirect_vreg.gather [hbm4b:s9+s2], $0x80, v4, vm0, $0xb8;
	[tilespmem:$0x14100] =	vst v63  }
0x32: {  	s1 =	simm.s32 $0x1800  }
0x33: {  	[tilespmem:s1], [sflag:$0x1] =	stream.indirect_vreg.gather [hbm4b:s10+s2], $0x80, v4, vm0, $0xb8;
	[tilespmem:$0x14100] =	vst v63  }
0x34: {  	s13 =	simm.s32 $0x2000  }
0x35: {  	[tilespmem:s13], [sflag:$0x1] =	stream.indirect_vreg.gather [hbm4b:s3+s2], $0x80, v3, vm0, $0xb8;
	[tilespmem:$0x14100] =	vst v63  }
0x36: {  	s14 =	simm.s32 $0x2800  }
0x37: {  	[tilespmem:s14], [sflag:$0x1] =	stream.indirect_vreg.gather [hbm4b:s8+s2], $0x80, v3, vm0, $0xb8;
	[tilespmem:$0x14100] =	vst v63  }
0x38: {  	s16 =	simm.s32 $0x3000  }
0x39: {  	[tilespmem:s16], [sflag:$0x1] =	stream.indirect_vreg.gather [hbm4b:s9+s2], $0x80, v3, vm0, $0xb8;
	[tilespmem:$0x14100] =	vst v63  }
0x3a: {  	s1 =	simm.s32 $0x3800  }
0x3b: {  	[tilespmem:s1], [sflag:$0x1] =	stream.indirect_vreg.gather [hbm4b:s10+s2], $0x80, v3, vm0, $0xb8;
	[tilespmem:$0x14100] =	vst v63  }
0x3c: {  	v3 =	vld [tilespmem:$0x10010];
	_ =	sdelay $0x4  }
0x3d: {  	v61 =	vshll.u32 v3, $0x3  }
0x3e: {  	v3 =	vand.u32 $0x7, v3;
	v4 =	vand.u32 $0xFFFFFFC0, v61  }
0x3f: {  	v3 =	vor.u32 v3, v4  }
0x40: {  	v4 =	vperm.xlane v3, v0;
	_ =	sdelay $0x1  }
0x41: {  	v4 =	vadd.s32 v1, v4;
	_ =	sdelay $0x3  }
0x42: {  	s13 =	simm.s32 $0x4000  }
0x43: {  	[tilespmem:s13], [sflag:$0x1] =	stream.indirect_vreg.gather [hbm4b:s3+s2], $0x80, v4, vm0, $0xb8;
	[tilespmem:$0x14100] =	vst v63  }
0x44: {  	s14 =	simm.s32 $0x4800;
	v3 =	vperm.xlane v3, v2  }
0x45: {  	[tilespmem:s14], [sflag:$0x1] =	stream.indirect_vreg.gather [hbm4b:s8+s2], $0x80, v4, vm0, $0xb8;
	[tilespmem:$0x14100] =	vst v63  }
0x46: {  	s16 =	simm.s32 $0x5000;
	v3 =	vadd.s32 v1, v3  }
0x47: {  	[tilespmem:s16], [sflag:$0x1] =	stream.indirect_vreg.gather [hbm4b:s9+s2], $0x80, v4, vm0, $0xb8;
	[tilespmem:$0x14100] =	vst v63  }
0x48: {  	s1 =	simm.s32 $0x5800  }
0x49: {  	[tilespmem:s1], [sflag:$0x1] =	stream.indirect_vreg.gather [hbm4b:s10+s2], $0x80, v4, vm0, $0xb8;
	[tilespmem:$0x14100] =	vst v63  }
0x4a: {  	s13 =	simm.s32 $0x6000  }
0x4b: {  	[tilespmem:s13], [sflag:$0x1] =	stream.indirect_vreg.gather [hbm4b:s3+s2], $0x80, v3, vm0, $0xb8;
	[tilespmem:$0x14100] =	vst v63  }
0x4c: {  	s14 =	simm.s32 $0x6800  }
0x4d: {  	[tilespmem:s14], [sflag:$0x1] =	stream.indirect_vreg.gather [hbm4b:s8+s2], $0x80, v3, vm0, $0xb8;
	[tilespmem:$0x14100] =	vst v63  }
0x4e: {  	s16 =	simm.s32 $0x7000  }
0x4f: {  	[tilespmem:s16], [sflag:$0x1] =	stream.indirect_vreg.gather [hbm4b:s9+s2], $0x80, v3, vm0, $0xb8;
	[tilespmem:$0x14100] =	vst v63  }
0x50: {  	s1 =	simm.s32 $0x7800  }
0x51: {  	[tilespmem:s1], [sflag:$0x1] =	stream.indirect_vreg.gather [hbm4b:s10+s2], $0x80, v3, vm0, $0xb8;
	[tilespmem:$0x14100] =	vst v63  }
0x52: {  	v3 =	vld [tilespmem:$0x10080];
	_ =	sdelay $0x4  }
0x53: {  	v62 =	vshll.u32 v3, $0x3  }
0x54: {  	v3 =	vand.u32 $0x7, v3;
	v4 =	vand.u32 $0xFFFFFFC0, v62  }
0x55: {  	v3 =	vor.u32 v3, v4  }
0x56: {  	v4 =	vperm.xlane v3, v0;
	_ =	sdelay $0x1  }
0x57: {  	v4 =	vadd.s32 v1, v4;
	_ =	sdelay $0x3  }
0x58: {  	s13 =	simm.s32 $0x8000  }
0x59: {  	[tilespmem:s13], [sflag:$0x2] =	stream.indirect_vreg.gather [hbm4b:s3+s2], $0x80, v4, vm0, $0xb8;
	[tilespmem:$0x14100] =	vst v63  }
0x5a: {  	s14 =	simm.s32 $0x8800;
	v3 =	vperm.xlane v3, v2  }
0x5b: {  	[tilespmem:s14], [sflag:$0x2] =	stream.indirect_vreg.gather [hbm4b:s8+s2], $0x80, v4, vm0, $0xb8;
	[tilespmem:$0x14100] =	vst v63  }
0x5c: {  	s16 =	simm.s32 $0x9000;
	v3 =	vadd.s32 v1, v3  }
0x5d: {  	[tilespmem:s16], [sflag:$0x2] =	stream.indirect_vreg.gather [hbm4b:s9+s2], $0x80, v4, vm0, $0xb8;
	[tilespmem:$0x14100] =	vst v63  }
0x5e: {  	_ = 	snop  }
0x5f: {  	[tilespmem:s17], [sflag:$0x2] =	stream.indirect_vreg.gather [hbm4b:s10+s2], $0x80, v4, vm0, $0xb8;
	[tilespmem:$0x14100] =	vst v63  }
0x60: {  	_ = 	snop  }
0x61: {  	[tilespmem:s18], [sflag:$0x2] =	stream.indirect_vreg.gather [hbm4b:s3+s2], $0x80, v3, vm0, $0xb8;
	[tilespmem:$0x14100] =	vst v63  }
0x62: {  	_ = 	snop  }
0x63: {  	[tilespmem:s19], [sflag:$0x2] =	stream.indirect_vreg.gather [hbm4b:s8+s2], $0x80, v3, vm0, $0xb8;
	[tilespmem:$0x14100] =	vst v63  }
0x64: {  	_ = 	snop  }
0x65: {  	[tilespmem:s4], [sflag:$0x2] =	stream.indirect_vreg.gather [hbm4b:s9+s2], $0x80, v3, vm0, $0xb8;
	[tilespmem:$0x14100] =	vst v63  }
0x66: {  	_ = 	snop  }
0x67: {  	[tilespmem:s20], [sflag:$0x2] =	stream.indirect_vreg.gather [hbm4b:s10+s2], $0x80, v3, vm0, $0xb8;
	[tilespmem:$0x14100] =	vst v63  }
0x68: {  	v3 =	vld [tilespmem:$0x10090];
	_ =	sdelay $0x4  }
0x69: {  	v63 =	vshll.u32 v3, $0x3  }
0x6a: {  	v3 =	vand.u32 $0x7, v3;
	v4 =	vand.u32 $0xFFFFFFC0, v63  }
0x6b: {  	v3 =	vor.u32 v3, v4  }
0x6c: {  	v4 =	vperm.xlane v3, v0;
	_ =	sdelay $0x1  }
0x6d: {  	v4 =	vadd.s32 v1, v4;
	_ =	sdelay $0x4  }
0x6e: {  	[tilespmem:s5], [sflag:$0x2] =	stream.indirect_vreg.gather [hbm4b:s3+s2], $0x80, v4, vm0, $0xb8;
	[tilespmem:$0x14100] =	vst v63  }
0x6f: {  	v3 =	vperm.xlane v3, v2  }
0x70: {  	[tilespmem:s21], [sflag:$0x2] =	stream.indirect_vreg.gather [hbm4b:s8+s2], $0x80, v4, vm0, $0xb8;
	[tilespmem:$0x14100] =	vst v63  }
0x71: {  	v3 =	vadd.s32 v1, v3  }
0x72: {  	[tilespmem:s6], [sflag:$0x2] =	stream.indirect_vreg.gather [hbm4b:s9+s2], $0x80, v4, vm0, $0xb8;
	[tilespmem:$0x14100] =	vst v63  }
0x73: {  	_ = 	snop  }
0x74: {  	[tilespmem:s22], [sflag:$0x2] =	stream.indirect_vreg.gather [hbm4b:s10+s2], $0x80, v4, vm0, $0xb8;
	[tilespmem:$0x14100] =	vst v63  }
0x75: {  	_ = 	snop  }
0x76: {  	[tilespmem:s7], [sflag:$0x2] =	stream.indirect_vreg.gather [hbm4b:s3+s2], $0x80, v3, vm0, $0xb8;
	[tilespmem:$0x14100] =	vst v63  }
0x77: {  	_ = 	snop  }
0x78: {  	[tilespmem:s23], [sflag:$0x2] =	stream.indirect_vreg.gather [hbm4b:s8+s2], $0x80, v3, vm0, $0xb8;
	[tilespmem:$0x14100] =	vst v63  }
0x79: {  	_ = 	snop  }
0x7a: {  	[tilespmem:s24], [sflag:$0x2] =	stream.indirect_vreg.gather [hbm4b:s9+s2], $0x80, v3, vm0, $0xb8;
	[tilespmem:$0x14100] =	vst v63  }
0x7b: {  	_ = 	snop  }
0x7c: {  	[tilespmem:s25], [sflag:$0x2] =	stream.indirect_vreg.gather [hbm4b:s10+s2], $0x80, v3, vm0, $0xb8;
	[tilespmem:$0x14100] =	vst v63  }
0x7d: {  	_ =	swait.ge [sflag:s26], $0x8000  }
0x7e: {  	[sflag:s26] =	ssyncset.done $0x0  }
0x7f: {  	[sflag:s26] =	ssyncadd.s32 $0xFFFF8000  }
0x80: {  	_ =	swait.ge [sflag:s28], $0x8000  }
0x81: {  	s31 =	simm.s32 $0x0;
	[sflag:s28] =	ssyncset.done $0x0  }
0x82: {  	s0 =	simm.s32 $0x0;
	s13 =	simm.s32 $0x0;
	[sflag:s28] =	ssyncadd.s32 $0xFFFF8000  }
.LBB2_2:
0x83: {  	v3 =	vld [tilespmem:s12+$0x0];
	s1 =	sand.u32 $0x6000, s31;
	s14 =	sand.u32 $0x380, s0  }
0x84: {  	v4 =	vld [tilespmem:s30+$0x0];
	s1 =	sor.u32 s14, s1  }
0x85: {  	v6 =	vld [tilespmem:s1+$0x0]  }
0x86: {  	v7 =	vld [tilespmem:s1+$0x8000]  }
0x87: {  	v10 =	vld [tilespmem:s1+$0x10]  }
0x88: {  	v11 =	vld [tilespmem:s1+$0x8010]  }
0x89: {  	v14 =	vld [tilespmem:s1+$0x20]  }
0x8a: {  	v17 =	vld [tilespmem:s1+$0x8020]  }
0x8b: {  	v20 =	vld [tilespmem:s1+$0x30]  }
0x8c: {  	v21 =	vld [tilespmem:s1+$0x8030]  }
0x8d: {  	v26 =	vld [tilespmem:s1+$0x40]  }
0x8e: {  	v27 =	vld [tilespmem:s1+$0x8040]  }
0x8f: {  	v28 =	vld [tilespmem:s1+$0x50]  }
0x90: {  	v29 =	vld [tilespmem:s1+$0x8050]  }
0x91: {  	v30 =	vld [tilespmem:s1+$0x60]  }
0x92: {  	v31 =	vld [tilespmem:s1+$0x8060]  }
0x93: {  	v32 =	vld [tilespmem:s1+$0x70]  }
0x94: {  	v33 =	vld [tilespmem:s1+$0x8070]  }
0x95: {  	v34 =	vld [tilespmem:s1+$0x400]  }
0x96: {  	v35 =	vld [tilespmem:s1+$0x8400]  }
0x97: {  	v36 =	vld [tilespmem:s1+$0x410]  }
0x98: {  	v37 =	vld [tilespmem:s1+$0x8410]  }
0x99: {  	v38 =	vld [tilespmem:s1+$0x420]  }
0x9a: {  	v39 =	vld [tilespmem:s1+$0x8420]  }
0x9b: {  	v40 =	vld [tilespmem:s1+$0x430]  }
0x9c: {  	v41 =	vld [tilespmem:s1+$0x8430]  }
0x9d: {  	v42 =	vld [tilespmem:s1+$0x440]  }
0x9e: {  	v43 =	vld [tilespmem:s1+$0x8440]  }
0x9f: {  	v44 =	vld [tilespmem:s1+$0x450]  }
0xa0: {  	v45 =	vld [tilespmem:s1+$0x8450]  }
0xa1: {  	v46 =	vld [tilespmem:s1+$0x460]  }
0xa2: {  	v47 =	vld [tilespmem:s1+$0x8460]  }
0xa3: {  	v48 =	vld [tilespmem:s1+$0x470]  }
0xa4: {  	v49 =	vld [tilespmem:s1+$0x8470]  }
0xa5: {  	v50 =	vld [tilespmem:s1+$0x800]  }
0xa6: {  	v51 =	vld [tilespmem:s1+$0x8800]  }
0xa7: {  	v52 =	vld [tilespmem:s1+$0x810]  }
0xa8: {  	v53 =	vld [tilespmem:s1+$0x8810]  }
0xa9: {  	v54 =	vld [tilespmem:s1+$0x820]  }
0xaa: {  	v55 =	vld [tilespmem:s1+$0x8820]  }
0xab: {  	v56 =	vld [tilespmem:s1+$0x830]  }
0xac: {  	v57 =	vld [tilespmem:s1+$0x8830]  }
0xad: {  	v58 =	vld [tilespmem:s1+$0x840]  }
0xae: {  	v59 =	vld [tilespmem:s1+$0x8840]  }
0xaf: {  	v60 =	vld [tilespmem:s1+$0x850]  }
0xb0: {  	v61 =	vld [tilespmem:s1+$0x8850]  }
0xb1: {  	v62 =	vld [tilespmem:s1+$0x860]  }
0xb2: {  	v63 =	vld [tilespmem:s1+$0x8860]  }
0xb3: {  	v5 =	vld [tilespmem:s1+$0x870]  }
0xb4: {  	v2 =	vld [tilespmem:s1+$0x8870]  }
0xb5: {  	v24 =	vld [tilespmem:s1+$0xC00]  }
0xb6: {  	v25 =	vld [tilespmem:s1+$0x8C00]  }
0xb7: {  	v22 =	vld [tilespmem:s1+$0xC10]  }
0xb8: {  	v23 =	vld [tilespmem:s1+$0x8C10]  }
0xb9: {  	v18 =	vld [tilespmem:s1+$0xC20]  }
0xba: {  	v0 =	vld [tilespmem:s1+$0xC60]  }
0xbb: {  	v19 =	vld [tilespmem:s1+$0x8C20]  }
0xbc: {  	v15 =	vld [tilespmem:s1+$0xC30]  }
0xbd: {  	v16 =	vld [tilespmem:s1+$0x8C30]  }
0xbe: {  	v12 =	vld [tilespmem:s1+$0xC40];
	v1 =	vmul.f32 v6, v3  }
0xbf: {  	v13 =	vld [tilespmem:s1+$0x8C40];
	[tilespmem:$0x1FFC0] =	vst v0;
	v0 =	vmul.f32 v7, v4;
	v10 =	vmul.f32 v10, v3  }
0xc0: {  	v8 =	vld [tilespmem:s1+$0xC50];
	v11 =	vmul.f32 v11, v4;
	v14 =	vmul.f32 v14, v3  }
0xc1: {  	v9 =	vld [tilespmem:s1+$0x8C50];
	v17 =	vmul.f32 v17, v4;
	v20 =	vmul.f32 v20, v3  }
0xc2: {  	v7 =	vld [tilespmem:s1+$0x8C60];
	v21 =	vmul.f32 v21, v4;
	v26 =	vmul.f32 v26, v3  }
0xc3: {  	v6 =	vld [tilespmem:s1+$0xC70];
	v27 =	vmul.f32 v27, v4;
	v34 =	vmul.f32 v34, v3  }
0xc4: {  	v35 =	vmul.f32 v35, v4;
	v38 =	vmul.f32 v38, v3;
	v1 =	vadd.f32 v0, v1;
	v0 =	vld [tilespmem:s1+$0x8C70]  }
0xc5: {  	v39 =	vmul.f32 v39, v4;
	v40 =	vmul.f32 v40, v3;
	v10 =	vadd.f32 v11, v10;
	v11 =	vld [tilespmem:s1+$0x1000]  }
0xc6: {  	v5 =	vmul.f32 v5, v3;
	v2 =	vmul.f32 v2, v4;
	[tilespmem:s1+$0x0] =	vst v1;
	v1 =	vadd.f32 v17, v14;
	v14 =	vld [tilespmem:s1+$0x9000]  }
0xc7: {  	[tilespmem:s1+$0x10] =	vst v10;
	v10 =	vadd.f32 v21, v20;
	v21 =	vmul.f32 v28, v3;
	v28 =	vmul.f32 v29, v4;
	v17 =	vld [tilespmem:s1+$0x1010]  }
0xc8: {  	v52 =	vmul.f32 v52, v3;
	v2 =	vadd.f32 v2, v5;
	v20 =	vld [tilespmem:s1+$0x9010];
	v29 =	vmul.f32 v33, v4;
	[tilespmem:s1+$0x20] =	vst v1  }
0xc9: {  	v1 =	vadd.f32 v27, v26;
	v26 =	vmul.f32 v30, v3;
	[tilespmem:s1+$0x30] =	vst v10;
	v10 =	vadd.f32 v28, v21;
	v21 =	vld [tilespmem:s1+$0x1020]  }
0xca: {  	v27 =	vmul.f32 v31, v4;
	v28 =	vmul.f32 v32, v3;
	v31 =	vld [tilespmem:s1+$0x1030]  }
0xcb: {  	v24 =	vmul.f32 v24, v3;
	v25 =	vmul.f32 v25, v4;
	[tilespmem:s1+$0x870] =	vst v2;
	v32 =	vld [tilespmem:s1+$0x9030]  }
0xcc: {  	v18 =	vmul.f32 v18, v3;
	v33 =	vadd.f32 v27, v26;
	v26 =	vld [tilespmem:s1+$0x9020];
	[tilespmem:s1+$0x50] =	vst v10;
	v10 =	vadd.f32 v29, v28  }
0xcd: {  	[tilespmem:s1+$0x40] =	vst v1;
	v28 =	vmul.f32 v36, v3;
	v36 =	vmul.f32 v37, v4;
	v37 =	vadd.f32 v35, v34;
	v34 =	vld [tilespmem:s1+$0x9040]  }
0xce: {  	v19 =	vmul.f32 v19, v4;
	v12 =	vmul.f32 v12, v3;
	v35 =	vld [tilespmem:s1+$0x1050];
	[tilespmem:s1+$0x60] =	vst v33  }
0xcf: {  	v13 =	vmul.f32 v13, v4;
	v27 =	vld [tilespmem:s1+$0x9420];
	v29 =	vadd.f32 v25, v24;
	[tilespmem:s1+$0x70] =	vst v10;
	v10 =	vadd.f32 v36, v28  }
0xd0: {  	v36 =	vmul.f32 v41, v4;
	v33 =	vld [tilespmem:s1+$0x1040];
	[tilespmem:s1+$0x400] =	vst v37;
	v37 =	vadd.f32 v39, v38;
	v38 =	vmul.f32 v42, v3  }
0xd1: {  	v39 =	vmul.f32 v43, v4;
	v41 =	vmul.f32 v45, v4;
	v28 =	vld [tilespmem:s1+$0x1420];
	[tilespmem:s1+$0xC00] =	vst v29  }
0xd2: {  	v43 =	vmul.f32 v46, v3;
	[tilespmem:s1+$0x410] =	vst v10;
	v10 =	vadd.f32 v36, v40;
	v40 =	vmul.f32 v44, v3;
	v36 =	vld [tilespmem:s1+$0x9050]  }
0xd3: {  	v46 =	vmul.f32 v48, v3;
	[tilespmem:s1+$0x420] =	vst v37;
	v42 =	vadd.f32 v39, v38;
	v44 =	vmul.f32 v47, v4;
	v37 =	vld [tilespmem:s1+$0x1060]  }
0xd4: {  	v47 =	vmul.f32 v49, v4;
	v49 =	vmul.f32 v50, v3;
	v38 =	vld [tilespmem:s1+$0x9060];
	[tilespmem:s1+$0x430] =	vst v10;
	v45 =	vadd.f32 v41, v40  }
0xd5: {  	v50 =	vmul.f32 v51, v4;
	v39 =	vld [tilespmem:s1+$0x1070];
	[tilespmem:s1+$0x440] =	vst v42;
	v48 =	vadd.f32 v44, v43;
	v44 =	vmul.f32 v53, v4  }
0xd6: {  	v51 =	vadd.f32 v47, v46;
	v46 =	vmul.f32 v54, v3;
	v47 =	vmul.f32 v55, v4;
	v40 =	vld [tilespmem:s1+$0x9070];
	[tilespmem:s1+$0x450] =	vst v45  }
0xd7: {  	v41 =	vld [tilespmem:s1+$0x1400];
	v53 =	vmul.f32 v59, v4;
	v55 =	vmul.f32 v60, v3;
	[tilespmem:s1+$0x460] =	vst v48;
	v45 =	vadd.f32 v50, v49  }
0xd8: {  	v42 =	vld [tilespmem:s1+$0x9400];
	v59 =	vmul.f32 v63, v4;
	v63 =	vmul.f32 v23, v4;
	[tilespmem:s1+$0x470] =	vst v51;
	v48 =	vadd.f32 v44, v52  }
0xd9: {  	v43 =	vld [tilespmem:s1+$0x1410];
	v49 =	vmul.f32 v56, v3;
	v50 =	vmul.f32 v57, v4;
	v51 =	vadd.f32 v47, v46;
	[tilespmem:s1+$0x800] =	vst v45  }
0xda: {  	v23 =	vld [tilespmem:s1+$0x9430];
	v25 =	vmul.f32 v33, v3;
	v52 =	vmul.f32 v58, v3;
	v47 =	vadd.f32 v19, v18;
	[tilespmem:s1+$0x810] =	vst v48  }
0xdb: {  	v56 =	vmul.f32 v61, v4;
	v58 =	vmul.f32 v62, v3;
	v44 =	vld [tilespmem:s1+$0x9410];
	v54 =	vadd.f32 v50, v49;
	[tilespmem:s1+$0x820] =	vst v51  }
0xdc: {  	v62 =	vmul.f32 v22, v3;
	v22 =	vld [tilespmem:s1+$0x1430];
	v46 =	vmul.f32 v16, v4;
	v57 =	vadd.f32 v53, v52;
	[tilespmem:s1+$0xC20] =	vst v47  }
0xdd: {  	v16 =	vld [tilespmem:s1+$0x9440];
	v33 =	vmul.f32 v37, v3;
	v60 =	vadd.f32 v56, v55;
	v45 =	vmul.f32 v15, v3;
	[tilespmem:s1+$0x830] =	vst v54  }
0xde: {  	v18 =	vld [tilespmem:s1+$0x1810];
	v61 =	vadd.f32 v59, v58;
	v49 =	vmul.f32 v8, v3;
	v50 =	vmul.f32 v9, v4;
	[tilespmem:s1+$0x840] =	vst v57  }
0xdf: {  	v19 =	vld [tilespmem:s1+$0x9810];
	v30 =	vadd.f32 v63, v62;
	v56 =	vmul.f32 v11, v3;
	v58 =	vmul.f32 v17, v3;
	[tilespmem:s1+$0x850] =	vst v60  }
0xe0: {  	v15 =	vld [tilespmem:s1+$0x1440];
	v51 =	vadd.f32 v13, v12;
	v59 =	vmul.f32 v20, v4;
	v62 =	vmul.f32 v26, v4;
	[tilespmem:s1+$0x860] =	vst v61  }
0xe1: {  	v9 =	vld [tilespmem:s1+$0x1450];
	v20 =	vmul.f32 v31, v3;
	v26 =	vmul.f32 v34, v4;
	[tilespmem:s1+$0xC10] =	vst v30;
	v48 =	vadd.f32 v46, v45  }
0xe2: {  	v52 =	vld [tilespmem:$0x1FFC0];
	v31 =	vmul.f32 v36, v4;
	v34 =	vmul.f32 v38, v4;
	v53 =	vadd.f32 v50, v49;
	[tilespmem:s1+$0xC40] =	vst v51  }
0xe3: {  	v12 =	vld [tilespmem:s1+$0x9450];
	v36 =	vmul.f32 v39, v3;
	v37 =	vmul.f32 v40, v4;
	v63 =	vadd.f32 v59, v58;
	[tilespmem:s1+$0xC30] =	vst v48  }
0xe4: {  	v11 =	vld [tilespmem:s1+$0x1470];
	v61 =	vmul.f32 v21, v3;
	v21 =	vmul.f32 v32, v4;
	v32 =	vadd.f32 v26, v25;
	[tilespmem:s1+$0xC50] =	vst v53  }
0xe5: {  	v13 =	vld [tilespmem:s1+$0x9470];
	v39 =	vmul.f32 v41, v3;
	v40 =	vmul.f32 v42, v4;
	v38 =	vadd.f32 v34, v33;
	[tilespmem:s1+$0x1010] =	vst v63  }
0xe6: {  	v0 =	vmul.f32 v0, v4;
	v17 =	vld [tilespmem:s1+$0x9800];
	v54 =	vmul.f32 v6, v3;
	v42 =	vadd.f32 v37, v36;
	[tilespmem:s1+$0x1040] =	vst v32  }
0xe7: {  	v41 =	vld [tilespmem:s1+$0x9820];
	v57 =	vmul.f32 v14, v4;
	v47 =	vadd.f32 v40, v39;
	[tilespmem:s1+$0x1060] =	vst v38  }
0xe8: {  	v6 =	vld [tilespmem:s1+$0x1460];
	v0 =	vadd.f32 v0, v54;
	[tilespmem:s1+$0x1070] =	vst v42  }
0xe9: {  	v14 =	vld [tilespmem:s1+$0x1800];
	v60 =	vadd.f32 v57, v56;
	[tilespmem:s1+$0x1400] =	vst v47  }
0xea: {  	v7 =	vmul.f32 v7, v4;
	v30 =	vmul.f32 v35, v3;
	v46 =	vld [tilespmem:s1+$0x1830];
	v24 =	vadd.f32 v62, v61;
	[tilespmem:s1+$0xC70] =	vst v0  }
0xeb: {  	v43 =	vmul.f32 v43, v3;
	v50 =	vld [tilespmem:s1+$0x9830];
	v45 =	vmul.f32 v44, v4;
	v29 =	vadd.f32 v21, v20;
	[tilespmem:s1+$0x1000] =	vst v60  }
0xec: {  	v49 =	vmul.f32 v27, v4;
	v58 =	vld [tilespmem:s1+$0x1850];
	v35 =	vadd.f32 v31, v30;
	v10 =	vmul.f32 v52, v3;
	[tilespmem:s1+$0x1020] =	vst v24  }
0xed: {  	v36 =	vld [tilespmem:s1+$0x9870];
	v53 =	vmul.f32 v23, v4;
	v51 =	vadd.f32 v45, v43;
	v52 =	vmul.f32 v22, v3;
	[tilespmem:s1+$0x1030] =	vst v29  }
0xee: {  	v40 =	vld [tilespmem:s1+$0x9840];
	v57 =	vmul.f32 v16, v4;
	v56 =	vmul.f32 v15, v3;
	[tilespmem:s1+$0x1050] =	vst v35;
	v55 =	vadd.f32 v7, v10  }
0xef: {  	v20 =	vld [tilespmem:s1+$0x1820];
	v26 =	vmul.f32 v11, v3;
	v27 =	vmul.f32 v13, v4;
	[tilespmem:s1+$0x1410] =	vst v51;
	v59 =	vadd.f32 v53, v52  }
0xf0: {  	v62 =	vld [tilespmem:s1+$0x9850];
	v61 =	vmul.f32 v12, v4;
	v60 =	vmul.f32 v9, v3;
	v63 =	vadd.f32 v57, v56;
	[tilespmem:s1+$0xC60] =	vst v55  }
0xf1: {  	v34 =	vmul.f32 v18, v3;
	v16 =	vld [tilespmem:s1+$0x1860];
	v35 =	vmul.f32 v19, v4;
	v33 =	vadd.f32 v27, v26;
	[tilespmem:s1+$0x1430] =	vst v59  }
0xf2: {  	v48 =	vmul.f32 v28, v3;
	v28 =	vld [tilespmem:s1+$0x9860];
	v31 =	vmul.f32 v17, v4;
	v23 =	vadd.f32 v61, v60;
	[tilespmem:s1+$0x1440] =	vst v63  }
0xf3: {  	v32 =	vld [tilespmem:s1+$0x1870];
	v39 =	vmul.f32 v41, v4;
	v30 =	vmul.f32 v14, v3;
	v41 =	vadd.f32 v35, v34;
	[tilespmem:s1+$0x1470] =	vst v33  }
0xf4: {  	v10 =	vld [tilespmem:s1+$0x9460];
	v42 =	vmul.f32 v46, v3;
	v43 =	vmul.f32 v50, v4;
	v55 =	vadd.f32 v49, v48;
	[tilespmem:s1+$0x1450] =	vst v23  }
0xf5: {  	v54 =	vld [tilespmem:s1+$0x1840];
	v37 =	vadd.f32 v31, v30;
	v38 =	vmul.f32 v20, v3;
	[tilespmem:s1+$0x1810] =	vst v41  }
0xf6: {  	v45 =	vmul.f32 v58, v3;
	v46 =	vmul.f32 v62, v4;
	v47 =	vadd.f32 v43, v42;
	[tilespmem:s1+$0x1420] =	vst v55  }
0xf7: {  	v48 =	vmul.f32 v16, v3;
	v49 =	vmul.f32 v28, v4;
	[tilespmem:s1+$0x1800] =	vst v37;
	v44 =	vadd.f32 v39, v38  }
0xf8: {  	v52 =	vmul.f32 v36, v4;
	v51 =	vmul.f32 v32, v3;
	v50 =	vadd.f32 v46, v45;
	[tilespmem:s1+$0x1830] =	vst v47  }
0xf9: {  	v6 =	vmul.f32 v6, v3;
	v53 =	vadd.f32 v49, v48;
	v12 =	vmul.f32 v10, v4;
	[tilespmem:s1+$0x1820] =	vst v44  }
0xfa: {  	s16 =	sand.u32 $0x7, s13;
	v54 =	vmul.f32 v54, v3;
	v55 =	vmul.f32 v40, v4;
	v56 =	vadd.f32 v52, v51;
	[tilespmem:s1+$0x1850] =	vst v50  }
0xfb: {  	s14 =	sshll.u32 s16, $0x7;
	[tilespmem:s1+$0x1860] =	vst v53;
	v29 =	vadd.f32 v12, v6  }
0xfc: {  	s14 =	sadd.s32 s14, s31;
	v2 =	vadd.f32 v55, v54;
	[tilespmem:s1+$0x1870] =	vst v56  }
0xfd: {  	s16 =	sor.u32 $0x1C00, s14;
	[tilespmem:s1+$0x1460] =	vst v29  }
0xfe: {  	[tilespmem:s1+$0x1840] =	vst v2;
	v0 =	vld [tilespmem:s16+$0x0]  }
0xff: {  	v1 =	vld [tilespmem:s16+$0x8000];
	_ =	sdelay $0x4  }
0x100: {  	v0 =	vmul.f32 v0, v3;
	v1 =	vmul.f32 v1, v4;
	_ =	sdelay $0x1  }
0x101: {  	v0 =	vadd.f32 v1, v0;
	_ =	sdelay $0x1  }
0x102: {  	[tilespmem:s16+$0x0] =	vst v0;
	s16 =	sor.u32 $0x1C10, s14  }
0x103: {  	v0 =	vld [tilespmem:s16+$0x0]  }
0x104: {  	v57 =	vld [tilespmem:s16+$0x8000];
	_ =	sdelay $0x4  }
0x105: {  	v0 =	vmul.f32 v0, v3;
	v1 =	vmul.f32 v57, v4;
	_ =	sdelay $0x1  }
0x106: {  	v0 =	vadd.f32 v1, v0;
	_ =	sdelay $0x1  }
0x107: {  	[tilespmem:s16+$0x0] =	vst v0;
	s16 =	sor.u32 $0x1C20, s14  }
0x108: {  	v0 =	vld [tilespmem:s16+$0x0]  }
0x109: {  	v58 =	vld [tilespmem:s16+$0x8000];
	_ =	sdelay $0x4  }
0x10a: {  	v0 =	vmul.f32 v0, v3;
	v1 =	vmul.f32 v58, v4;
	_ =	sdelay $0x1  }
0x10b: {  	v0 =	vadd.f32 v1, v0;
	_ =	sdelay $0x1  }
0x10c: {  	[tilespmem:s16+$0x0] =	vst v0;
	s16 =	sor.u32 $0x1C30, s14  }
0x10d: {  	v0 =	vld [tilespmem:s16+$0x0]  }
0x10e: {  	v59 =	vld [tilespmem:s16+$0x8000];
	_ =	sdelay $0x4  }
0x10f: {  	v0 =	vmul.f32 v0, v3;
	v1 =	vmul.f32 v59, v4;
	_ =	sdelay $0x1  }
0x110: {  	v0 =	vadd.f32 v1, v0;
	_ =	sdelay $0x1  }
0x111: {  	[tilespmem:s16+$0x0] =	vst v0;
	s16 =	sor.u32 $0x1C40, s14  }
0x112: {  	v0 =	vld [tilespmem:s16+$0x0]  }
0x113: {  	v60 =	vld [tilespmem:s16+$0x8000];
	_ =	sdelay $0x4  }
0x114: {  	v0 =	vmul.f32 v0, v3;
	v1 =	vmul.f32 v60, v4;
	_ =	sdelay $0x1  }
0x115: {  	v0 =	vadd.f32 v1, v0;
	_ =	sdelay $0x1  }
0x116: {  	[tilespmem:s16+$0x0] =	vst v0;
	s16 =	sor.u32 $0x1C50, s14  }
0x117: {  	v0 =	vld [tilespmem:s16+$0x0]  }
0x118: {  	v61 =	vld [tilespmem:s16+$0x8000];
	_ =	sdelay $0x4  }
0x119: {  	v0 =	vmul.f32 v0, v3;
	v1 =	vmul.f32 v61, v4;
	_ =	sdelay $0x1  }
0x11a: {  	v0 =	vadd.f32 v1, v0;
	_ =	sdelay $0x1  }
0x11b: {  	[tilespmem:s16+$0x0] =	vst v0;
	s16 =	sor.u32 $0x1C60, s14  }
0x11c: {  	v0 =	vld [tilespmem:s16+$0x0]  }
0x11d: {  	v62 =	vld [tilespmem:s16+$0x8000];
	_ =	sdelay $0x4  }
0x11e: {  	v0 =	vmul.f32 v0, v3;
	v1 =	vmul.f32 v62, v4;
	_ =	sdelay $0x1  }
0x11f: {  	v0 =	vadd.f32 v1, v0;
	_ =	sdelay $0x1  }
0x120: {  	[tilespmem:s16+$0x0] =	vst v0;
	s16 =	sor.u32 $0x1C70, s14  }
0x121: {  	v0 =	vld [tilespmem:s16+$0x0]  }
0x122: {  	v63 =	vld [tilespmem:s16+$0x8000];
	_ =	sdelay $0x3  }
0x123: {  	p0 =	sne.s32 s0, $0xF80  }
.Ltmp0:
0x124: {  	v0 =	vmul.f32 v0, v3;
	v1 =	vmul.f32 v63, v4;
	(pc) =	sbr.rel @p0 .LBB2_2-.Ltmp0, $4  }
0x125: {  	_ = 	snop  }
0x126: {  	v0 =	vadd.f32 v1, v0  }
0x127: {  	s13 =	sadd.s32 $0x1, s13;
	s12 =	sadd.s32 $0x80, s12  }
0x128: {  	s30 =	sadd.s32 $0x80, s30;
	s0 =	sadd.s32 $0x80, s0;
	s31 =	sadd.s32 $0x400, s31;
	[tilespmem:s16+$0x0] =	vst v0  }
0x129: {  	s12 =	simm.s32 $0x0  }
0x12a: {  	[hbm4b:s11+s12] =	stream.linear.scatter [tilespmem:s12], [sflag:$0x3], $0x8000, $0x38;
	[tilespmem:$0x14100] =	vst v63  }
0x12b: {  	_ =	swait.ge [sflag:s15], $0x8000  }
0x12c: {  	[sflag:s15] =	ssyncset.done $0x0  }
0x12d: {  	[sflag:s15] =	ssyncadd.s32 $0xFFFF8000  }
0x12e: {  	v0 =	vld [tilespmem:$0x10020];
	_ =	sdelay $0x2  }
0x12f: {  	v2 =	vld [tilespmem:$0x1FFD0];
	_ =	sdelay $0x1  }
0x130: {  	v3 =	vld [tilespmem:$0x1FFE0];
	v1 =	vshll.u32 v0, $0x3  }
0x131: {  	v0 =	vand.u32 $0x7, v0;
	v1 =	vand.u32 $0xFFFFFFC0, v1  }
0x132: {  	v0 =	vor.u32 v0, v1  }
0x133: {  	v1 =	vperm.xlane v0, v2;
	_ =	sdelay $0x1  }
0x134: {  	v1 =	vadd.s32 v3, v1  }
0x135: {  	v4 =	vld [tilespmem:$0x1FFF0];
	_ =	sdelay $0x3  }
0x136: {  	[tilespmem:s12], [sflag:$0x1] =	stream.indirect_vreg.gather [hbm4b:s3+s12], $0x80, v1, vm0, $0xb8;
	[tilespmem:$0x14100] =	vst v63  }
0x137: {  	s0 =	simm.s32 $0x800;
	v0 =	vperm.xlane v0, v4  }
0x138: {  	[tilespmem:s0], [sflag:$0x1] =	stream.indirect_vreg.gather [hbm4b:s8+s12], $0x80, v1, vm0, $0xb8;
	[tilespmem:$0x14100] =	vst v63  }
0x139: {  	s16 =	simm.s32 $0x1000;
	v0 =	vadd.s32 v3, v0  }
0x13a: {  	[tilespmem:s16], [sflag:$0x1] =	stream.indirect_vreg.gather [hbm4b:s9+s12], $0x80, v1, vm0, $0xb8;
	[tilespmem:$0x14100] =	vst v63  }
0x13b: {  	s1 =	simm.s32 $0x1800  }
0x13c: {  	[tilespmem:s1], [sflag:$0x1] =	stream.indirect_vreg.gather [hbm4b:s10+s12], $0x80, v1, vm0, $0xb8;
	[tilespmem:$0x14100] =	vst v63  }
0x13d: {  	s13 =	simm.s32 $0x2000  }
0x13e: {  	[tilespmem:s13], [sflag:$0x1] =	stream.indirect_vreg.gather [hbm4b:s3+s12], $0x80, v0, vm0, $0xb8;
	[tilespmem:$0x14100] =	vst v63  }
0x13f: {  	s14 =	simm.s32 $0x2800  }
0x140: {  	[tilespmem:s14], [sflag:$0x1] =	stream.indirect_vreg.gather [hbm4b:s8+s12], $0x80, v0, vm0, $0xb8;
	[tilespmem:$0x14100] =	vst v63  }
0x141: {  	s16 =	simm.s32 $0x3000  }
0x142: {  	[tilespmem:s16], [sflag:$0x1] =	stream.indirect_vreg.gather [hbm4b:s9+s12], $0x80, v0, vm0, $0xb8;
	[tilespmem:$0x14100] =	vst v63  }
0x143: {  	s1 =	simm.s32 $0x3800  }
0x144: {  	[tilespmem:s1], [sflag:$0x1] =	stream.indirect_vreg.gather [hbm4b:s10+s12], $0x80, v0, vm0, $0xb8;
	[tilespmem:$0x14100] =	vst v63  }
0x145: {  	v0 =	vld [tilespmem:$0x10030];
	_ =	sdelay $0x4  }
0x146: {  	v61 =	vshll.u32 v0, $0x3  }
0x147: {  	v0 =	vand.u32 $0x7, v0;
	v1 =	vand.u32 $0xFFFFFFC0, v61  }
0x148: {  	v0 =	vor.u32 v0, v1  }
0x149: {  	v1 =	vperm.xlane v0, v2;
	_ =	sdelay $0x1  }
0x14a: {  	v1 =	vadd.s32 v3, v1;
	_ =	sdelay $0x3  }
0x14b: {  	s13 =	simm.s32 $0x4000  }
0x14c: {  	[tilespmem:s13], [sflag:$0x1] =	stream.indirect_vreg.gather [hbm4b:s3+s12], $0x80, v1, vm0, $0xb8;
	[tilespmem:$0x14100] =	vst v63  }
0x14d: {  	s14 =	simm.s32 $0x4800;
	v0 =	vperm.xlane v0, v4  }
0x14e: {  	[tilespmem:s14], [sflag:$0x1] =	stream.indirect_vreg.gather [hbm4b:s8+s12], $0x80, v1, vm0, $0xb8;
	[tilespmem:$0x14100] =	vst v63  }
0x14f: {  	s16 =	simm.s32 $0x5000;
	v0 =	vadd.s32 v3, v0  }
0x150: {  	[tilespmem:s16], [sflag:$0x1] =	stream.indirect_vreg.gather [hbm4b:s9+s12], $0x80, v1, vm0, $0xb8;
	[tilespmem:$0x14100] =	vst v63  }
0x151: {  	s1 =	simm.s32 $0x5800  }
0x152: {  	[tilespmem:s1], [sflag:$0x1] =	stream.indirect_vreg.gather [hbm4b:s10+s12], $0x80, v1, vm0, $0xb8;
	[tilespmem:$0x14100] =	vst v63  }
0x153: {  	s13 =	simm.s32 $0x6000  }
0x154: {  	[tilespmem:s13], [sflag:$0x1] =	stream.indirect_vreg.gather [hbm4b:s3+s12], $0x80, v0, vm0, $0xb8;
	[tilespmem:$0x14100] =	vst v63  }
0x155: {  	s14 =	simm.s32 $0x6800  }
0x156: {  	[tilespmem:s14], [sflag:$0x1] =	stream.indirect_vreg.gather [hbm4b:s8+s12], $0x80, v0, vm0, $0xb8;
	[tilespmem:$0x14100] =	vst v63  }
0x157: {  	s16 =	simm.s32 $0x7000  }
0x158: {  	[tilespmem:s16], [sflag:$0x1] =	stream.indirect_vreg.gather [hbm4b:s9+s12], $0x80, v0, vm0, $0xb8;
	[tilespmem:$0x14100] =	vst v63  }
0x159: {  	s1 =	simm.s32 $0x7800  }
0x15a: {  	[tilespmem:s1], [sflag:$0x1] =	stream.indirect_vreg.gather [hbm4b:s10+s12], $0x80, v0, vm0, $0xb8;
	[tilespmem:$0x14100] =	vst v63  }
0x15b: {  	v0 =	vld [tilespmem:$0x100A0];
	_ =	sdelay $0x4  }
0x15c: {  	v62 =	vshll.u32 v0, $0x3  }
0x15d: {  	v0 =	vand.u32 $0x7, v0;
	v1 =	vand.u32 $0xFFFFFFC0, v62  }
0x15e: {  	v0 =	vor.u32 v0, v1  }
0x15f: {  	v1 =	vperm.xlane v0, v2;
	_ =	sdelay $0x1  }
0x160: {  	v1 =	vadd.s32 v3, v1;
	_ =	sdelay $0x3  }
0x161: {  	s13 =	simm.s32 $0x8000  }
0x162: {  	[tilespmem:s13], [sflag:$0x2] =	stream.indirect_vreg.gather [hbm4b:s3+s12], $0x80, v1, vm0, $0xb8;
	[tilespmem:$0x14100] =	vst v63  }
0x163: {  	s14 =	simm.s32 $0x8800;
	v0 =	vperm.xlane v0, v4  }
0x164: {  	[tilespmem:s14], [sflag:$0x2] =	stream.indirect_vreg.gather [hbm4b:s8+s12], $0x80, v1, vm0, $0xb8;
	[tilespmem:$0x14100] =	vst v63  }
0x165: {  	s16 =	simm.s32 $0x9000;
	v0 =	vadd.s32 v3, v0  }
0x166: {  	[tilespmem:s16], [sflag:$0x2] =	stream.indirect_vreg.gather [hbm4b:s9+s12], $0x80, v1, vm0, $0xb8;
	[tilespmem:$0x14100] =	vst v63  }
0x167: {  	_ = 	snop  }
0x168: {  	[tilespmem:s17], [sflag:$0x2] =	stream.indirect_vreg.gather [hbm4b:s10+s12], $0x80, v1, vm0, $0xb8;
	[tilespmem:$0x14100] =	vst v63  }
0x169: {  	_ = 	snop  }
0x16a: {  	[tilespmem:s18], [sflag:$0x2] =	stream.indirect_vreg.gather [hbm4b:s3+s12], $0x80, v0, vm0, $0xb8;
	[tilespmem:$0x14100] =	vst v63  }
0x16b: {  	_ = 	snop  }
0x16c: {  	[tilespmem:s19], [sflag:$0x2] =	stream.indirect_vreg.gather [hbm4b:s8+s12], $0x80, v0, vm0, $0xb8;
	[tilespmem:$0x14100] =	vst v63  }
0x16d: {  	_ = 	snop  }
0x16e: {  	[tilespmem:s4], [sflag:$0x2] =	stream.indirect_vreg.gather [hbm4b:s9+s12], $0x80, v0, vm0, $0xb8;
	[tilespmem:$0x14100] =	vst v63  }
0x16f: {  	_ = 	snop  }
0x170: {  	[tilespmem:s20], [sflag:$0x2] =	stream.indirect_vreg.gather [hbm4b:s10+s12], $0x80, v0, vm0, $0xb8;
	[tilespmem:$0x14100] =	vst v63  }
0x171: {  	v0 =	vld [tilespmem:$0x100B0];
	_ =	sdelay $0x4  }
0x172: {  	v63 =	vshll.u32 v0, $0x3  }
0x173: {  	v0 =	vand.u32 $0x7, v0;
	v1 =	vand.u32 $0xFFFFFFC0, v63  }
0x174: {  	v0 =	vor.u32 v0, v1  }
0x175: {  	v1 =	vperm.xlane v0, v2;
	_ =	sdelay $0x1  }
0x176: {  	v1 =	vadd.s32 v3, v1;
	_ =	sdelay $0x4  }
0x177: {  	[tilespmem:s5], [sflag:$0x2] =	stream.indirect_vreg.gather [hbm4b:s3+s12], $0x80, v1, vm0, $0xb8;
	[tilespmem:$0x14100] =	vst v63  }
0x178: {  	v0 =	vperm.xlane v0, v4  }
0x179: {  	[tilespmem:s21], [sflag:$0x2] =	stream.indirect_vreg.gather [hbm4b:s8+s12], $0x80, v1, vm0, $0xb8;
	[tilespmem:$0x14100] =	vst v63  }
0x17a: {  	v0 =	vadd.s32 v3, v0  }
0x17b: {  	[tilespmem:s6], [sflag:$0x2] =	stream.indirect_vreg.gather [hbm4b:s9+s12], $0x80, v1, vm0, $0xb8;
	[tilespmem:$0x14100] =	vst v63  }
0x17c: {  	_ = 	snop  }
0x17d: {  	[tilespmem:s22], [sflag:$0x2] =	stream.indirect_vreg.gather [hbm4b:s10+s12], $0x80, v1, vm0, $0xb8;
	[tilespmem:$0x14100] =	vst v63  }
0x17e: {  	_ = 	snop  }
0x17f: {  	[tilespmem:s7], [sflag:$0x2] =	stream.indirect_vreg.gather [hbm4b:s3+s12], $0x80, v0, vm0, $0xb8;
	[tilespmem:$0x14100] =	vst v63  }
0x180: {  	_ = 	snop  }
0x181: {  	[tilespmem:s23], [sflag:$0x2] =	stream.indirect_vreg.gather [hbm4b:s8+s12], $0x80, v0, vm0, $0xb8;
	[tilespmem:$0x14100] =	vst v63  }
0x182: {  	_ = 	snop  }
0x183: {  	[tilespmem:s24], [sflag:$0x2] =	stream.indirect_vreg.gather [hbm4b:s9+s12], $0x80, v0, vm0, $0xb8;
	[tilespmem:$0x14100] =	vst v63  }
0x184: {  	_ = 	snop  }
0x185: {  	[tilespmem:s25], [sflag:$0x2] =	stream.indirect_vreg.gather [hbm4b:s10+s12], $0x80, v0, vm0, $0xb8;
	[tilespmem:$0x14100] =	vst v63  }
0x186: {  	_ =	swait.ge [sflag:s26], $0x8000  }
0x187: {  	[sflag:s26] =	ssyncset.done $0x0  }
0x188: {  	[sflag:s26] =	ssyncadd.s32 $0xFFFF8000  }
0x189: {  	_ =	swait.ge [sflag:s28], $0x8000  }
0x18a: {  	s30 =	simm.s32 $0x11100;
	s31 =	simm.s32 $0x0;
	[sflag:s28] =	ssyncset.done $0x0  }
0x18b: {  	s0 =	simm.s32 $0x0;
	s13 =	simm.s32 $0x13100;
	[sflag:s28] =	ssyncadd.s32 $0xFFFF8000  }
.LBB2_4:
0x18c: {  	v3 =	vld [tilespmem:s30+$0x0];
	s1 =	sand.u32 $0x6000, s31;
	s14 =	sand.u32 $0x380, s0  }
0x18d: {  	v4 =	vld [tilespmem:s13+$0x0];
	s1 =	sor.u32 s14, s1  }
0x18e: {  	v0 =	vld [tilespmem:s1+$0x0]  }
0x18f: {  	v1 =	vld [tilespmem:s1+$0x8000]  }
0x190: {  	v2 =	vld [tilespmem:s1+$0x10]  }
0x191: {  	v6 =	vld [tilespmem:s1+$0x8010]  }
0x192: {  	v10 =	vld [tilespmem:s1+$0x20]  }
0x193: {  	v11 =	vld [tilespmem:s1+$0x8020]  }
0x194: {  	v14 =	vld [tilespmem:s1+$0x30]  }
0x195: {  	v17 =	vld [tilespmem:s1+$0x8030]  }
0x196: {  	v20 =	vld [tilespmem:s1+$0x40]  }
0x197: {  	v21 =	vld [tilespmem:s1+$0x8040]  }
0x198: {  	v26 =	vld [tilespmem:s1+$0x50]  }
0x199: {  	v27 =	vld [tilespmem:s1+$0x8050]  }
0x19a: {  	v28 =	vld [tilespmem:s1+$0x60]  }
0x19b: {  	v29 =	vld [tilespmem:s1+$0x8060]  }
0x19c: {  	v30 =	vld [tilespmem:s1+$0x70]  }
0x19d: {  	v31 =	vld [tilespmem:s1+$0x8070]  }
0x19e: {  	v32 =	vld [tilespmem:s1+$0x400]  }
0x19f: {  	v33 =	vld [tilespmem:s1+$0x8400]  }
0x1a0: {  	v34 =	vld [tilespmem:s1+$0x410]  }
0x1a1: {  	v35 =	vld [tilespmem:s1+$0x8410]  }
0x1a2: {  	v36 =	vld [tilespmem:s1+$0x420]  }
0x1a3: {  	v37 =	vld [tilespmem:s1+$0x8420]  }
0x1a4: {  	v38 =	vld [tilespmem:s1+$0x430]  }
0x1a5: {  	v39 =	vld [tilespmem:s1+$0x8430]  }
0x1a6: {  	v40 =	vld [tilespmem:s1+$0x440]  }
0x1a7: {  	v41 =	vld [tilespmem:s1+$0x8440]  }
0x1a8: {  	v42 =	vld [tilespmem:s1+$0x450]  }
0x1a9: {  	v43 =	vld [tilespmem:s1+$0x8450]  }
0x1aa: {  	v44 =	vld [tilespmem:s1+$0x460]  }
0x1ab: {  	v45 =	vld [tilespmem:s1+$0x8460]  }
0x1ac: {  	v46 =	vld [tilespmem:s1+$0x470]  }
0x1ad: {  	v47 =	vld [tilespmem:s1+$0x8470]  }
0x1ae: {  	v48 =	vld [tilespmem:s1+$0x800]  }
0x1af: {  	v49 =	vld [tilespmem:s1+$0x8800]  }
0x1b0: {  	v50 =	vld [tilespmem:s1+$0x810]  }
0x1b1: {  	v51 =	vld [tilespmem:s1+$0x8810]  }
0x1b2: {  	v52 =	vld [tilespmem:s1+$0x820]  }
0x1b3: {  	v53 =	vld [tilespmem:s1+$0x8820]  }
0x1b4: {  	v54 =	vld [tilespmem:s1+$0x830]  }
0x1b5: {  	v55 =	vld [tilespmem:s1+$0x8830]  }
0x1b6: {  	v56 =	vld [tilespmem:s1+$0x840]  }
0x1b7: {  	v57 =	vld [tilespmem:s1+$0x8840]  }
0x1b8: {  	v58 =	vld [tilespmem:s1+$0x850]  }
0x1b9: {  	v59 =	vld [tilespmem:s1+$0x8850]  }
0x1ba: {  	v60 =	vld [tilespmem:s1+$0x860]  }
0x1bb: {  	v61 =	vld [tilespmem:s1+$0x8860]  }
0x1bc: {  	v62 =	vld [tilespmem:s1+$0x870]  }
0x1bd: {  	v63 =	vld [tilespmem:s1+$0x8870]  }
0x1be: {  	v24 =	vld [tilespmem:s1+$0xC00]  }
0x1bf: {  	v25 =	vld [tilespmem:s1+$0x8C00]  }
0x1c0: {  	v22 =	vld [tilespmem:s1+$0xC10]  }
0x1c1: {  	v23 =	vld [tilespmem:s1+$0x8C10]  }
0x1c2: {  	v18 =	vld [tilespmem:s1+$0xC20]  }
0x1c3: {  	v19 =	vld [tilespmem:s1+$0x8C20]  }
0x1c4: {  	v15 =	vld [tilespmem:s1+$0xC30]  }
0x1c5: {  	v16 =	vld [tilespmem:s1+$0x8C30]  }
0x1c6: {  	v5 =	vld [tilespmem:s1+$0xC60]  }
0x1c7: {  	v12 =	vld [tilespmem:s1+$0xC40]  }
0x1c8: {  	v13 =	vld [tilespmem:s1+$0x8C40]  }
0x1c9: {  	v8 =	vld [tilespmem:s1+$0xC50]  }
0x1ca: {  	v9 =	vld [tilespmem:s1+$0x8C50];
	v0 =	vmul.f32 v0, v3;
	v1 =	vmul.f32 v1, v4  }
0x1cb: {  	v7 =	vld [tilespmem:s1+$0x8C60];
	[tilespmem:$0x1FFA0] =	vst v5;
	v5 =	vmul.f32 v2, v3;
	v2 =	vmul.f32 v6, v4  }
0x1cc: {  	v6 =	vld [tilespmem:s1+$0xC70];
	v17 =	vmul.f32 v17, v4;
	v0 =	vadd.f32 v1, v0  }
0x1cd: {  	v1 =	vmul.f32 v10, v3;
	v10 =	vld [tilespmem:s1+$0x8C70];
	v5 =	vadd.f32 v2, v5;
	v2 =	vmul.f32 v14, v3  }
0x1ce: {  	v11 =	vmul.f32 v11, v4;
	v14 =	vld [tilespmem:s1+$0x9000]  }
0x1cf: {  	v26 =	vmul.f32 v26, v3;
	v2 =	vadd.f32 v17, v2;
	v17 =	vld [tilespmem:s1+$0x1010]  }
0x1d0: {  	[tilespmem:s1+$0x0] =	vst v0;
	v0 =	vadd.f32 v11, v1;
	v1 =	vmul.f32 v20, v3;
	v11 =	vmul.f32 v21, v4;
	v20 =	vld [tilespmem:s1+$0x9010]  }
0x1d1: {  	v27 =	vmul.f32 v27, v4;
	v30 =	vmul.f32 v30, v3;
	v21 =	vld [tilespmem:s1+$0x1020];
	[tilespmem:$0x1FFB0] =	vst v6  }
0x1d2: {  	v31 =	vmul.f32 v31, v4;
	v33 =	vmul.f32 v33, v4;
	v6 =	vld [tilespmem:s1+$0x1000];
	[tilespmem:s1+$0x20] =	vst v0;
	v0 =	vadd.f32 v11, v1  }
0x1d3: {  	v1 =	vmul.f32 v28, v3;
	v11 =	vmul.f32 v29, v4;
	[tilespmem:s1+$0x30] =	vst v2;
	v2 =	vadd.f32 v27, v26;
	v26 =	vld [tilespmem:s1+$0x9020]  }
0x1d4: {  	v42 =	vmul.f32 v42, v3;
	[tilespmem:s1+$0x10] =	vst v5;
	v5 =	vmul.f32 v34, v3;
	v28 =	vld [tilespmem:s1+$0x1030]  }
0x1d5: {  	v34 =	vmul.f32 v37, v4;
	v29 =	vld [tilespmem:s1+$0x9030];
	[tilespmem:s1+$0x40] =	vst v0;
	v0 =	vadd.f32 v11, v1;
	v1 =	vmul.f32 v32, v3  }
0x1d6: {  	v37 =	vmul.f32 v39, v4;
	[tilespmem:s1+$0x50] =	vst v2;
	v2 =	vadd.f32 v31, v30;
	v32 =	vmul.f32 v35, v4;
	v30 =	vld [tilespmem:s1+$0x1040]  }
0x1d7: {  	v31 =	vld [tilespmem:s1+$0x9040];
	[tilespmem:s1+$0x60] =	vst v0;
	v0 =	vadd.f32 v33, v1;
	v33 =	vmul.f32 v36, v3;
	v36 =	vmul.f32 v38, v3  }
0x1d8: {  	v39 =	vmul.f32 v40, v3;
	v40 =	vmul.f32 v41, v4;
	v11 =	vld [tilespmem:s1+$0x9450];
	[tilespmem:s1+$0x70] =	vst v2;
	v35 =	vadd.f32 v32, v5  }
0x1d9: {  	v56 =	vmul.f32 v56, v3;
	v32 =	vld [tilespmem:s1+$0x1050];
	[tilespmem:s1+$0x400] =	vst v0;
	v38 =	vadd.f32 v34, v33;
	v41 =	vadd.f32 v37, v36  }
0x1da: {  	[tilespmem:s1+$0x410] =	vst v35;
	v36 =	vmul.f32 v43, v4;
	v37 =	vadd.f32 v40, v39;
	v39 =	vmul.f32 v45, v4;
	v33 =	vld [tilespmem:s1+$0x9050]  }
0x1db: {  	v34 =	vld [tilespmem:s1+$0x1060];
	v45 =	vmul.f32 v49, v4;
	[tilespmem:s1+$0x420] =	vst v38;
	v38 =	vmul.f32 v44, v3  }
0x1dc: {  	v35 =	vld [tilespmem:s1+$0x9060];
	[tilespmem:s1+$0x430] =	vst v41;
	v40 =	vadd.f32 v36, v42;
	v41 =	vmul.f32 v46, v3;
	v42 =	vmul.f32 v47, v4  }
0x1dd: {  	[tilespmem:s1+$0x440] =	vst v37;
	v44 =	vmul.f32 v48, v3;
	v47 =	vmul.f32 v50, v3;
	v36 =	vld [tilespmem:s1+$0x1070];
	v43 =	vadd.f32 v39, v38  }
0x1de: {  	v48 =	vmul.f32 v51, v4;
	v50 =	vmul.f32 v52, v3;
	v37 =	vld [tilespmem:s1+$0x9070];
	[tilespmem:s1+$0x450] =	vst v40;
	v46 =	vadd.f32 v42, v41  }
0x1df: {  	v51 =	vmul.f32 v53, v4;
	v53 =	vmul.f32 v54, v3;
	v49 =	vadd.f32 v45, v44;
	v38 =	vld [tilespmem:s1+$0x1400];
	[tilespmem:s1+$0x460] =	vst v43  }
0x1e0: {  	v54 =	vmul.f32 v55, v4;
	v52 =	vadd.f32 v48, v47;
	v44 =	vmul.f32 v57, v4;
	v39 =	vld [tilespmem:s1+$0x9400];
	[tilespmem:s1+$0x470] =	vst v46  }
0x1e1: {  	v55 =	vadd.f32 v51, v50;
	v47 =	vmul.f32 v59, v4;
	v40 =	vld [tilespmem:s1+$0x1410];
	v50 =	vmul.f32 v61, v4;
	[tilespmem:s1+$0x800] =	vst v49  }
0x1e2: {  	v45 =	vadd.f32 v54, v53;
	v41 =	vld [tilespmem:s1+$0x9410];
	v53 =	vmul.f32 v63, v4;
	[tilespmem:s1+$0x810] =	vst v52;
	v46 =	vmul.f32 v58, v3  }
0x1e3: {  	v42 =	vld [tilespmem:s1+$0x1420];
	v59 =	vmul.f32 v23, v4;
	[tilespmem:s1+$0x820] =	vst v55;
	v48 =	vadd.f32 v44, v56;
	v49 =	vmul.f32 v60, v3  }
0x1e4: {  	v23 =	vld [tilespmem:s1+$0x1430];
	v61 =	vmul.f32 v18, v3;
	[tilespmem:s1+$0x830] =	vst v45;
	v52 =	vmul.f32 v62, v3;
	v51 =	vadd.f32 v47, v46  }
0x1e5: {  	v18 =	vld [tilespmem:s1+$0x9430];
	v55 =	vmul.f32 v24, v3;
	v56 =	vmul.f32 v25, v4;
	[tilespmem:s1+$0x840] =	vst v48;
	v54 =	vadd.f32 v50, v49  }
0x1e6: {  	v24 =	vld [tilespmem:s1+$0x9420];
	v58 =	vmul.f32 v22, v3;
	v62 =	vmul.f32 v19, v4;
	v57 =	vadd.f32 v53, v52;
	[tilespmem:s1+$0x850] =	vst v51  }
0x1e7: {  	v22 =	vmul.f32 v15, v3;
	v25 =	vmul.f32 v16, v4;
	v16 =	vld [tilespmem:s1+$0x1440];
	v60 =	vadd.f32 v56, v55;
	[tilespmem:s1+$0x860] =	vst v54  }
0x1e8: {  	v43 =	vmul.f32 v12, v3;
	v44 =	vmul.f32 v13, v4;
	v12 =	vld [tilespmem:s1+$0x9440];
	v63 =	vadd.f32 v59, v58;
	[tilespmem:s1+$0x870] =	vst v57  }
0x1e9: {  	v13 =	vld [tilespmem:s1+$0x1470];
	v27 =	vadd.f32 v62, v61;
	v46 =	vmul.f32 v8, v3;
	v47 =	vmul.f32 v9, v4;
	[tilespmem:s1+$0xC00] =	vst v60  }
0x1ea: {  	v15 =	vld [tilespmem:s1+$0x1800];
	v45 =	vadd.f32 v25, v22;
	v55 =	vmul.f32 v14, v4;
	v58 =	vmul.f32 v20, v4;
	[tilespmem:s1+$0xC10] =	vst v63  }
0x1eb: {  	v19 =	vld [tilespmem:s1+$0x1810];
	v48 =	vadd.f32 v44, v43;
	v22 =	vmul.f32 v30, v3;
	v25 =	vmul.f32 v31, v4;
	[tilespmem:s1+$0xC20] =	vst v27  }
0x1ec: {  	v9 =	vld [tilespmem:s1+$0x1450];
	v30 =	vmul.f32 v34, v3;
	v31 =	vmul.f32 v35, v4;
	[tilespmem:s1+$0xC30] =	vst v45;
	v50 =	vadd.f32 v47, v46  }
0x1ed: {  	v49 =	vld [tilespmem:$0x1FFA0];
	v20 =	vmul.f32 v29, v4;
	[tilespmem:s1+$0xC40] =	vst v48;
	v54 =	vmul.f32 v6, v3;
	v29 =	vadd.f32 v25, v22  }
0x1ee: {  	v52 =	vmul.f32 v10, v4;
	v10 =	vld [tilespmem:s1+$0x1460];
	v57 =	vmul.f32 v17, v3;
	v35 =	vadd.f32 v31, v30;
	[tilespmem:s1+$0xC50] =	vst v50  }
0x1ef: {  	v61 =	vmul.f32 v26, v4;
	v14 =	vld [tilespmem:s1+$0x9470];
	v60 =	vmul.f32 v21, v3;
	v59 =	vadd.f32 v55, v54;
	[tilespmem:s1+$0x1040] =	vst v29  }
0x1f0: {  	v7 =	vmul.f32 v7, v4;
	v44 =	vld [tilespmem:s1+$0x1830];
	v63 =	vmul.f32 v28, v3;
	v62 =	vadd.f32 v58, v57;
	[tilespmem:s1+$0x1060] =	vst v35  }
0x1f1: {  	v51 =	vld [tilespmem:$0x1FFB0];
	v27 =	vmul.f32 v32, v3;
	v28 =	vmul.f32 v33, v4;
	v21 =	vadd.f32 v61, v60;
	[tilespmem:s1+$0x1000] =	vst v59  }
0x1f2: {  	v34 =	vmul.f32 v37, v4;
	v17 =	vld [tilespmem:s1+$0x9800];
	v33 =	vmul.f32 v36, v3;
	v26 =	vadd.f32 v20, v63;
	[tilespmem:s1+$0x1010] =	vst v62  }
0x1f3: {  	v37 =	vmul.f32 v39, v4;
	v36 =	vmul.f32 v38, v3;
	v38 =	vld [tilespmem:s1+$0x9820];
	v32 =	vadd.f32 v28, v27;
	[tilespmem:s1+$0x1020] =	vst v21  }
0x1f4: {  	v40 =	vmul.f32 v40, v3;
	v43 =	vmul.f32 v41, v4;
	v48 =	vld [tilespmem:s1+$0x9830];
	v39 =	vadd.f32 v34, v33;
	[tilespmem:s1+$0x1030] =	vst v26  }
0x1f5: {  	v31 =	vld [tilespmem:s1+$0x1870];
	v45 =	vadd.f32 v37, v36;
	v50 =	vmul.f32 v23, v3;
	v1 =	vmul.f32 v49, v3;
	[tilespmem:s1+$0x1050] =	vst v32  }
0x1f6: {  	v20 =	vld [tilespmem:s1+$0x9810];
	v23 =	vmul.f32 v13, v3;
	v49 =	vadd.f32 v43, v40;
	[tilespmem:s1+$0x1070] =	vst v39;
	v26 =	vmul.f32 v14, v4  }
0x1f7: {  	v46 =	vmul.f32 v42, v3;
	v55 =	vld [tilespmem:s1+$0x1850];
	[tilespmem:s1+$0x1400] =	vst v45;
	v5 =	vmul.f32 v51, v3;
	v53 =	vadd.f32 v7, v1  }
0x1f8: {  	v47 =	vmul.f32 v24, v4;
	v58 =	vmul.f32 v11, v4;
	v63 =	vld [tilespmem:s1+$0x1860];
	[tilespmem:s1+$0x1410] =	vst v49;
	v32 =	vadd.f32 v26, v23  }
0x1f9: {  	v27 =	vld [tilespmem:s1+$0x9860];
	v29 =	vmul.f32 v15, v3;
	v57 =	vmul.f32 v9, v3;
	v56 =	vadd.f32 v52, v5;
	[tilespmem:s1+$0xC60] =	vst v53  }
0x1fa: {  	v35 =	vld [tilespmem:s1+$0x9870];
	v41 =	vmul.f32 v44, v3;
	v30 =	vmul.f32 v17, v4;
	v52 =	vadd.f32 v47, v46;
	[tilespmem:s1+$0x1470] =	vst v32  }
0x1fb: {  	v21 =	vld [tilespmem:s1+$0x1820];
	v42 =	vmul.f32 v48, v4;
	v53 =	vmul.f32 v16, v3;
	v16 =	vadd.f32 v58, v57;
	[tilespmem:s1+$0xC70] =	vst v56  }
0x1fc: {  	v59 =	vld [tilespmem:s1+$0x9850];
	v51 =	vmul.f32 v18, v4;
	v36 =	vadd.f32 v30, v29;
	[tilespmem:s1+$0x1420] =	vst v52  }
0x1fd: {  	v54 =	vmul.f32 v12, v4;
	v39 =	vld [tilespmem:s1+$0x9840];
	v46 =	vadd.f32 v42, v41;
	[tilespmem:s1+$0x1450] =	vst v16  }
0x1fe: {  	v33 =	vmul.f32 v19, v3;
	v7 =	vld [tilespmem:s1+$0x9460];
	v34 =	vmul.f32 v20, v4;
	v56 =	vadd.f32 v51, v50;
	[tilespmem:s1+$0x1800] =	vst v36  }
0x1ff: {  	v18 =	vld [tilespmem:s1+$0x1840];
	v47 =	vmul.f32 v63, v3;
	v48 =	vmul.f32 v27, v4;
	v60 =	vadd.f32 v54, v53;
	[tilespmem:s1+$0x1830] =	vst v46  }
0x200: {  	v38 =	vmul.f32 v38, v4;
	v37 =	vmul.f32 v21, v3;
	v40 =	vadd.f32 v34, v33;
	[tilespmem:s1+$0x1430] =	vst v56  }
0x201: {  	v44 =	vmul.f32 v55, v3;
	v45 =	vmul.f32 v59, v4;
	v52 =	vadd.f32 v48, v47;
	[tilespmem:s1+$0x1440] =	vst v60  }
0x202: {  	v50 =	vmul.f32 v31, v3;
	v51 =	vmul.f32 v35, v4;
	v43 =	vadd.f32 v38, v37;
	[tilespmem:s1+$0x1810] =	vst v40  }
0x203: {  	v61 =	vmul.f32 v10, v3;
	v62 =	vmul.f32 v7, v4;
	v49 =	vadd.f32 v45, v44;
	[tilespmem:s1+$0x1860] =	vst v52  }
0x204: {  	s16 =	sand.u32 $0x7, s12;
	v54 =	vmul.f32 v39, v4;
	v53 =	vmul.f32 v18, v3;
	v55 =	vadd.f32 v51, v50;
	[tilespmem:s1+$0x1820] =	vst v43  }
0x205: {  	s14 =	sshll.u32 s16, $0x7;
	v28 =	vadd.f32 v62, v61;
	[tilespmem:s1+$0x1850] =	vst v49  }
0x206: {  	s14 =	sadd.s32 s14, s31;
	v56 =	vadd.f32 v54, v53;
	[tilespmem:s1+$0x1870] =	vst v55  }
0x207: {  	s16 =	sor.u32 $0x1C00, s14;
	[tilespmem:s1+$0x1460] =	vst v28  }
0x208: {  	[tilespmem:s1+$0x1840] =	vst v56;
	v0 =	vld [tilespmem:s16+$0x0]  }
0x209: {  	v1 =	vld [tilespmem:s16+$0x8000];
	_ =	sdelay $0x4  }
0x20a: {  	v0 =	vmul.f32 v0, v3;
	v1 =	vmul.f32 v1, v4;
	_ =	sdelay $0x1  }
0x20b: {  	v0 =	vadd.f32 v1, v0;
	_ =	sdelay $0x1  }
0x20c: {  	[tilespmem:s16+$0x0] =	vst v0;
	s16 =	sor.u32 $0x1C10, s14  }
0x20d: {  	v0 =	vld [tilespmem:s16+$0x0]  }
0x20e: {  	v57 =	vld [tilespmem:s16+$0x8000];
	_ =	sdelay $0x4  }
0x20f: {  	v0 =	vmul.f32 v0, v3;
	v1 =	vmul.f32 v57, v4;
	_ =	sdelay $0x1  }
0x210: {  	v0 =	vadd.f32 v1, v0;
	_ =	sdelay $0x1  }
0x211: {  	[tilespmem:s16+$0x0] =	vst v0;
	s16 =	sor.u32 $0x1C20, s14  }
0x212: {  	v0 =	vld [tilespmem:s16+$0x0]  }
0x213: {  	v58 =	vld [tilespmem:s16+$0x8000];
	_ =	sdelay $0x4  }
0x214: {  	v0 =	vmul.f32 v0, v3;
	v1 =	vmul.f32 v58, v4;
	_ =	sdelay $0x1  }
0x215: {  	v0 =	vadd.f32 v1, v0;
	_ =	sdelay $0x1  }
0x216: {  	[tilespmem:s16+$0x0] =	vst v0;
	s16 =	sor.u32 $0x1C30, s14  }
0x217: {  	v0 =	vld [tilespmem:s16+$0x0]  }
0x218: {  	v59 =	vld [tilespmem:s16+$0x8000];
	_ =	sdelay $0x4  }
0x219: {  	v0 =	vmul.f32 v0, v3;
	v1 =	vmul.f32 v59, v4;
	_ =	sdelay $0x1  }
0x21a: {  	v0 =	vadd.f32 v1, v0;
	_ =	sdelay $0x1  }
0x21b: {  	[tilespmem:s16+$0x0] =	vst v0;
	s16 =	sor.u32 $0x1C40, s14  }
0x21c: {  	v0 =	vld [tilespmem:s16+$0x0]  }
0x21d: {  	v60 =	vld [tilespmem:s16+$0x8000];
	_ =	sdelay $0x4  }
0x21e: {  	v0 =	vmul.f32 v0, v3;
	v1 =	vmul.f32 v60, v4;
	_ =	sdelay $0x1  }
0x21f: {  	v0 =	vadd.f32 v1, v0;
	_ =	sdelay $0x1  }
0x220: {  	[tilespmem:s16+$0x0] =	vst v0;
	s16 =	sor.u32 $0x1C50, s14  }
0x221: {  	v0 =	vld [tilespmem:s16+$0x0]  }
0x222: {  	v61 =	vld [tilespmem:s16+$0x8000];
	_ =	sdelay $0x4  }
0x223: {  	v0 =	vmul.f32 v0, v3;
	v1 =	vmul.f32 v61, v4;
	_ =	sdelay $0x1  }
0x224: {  	v0 =	vadd.f32 v1, v0;
	_ =	sdelay $0x1  }
0x225: {  	[tilespmem:s16+$0x0] =	vst v0;
	s16 =	sor.u32 $0x1C60, s14  }
0x226: {  	v0 =	vld [tilespmem:s16+$0x0]  }
0x227: {  	v62 =	vld [tilespmem:s16+$0x8000];
	_ =	sdelay $0x4  }
0x228: {  	v0 =	vmul.f32 v0, v3;
	v1 =	vmul.f32 v62, v4;
	_ =	sdelay $0x1  }
0x229: {  	v0 =	vadd.f32 v1, v0;
	_ =	sdelay $0x1  }
0x22a: {  	[tilespmem:s16+$0x0] =	vst v0;
	s16 =	sor.u32 $0x1C70, s14  }
0x22b: {  	v0 =	vld [tilespmem:s16+$0x0]  }
0x22c: {  	v63 =	vld [tilespmem:s16+$0x8000];
	_ =	sdelay $0x3  }
0x22d: {  	p0 =	sne.s32 s0, $0xF80  }
.Ltmp1:
0x22e: {  	v0 =	vmul.f32 v0, v3;
	v1 =	vmul.f32 v63, v4;
	(pc) =	sbr.rel @p0 .LBB2_4-.Ltmp1, $4  }
0x22f: {  	_ = 	snop  }
0x230: {  	v0 =	vadd.f32 v1, v0  }
0x231: {  	s12 =	sadd.s32 $0x1, s12;
	s30 =	sadd.s32 $0x80, s30  }
0x232: {  	s13 =	sadd.s32 $0x80, s13;
	s0 =	sadd.s32 $0x80, s0;
	s31 =	sadd.s32 $0x400, s31;
	[tilespmem:s16+$0x0] =	vst v0  }
0x233: {  	s0 =	rddreg [dreg:$0x7]  }
0x234: {  	[hbm4b:s0+s2] =	stream.linear.scatter [tilespmem:s2], [sflag:$0x3], $0x8000, $0x38;
	[tilespmem:$0x14100] =	vst v63  }
0x235: {  	_ =	swait.ge [sflag:s15], $0x8000  }
0x236: {  	s29 =	sadd.s32 $0x1, s29;
	s31 =	rddreg [dreg:$0x8]  }
0x237: {  	p0 =	sne.s32 s29, s31  }
.Ltmp2:
0x238: {  	_ = 	snop;
	(pc) =	sbr.rel @p0 .LBB2_1-.Ltmp2, $3  }
0x239: {  	_ =	sdelay $0x1  }
0x23a: {  	[sflag:s15] =	ssyncset.done $0x0  }
0x23b: {  	[sflag:s15] =	ssyncadd.s32 $0xFFFF8000  }
0x23c: {  	_ =	sfence.sel $0x180000  }
0x23d: {  	[bflag:$0x0] =	sbarrier.arrive $0xFFFF  }
0x23e: {  	_ =	strace $0x9000004A  }
0x23f: {  	s0 =	stileid.u32;
	[bflag:$0x2] =	sbarrier.arrive $0xFFFF  }
0x240: {  	p0 =	sne.s32 s0, $0x0;
	s0 =	rddreg [dreg:$0x2]  }
0x241: {  	s0 =	sadd.s32 @!p0 $0x100000, s0  }
0x242: {  	[sflag:s0] =	ssyncadd.tile.s32 @!p0 $0x1;
	_ =	shalt  }
.Lfunc_end2:
_tile_overlayer_lowered:
.L_overlay_start_2:
0x243: {  	(tag) =	ssettag $0x2  }
0x244: {  	s0 =	rddreg [dreg:$0x0];
	s2 =	stileid.u32  }
0x245: {  	s1 =	rddreg [dreg:$0x1];
	p0 =	sne.s32 s2, $0x0  }
0x246: {  	s3 =	rddreg [dreg:$0x2];
	[bflag:$0x3] =	sbarrier.arrive $0xFFFF;
	s2 =	simm.s32 @!p0 $0x1C03  }
0x247: {  	[timem:s3], [sflag:s2] =	dma.local @!p0 [hbm:s0], s1  }
0x248: {  	s0 =	simm.s32 @!p0 $0x3  }
0x249: {  	_ =	swait.ge @!p0 [sflag:s0], s1  }
0x24a: {  	s1 =	ssub.s32 @!p0 $0x0, s1;
	[sflag:s0] =	ssyncset.done @!p0 $0x0  }
0x24b: {  	[sflag:s0] =	ssyncadd.s32 @!p0 s1  }
0x24c: {  	[bflag:$0x3] =	sbarrier.arrive $0xFFFF  }
0x24d: {  	_ =	shalt  }

</sc_bundles>
